<compile_context>
chip_gen: v7x
topology: tpu7x:2x2x1
jax: 0.10.2.dev20260603
libtpu: 0.0.44.dev20260713+nightly
codegen_flags: <defaults>
</compile_context>

<pallas_src>
import functools

import jax
import jax.numpy as jnp
from jax import lax
from jax.experimental import pallas as pl
from jax.experimental.pallas import tpu as pltpu
from jax.experimental.pallas import tpu_sc as plsc

N_NODES = 10000
N_EDGES = 160000
IN_DIM = 264
HID = 256
LAYERS = 4
NUM_GRAPHS = 64
LSTM_H = 512

NP = 10240
BR = 256
NB = NP // BR
NTILES = 16
CHUNK = 128
NCH = 79
EPAD = NTILES * NCH * CHUNK
ROWS_PER_TILE = NP // NTILES
DUMMY_DST = NP - 1

_f32 = jnp.float32



def _sc_mesh():
    return plsc.VectorSubcoreMesh(
        core_axis_name="c", subcore_axis_name="s", num_cores=2, num_subcores=16)


def _sc_segsum_body(m0, m1, srcs, dsts, zeros, out0, out1, acc, src_v, dst_c,
                    rows_v, sem_g, sem_i0, sem_i1, sem_s0, sem_s1):
    c = lax.axis_index("c")
    s = lax.axis_index("s")
    pltpu.sync_copy(zeros, acc.at[pl.ds(s * ROWS_PER_TILE, ROWS_PER_TILE)])
    pltpu.sync_copy(srcs.at[s], src_v)
    plsc.subcore_barrier()
    my_dsts = dsts.at[s]

    def work(tab):
        def scat_sem(parity):
            return (sem_s0, sem_s1)[parity]

        def idx_sem(parity):
            return (sem_i0, sem_i1)[parity]

        pltpu.async_copy(tab.at[src_v.at[0]], rows_v.at[0], sem_g)
        pltpu.async_copy(my_dsts.at[0], dst_c.at[0], sem_i0)
        pltpu.async_copy(my_dsts.at[1], dst_c.at[1], sem_i1)

        def chunk(j, carry):
            b = lax.rem(j, 2)
            nb = 1 - b
            jm = lax.rem(j, 4)
            pltpu.make_async_copy(tab.at[src_v.at[j]], rows_v.at[b],
                                  sem_g).wait()

            for p in (0, 1):
                @pl.when(b == p)
                def _wait_idx(p=p):
                    pltpu.make_async_copy(my_dsts.at[j], dst_c.at[jm],
                                          idx_sem(p)).wait()

                @pl.when(b == p)
                def _scatter(p=p):
                    pltpu.async_copy(rows_v.at[b], acc.at[dst_c.at[jm]],
                                     scat_sem(p), add=True)

            jm_prev = lax.rem(jnp.maximum(j - 1, 0), 4)
            for p in (0, 1):
                @pl.when((j >= 1) & (nb == p))
                def _drain_prev(p=p):
                    pltpu.make_async_copy(rows_v.at[nb],
                                          acc.at[dst_c.at[jm_prev]],
                                          scat_sem(p)).wait()

            jn = jnp.minimum(j + 1, NCH - 1)

            @pl.when(j + 1 < NCH)
            def _prefetch():
                pltpu.async_copy(tab.at[src_v.at[jn]], rows_v.at[nb], sem_g)

            j2 = jnp.minimum(j + 2, NCH - 1)
            jm2 = lax.rem(j2, 4)
            for p in (0, 1):
                @pl.when((j + 2 < NCH) & (b == p))
                def _prefetch_idx(p=p):
                    pltpu.async_copy(my_dsts.at[j2], dst_c.at[jm2], idx_sem(p))
            return carry
        lax.fori_loop(0, NCH, chunk, 0)
        lb = (NCH - 1) % 2
        pltpu.make_async_copy(rows_v.at[lb], acc.at[dst_c.at[(NCH - 1) % 4]],
                              scat_sem(lb)).wait()

    pl.when(c == 0)(lambda: work(m0))
    pl.when(c == 1)(lambda: work(m1))
    plsc.subcore_barrier()

    def out_copy(out):
        sl = pl.ds(s * ROWS_PER_TILE, ROWS_PER_TILE)
        pltpu.sync_copy(acc.at[sl], out.at[sl])

    pl.when(c == 0)(lambda: out_copy(out0))
    pl.when(c == 1)(lambda: out_copy(out1))


@functools.lru_cache(maxsize=None)
def _sc_segsum_built():
    return pl.kernel(
        _sc_segsum_body,
        out_type=(
            jax.ShapeDtypeStruct((NP, 128), _f32),
            jax.ShapeDtypeStruct((NP, 128), _f32),
        ),
        mesh=_sc_mesh(),
        scratch_types=[
            pltpu.VMEM_SHARED((NP, 128), _f32),
            pltpu.VMEM((NCH, CHUNK), jnp.int32),
            pltpu.VMEM((4, CHUNK), jnp.int32),
            pltpu.VMEM((2, CHUNK, 128), _f32),
            pltpu.SemaphoreType.DMA,
            pltpu.SemaphoreType.DMA,
            pltpu.SemaphoreType.DMA,
            pltpu.SemaphoreType.DMA,
            pltpu.SemaphoreType.DMA,
        ],
    )


def _sc_segsum(m0, m1, srcs, dsts, zeros):
    return _sc_segsum_built()(m0, m1, srcs, dsts, zeros)


def _sc_degree_body(dsts, ones_h, zeros, deg_out0, deg_out1, acc, dst_v,
                    ones_v):
    c = lax.axis_index("c")
    s = lax.axis_index("s")
    half = (NCH + 1) // 2
    pltpu.sync_copy(zeros, acc.at[pl.ds(s * ROWS_PER_TILE, ROWS_PER_TILE)])
    pltpu.sync_copy(dsts.at[s], dst_v)
    pltpu.sync_copy(ones_h, ones_v)
    plsc.subcore_barrier()

    def chunk(j, carry):
        jg = jnp.minimum(c * half + j, NCH - 1)

        @pl.when(c * half + j < NCH)
        def _do():
            pltpu.sync_copy(ones_v, acc.at[dst_v.at[jg]], add=True)
        return carry
    lax.fori_loop(0, half, chunk, 0)
    plsc.subcore_barrier()

    sl = pl.ds(s * ROWS_PER_TILE, ROWS_PER_TILE)
    pl.when(c == 0)(lambda: pltpu.sync_copy(acc.at[sl], deg_out0.at[sl]))
    pl.when(c == 1)(lambda: pltpu.sync_copy(acc.at[sl], deg_out1.at[sl]))


@functools.lru_cache(maxsize=None)
def _sc_degree_built():
    return pl.kernel(
        _sc_degree_body,
        out_type=(jax.ShapeDtypeStruct((NP, 128), _f32),
                  jax.ShapeDtypeStruct((NP, 128), _f32)),
        mesh=_sc_mesh(),
        scratch_types=[
            pltpu.VMEM_SHARED((NP, 128), _f32),
            pltpu.VMEM((NCH, CHUNK), jnp.int32),
            pltpu.VMEM((CHUNK, 128), _f32),
        ],
    )


def _sc_degree(dsts, ones_h, zeros):
    return _sc_degree_built()(dsts, ones_h, zeros)



def _proj_body(x_ref, w_ref, m0_ref, m1_ref, r_ref):
    res = jnp.dot(x_ref[...], w_ref[...], preferred_element_type=_f32)
    m0_ref[...] = res[:, :128]
    m1_ref[...] = res[:, 128:256]
    r_ref[...] = res[:, 256:]


def _project0(xp, wcat):
    kdim = xp.shape[1]
    return pl.pallas_call(
        _proj_body,
        grid=(NB,),
        in_specs=[
            pl.BlockSpec((BR, kdim), lambda i: (i, 0)),
            pl.BlockSpec((kdim, 2 * HID), lambda i: (0, 0)),
        ],
        out_specs=[
            pl.BlockSpec((BR, 128), lambda i: (i, 0)),
            pl.BlockSpec((BR, 128), lambda i: (i, 0)),
            pl.BlockSpec((BR, HID), lambda i: (i, 0)),
        ],
        out_shape=[
            jax.ShapeDtypeStruct((NP, 128), _f32),
            jax.ShapeDtypeStruct((NP, 128), _f32),
            jax.ShapeDtypeStruct((NP, HID), _f32),
        ],
    )(xp, wcat)



def _finish_core(agg0, agg1, r, deg0, deg1, bl, g, b):
    a = jnp.concatenate([agg0, agg1], axis=1)
    dg = jnp.maximum(deg0[:, 0:1] + deg1[:, 0:1], 1.0)
    h = a / dg + bl + r
    mu = jnp.mean(h, axis=1, keepdims=True)
    d = h - mu
    var = jnp.mean(d * d, axis=1, keepdims=True)
    h = d * lax.rsqrt(var + 1e-5) * g + b
    return jnp.maximum(h, 0.0)


def _finish_proj_body(agg0_ref, agg1_ref, r_ref, deg0_ref, deg1_ref, bl_ref,
                      g_ref, b_ref, wn_ref, h_ref, m0_ref, m1_ref, rn_ref):
    h = _finish_core(agg0_ref[...], agg1_ref[...], r_ref[...], deg0_ref[...],
                     deg1_ref[...], bl_ref[...], g_ref[...], b_ref[...])
    h_ref[...] = h
    res = jnp.dot(h, wn_ref[...], preferred_element_type=_f32)
    m0_ref[...] = res[:, :128]
    m1_ref[...] = res[:, 128:256]
    rn_ref[...] = res[:, 256:]


def _finish_last_body(agg0_ref, agg1_ref, r_ref, deg0_ref, deg1_ref, bl_ref,
                      g_ref, b_ref, h_ref):
    h_ref[...] = _finish_core(agg0_ref[...], agg1_ref[...], r_ref[...],
                              deg0_ref[...], deg1_ref[...], bl_ref[...],
                              g_ref[...], b_ref[...])


def _finish(agg0, agg1, r, deg0, deg1, bl, g, b, wnext):
    row = lambda i: (i, 0)
    const = lambda i: (0, 0)
    in_specs = [
        pl.BlockSpec((BR, 128), row),
        pl.BlockSpec((BR, 128), row),
        pl.BlockSpec((BR, HID), row),
        pl.BlockSpec((BR, 128), row),
        pl.BlockSpec((BR, 128), row),
        pl.BlockSpec((1, HID), const),
        pl.BlockSpec((1, HID), const),
        pl.BlockSpec((1, HID), const),
    ]
    if wnext is not None:
        return pl.pallas_call(
            _finish_proj_body,
            grid=(NB,),
            in_specs=in_specs + [pl.BlockSpec((HID, 2 * HID), const)],
            out_specs=[
                pl.BlockSpec((BR, HID), row),
                pl.BlockSpec((BR, 128), row),
                pl.BlockSpec((BR, 128), row),
                pl.BlockSpec((BR, HID), row),
            ],
            out_shape=[
                jax.ShapeDtypeStruct((NP, HID), _f32),
                jax.ShapeDtypeStruct((NP, 128), _f32),
                jax.ShapeDtypeStruct((NP, 128), _f32),
                jax.ShapeDtypeStruct((NP, HID), _f32),
            ],
        )(agg0, agg1, r, deg0, deg1, bl, g, b, wnext)
    return pl.pallas_call(
        _finish_last_body,
        grid=(NB,),
        in_specs=in_specs,
        out_specs=pl.BlockSpec((BR, HID), row),
        out_shape=jax.ShapeDtypeStruct((NP, HID), _f32),
    )(agg0, agg1, r, deg0, deg1, bl, g, b)



def _mega_body(h1_ref, h2_ref, h3_ref, agg0_ref, agg1_ref, r_ref, deg0_ref,
               deg1_ref, bl_ref, g_ref, b_ref, batch_ref,
               wih_f_ref, whh_f_ref, bias_f_ref,
               wih_b_ref, whh_b_ref, bias_b_ref,
               attw_ref, linw_ref, linb_ref,
               node_ref, graph_ref, neg_acc, cnt_acc):
    i = pl.program_id(0)
    h4 = _finish_core(agg0_ref[...], agg1_ref[...], r_ref[...], deg0_ref[...],
                      deg1_ref[...], bl_ref[...], g_ref[...], b_ref[...])
    seq = [h1_ref[...], h2_ref[...], h3_ref[...], h4]

    def direction(wih, whh, bias, order):
        h = jnp.zeros((BR, LSTM_H), _f32)
        c = jnp.zeros((BR, LSTM_H), _f32)
        hs = [None] * 4
        for t in order:
            gates = (jnp.dot(seq[t], wih, preferred_element_type=_f32)
                     + jnp.dot(h, whh, preferred_element_type=_f32) + bias)
            ig = jax.nn.sigmoid(gates[:, :LSTM_H])
            fg = jax.nn.sigmoid(gates[:, LSTM_H:2 * LSTM_H])
            gg = jnp.tanh(gates[:, 2 * LSTM_H:3 * LSTM_H])
            og = jax.nn.sigmoid(gates[:, 3 * LSTM_H:])
            c = fg * c + ig * gg
            h = og * jnp.tanh(c)
            hs[t] = h
        return hs

    hs_f = direction(wih_f_ref[...], whh_f_ref[...], bias_f_ref[...],
                     [0, 1, 2, 3])
    hs_b = direction(wih_b_ref[...], whh_b_ref[...], bias_b_ref[...],
                     [3, 2, 1, 0])

    attw = attw_ref[...]
    wa_f = attw[:, :LSTM_H]
    wa_b = attw[:, LSTM_H:]
    al = [jnp.sum(hs_f[t] * wa_f, axis=1, keepdims=True)
          + jnp.sum(hs_b[t] * wa_b, axis=1, keepdims=True)
          for t in range(4)]
    amax = jnp.maximum(jnp.maximum(al[0], al[1]), jnp.maximum(al[2], al[3]))
    ex = [jnp.exp(a - amax) for a in al]
    es = ex[0] + ex[1] + ex[2] + ex[3]
    jk = sum((ex[t] / es) * seq[t] for t in range(4))

    logit = (jnp.sum(jk * linw_ref[...], axis=1, keepdims=True)
             + linb_ref[...][:, 0:1])
    node_ref[...] = jnp.broadcast_to(logit, (BR, 128))
    probs = jax.nn.sigmoid(logit)

    bb = batch_ref[...].reshape(1, BR)
    gids = lax.broadcasted_iota(jnp.int32, (NUM_GRAPHS, BR), 0)
    mask = (gids == bb).astype(_f32)
    negc = jnp.dot(mask, jnp.broadcast_to(1.0 - probs, (BR, 128)),
                   preferred_element_type=_f32)
    cntc = jnp.dot(mask, jnp.ones((BR, 128), _f32),
                   preferred_element_type=_f32)

    @pl.when(i == 0)
    def _init():
        neg_acc[...] = negc
        cnt_acc[...] = cntc

    @pl.when(i > 0)
    def _accum():
        neg_acc[...] += negc
        cnt_acc[...] += cntc

    @pl.when(i == NB - 1)
    def _final():
        mean_neg = neg_acc[...] / jnp.maximum(cnt_acc[...], 1.0)
        gp = jnp.clip(1.0 - mean_neg, 1e-6, 1.0 - 1e-6)
        graph_ref[...] = jnp.log(gp) - jnp.log(1.0 - gp)


def _mega(hs, last_layer, batch3, lstm_prep, attw, linw, linb):
    row = lambda i: (i, 0)
    const = lambda i: (0, 0)
    return pl.pallas_call(
        _mega_body,
        grid=(NB,),
        in_specs=[
            pl.BlockSpec((BR, HID), row),
            pl.BlockSpec((BR, HID), row),
            pl.BlockSpec((BR, HID), row),
            pl.BlockSpec((BR, 128), row),
            pl.BlockSpec((BR, 128), row),
            pl.BlockSpec((BR, HID), row),
            pl.BlockSpec((BR, 128), row),
            pl.BlockSpec((BR, 128), row),
            pl.BlockSpec((1, HID), const),
            pl.BlockSpec((1, HID), const),
            pl.BlockSpec((1, HID), const),
            pl.BlockSpec((1, 1, BR), lambda i: (i, 0, 0)),
            pl.BlockSpec((HID, 4 * LSTM_H), const),
            pl.BlockSpec((LSTM_H, 4 * LSTM_H), const),
            pl.BlockSpec((1, 4 * LSTM_H), const),
            pl.BlockSpec((HID, 4 * LSTM_H), const),
            pl.BlockSpec((LSTM_H, 4 * LSTM_H), const),
            pl.BlockSpec((1, 4 * LSTM_H), const),
            pl.BlockSpec((1, 2 * LSTM_H), const),
            pl.BlockSpec((1, HID), const),
            pl.BlockSpec((1, 128), const),
        ],
        out_specs=[
            pl.BlockSpec((BR, 128), row),
            pl.BlockSpec((NUM_GRAPHS, 128), const),
        ],
        out_shape=[
            jax.ShapeDtypeStruct((NP, 128), _f32),
            jax.ShapeDtypeStruct((NUM_GRAPHS, 128), _f32),
        ],
        scratch_shapes=[
            pltpu.VMEM((NUM_GRAPHS, 128), _f32),
            pltpu.VMEM((NUM_GRAPHS, 128), _f32),
        ],
    )(*hs, *last_layer, batch3, *lstm_prep, attw, linw, linb)



def kernel(x, edge_index, batch, params):
    x = x.astype(_f32)
    xp = jnp.zeros((NP, IN_DIM), _f32).at[:N_NODES].set(x)

    src = edge_index[0].astype(jnp.int32)
    dst = edge_index[1].astype(jnp.int32)
    pad = EPAD - N_EDGES
    srcs = jnp.concatenate([src, jnp.zeros((pad,), jnp.int32)]
                           ).reshape(NTILES, NCH, CHUNK)
    dsts = jnp.concatenate([dst, jnp.full((pad,), DUMMY_DST, jnp.int32)]
                           ).reshape(NTILES, NCH, CHUNK)

    batchp = jnp.concatenate([batch.astype(jnp.int32),
                              jnp.full((NP - N_NODES,), 127, jnp.int32)]
                             ).reshape(NB, 1, BR)

    zeros128 = jnp.zeros((ROWS_PER_TILE, 128), _f32)
    ones128 = jnp.ones((CHUNK, 128), _f32)

    convs = params['convs']
    norms = params['norms']
    wcats = [jnp.concatenate([c['Wl'].T, c['Wr'].T], axis=1) for c in convs]
    bls = [c['bl'].reshape(1, HID) for c in convs]
    gs = [n['g'].reshape(1, HID) for n in norms]
    bs = [n['b'].reshape(1, HID) for n in norms]

    L = params['lstm']
    lstm_prep = (
        L['Wih_f'].T, L['Whh_f'].T,
        (L['bih_f'] + L['bhh_f']).reshape(1, 4 * LSTM_H),
        L['Wih_b'].T, L['Whh_b'].T,
        (L['bih_b'] + L['bhh_b']).reshape(1, 4 * LSTM_H),
    )
    attw = params['att_w'].reshape(1, 2 * LSTM_H)
    linw = params['lin_w'].reshape(1, HID)
    linb = jnp.broadcast_to(params['lin_b'].reshape(1, 1), (1, 128))

    deg0, deg1 = _sc_degree(dsts, ones128, zeros128)

    m0, m1, r = _project0(xp, wcats[0])
    hs = []
    for i in range(LAYERS - 1):
        agg0, agg1 = _sc_segsum(m0, m1, srcs, dsts, zeros128)
        h, m0, m1, r = _finish(agg0, agg1, r, deg0, deg1, bls[i], gs[i],
                               bs[i], wcats[i + 1])
        hs.append(h)
    agg0, agg1 = _sc_segsum(m0, m1, srcs, dsts, zeros128)
    last_layer = (agg0, agg1, r, deg0, deg1, bls[3], gs[3], bs[3])

    node128, graph128 = _mega(hs, last_layer, batchp, lstm_prep, attw, linw,
                              linb)
    node_logits = node128[:N_NODES, 0:1]
    graph_logits = graph128[:, 0:1]
    return node_logits, graph_logits

# --- scband reference (transcript-rebuilt; emitter-appended) ---
"""Pipeline reference for scband-graph-model-36344013259328 (READ-ONLY COPY).

The authoritative reference and input builder live on the scoring server;
editing this copy changes nothing except your own understanding.
"""

import jax, jax.numpy as jnp
import numpy as np

N_NODES = 10000
N_EDGES = 160000
IN_DIM = 264
HID = 256
LAYERS = 4
NUM_GRAPHS = 64
LSTM_H = (LAYERS * HID) // 2  # 512, matching PyG JumpingKnowledge 'lstm'


def _lin(rng, fo, fi):
    s = 1.0 / np.sqrt(fi)
    return jnp.asarray(rng.uniform(-s, s, size=(fo, fi)).astype(np.float32))


def setup_inputs() -> dict:
    rng = np.random.default_rng(0)
    x = jnp.asarray(rng.standard_normal((N_NODES, IN_DIM)).astype(np.float32))
    edge_index = jnp.asarray(rng.integers(0, N_NODES, size=(2, N_EDGES)), dtype=jnp.int32)
    batch = jnp.sort(jnp.asarray(rng.integers(0, NUM_GRAPHS, size=(N_NODES,)), dtype=jnp.int32))
    convs = []
    norms = []
    for i in range(LAYERS):
        fi = IN_DIM if i == 0 else HID
        convs.append({
            'Wl': _lin(rng, HID, fi),
            'bl': jnp.zeros((HID,), jnp.float32),
            'Wr': _lin(rng, HID, fi),
        })
        norms.append({'g': jnp.ones((HID,), jnp.float32), 'b': jnp.zeros((HID,), jnp.float32)})
    lstm = {
        'Wih_f': _lin(rng, 4 * LSTM_H, HID), 'Whh_f': _lin(rng, 4 * LSTM_H, LSTM_H),
        'bih_f': jnp.zeros((4 * LSTM_H,), jnp.float32), 'bhh_f': jnp.zeros((4 * LSTM_H,), jnp.float32),
        'Wih_b': _lin(rng, 4 * LSTM_H, HID), 'Whh_b': _lin(rng, 4 * LSTM_H, LSTM_H),
        'bih_b': jnp.zeros((4 * LSTM_H,), jnp.float32), 'bhh_b': jnp.zeros((4 * LSTM_H,), jnp.float32),
    }
    params = {
        'convs': convs,
        'norms': norms,
        'lstm': lstm,
        'att_w': _lin(rng, 1, 2 * LSTM_H), 'att_b': jnp.zeros((1,), jnp.float32),
        'lin_w': _lin(rng, 1, HID), 'lin_b': jnp.zeros((1,), jnp.float32),
    }
    return {'x': x, 'edge_index': edge_index, 'batch': batch, 'params': params}


def _lstm_pass(seq, Wih, Whh, bih, bhh):
    Nn = seq.shape[1]
    H = Whh.shape[1]
    def step(carry, x_t):
        h, c = carry
        g = x_t @ Wih.T + h @ Whh.T + bih + bhh
        i, f, gg, o = jnp.split(g, 4, axis=-1)
        i = jax.nn.sigmoid(i); f = jax.nn.sigmoid(f)
        gg = jnp.tanh(gg); o = jax.nn.sigmoid(o)
        c = f * c + i * gg
        h = o * jnp.tanh(c)
        return (h, c), h
    init = (jnp.zeros((Nn, H), seq.dtype), jnp.zeros((Nn, H), seq.dtype))
    _, hs = jax.lax.scan(step, init, seq)
    return hs


def reference(x, edge_index, batch, params):
    src = edge_index[0]
    dst = edge_index[1]
    deg = jax.ops.segment_sum(jnp.ones((N_EDGES,), x.dtype), dst, num_segments=N_NODES)
    deg = jnp.maximum(deg, 1.0)
    h = x
    xs = []
    for i in range(LAYERS):
        p = params['convs'][i]
        agg = jax.ops.segment_sum(h[src], dst, num_segments=N_NODES) / deg[:, None]
        h = agg @ p['Wl'].T + p['bl'] + h @ p['Wr'].T
        n = params['norms'][i]
        mu = h.mean(-1, keepdims=True)
        var = ((h - mu) ** 2).mean(-1, keepdims=True)
        h = (h - mu) / jnp.sqrt(var + 1e-5) * n['g'] + n['b']
        h = jax.nn.relu(h)  # dropout is identity in eval mode
        xs.append(h)
    seq = jnp.stack(xs, 0)  # [L, N, HID]
    L = params['lstm']
    hs_f = _lstm_pass(seq, L['Wih_f'], L['Whh_f'], L['bih_f'], L['bhh_f'])
    hs_b = _lstm_pass(seq[::-1], L['Wih_b'], L['Whh_b'], L['bih_b'], L['bhh_b'])[::-1]
    hcat = jnp.concatenate([hs_f, hs_b], axis=-1)  # [L, N, 2H]
    alpha = jnp.einsum('lnh,h->ln', hcat, params['att_w'][0]) + params['att_b'][0]
    alpha = jax.nn.softmax(alpha, axis=0)
    jk_out = (seq * alpha[:, :, None]).sum(0)  # [N, HID]
    node_logits = jk_out @ params['lin_w'].T + params['lin_b']  # [N, 1]
    node_probs = jax.nn.sigmoid(node_logits)
    cnt = jax.ops.segment_sum(jnp.ones((N_NODES, 1), x.dtype), batch, num_segments=NUM_GRAPHS)
    mean_neg = jax.ops.segment_sum(1.0 - node_probs, batch, num_segments=NUM_GRAPHS) / jnp.maximum(cnt, 1.0)
    graph_probs = jnp.clip(1.0 - mean_neg, 1e-6, 1.0 - 1e-6)
    graph_logits = jnp.log(graph_probs) - jnp.log1p(-graph_probs)
    return node_logits, graph_logits

if __name__ == "__main__":
    import jax
    _d = setup_inputs()
    print(jax.jit(kernel)(*tuple(_d.values())))

</pallas_src>

<mosaic_0001>
#map = affine_map<(d0, d1) -> (0, 0, 0)>
#map1 = affine_map<(d0, d1) -> (0, 0)>
module attributes {stable_mosaic.version = 14 : i64} {
  func.func @_sc_degree_body(%arg0: i32, %arg1: i32, %arg2: memref<16x79x128xi32, #tpu.memory_space<hbm>>, %arg3: memref<128x128xf32, #tpu.memory_space<hbm>>, %arg4: memref<640x128xf32, #tpu.memory_space<hbm>>, %arg5: memref<10240x128xf32, #tpu.memory_space<hbm>>, %arg6: memref<10240x128xf32, #tpu.memory_space<hbm>>, %arg7: memref<10240x128xf32, #tpu.memory_space<vmem_shared>>, %arg8: memref<79x128xi32, #tpu.memory_space<vmem>>, %arg9: memref<128x128xf32, #tpu.memory_space<vmem>>) attributes {dimension_semantics = [#tpu.dimension_semantics<core_parallel>, #tpu.dimension_semantics<subcore_parallel>], iteration_bounds = array<i64: 2, 16>, scalar_prefetch = 0 : i64, scratch_operands = 3 : i64, tpu.core_type = #tpu.core_type<sc_vector_subcore>, window_params = [{transform_indices = #map}, {transform_indices = #map1}, {transform_indices = #map1}, {transform_indices = #map1}, {transform_indices = #map1}]} {
    %mul3A = arith.constant 640 : i32
    %mul3A_0 = arith.muli %arg1, %mul3A : i32
    "tpu.region"() ({
      %run_scoped3A = tpu.sem_alloc : memref<!tpu.dma_semaphore, #tpu.memory_space<semaphore_mem>>
      %dma_start3A = arith.constant 0 : i32
      %dma_start3A_16 = tpu.memref_slice %arg7[%mul3A_0, %dma_start3A] : memref<10240x128xf32, #tpu.memory_space<vmem_shared>> -> memref<640x128xf32, #tpu.memory_space<vmem_shared>>
      tpu.enqueue_dma source(%arg4 : memref<640x128xf32, #tpu.memory_space<hbm>>) target(%dma_start3A_16 : memref<640x128xf32, #tpu.memory_space<vmem_shared>>) target_semaphore(%run_scoped3A : memref<!tpu.dma_semaphore, #tpu.memory_space<semaphore_mem>>)
      %dma_wait3A = arith.constant 0 : i32
      %dma_wait3A_17 = tpu.memref_slice %arg7[%mul3A_0, %dma_wait3A] : memref<10240x128xf32, #tpu.memory_space<vmem_shared>> -> memref<640x128xf32, #tpu.memory_space<vmem_shared>>
      tpu.wait_dma2 semaphore(%run_scoped3A : memref<!tpu.dma_semaphore, #tpu.memory_space<semaphore_mem>>) src(%arg4 : memref<640x128xf32, #tpu.memory_space<hbm>>) dst(%dma_wait3A_17 : memref<640x128xf32, #tpu.memory_space<vmem_shared>>)
      tpu.yield
    }) : () -> ()
    "tpu.region"() ({
      %run_scoped3A = tpu.sem_alloc : memref<!tpu.dma_semaphore, #tpu.memory_space<semaphore_mem>>
      %dma_start3A = arith.constant 0 : i32
      %dma_start3A_16 = arith.constant 0 : i32
      %dma_start3A_17 = tpu.memref_slice %arg2[%arg1, %dma_start3A, %dma_start3A_16] : memref<16x79x128xi32, #tpu.memory_space<hbm>> -> memref<1x79x128xi32, #tpu.memory_space<hbm>>
      %dma_start3A_18 = tpu.memref_squeeze %dma_start3A_17 : memref<1x79x128xi32, #tpu.memory_space<hbm>> -> memref<79x128xi32, #tpu.memory_space<hbm>>
      %dma_start3A_19 = arith.constant 0 : i32
      %dma_start3A_20 = arith.constant 0 : i32
      %dma_start3A_21 = tpu.memref_slice %arg2[%arg1, %dma_start3A_19, %dma_start3A_20] : memref<16x79x128xi32, #tpu.memory_space<hbm>> -> memref<1x79x128xi32, #tpu.memory_space<hbm>>
      %dma_start3A_22 = tpu.memref_squeeze %dma_start3A_21 : memref<1x79x128xi32, #tpu.memory_space<hbm>> -> memref<79x128xi32, #tpu.memory_space<hbm>>
      tpu.enqueue_dma source(%dma_start3A_22 : memref<79x128xi32, #tpu.memory_space<hbm>>) target(%arg8 : memref<79x128xi32, #tpu.memory_space<vmem>>) target_semaphore(%run_scoped3A : memref<!tpu.dma_semaphore, #tpu.memory_space<semaphore_mem>>)
      %dma_wait3A = arith.constant 0 : i32
      %dma_wait3A_23 = arith.constant 0 : i32
      %dma_wait3A_24 = tpu.memref_slice %arg2[%arg1, %dma_wait3A, %dma_wait3A_23] : memref<16x79x128xi32, #tpu.memory_space<hbm>> -> memref<1x79x128xi32, #tpu.memory_space<hbm>>
      %dma_wait3A_25 = tpu.memref_squeeze %dma_wait3A_24 : memref<1x79x128xi32, #tpu.memory_space<hbm>> -> memref<79x128xi32, #tpu.memory_space<hbm>>
      %dma_wait3A_26 = arith.constant 0 : i32
      %dma_wait3A_27 = arith.constant 0 : i32
      %dma_wait3A_28 = tpu.memref_slice %arg2[%arg1, %dma_wait3A_26, %dma_wait3A_27] : memref<16x79x128xi32, #tpu.memory_space<hbm>> -> memref<1x79x128xi32, #tpu.memory_space<hbm>>
      %dma_wait3A_29 = tpu.memref_squeeze %dma_wait3A_28 : memref<1x79x128xi32, #tpu.memory_space<hbm>> -> memref<79x128xi32, #tpu.memory_space<hbm>>
      tpu.wait_dma2 semaphore(%run_scoped3A : memref<!tpu.dma_semaphore, #tpu.memory_space<semaphore_mem>>) src(%dma_wait3A_29 : memref<79x128xi32, #tpu.memory_space<hbm>>) dst(%arg8 : memref<79x128xi32, #tpu.memory_space<vmem>>)
      tpu.yield
    }) : () -> ()
    "tpu.region"() ({
      %run_scoped3A = tpu.sem_alloc : memref<!tpu.dma_semaphore, #tpu.memory_space<semaphore_mem>>
      tpu.enqueue_dma source(%arg3 : memref<128x128xf32, #tpu.memory_space<hbm>>) target(%arg9 : memref<128x128xf32, #tpu.memory_space<vmem>>) target_semaphore(%run_scoped3A : memref<!tpu.dma_semaphore, #tpu.memory_space<semaphore_mem>>)
      tpu.wait_dma2 semaphore(%run_scoped3A : memref<!tpu.dma_semaphore, #tpu.memory_space<semaphore_mem>>) src(%arg3 : memref<128x128xf32, #tpu.memory_space<hbm>>) dst(%arg9 : memref<128x128xf32, #tpu.memory_space<vmem>>)
      tpu.yield
    }) : () -> ()
    %barrier3A = arith.constant 0 : index
    tpu.barrier barrier_id(%barrier3A)
    %scan3A = arith.constant 0 : i32
    %scan3A_1 = arith.constant 0 : i32
    %scan3A_2 = arith.constant 40 : i32
    %scan3A_3 = arith.addi %scan3A_1, %scan3A_2 : i32
    %scan3A_4 = arith.constant 1 : i32
    scf.for %scan3A_16 = %scan3A_1 to %scan3A_3 step %scan3A_4  : i32 {
      %mul3A_17 = arith.constant 40 : i32
      %mul3A_18 = arith.muli %arg0, %mul3A_17 : i32
      %add3A = arith.addi %mul3A_18, %scan3A_16 : i32
      %min3A = arith.constant 78 : i32
      %min3A_19 = arith.minsi %add3A, %min3A : i32
      %mul3A_20 = arith.constant 40 : i32
      %mul3A_21 = arith.muli %arg0, %mul3A_20 : i32
      %add3A_22 = arith.addi %mul3A_21, %scan3A_16 : i32
      %lt3A = arith.constant 79 : i32
      %lt3A_23 = arith.cmpi slt, %add3A_22, %lt3A : i32
      %convert_element_type3A_24 = arith.extui %lt3A_23 : i1 to i32
      %cond3A_25 = arith.constant 0 : i32
      %cond3A_26 = arith.cmpi ne, %convert_element_type3A_24, %cond3A_25 : i32
      scf.if %cond3A_26 {
        "tpu.region"() ({
          %run_scoped3A = tpu.sem_alloc : memref<!tpu.dma_semaphore, #tpu.memory_space<semaphore_mem>>
          %dma_start3A = arith.constant 0 : i32
          %dma_start3A_27 = tpu.memref_slice %arg8[%min3A_19, %dma_start3A] : memref<79x128xi32, #tpu.memory_space<vmem>> -> memref<1x128xi32, #tpu.memory_space<vmem>>
          %dma_start3A_28 = tpu.memref_squeeze %dma_start3A_27 : memref<1x128xi32, #tpu.memory_space<vmem>> -> memref<128xi32, #tpu.memory_space<vmem>>
          %dma_start3A_29 = arith.constant 0 : i32
          %dma_start3A_30 = arith.constant 0 : i32
          %dma_start3A_31 = tpu.memref_slice %arg7[%dma_start3A_29, %dma_start3A_30] : memref<10240x128xf32, #tpu.memory_space<vmem_shared>> -> memref<10240x128xf32, #tpu.memory_space<vmem_shared>>
          tpu.enqueue_indirect_dma source(%arg9 : memref<128x128xf32, #tpu.memory_space<vmem>>) target(%dma_start3A_31 : memref<10240x128xf32, #tpu.memory_space<vmem_shared>>) offsets(%dma_start3A_28 : memref<128xi32, #tpu.memory_space<vmem>>) semaphore(%run_scoped3A : memref<!tpu.dma_semaphore, #tpu.memory_space<semaphore_mem>>) {add = true}
          %dma_wait3A = arith.constant 0 : i32
          %dma_wait3A_32 = tpu.memref_slice %arg8[%min3A_19, %dma_wait3A] : memref<79x128xi32, #tpu.memory_space<vmem>> -> memref<1x128xi32, #tpu.memory_space<vmem>>
          %dma_wait3A_33 = tpu.memref_squeeze %dma_wait3A_32 : memref<1x128xi32, #tpu.memory_space<vmem>> -> memref<128xi32, #tpu.memory_space<vmem>>
          %dma_wait3A_34 = arith.constant 0 : i32
          %dma_wait3A_35 = arith.constant 0 : i32
          %dma_wait3A_36 = tpu.memref_slice %arg7[%dma_wait3A_34, %dma_wait3A_35] : memref<10240x128xf32, #tpu.memory_space<vmem_shared>> -> memref<10240x128xf32, #tpu.memory_space<vmem_shared>>
          tpu.wait_indirect_dma semaphore(%run_scoped3A : memref<!tpu.dma_semaphore, #tpu.memory_space<semaphore_mem>>) src(%arg9 : memref<128x128xf32, #tpu.memory_space<vmem>>) dst(%dma_wait3A_36 : memref<10240x128xf32, #tpu.memory_space<vmem_shared>>)
          tpu.yield
        }) : () -> ()
      } else {
      }
    }
    %scan3A_5 = arith.constant 40 : i32
    %barrier3A_6 = arith.constant 0 : index
    tpu.barrier barrier_id(%barrier3A_6)
    %mul3A_7 = arith.constant 640 : i32
    %mul3A_8 = arith.muli %arg1, %mul3A_7 : i32
    %eq3A = arith.constant 0 : i32
    %eq3A_9 = arith.cmpi eq, %arg0, %eq3A : i32
    %convert_element_type3A = arith.extui %eq3A_9 : i1 to i32
    %cond3A = arith.constant 0 : i32
    %cond3A_10 = arith.cmpi ne, %convert_element_type3A, %cond3A : i32
    scf.if %cond3A_10 {
      "tpu.region"() ({
        %run_scoped3A = tpu.sem_alloc : memref<!tpu.dma_semaphore, #tpu.memory_space<semaphore_mem>>
        %dma_start3A = arith.constant 0 : i32
        %dma_start3A_16 = tpu.memref_slice %arg5[%mul3A_8, %dma_start3A] : memref<10240x128xf32, #tpu.memory_space<hbm>> -> memref<640x128xf32, #tpu.memory_space<hbm>>
        %dma_start3A_17 = arith.constant 0 : i32
        %dma_start3A_18 = tpu.memref_slice %arg7[%mul3A_8, %dma_start3A_17] : memref<10240x128xf32, #tpu.memory_space<vmem_shared>> -> memref<640x128xf32, #tpu.memory_space<vmem_shared>>
        tpu.enqueue_dma source(%dma_start3A_18 : memref<640x128xf32, #tpu.memory_space<vmem_shared>>) target(%dma_start3A_16 : memref<640x128xf32, #tpu.memory_space<hbm>>) target_semaphore(%run_scoped3A : memref<!tpu.dma_semaphore, #tpu.memory_space<semaphore_mem>>)
        %dma_wait3A = arith.constant 0 : i32
        %dma_wait3A_19 = tpu.memref_slice %arg5[%mul3A_8, %dma_wait3A] : memref<10240x128xf32, #tpu.memory_space<hbm>> -> memref<640x128xf32, #tpu.memory_space<hbm>>
        %dma_wait3A_20 = arith.constant 0 : i32
        %dma_wait3A_21 = tpu.memref_slice %arg7[%mul3A_8, %dma_wait3A_20] : memref<10240x128xf32, #tpu.memory_space<vmem_shared>> -> memref<640x128xf32, #tpu.memory_space<vmem_shared>>
        tpu.wait_dma2 semaphore(%run_scoped3A : memref<!tpu.dma_semaphore, #tpu.memory_space<semaphore_mem>>) src(%dma_wait3A_21 : memref<640x128xf32, #tpu.memory_space<vmem_shared>>) dst(%dma_wait3A_19 : memref<640x128xf32, #tpu.memory_space<hbm>>)
        tpu.yield
      }) : () -> ()
    } else {
    }
    %eq3A_11 = arith.constant 1 : i32
    %eq3A_12 = arith.cmpi eq, %arg0, %eq3A_11 : i32
    %convert_element_type3A_13 = arith.extui %eq3A_12 : i1 to i32
    %cond3A_14 = arith.constant 0 : i32
    %cond3A_15 = arith.cmpi ne, %convert_element_type3A_13, %cond3A_14 : i32
    scf.if %cond3A_15 {
      "tpu.region"() ({
        %run_scoped3A = tpu.sem_alloc : memref<!tpu.dma_semaphore, #tpu.memory_space<semaphore_mem>>
        %dma_start3A = arith.constant 0 : i32
        %dma_start3A_16 = tpu.memref_slice %arg6[%mul3A_8, %dma_start3A] : memref<10240x128xf32, #tpu.memory_space<hbm>> -> memref<640x128xf32, #tpu.memory_space<hbm>>
        %dma_start3A_17 = arith.constant 0 : i32
        %dma_start3A_18 = tpu.memref_slice %arg7[%mul3A_8, %dma_start3A_17] : memref<10240x128xf32, #tpu.memory_space<vmem_shared>> -> memref<640x128xf32, #tpu.memory_space<vmem_shared>>
        tpu.enqueue_dma source(%dma_start3A_18 : memref<640x128xf32, #tpu.memory_space<vmem_shared>>) target(%dma_start3A_16 : memref<640x128xf32, #tpu.memory_space<hbm>>) target_semaphore(%run_scoped3A : memref<!tpu.dma_semaphore, #tpu.memory_space<semaphore_mem>>)
        %dma_wait3A = arith.constant 0 : i32
        %dma_wait3A_19 = tpu.memref_slice %arg6[%mul3A_8, %dma_wait3A] : memref<10240x128xf32, #tpu.memory_space<hbm>> -> memref<640x128xf32, #tpu.memory_space<hbm>>
        %dma_wait3A_20 = arith.constant 0 : i32
        %dma_wait3A_21 = tpu.memref_slice %arg7[%mul3A_8, %dma_wait3A_20] : memref<10240x128xf32, #tpu.memory_space<vmem_shared>> -> memref<640x128xf32, #tpu.memory_space<vmem_shared>>
        tpu.wait_dma2 semaphore(%run_scoped3A : memref<!tpu.dma_semaphore, #tpu.memory_space<semaphore_mem>>) src(%dma_wait3A_21 : memref<640x128xf32, #tpu.memory_space<vmem_shared>>) dst(%dma_wait3A_19 : memref<640x128xf32, #tpu.memory_space<hbm>>)
        tpu.yield
      }) : () -> ()
    } else {
    }
    return
  }
}

#map = affine_map<(d0, d1) -> (0, 0)>
#map1 = affine_map<(d0, d1) -> (0, 0, 0)>
module attributes {stable_mosaic.version = 14 : i64} {
  func.func @_sc_segsum_body(%arg0: i32, %arg1: i32, %arg2: memref<10240x128xf32, #tpu.memory_space<hbm>>, %arg3: memref<10240x128xf32, #tpu.memory_space<hbm>>, %arg4: memref<16x79x128xi32, #tpu.memory_space<hbm>>, %arg5: memref<16x79x128xi32, #tpu.memory_space<hbm>>, %arg6: memref<640x128xf32, #tpu.memory_space<hbm>>, %arg7: memref<10240x128xf32, #tpu.memory_space<hbm>>, %arg8: memref<10240x128xf32, #tpu.memory_space<hbm>>, %arg9: memref<10240x128xf32, #tpu.memory_space<vmem_shared>>, %arg10: memref<79x128xi32, #tpu.memory_space<vmem>>, %arg11: memref<4x128xi32, #tpu.memory_space<vmem>>, %arg12: memref<2x128x128xf32, #tpu.memory_space<vmem>>, %arg13: memref<!tpu.dma_semaphore, #tpu.memory_space<semaphore_mem>>, %arg14: memref<!tpu.dma_semaphore, #tpu.memory_space<semaphore_mem>>, %arg15: memref<!tpu.dma_semaphore, #tpu.memory_space<semaphore_mem>>, %arg16: memref<!tpu.dma_semaphore, #tpu.memory_space<semaphore_mem>>, %arg17: memref<!tpu.dma_semaphore, #tpu.memory_space<semaphore_mem>>) attributes {dimension_semantics = [#tpu.dimension_semantics<core_parallel>, #tpu.dimension_semantics<subcore_parallel>], iteration_bounds = array<i64: 2, 16>, scalar_prefetch = 0 : i64, scratch_operands = 9 : i64, tpu.core_type = #tpu.core_type<sc_vector_subcore>, window_params = [{transform_indices = #map}, {transform_indices = #map}, {transform_indices = #map1}, {transform_indices = #map1}, {transform_indices = #map}, {transform_indices = #map}, {transform_indices = #map}]} {
    %mul3A = arith.constant 640 : i32
    %mul3A_0 = arith.muli %arg1, %mul3A : i32
    "tpu.region"() ({
      %run_scoped3A = tpu.sem_alloc : memref<!tpu.dma_semaphore, #tpu.memory_space<semaphore_mem>>
      %dma_start3A = arith.constant 0 : i32
      %dma_start3A_19 = tpu.memref_slice %arg9[%mul3A_0, %dma_start3A] : memref<10240x128xf32, #tpu.memory_space<vmem_shared>> -> memref<640x128xf32, #tpu.memory_space<vmem_shared>>
      tpu.enqueue_dma source(%arg6 : memref<640x128xf32, #tpu.memory_space<hbm>>) target(%dma_start3A_19 : memref<640x128xf32, #tpu.memory_space<vmem_shared>>) target_semaphore(%run_scoped3A : memref<!tpu.dma_semaphore, #tpu.memory_space<semaphore_mem>>)
      %dma_wait3A = arith.constant 0 : i32
      %dma_wait3A_20 = tpu.memref_slice %arg9[%mul3A_0, %dma_wait3A] : memref<10240x128xf32, #tpu.memory_space<vmem_shared>> -> memref<640x128xf32, #tpu.memory_space<vmem_shared>>
      tpu.wait_dma2 semaphore(%run_scoped3A : memref<!tpu.dma_semaphore, #tpu.memory_space<semaphore_mem>>) src(%arg6 : memref<640x128xf32, #tpu.memory_space<hbm>>) dst(%dma_wait3A_20 : memref<640x128xf32, #tpu.memory_space<vmem_shared>>)
      tpu.yield
    }) : () -> ()
    "tpu.region"() ({
      %run_scoped3A = tpu.sem_alloc : memref<!tpu.dma_semaphore, #tpu.memory_space<semaphore_mem>>
      %dma_start3A = arith.constant 0 : i32
      %dma_start3A_19 = arith.constant 0 : i32
      %dma_start3A_20 = tpu.memref_slice %arg4[%arg1, %dma_start3A, %dma_start3A_19] : memref<16x79x128xi32, #tpu.memory_space<hbm>> -> memref<1x79x128xi32, #tpu.memory_space<hbm>>
      %dma_start3A_21 = tpu.memref_squeeze %dma_start3A_20 : memref<1x79x128xi32, #tpu.memory_space<hbm>> -> memref<79x128xi32, #tpu.memory_space<hbm>>
      %dma_start3A_22 = arith.constant 0 : i32
      %dma_start3A_23 = arith.constant 0 : i32
      %dma_start3A_24 = tpu.memref_slice %arg4[%arg1, %dma_start3A_22, %dma_start3A_23] : memref<16x79x128xi32, #tpu.memory_space<hbm>> -> memref<1x79x128xi32, #tpu.memory_space<hbm>>
      %dma_start3A_25 = tpu.memref_squeeze %dma_start3A_24 : memref<1x79x128xi32, #tpu.memory_space<hbm>> -> memref<79x128xi32, #tpu.memory_space<hbm>>
      tpu.enqueue_dma source(%dma_start3A_25 : memref<79x128xi32, #tpu.memory_space<hbm>>) target(%arg10 : memref<79x128xi32, #tpu.memory_space<vmem>>) target_semaphore(%run_scoped3A : memref<!tpu.dma_semaphore, #tpu.memory_space<semaphore_mem>>)
      %dma_wait3A = arith.constant 0 : i32
      %dma_wait3A_26 = arith.constant 0 : i32
      %dma_wait3A_27 = tpu.memref_slice %arg4[%arg1, %dma_wait3A, %dma_wait3A_26] : memref<16x79x128xi32, #tpu.memory_space<hbm>> -> memref<1x79x128xi32, #tpu.memory_space<hbm>>
      %dma_wait3A_28 = tpu.memref_squeeze %dma_wait3A_27 : memref<1x79x128xi32, #tpu.memory_space<hbm>> -> memref<79x128xi32, #tpu.memory_space<hbm>>
      %dma_wait3A_29 = arith.constant 0 : i32
      %dma_wait3A_30 = arith.constant 0 : i32
      %dma_wait3A_31 = tpu.memref_slice %arg4[%arg1, %dma_wait3A_29, %dma_wait3A_30] : memref<16x79x128xi32, #tpu.memory_space<hbm>> -> memref<1x79x128xi32, #tpu.memory_space<hbm>>
      %dma_wait3A_32 = tpu.memref_squeeze %dma_wait3A_31 : memref<1x79x128xi32, #tpu.memory_space<hbm>> -> memref<79x128xi32, #tpu.memory_space<hbm>>
      tpu.wait_dma2 semaphore(%run_scoped3A : memref<!tpu.dma_semaphore, #tpu.memory_space<semaphore_mem>>) src(%dma_wait3A_32 : memref<79x128xi32, #tpu.memory_space<hbm>>) dst(%arg10 : memref<79x128xi32, #tpu.memory_space<vmem>>)
      tpu.yield
    }) : () -> ()
    %barrier3A = arith.constant 0 : index
    tpu.barrier barrier_id(%barrier3A)
    %eq3A = arith.constant 0 : i32
    %eq3A_1 = arith.cmpi eq, %arg0, %eq3A : i32
    %convert_element_type3A = arith.extui %eq3A_1 : i1 to i32
    %cond3A = arith.constant 0 : i32
    %cond3A_2 = arith.cmpi ne, %convert_element_type3A, %cond3A : i32
    scf.if %cond3A_2 {
      %dma_start3A = arith.constant 0 : i32
      %dma_start3A_19 = arith.constant 0 : i32
      %dma_start3A_20 = arith.constant 0 : i32
      %dma_start3A_21 = arith.constant 0 : i32
      %dma_start3A_22 = tpu.memref_slice %arg12[%dma_start3A_19, %dma_start3A_20, %dma_start3A_21] : memref<2x128x128xf32, #tpu.memory_space<vmem>> -> memref<1x128x128xf32, #tpu.memory_space<vmem>>
      %dma_start3A_23 = tpu.memref_squeeze %dma_start3A_22 : memref<1x128x128xf32, #tpu.memory_space<vmem>> -> memref<128x128xf32, #tpu.memory_space<vmem>>
      %dma_start3A_24 = arith.constant 0 : i32
      %dma_start3A_25 = tpu.memref_slice %arg10[%dma_start3A, %dma_start3A_24] : memref<79x128xi32, #tpu.memory_space<vmem>> -> memref<1x128xi32, #tpu.memory_space<vmem>>
      %dma_start3A_26 = tpu.memref_squeeze %dma_start3A_25 : memref<1x128xi32, #tpu.memory_space<vmem>> -> memref<128xi32, #tpu.memory_space<vmem>>
      %dma_start3A_27 = arith.constant 0 : i32
      %dma_start3A_28 = arith.constant 0 : i32
      %dma_start3A_29 = tpu.memref_slice %arg2[%dma_start3A_27, %dma_start3A_28] : memref<10240x128xf32, #tpu.memory_space<hbm>> -> memref<10240x128xf32, #tpu.memory_space<hbm>>
      tpu.enqueue_indirect_dma source(%dma_start3A_29 : memref<10240x128xf32, #tpu.memory_space<hbm>>) target(%dma_start3A_23 : memref<128x128xf32, #tpu.memory_space<vmem>>) offsets(%dma_start3A_26 : memref<128xi32, #tpu.memory_space<vmem>>) semaphore(%arg13 : memref<!tpu.dma_semaphore, #tpu.memory_space<semaphore_mem>>)
      %dma_start3A_30 = arith.constant 0 : i32
      %dma_start3A_31 = arith.constant 0 : i32
      %dma_start3A_32 = arith.constant 0 : i32
      %dma_start3A_33 = tpu.memref_slice %arg11[%dma_start3A_31, %dma_start3A_32] : memref<4x128xi32, #tpu.memory_space<vmem>> -> memref<1x128xi32, #tpu.memory_space<vmem>>
      %dma_start3A_34 = tpu.memref_squeeze %dma_start3A_33 : memref<1x128xi32, #tpu.memory_space<vmem>> -> memref<128xi32, #tpu.memory_space<vmem>>
      %dma_start3A_35 = arith.constant 0 : i32
      %dma_start3A_36 = arith.constant 0 : i32
      %dma_start3A_37 = tpu.memref_slice %arg5[%arg1, %dma_start3A_35, %dma_start3A_36] : memref<16x79x128xi32, #tpu.memory_space<hbm>> -> memref<1x79x128xi32, #tpu.memory_space<hbm>>
      %dma_start3A_38 = tpu.memref_squeeze %dma_start3A_37 : memref<1x79x128xi32, #tpu.memory_space<hbm>> -> memref<79x128xi32, #tpu.memory_space<hbm>>
      %dma_start3A_39 = arith.constant 0 : i32
      %dma_start3A_40 = tpu.memref_slice %dma_start3A_38[%dma_start3A_30, %dma_start3A_39] : memref<79x128xi32, #tpu.memory_space<hbm>> -> memref<1x128xi32, #tpu.memory_space<hbm>>
      %dma_start3A_41 = tpu.memref_squeeze %dma_start3A_40 : memref<1x128xi32, #tpu.memory_space<hbm>> -> memref<128xi32, #tpu.memory_space<hbm>>
      %dma_start3A_42 = arith.constant 0 : i32
      %dma_start3A_43 = tpu.memref_slice %arg11[%dma_start3A_31, %dma_start3A_42] : memref<4x128xi32, #tpu.memory_space<vmem>> -> memref<1x128xi32, #tpu.memory_space<vmem>>
      %dma_start3A_44 = tpu.memref_squeeze %dma_start3A_43 : memref<1x128xi32, #tpu.memory_space<vmem>> -> memref<128xi32, #tpu.memory_space<vmem>>
      %dma_start3A_45 = arith.constant 0 : i32
      %dma_start3A_46 = arith.constant 0 : i32
      %dma_start3A_47 = tpu.memref_slice %arg5[%arg1, %dma_start3A_45, %dma_start3A_46] : memref<16x79x128xi32, #tpu.memory_space<hbm>> -> memref<1x79x128xi32, #tpu.memory_space<hbm>>
      %dma_start3A_48 = tpu.memref_squeeze %dma_start3A_47 : memref<1x79x128xi32, #tpu.memory_space<hbm>> -> memref<79x128xi32, #tpu.memory_space<hbm>>
      %dma_start3A_49 = arith.constant 0 : i32
      %dma_start3A_50 = tpu.memref_slice %dma_start3A_48[%dma_start3A_30, %dma_start3A_49] : memref<79x128xi32, #tpu.memory_space<hbm>> -> memref<1x128xi32, #tpu.memory_space<hbm>>
      %dma_start3A_51 = tpu.memref_squeeze %dma_start3A_50 : memref<1x128xi32, #tpu.memory_space<hbm>> -> memref<128xi32, #tpu.memory_space<hbm>>
      tpu.enqueue_dma source(%dma_start3A_51 : memref<128xi32, #tpu.memory_space<hbm>>) target(%dma_start3A_44 : memref<128xi32, #tpu.memory_space<vmem>>) target_semaphore(%arg14 : memref<!tpu.dma_semaphore, #tpu.memory_space<semaphore_mem>>)
      %dma_start3A_52 = arith.constant 1 : i32
      %dma_start3A_53 = arith.constant 1 : i32
      %dma_start3A_54 = arith.constant 0 : i32
      %dma_start3A_55 = tpu.memref_slice %arg11[%dma_start3A_53, %dma_start3A_54] : memref<4x128xi32, #tpu.memory_space<vmem>> -> memref<1x128xi32, #tpu.memory_space<vmem>>
      %dma_start3A_56 = tpu.memref_squeeze %dma_start3A_55 : memref<1x128xi32, #tpu.memory_space<vmem>> -> memref<128xi32, #tpu.memory_space<vmem>>
      %dma_start3A_57 = arith.constant 0 : i32
      %dma_start3A_58 = arith.constant 0 : i32
      %dma_start3A_59 = tpu.memref_slice %arg5[%arg1, %dma_start3A_57, %dma_start3A_58] : memref<16x79x128xi32, #tpu.memory_space<hbm>> -> memref<1x79x128xi32, #tpu.memory_space<hbm>>
      %dma_start3A_60 = tpu.memref_squeeze %dma_start3A_59 : memref<1x79x128xi32, #tpu.memory_space<hbm>> -> memref<79x128xi32, #tpu.memory_space<hbm>>
      %dma_start3A_61 = arith.constant 0 : i32
      %dma_start3A_62 = tpu.memref_slice %dma_start3A_60[%dma_start3A_52, %dma_start3A_61] : memref<79x128xi32, #tpu.memory_space<hbm>> -> memref<1x128xi32, #tpu.memory_space<hbm>>
      %dma_start3A_63 = tpu.memref_squeeze %dma_start3A_62 : memref<1x128xi32, #tpu.memory_space<hbm>> -> memref<128xi32, #tpu.memory_space<hbm>>
      %dma_start3A_64 = arith.constant 0 : i32
      %dma_start3A_65 = tpu.memref_slice %arg11[%dma_start3A_53, %dma_start3A_64] : memref<4x128xi32, #tpu.memory_space<vmem>> -> memref<1x128xi32, #tpu.memory_space<vmem>>
      %dma_start3A_66 = tpu.memref_squeeze %dma_start3A_65 : memref<1x128xi32, #tpu.memory_space<vmem>> -> memref<128xi32, #tpu.memory_space<vmem>>
      %dma_start3A_67 = arith.constant 0 : i32
      %dma_start3A_68 = arith.constant 0 : i32
      %dma_start3A_69 = tpu.memref_slice %arg5[%arg1, %dma_start3A_67, %dma_start3A_68] : memref<16x79x128xi32, #tpu.memory_space<hbm>> -> memref<1x79x128xi32, #tpu.memory_space<hbm>>
      %dma_start3A_70 = tpu.memref_squeeze %dma_start3A_69 : memref<1x79x128xi32, #tpu.memory_space<hbm>> -> memref<79x128xi32, #tpu.memory_space<hbm>>
      %dma_start3A_71 = arith.constant 0 : i32
      %dma_start3A_72 = tpu.memref_slice %dma_start3A_70[%dma_start3A_52, %dma_start3A_71] : memref<79x128xi32, #tpu.memory_space<hbm>> -> memref<1x128xi32, #tpu.memory_space<hbm>>
      %dma_start3A_73 = tpu.memref_squeeze %dma_start3A_72 : memref<1x128xi32, #tpu.memory_space<hbm>> -> memref<128xi32, #tpu.memory_space<hbm>>
      tpu.enqueue_dma source(%dma_start3A_73 : memref<128xi32, #tpu.memory_space<hbm>>) target(%dma_start3A_66 : memref<128xi32, #tpu.memory_space<vmem>>) target_semaphore(%arg15 : memref<!tpu.dma_semaphore, #tpu.memory_space<semaphore_mem>>)
      %scan3A = arith.constant 0 : i32
      %scan3A_74 = arith.constant 0 : i32
      %scan3A_75 = arith.constant 79 : i32
      %scan3A_76 = arith.addi %scan3A_74, %scan3A_75 : i32
      %scan3A_77 = arith.constant 1 : i32
      scf.for %scan3A_90 = %scan3A_74 to %scan3A_76 step %scan3A_77  : i32 {
        %rem3A = arith.constant 2 : i32
        %rem3A_91 = arith.remsi %scan3A_90, %rem3A : i32
        %sub3A = arith.constant 1 : i32
        %sub3A_92 = arith.subi %sub3A, %rem3A_91 : i32
        %rem3A_93 = arith.constant 4 : i32
        %rem3A_94 = arith.remsi %scan3A_90, %rem3A_93 : i32
        %dma_wait3A_95 = arith.constant 0 : i32
        %dma_wait3A_96 = arith.constant 0 : i32
        %dma_wait3A_97 = tpu.memref_slice %arg12[%rem3A_91, %dma_wait3A_95, %dma_wait3A_96] : memref<2x128x128xf32, #tpu.memory_space<vmem>> -> memref<1x128x128xf32, #tpu.memory_space<vmem>>
        %dma_wait3A_98 = tpu.memref_squeeze %dma_wait3A_97 : memref<1x128x128xf32, #tpu.memory_space<vmem>> -> memref<128x128xf32, #tpu.memory_space<vmem>>
        %dma_wait3A_99 = arith.constant 0 : i32
        %dma_wait3A_100 = tpu.memref_slice %arg10[%scan3A_90, %dma_wait3A_99] : memref<79x128xi32, #tpu.memory_space<vmem>> -> memref<1x128xi32, #tpu.memory_space<vmem>>
        %dma_wait3A_101 = tpu.memref_squeeze %dma_wait3A_100 : memref<1x128xi32, #tpu.memory_space<vmem>> -> memref<128xi32, #tpu.memory_space<vmem>>
        %dma_wait3A_102 = arith.constant 0 : i32
        %dma_wait3A_103 = arith.constant 0 : i32
        %dma_wait3A_104 = tpu.memref_slice %arg2[%dma_wait3A_102, %dma_wait3A_103] : memref<10240x128xf32, #tpu.memory_space<hbm>> -> memref<10240x128xf32, #tpu.memory_space<hbm>>
        tpu.wait_indirect_dma semaphore(%arg13 : memref<!tpu.dma_semaphore, #tpu.memory_space<semaphore_mem>>) src(%dma_wait3A_104 : memref<10240x128xf32, #tpu.memory_space<hbm>>) dst(%dma_wait3A_98 : memref<128x128xf32, #tpu.memory_space<vmem>>)
        %eq3A_105 = arith.constant 0 : i32
        %eq3A_106 = arith.cmpi eq, %rem3A_91, %eq3A_105 : i32
        %convert_element_type3A_107 = arith.extui %eq3A_106 : i1 to i32
        %cond3A_108 = arith.constant 0 : i32
        %cond3A_109 = arith.cmpi ne, %convert_element_type3A_107, %cond3A_108 : i32
        scf.if %cond3A_109 {
          %dma_wait3A_178 = arith.constant 0 : i32
          %dma_wait3A_179 = tpu.memref_slice %arg11[%rem3A_94, %dma_wait3A_178] : memref<4x128xi32, #tpu.memory_space<vmem>> -> memref<1x128xi32, #tpu.memory_space<vmem>>
          %dma_wait3A_180 = tpu.memref_squeeze %dma_wait3A_179 : memref<1x128xi32, #tpu.memory_space<vmem>> -> memref<128xi32, #tpu.memory_space<vmem>>
          %dma_wait3A_181 = arith.constant 0 : i32
          %dma_wait3A_182 = arith.constant 0 : i32
          %dma_wait3A_183 = tpu.memref_slice %arg5[%arg1, %dma_wait3A_181, %dma_wait3A_182] : memref<16x79x128xi32, #tpu.memory_space<hbm>> -> memref<1x79x128xi32, #tpu.memory_space<hbm>>
          %dma_wait3A_184 = tpu.memref_squeeze %dma_wait3A_183 : memref<1x79x128xi32, #tpu.memory_space<hbm>> -> memref<79x128xi32, #tpu.memory_space<hbm>>
          %dma_wait3A_185 = arith.constant 0 : i32
          %dma_wait3A_186 = tpu.memref_slice %dma_wait3A_184[%scan3A_90, %dma_wait3A_185] : memref<79x128xi32, #tpu.memory_space<hbm>> -> memref<1x128xi32, #tpu.memory_space<hbm>>
          %dma_wait3A_187 = tpu.memref_squeeze %dma_wait3A_186 : memref<1x128xi32, #tpu.memory_space<hbm>> -> memref<128xi32, #tpu.memory_space<hbm>>
          %dma_wait3A_188 = arith.constant 0 : i32
          %dma_wait3A_189 = tpu.memref_slice %arg11[%rem3A_94, %dma_wait3A_188] : memref<4x128xi32, #tpu.memory_space<vmem>> -> memref<1x128xi32, #tpu.memory_space<vmem>>
          %dma_wait3A_190 = tpu.memref_squeeze %dma_wait3A_189 : memref<1x128xi32, #tpu.memory_space<vmem>> -> memref<128xi32, #tpu.memory_space<vmem>>
          %dma_wait3A_191 = arith.constant 0 : i32
          %dma_wait3A_192 = arith.constant 0 : i32
          %dma_wait3A_193 = tpu.memref_slice %arg5[%arg1, %dma_wait3A_191, %dma_wait3A_192] : memref<16x79x128xi32, #tpu.memory_space<hbm>> -> memref<1x79x128xi32, #tpu.memory_space<hbm>>
          %dma_wait3A_194 = tpu.memref_squeeze %dma_wait3A_193 : memref<1x79x128xi32, #tpu.memory_space<hbm>> -> memref<79x128xi32, #tpu.memory_space<hbm>>
          %dma_wait3A_195 = arith.constant 0 : i32
          %dma_wait3A_196 = tpu.memref_slice %dma_wait3A_194[%scan3A_90, %dma_wait3A_195] : memref<79x128xi32, #tpu.memory_space<hbm>> -> memref<1x128xi32, #tpu.memory_space<hbm>>
          %dma_wait3A_197 = tpu.memref_squeeze %dma_wait3A_196 : memref<1x128xi32, #tpu.memory_space<hbm>> -> memref<128xi32, #tpu.memory_space<hbm>>
          tpu.wait_dma2 semaphore(%arg14 : memref<!tpu.dma_semaphore, #tpu.memory_space<semaphore_mem>>) src(%dma_wait3A_197 : memref<128xi32, #tpu.memory_space<hbm>>) dst(%dma_wait3A_190 : memref<128xi32, #tpu.memory_space<vmem>>)
        } else {
        }
        %eq3A_110 = arith.constant 0 : i32
        %eq3A_111 = arith.cmpi eq, %rem3A_91, %eq3A_110 : i32
        %convert_element_type3A_112 = arith.extui %eq3A_111 : i1 to i32
        %cond3A_113 = arith.constant 0 : i32
        %cond3A_114 = arith.cmpi ne, %convert_element_type3A_112, %cond3A_113 : i32
        scf.if %cond3A_114 {
          %dma_start3A_178 = arith.constant 0 : i32
          %dma_start3A_179 = arith.constant 0 : i32
          %dma_start3A_180 = tpu.memref_slice %arg12[%rem3A_91, %dma_start3A_178, %dma_start3A_179] : memref<2x128x128xf32, #tpu.memory_space<vmem>> -> memref<1x128x128xf32, #tpu.memory_space<vmem>>
          %dma_start3A_181 = tpu.memref_squeeze %dma_start3A_180 : memref<1x128x128xf32, #tpu.memory_space<vmem>> -> memref<128x128xf32, #tpu.memory_space<vmem>>
          %dma_start3A_182 = arith.constant 0 : i32
          %dma_start3A_183 = tpu.memref_slice %arg11[%rem3A_94, %dma_start3A_182] : memref<4x128xi32, #tpu.memory_space<vmem>> -> memref<1x128xi32, #tpu.memory_space<vmem>>
          %dma_start3A_184 = tpu.memref_squeeze %dma_start3A_183 : memref<1x128xi32, #tpu.memory_space<vmem>> -> memref<128xi32, #tpu.memory_space<vmem>>
          %dma_start3A_185 = arith.constant 0 : i32
          %dma_start3A_186 = arith.constant 0 : i32
          %dma_start3A_187 = tpu.memref_slice %arg9[%dma_start3A_185, %dma_start3A_186] : memref<10240x128xf32, #tpu.memory_space<vmem_shared>> -> memref<10240x128xf32, #tpu.memory_space<vmem_shared>>
          tpu.enqueue_indirect_dma source(%dma_start3A_181 : memref<128x128xf32, #tpu.memory_space<vmem>>) target(%dma_start3A_187 : memref<10240x128xf32, #tpu.memory_space<vmem_shared>>) offsets(%dma_start3A_184 : memref<128xi32, #tpu.memory_space<vmem>>) semaphore(%arg16 : memref<!tpu.dma_semaphore, #tpu.memory_space<semaphore_mem>>) {add = true}
        } else {
        }
        %eq3A_115 = arith.constant 1 : i32
        %eq3A_116 = arith.cmpi eq, %rem3A_91, %eq3A_115 : i32
        %convert_element_type3A_117 = arith.extui %eq3A_116 : i1 to i32
        %cond3A_118 = arith.constant 0 : i32
        %cond3A_119 = arith.cmpi ne, %convert_element_type3A_117, %cond3A_118 : i32
        scf.if %cond3A_119 {
          %dma_wait3A_178 = arith.constant 0 : i32
          %dma_wait3A_179 = tpu.memref_slice %arg11[%rem3A_94, %dma_wait3A_178] : memref<4x128xi32, #tpu.memory_space<vmem>> -> memref<1x128xi32, #tpu.memory_space<vmem>>
          %dma_wait3A_180 = tpu.memref_squeeze %dma_wait3A_179 : memref<1x128xi32, #tpu.memory_space<vmem>> -> memref<128xi32, #tpu.memory_space<vmem>>
          %dma_wait3A_181 = arith.constant 0 : i32
          %dma_wait3A_182 = arith.constant 0 : i32
          %dma_wait3A_183 = tpu.memref_slice %arg5[%arg1, %dma_wait3A_181, %dma_wait3A_182] : memref<16x79x128xi32, #tpu.memory_space<hbm>> -> memref<1x79x128xi32, #tpu.memory_space<hbm>>
          %dma_wait3A_184 = tpu.memref_squeeze %dma_wait3A_183 : memref<1x79x128xi32, #tpu.memory_space<hbm>> -> memref<79x128xi32, #tpu.memory_space<hbm>>
          %dma_wait3A_185 = arith.constant 0 : i32
          %dma_wait3A_186 = tpu.memref_slice %dma_wait3A_184[%scan3A_90, %dma_wait3A_185] : memref<79x128xi32, #tpu.memory_space<hbm>> -> memref<1x128xi32, #tpu.memory_space<hbm>>
          %dma_wait3A_187 = tpu.memref_squeeze %dma_wait3A_186 : memref<1x128xi32, #tpu.memory_space<hbm>> -> memref<128xi32, #tpu.memory_space<hbm>>
          %dma_wait3A_188 = arith.constant 0 : i32
          %dma_wait3A_189 = tpu.memref_slice %arg11[%rem3A_94, %dma_wait3A_188] : memref<4x128xi32, #tpu.memory_space<vmem>> -> memref<1x128xi32, #tpu.memory_space<vmem>>
          %dma_wait3A_190 = tpu.memref_squeeze %dma_wait3A_189 : memref<1x128xi32, #tpu.memory_space<vmem>> -> memref<128xi32, #tpu.memory_space<vmem>>
          %dma_wait3A_191 = arith.constant 0 : i32
          %dma_wait3A_192 = arith.constant 0 : i32
          %dma_wait3A_193 = tpu.memref_slice %arg5[%arg1, %dma_wait3A_191, %dma_wait3A_192] : memref<16x79x128xi32, #tpu.memory_space<hbm>> -> memref<1x79x128xi32, #tpu.memory_space<hbm>>
          %dma_wait3A_194 = tpu.memref_squeeze %dma_wait3A_193 : memref<1x79x128xi32, #tpu.memory_space<hbm>> -> memref<79x128xi32, #tpu.memory_space<hbm>>
          %dma_wait3A_195 = arith.constant 0 : i32
          %dma_wait3A_196 = tpu.memref_slice %dma_wait3A_194[%scan3A_90, %dma_wait3A_195] : memref<79x128xi32, #tpu.memory_space<hbm>> -> memref<1x128xi32, #tpu.memory_space<hbm>>
          %dma_wait3A_197 = tpu.memref_squeeze %dma_wait3A_196 : memref<1x128xi32, #tpu.memory_space<hbm>> -> memref<128xi32, #tpu.memory_space<hbm>>
          tpu.wait_dma2 semaphore(%arg15 : memref<!tpu.dma_semaphore, #tpu.memory_space<semaphore_mem>>) src(%dma_wait3A_197 : memref<128xi32, #tpu.memory_space<hbm>>) dst(%dma_wait3A_190 : memref<128xi32, #tpu.memory_space<vmem>>)
        } else {
        }
        %eq3A_120 = arith.constant 1 : i32
        %eq3A_121 = arith.cmpi eq, %rem3A_91, %eq3A_120 : i32
        %convert_element_type3A_122 = arith.extui %eq3A_121 : i1 to i32
        %cond3A_123 = arith.constant 0 : i32
        %cond3A_124 = arith.cmpi ne, %convert_element_type3A_122, %cond3A_123 : i32
        scf.if %cond3A_124 {
          %dma_start3A_178 = arith.constant 0 : i32
          %dma_start3A_179 = arith.constant 0 : i32
          %dma_start3A_180 = tpu.memref_slice %arg12[%rem3A_91, %dma_start3A_178, %dma_start3A_179] : memref<2x128x128xf32, #tpu.memory_space<vmem>> -> memref<1x128x128xf32, #tpu.memory_space<vmem>>
          %dma_start3A_181 = tpu.memref_squeeze %dma_start3A_180 : memref<1x128x128xf32, #tpu.memory_space<vmem>> -> memref<128x128xf32, #tpu.memory_space<vmem>>
          %dma_start3A_182 = arith.constant 0 : i32
          %dma_start3A_183 = tpu.memref_slice %arg11[%rem3A_94, %dma_start3A_182] : memref<4x128xi32, #tpu.memory_space<vmem>> -> memref<1x128xi32, #tpu.memory_space<vmem>>
          %dma_start3A_184 = tpu.memref_squeeze %dma_start3A_183 : memref<1x128xi32, #tpu.memory_space<vmem>> -> memref<128xi32, #tpu.memory_space<vmem>>
          %dma_start3A_185 = arith.constant 0 : i32
          %dma_start3A_186 = arith.constant 0 : i32
          %dma_start3A_187 = tpu.memref_slice %arg9[%dma_start3A_185, %dma_start3A_186] : memref<10240x128xf32, #tpu.memory_space<vmem_shared>> -> memref<10240x128xf32, #tpu.memory_space<vmem_shared>>
          tpu.enqueue_indirect_dma source(%dma_start3A_181 : memref<128x128xf32, #tpu.memory_space<vmem>>) target(%dma_start3A_187 : memref<10240x128xf32, #tpu.memory_space<vmem_shared>>) offsets(%dma_start3A_184 : memref<128xi32, #tpu.memory_space<vmem>>) semaphore(%arg17 : memref<!tpu.dma_semaphore, #tpu.memory_space<semaphore_mem>>) {add = true}
        } else {
        }
        %sub3A_125 = arith.constant 1 : i32
        %sub3A_126 = arith.subi %scan3A_90, %sub3A_125 : i32
        %max3A = arith.constant 0 : i32
        %max3A_127 = arith.maxsi %sub3A_126, %max3A : i32
        %rem3A_128 = arith.constant 4 : i32
        %rem3A_129 = arith.remsi %max3A_127, %rem3A_128 : i32
        %ge3A = arith.constant 1 : i32
        %ge3A_130 = arith.cmpi sge, %scan3A_90, %ge3A : i32
        %eq3A_131 = arith.constant 0 : i32
        %eq3A_132 = arith.cmpi eq, %sub3A_92, %eq3A_131 : i32
        %and3A = arith.andi %ge3A_130, %eq3A_132 : i1
        %convert_element_type3A_133 = arith.extui %and3A : i1 to i32
        %cond3A_134 = arith.constant 0 : i32
        %cond3A_135 = arith.cmpi ne, %convert_element_type3A_133, %cond3A_134 : i32
        scf.if %cond3A_135 {
          %dma_wait3A_178 = arith.constant 0 : i32
          %dma_wait3A_179 = arith.constant 0 : i32
          %dma_wait3A_180 = tpu.memref_slice %arg12[%sub3A_92, %dma_wait3A_178, %dma_wait3A_179] : memref<2x128x128xf32, #tpu.memory_space<vmem>> -> memref<1x128x128xf32, #tpu.memory_space<vmem>>
          %dma_wait3A_181 = tpu.memref_squeeze %dma_wait3A_180 : memref<1x128x128xf32, #tpu.memory_space<vmem>> -> memref<128x128xf32, #tpu.memory_space<vmem>>
          %dma_wait3A_182 = arith.constant 0 : i32
          %dma_wait3A_183 = tpu.memref_slice %arg11[%rem3A_129, %dma_wait3A_182] : memref<4x128xi32, #tpu.memory_space<vmem>> -> memref<1x128xi32, #tpu.memory_space<vmem>>
          %dma_wait3A_184 = tpu.memref_squeeze %dma_wait3A_183 : memref<1x128xi32, #tpu.memory_space<vmem>> -> memref<128xi32, #tpu.memory_space<vmem>>
          %dma_wait3A_185 = arith.constant 0 : i32
          %dma_wait3A_186 = arith.constant 0 : i32
          %dma_wait3A_187 = tpu.memref_slice %arg9[%dma_wait3A_185, %dma_wait3A_186] : memref<10240x128xf32, #tpu.memory_space<vmem_shared>> -> memref<10240x128xf32, #tpu.memory_space<vmem_shared>>
          tpu.wait_indirect_dma semaphore(%arg16 : memref<!tpu.dma_semaphore, #tpu.memory_space<semaphore_mem>>) src(%dma_wait3A_181 : memref<128x128xf32, #tpu.memory_space<vmem>>) dst(%dma_wait3A_187 : memref<10240x128xf32, #tpu.memory_space<vmem_shared>>)
        } else {
        }
        %ge3A_136 = arith.constant 1 : i32
        %ge3A_137 = arith.cmpi sge, %scan3A_90, %ge3A_136 : i32
        %eq3A_138 = arith.constant 1 : i32
        %eq3A_139 = arith.cmpi eq, %sub3A_92, %eq3A_138 : i32
        %and3A_140 = arith.andi %ge3A_137, %eq3A_139 : i1
        %convert_element_type3A_141 = arith.extui %and3A_140 : i1 to i32
        %cond3A_142 = arith.constant 0 : i32
        %cond3A_143 = arith.cmpi ne, %convert_element_type3A_141, %cond3A_142 : i32
        scf.if %cond3A_143 {
          %dma_wait3A_178 = arith.constant 0 : i32
          %dma_wait3A_179 = arith.constant 0 : i32
          %dma_wait3A_180 = tpu.memref_slice %arg12[%sub3A_92, %dma_wait3A_178, %dma_wait3A_179] : memref<2x128x128xf32, #tpu.memory_space<vmem>> -> memref<1x128x128xf32, #tpu.memory_space<vmem>>
          %dma_wait3A_181 = tpu.memref_squeeze %dma_wait3A_180 : memref<1x128x128xf32, #tpu.memory_space<vmem>> -> memref<128x128xf32, #tpu.memory_space<vmem>>
          %dma_wait3A_182 = arith.constant 0 : i32
          %dma_wait3A_183 = tpu.memref_slice %arg11[%rem3A_129, %dma_wait3A_182] : memref<4x128xi32, #tpu.memory_space<vmem>> -> memref<1x128xi32, #tpu.memory_space<vmem>>
          %dma_wait3A_184 = tpu.memref_squeeze %dma_wait3A_183 : memref<1x128xi32, #tpu.memory_space<vmem>> -> memref<128xi32, #tpu.memory_space<vmem>>
          %dma_wait3A_185 = arith.constant 0 : i32
          %dma_wait3A_186 = arith.constant 0 : i32
          %dma_wait3A_187 = tpu.memref_slice %arg9[%dma_wait3A_185, %dma_wait3A_186] : memref<10240x128xf32, #tpu.memory_space<vmem_shared>> -> memref<10240x128xf32, #tpu.memory_space<vmem_shared>>
          tpu.wait_indirect_dma semaphore(%arg17 : memref<!tpu.dma_semaphore, #tpu.memory_space<semaphore_mem>>) src(%dma_wait3A_181 : memref<128x128xf32, #tpu.memory_space<vmem>>) dst(%dma_wait3A_187 : memref<10240x128xf32, #tpu.memory_space<vmem_shared>>)
        } else {
        }
        %add3A = arith.constant 1 : i32
        %add3A_144 = arith.addi %scan3A_90, %add3A : i32
        %min3A = arith.constant 78 : i32
        %min3A_145 = arith.minsi %add3A_144, %min3A : i32
        %add3A_146 = arith.constant 1 : i32
        %add3A_147 = arith.addi %scan3A_90, %add3A_146 : i32
        %lt3A = arith.constant 79 : i32
        %lt3A_148 = arith.cmpi slt, %add3A_147, %lt3A : i32
        %convert_element_type3A_149 = arith.extui %lt3A_148 : i1 to i32
        %cond3A_150 = arith.constant 0 : i32
        %cond3A_151 = arith.cmpi ne, %convert_element_type3A_149, %cond3A_150 : i32
        scf.if %cond3A_151 {
          %dma_start3A_178 = arith.constant 0 : i32
          %dma_start3A_179 = arith.constant 0 : i32
          %dma_start3A_180 = tpu.memref_slice %arg12[%sub3A_92, %dma_start3A_178, %dma_start3A_179] : memref<2x128x128xf32, #tpu.memory_space<vmem>> -> memref<1x128x128xf32, #tpu.memory_space<vmem>>
          %dma_start3A_181 = tpu.memref_squeeze %dma_start3A_180 : memref<1x128x128xf32, #tpu.memory_space<vmem>> -> memref<128x128xf32, #tpu.memory_space<vmem>>
          %dma_start3A_182 = arith.constant 0 : i32
          %dma_start3A_183 = tpu.memref_slice %arg10[%min3A_145, %dma_start3A_182] : memref<79x128xi32, #tpu.memory_space<vmem>> -> memref<1x128xi32, #tpu.memory_space<vmem>>
          %dma_start3A_184 = tpu.memref_squeeze %dma_start3A_183 : memref<1x128xi32, #tpu.memory_space<vmem>> -> memref<128xi32, #tpu.memory_space<vmem>>
          %dma_start3A_185 = arith.constant 0 : i32
          %dma_start3A_186 = arith.constant 0 : i32
          %dma_start3A_187 = tpu.memref_slice %arg2[%dma_start3A_185, %dma_start3A_186] : memref<10240x128xf32, #tpu.memory_space<hbm>> -> memref<10240x128xf32, #tpu.memory_space<hbm>>
          tpu.enqueue_indirect_dma source(%dma_start3A_187 : memref<10240x128xf32, #tpu.memory_space<hbm>>) target(%dma_start3A_181 : memref<128x128xf32, #tpu.memory_space<vmem>>) offsets(%dma_start3A_184 : memref<128xi32, #tpu.memory_space<vmem>>) semaphore(%arg13 : memref<!tpu.dma_semaphore, #tpu.memory_space<semaphore_mem>>)
        } else {
        }
        %add3A_152 = arith.constant 2 : i32
        %add3A_153 = arith.addi %scan3A_90, %add3A_152 : i32
        %min3A_154 = arith.constant 78 : i32
        %min3A_155 = arith.minsi %add3A_153, %min3A_154 : i32
        %rem3A_156 = arith.constant 4 : i32
        %rem3A_157 = arith.remsi %min3A_155, %rem3A_156 : i32
        %add3A_158 = arith.constant 2 : i32
        %add3A_159 = arith.addi %scan3A_90, %add3A_158 : i32
        %lt3A_160 = arith.constant 79 : i32
        %lt3A_161 = arith.cmpi slt, %add3A_159, %lt3A_160 : i32
        %eq3A_162 = arith.constant 0 : i32
        %eq3A_163 = arith.cmpi eq, %rem3A_91, %eq3A_162 : i32
        %and3A_164 = arith.andi %lt3A_161, %eq3A_163 : i1
        %convert_element_type3A_165 = arith.extui %and3A_164 : i1 to i32
        %cond3A_166 = arith.constant 0 : i32
        %cond3A_167 = arith.cmpi ne, %convert_element_type3A_165, %cond3A_166 : i32
        scf.if %cond3A_167 {
          %dma_start3A_178 = arith.constant 0 : i32
          %dma_start3A_179 = tpu.memref_slice %arg11[%rem3A_157, %dma_start3A_178] : memref<4x128xi32, #tpu.memory_space<vmem>> -> memref<1x128xi32, #tpu.memory_space<vmem>>
          %dma_start3A_180 = tpu.memref_squeeze %dma_start3A_179 : memref<1x128xi32, #tpu.memory_space<vmem>> -> memref<128xi32, #tpu.memory_space<vmem>>
          %dma_start3A_181 = arith.constant 0 : i32
          %dma_start3A_182 = arith.constant 0 : i32
          %dma_start3A_183 = tpu.memref_slice %arg5[%arg1, %dma_start3A_181, %dma_start3A_182] : memref<16x79x128xi32, #tpu.memory_space<hbm>> -> memref<1x79x128xi32, #tpu.memory_space<hbm>>
          %dma_start3A_184 = tpu.memref_squeeze %dma_start3A_183 : memref<1x79x128xi32, #tpu.memory_space<hbm>> -> memref<79x128xi32, #tpu.memory_space<hbm>>
          %dma_start3A_185 = arith.constant 0 : i32
          %dma_start3A_186 = tpu.memref_slice %dma_start3A_184[%min3A_155, %dma_start3A_185] : memref<79x128xi32, #tpu.memory_space<hbm>> -> memref<1x128xi32, #tpu.memory_space<hbm>>
          %dma_start3A_187 = tpu.memref_squeeze %dma_start3A_186 : memref<1x128xi32, #tpu.memory_space<hbm>> -> memref<128xi32, #tpu.memory_space<hbm>>
          %dma_start3A_188 = arith.constant 0 : i32
          %dma_start3A_189 = tpu.memref_slice %arg11[%rem3A_157, %dma_start3A_188] : memref<4x128xi32, #tpu.memory_space<vmem>> -> memref<1x128xi32, #tpu.memory_space<vmem>>
          %dma_start3A_190 = tpu.memref_squeeze %dma_start3A_189 : memref<1x128xi32, #tpu.memory_space<vmem>> -> memref<128xi32, #tpu.memory_space<vmem>>
          %dma_start3A_191 = arith.constant 0 : i32
          %dma_start3A_192 = arith.constant 0 : i32
          %dma_start3A_193 = tpu.memref_slice %arg5[%arg1, %dma_start3A_191, %dma_start3A_192] : memref<16x79x128xi32, #tpu.memory_space<hbm>> -> memref<1x79x128xi32, #tpu.memory_space<hbm>>
          %dma_start3A_194 = tpu.memref_squeeze %dma_start3A_193 : memref<1x79x128xi32, #tpu.memory_space<hbm>> -> memref<79x128xi32, #tpu.memory_space<hbm>>
          %dma_start3A_195 = arith.constant 0 : i32
          %dma_start3A_196 = tpu.memref_slice %dma_start3A_194[%min3A_155, %dma_start3A_195] : memref<79x128xi32, #tpu.memory_space<hbm>> -> memref<1x128xi32, #tpu.memory_space<hbm>>
          %dma_start3A_197 = tpu.memref_squeeze %dma_start3A_196 : memref<1x128xi32, #tpu.memory_space<hbm>> -> memref<128xi32, #tpu.memory_space<hbm>>
          tpu.enqueue_dma source(%dma_start3A_197 : memref<128xi32, #tpu.memory_space<hbm>>) target(%dma_start3A_190 : memref<128xi32, #tpu.memory_space<vmem>>) target_semaphore(%arg14 : memref<!tpu.dma_semaphore, #tpu.memory_space<semaphore_mem>>)
        } else {
        }
        %add3A_168 = arith.constant 2 : i32
        %add3A_169 = arith.addi %scan3A_90, %add3A_168 : i32
        %lt3A_170 = arith.constant 79 : i32
        %lt3A_171 = arith.cmpi slt, %add3A_169, %lt3A_170 : i32
        %eq3A_172 = arith.constant 1 : i32
        %eq3A_173 = arith.cmpi eq, %rem3A_91, %eq3A_172 : i32
        %and3A_174 = arith.andi %lt3A_171, %eq3A_173 : i1
        %convert_element_type3A_175 = arith.extui %and3A_174 : i1 to i32
        %cond3A_176 = arith.constant 0 : i32
        %cond3A_177 = arith.cmpi ne, %convert_element_type3A_175, %cond3A_176 : i32
        scf.if %cond3A_177 {
          %dma_start3A_178 = arith.constant 0 : i32
          %dma_start3A_179 = tpu.memref_slice %arg11[%rem3A_157, %dma_start3A_178] : memref<4x128xi32, #tpu.memory_space<vmem>> -> memref<1x128xi32, #tpu.memory_space<vmem>>
          %dma_start3A_180 = tpu.memref_squeeze %dma_start3A_179 : memref<1x128xi32, #tpu.memory_space<vmem>> -> memref<128xi32, #tpu.memory_space<vmem>>
          %dma_start3A_181 = arith.constant 0 : i32
          %dma_start3A_182 = arith.constant 0 : i32
          %dma_start3A_183 = tpu.memref_slice %arg5[%arg1, %dma_start3A_181, %dma_start3A_182] : memref<16x79x128xi32, #tpu.memory_space<hbm>> -> memref<1x79x128xi32, #tpu.memory_space<hbm>>
          %dma_start3A_184 = tpu.memref_squeeze %dma_start3A_183 : memref<1x79x128xi32, #tpu.memory_space<hbm>> -> memref<79x128xi32, #tpu.memory_space<hbm>>
          %dma_start3A_185 = arith.constant 0 : i32
          %dma_start3A_186 = tpu.memref_slice %dma_start3A_184[%min3A_155, %dma_start3A_185] : memref<79x128xi32, #tpu.memory_space<hbm>> -> memref<1x128xi32, #tpu.memory_space<hbm>>
          %dma_start3A_187 = tpu.memref_squeeze %dma_start3A_186 : memref<1x128xi32, #tpu.memory_space<hbm>> -> memref<128xi32, #tpu.memory_space<hbm>>
          %dma_start3A_188 = arith.constant 0 : i32
          %dma_start3A_189 = tpu.memref_slice %arg11[%rem3A_157, %dma_start3A_188] : memref<4x128xi32, #tpu.memory_space<vmem>> -> memref<1x128xi32, #tpu.memory_space<vmem>>
          %dma_start3A_190 = tpu.memref_squeeze %dma_start3A_189 : memref<1x128xi32, #tpu.memory_space<vmem>> -> memref<128xi32, #tpu.memory_space<vmem>>
          %dma_start3A_191 = arith.constant 0 : i32
          %dma_start3A_192 = arith.constant 0 : i32
          %dma_start3A_193 = tpu.memref_slice %arg5[%arg1, %dma_start3A_191, %dma_start3A_192] : memref<16x79x128xi32, #tpu.memory_space<hbm>> -> memref<1x79x128xi32, #tpu.memory_space<hbm>>
          %dma_start3A_194 = tpu.memref_squeeze %dma_start3A_193 : memref<1x79x128xi32, #tpu.memory_space<hbm>> -> memref<79x128xi32, #tpu.memory_space<hbm>>
          %dma_start3A_195 = arith.constant 0 : i32
          %dma_start3A_196 = tpu.memref_slice %dma_start3A_194[%min3A_155, %dma_start3A_195] : memref<79x128xi32, #tpu.memory_space<hbm>> -> memref<1x128xi32, #tpu.memory_space<hbm>>
          %dma_start3A_197 = tpu.memref_squeeze %dma_start3A_196 : memref<1x128xi32, #tpu.memory_space<hbm>> -> memref<128xi32, #tpu.memory_space<hbm>>
          tpu.enqueue_dma source(%dma_start3A_197 : memref<128xi32, #tpu.memory_space<hbm>>) target(%dma_start3A_190 : memref<128xi32, #tpu.memory_space<vmem>>) target_semaphore(%arg15 : memref<!tpu.dma_semaphore, #tpu.memory_space<semaphore_mem>>)
        } else {
        }
      }
      %scan3A_78 = arith.constant 79 : i32
      %dma_wait3A = arith.constant 0 : i32
      %dma_wait3A_79 = arith.constant 2 : i32
      %dma_wait3A_80 = arith.constant 0 : i32
      %dma_wait3A_81 = arith.constant 0 : i32
      %dma_wait3A_82 = tpu.memref_slice %arg12[%dma_wait3A, %dma_wait3A_80, %dma_wait3A_81] : memref<2x128x128xf32, #tpu.memory_space<vmem>> -> memref<1x128x128xf32, #tpu.memory_space<vmem>>
      %dma_wait3A_83 = tpu.memref_squeeze %dma_wait3A_82 : memref<1x128x128xf32, #tpu.memory_space<vmem>> -> memref<128x128xf32, #tpu.memory_space<vmem>>
      %dma_wait3A_84 = arith.constant 0 : i32
      %dma_wait3A_85 = tpu.memref_slice %arg11[%dma_wait3A_79, %dma_wait3A_84] : memref<4x128xi32, #tpu.memory_space<vmem>> -> memref<1x128xi32, #tpu.memory_space<vmem>>
      %dma_wait3A_86 = tpu.memref_squeeze %dma_wait3A_85 : memref<1x128xi32, #tpu.memory_space<vmem>> -> memref<128xi32, #tpu.memory_space<vmem>>
      %dma_wait3A_87 = arith.constant 0 : i32
      %dma_wait3A_88 = arith.constant 0 : i32
      %dma_wait3A_89 = tpu.memref_slice %arg9[%dma_wait3A_87, %dma_wait3A_88] : memref<10240x128xf32, #tpu.memory_space<vmem_shared>> -> memref<10240x128xf32, #tpu.memory_space<vmem_shared>>
      tpu.wait_indirect_dma semaphore(%arg16 : memref<!tpu.dma_semaphore, #tpu.memory_space<semaphore_mem>>) src(%dma_wait3A_83 : memref<128x128xf32, #tpu.memory_space<vmem>>) dst(%dma_wait3A_89 : memref<10240x128xf32, #tpu.memory_space<vmem_shared>>)
    } else {
    }
    %eq3A_3 = arith.constant 1 : i32
    %eq3A_4 = arith.cmpi eq, %arg0, %eq3A_3 : i32
    %convert_element_type3A_5 = arith.extui %eq3A_4 : i1 to i32
    %cond3A_6 = arith.constant 0 : i32
    %cond3A_7 = arith.cmpi ne, %convert_element_type3A_5, %cond3A_6 : i32
    scf.if %cond3A_7 {
      %dma_start3A = arith.constant 0 : i32
      %dma_start3A_19 = arith.constant 0 : i32
      %dma_start3A_20 = arith.constant 0 : i32
      %dma_start3A_21 = arith.constant 0 : i32
      %dma_start3A_22 = tpu.memref_slice %arg12[%dma_start3A_19, %dma_start3A_20, %dma_start3A_21] : memref<2x128x128xf32, #tpu.memory_space<vmem>> -> memref<1x128x128xf32, #tpu.memory_space<vmem>>
      %dma_start3A_23 = tpu.memref_squeeze %dma_start3A_22 : memref<1x128x128xf32, #tpu.memory_space<vmem>> -> memref<128x128xf32, #tpu.memory_space<vmem>>
      %dma_start3A_24 = arith.constant 0 : i32
      %dma_start3A_25 = tpu.memref_slice %arg10[%dma_start3A, %dma_start3A_24] : memref<79x128xi32, #tpu.memory_space<vmem>> -> memref<1x128xi32, #tpu.memory_space<vmem>>
      %dma_start3A_26 = tpu.memref_squeeze %dma_start3A_25 : memref<1x128xi32, #tpu.memory_space<vmem>> -> memref<128xi32, #tpu.memory_space<vmem>>
      %dma_start3A_27 = arith.constant 0 : i32
      %dma_start3A_28 = arith.constant 0 : i32
      %dma_start3A_29 = tpu.memref_slice %arg3[%dma_start3A_27, %dma_start3A_28] : memref<10240x128xf32, #tpu.memory_space<hbm>> -> memref<10240x128xf32, #tpu.memory_space<hbm>>
      tpu.enqueue_indirect_dma source(%dma_start3A_29 : memref<10240x128xf32, #tpu.memory_space<hbm>>) target(%dma_start3A_23 : memref<128x128xf32, #tpu.memory_space<vmem>>) offsets(%dma_start3A_26 : memref<128xi32, #tpu.memory_space<vmem>>) semaphore(%arg13 : memref<!tpu.dma_semaphore, #tpu.memory_space<semaphore_mem>>)
      %dma_start3A_30 = arith.constant 0 : i32
      %dma_start3A_31 = arith.constant 0 : i32
      %dma_start3A_32 = arith.constant 0 : i32
      %dma_start3A_33 = tpu.memref_slice %arg11[%dma_start3A_31, %dma_start3A_32] : memref<4x128xi32, #tpu.memory_space<vmem>> -> memref<1x128xi32, #tpu.memory_space<vmem>>
      %dma_start3A_34 = tpu.memref_squeeze %dma_start3A_33 : memref<1x128xi32, #tpu.memory_space<vmem>> -> memref<128xi32, #tpu.memory_space<vmem>>
      %dma_start3A_35 = arith.constant 0 : i32
      %dma_start3A_36 = arith.constant 0 : i32
      %dma_start3A_37 = tpu.memref_slice %arg5[%arg1, %dma_start3A_35, %dma_start3A_36] : memref<16x79x128xi32, #tpu.memory_space<hbm>> -> memref<1x79x128xi32, #tpu.memory_space<hbm>>
      %dma_start3A_38 = tpu.memref_squeeze %dma_start3A_37 : memref<1x79x128xi32, #tpu.memory_space<hbm>> -> memref<79x128xi32, #tpu.memory_space<hbm>>
      %dma_start3A_39 = arith.constant 0 : i32
      %dma_start3A_40 = tpu.memref_slice %dma_start3A_38[%dma_start3A_30, %dma_start3A_39] : memref<79x128xi32, #tpu.memory_space<hbm>> -> memref<1x128xi32, #tpu.memory_space<hbm>>
      %dma_start3A_41 = tpu.memref_squeeze %dma_start3A_40 : memref<1x128xi32, #tpu.memory_space<hbm>> -> memref<128xi32, #tpu.memory_space<hbm>>
      %dma_start3A_42 = arith.constant 0 : i32
      %dma_start3A_43 = tpu.memref_slice %arg11[%dma_start3A_31, %dma_start3A_42] : memref<4x128xi32, #tpu.memory_space<vmem>> -> memref<1x128xi32, #tpu.memory_space<vmem>>
      %dma_start3A_44 = tpu.memref_squeeze %dma_start3A_43 : memref<1x128xi32, #tpu.memory_space<vmem>> -> memref<128xi32, #tpu.memory_space<vmem>>
      %dma_start3A_45 = arith.constant 0 : i32
      %dma_start3A_46 = arith.constant 0 : i32
      %dma_start3A_47 = tpu.memref_slice %arg5[%arg1, %dma_start3A_45, %dma_start3A_46] : memref<16x79x128xi32, #tpu.memory_space<hbm>> -> memref<1x79x128xi32, #tpu.memory_space<hbm>>
      %dma_start3A_48 = tpu.memref_squeeze %dma_start3A_47 : memref<1x79x128xi32, #tpu.memory_space<hbm>> -> memref<79x128xi32, #tpu.memory_space<hbm>>
      %dma_start3A_49 = arith.constant 0 : i32
      %dma_start3A_50 = tpu.memref_slice %dma_start3A_48[%dma_start3A_30, %dma_start3A_49] : memref<79x128xi32, #tpu.memory_space<hbm>> -> memref<1x128xi32, #tpu.memory_space<hbm>>
      %dma_start3A_51 = tpu.memref_squeeze %dma_start3A_50 : memref<1x128xi32, #tpu.memory_space<hbm>> -> memref<128xi32, #tpu.memory_space<hbm>>
      tpu.enqueue_dma source(%dma_start3A_51 : memref<128xi32, #tpu.memory_space<hbm>>) target(%dma_start3A_44 : memref<128xi32, #tpu.memory_space<vmem>>) target_semaphore(%arg14 : memref<!tpu.dma_semaphore, #tpu.memory_space<semaphore_mem>>)
      %dma_start3A_52 = arith.constant 1 : i32
      %dma_start3A_53 = arith.constant 1 : i32
      %dma_start3A_54 = arith.constant 0 : i32
      %dma_start3A_55 = tpu.memref_slice %arg11[%dma_start3A_53, %dma_start3A_54] : memref<4x128xi32, #tpu.memory_space<vmem>> -> memref<1x128xi32, #tpu.memory_space<vmem>>
      %dma_start3A_56 = tpu.memref_squeeze %dma_start3A_55 : memref<1x128xi32, #tpu.memory_space<vmem>> -> memref<128xi32, #tpu.memory_space<vmem>>
      %dma_start3A_57 = arith.constant 0 : i32
      %dma_start3A_58 = arith.constant 0 : i32
      %dma_start3A_59 = tpu.memref_slice %arg5[%arg1, %dma_start3A_57, %dma_start3A_58] : memref<16x79x128xi32, #tpu.memory_space<hbm>> -> memref<1x79x128xi32, #tpu.memory_space<hbm>>
      %dma_start3A_60 = tpu.memref_squeeze %dma_start3A_59 : memref<1x79x128xi32, #tpu.memory_space<hbm>> -> memref<79x128xi32, #tpu.memory_space<hbm>>
      %dma_start3A_61 = arith.constant 0 : i32
      %dma_start3A_62 = tpu.memref_slice %dma_start3A_60[%dma_start3A_52, %dma_start3A_61] : memref<79x128xi32, #tpu.memory_space<hbm>> -> memref<1x128xi32, #tpu.memory_space<hbm>>
      %dma_start3A_63 = tpu.memref_squeeze %dma_start3A_62 : memref<1x128xi32, #tpu.memory_space<hbm>> -> memref<128xi32, #tpu.memory_space<hbm>>
      %dma_start3A_64 = arith.constant 0 : i32
      %dma_start3A_65 = tpu.memref_slice %arg11[%dma_start3A_53, %dma_start3A_64] : memref<4x128xi32, #tpu.memory_space<vmem>> -> memref<1x128xi32, #tpu.memory_space<vmem>>
      %dma_start3A_66 = tpu.memref_squeeze %dma_start3A_65 : memref<1x128xi32, #tpu.memory_space<vmem>> -> memref<128xi32, #tpu.memory_space<vmem>>
      %dma_start3A_67 = arith.constant 0 : i32
      %dma_start3A_68 = arith.constant 0 : i32
      %dma_start3A_69 = tpu.memref_slice %arg5[%arg1, %dma_start3A_67, %dma_start3A_68] : memref<16x79x128xi32, #tpu.memory_space<hbm>> -> memref<1x79x128xi32, #tpu.memory_space<hbm>>
      %dma_start3A_70 = tpu.memref_squeeze %dma_start3A_69 : memref<1x79x128xi32, #tpu.memory_space<hbm>> -> memref<79x128xi32, #tpu.memory_space<hbm>>
      %dma_start3A_71 = arith.constant 0 : i32
      %dma_start3A_72 = tpu.memref_slice %dma_start3A_70[%dma_start3A_52, %dma_start3A_71] : memref<79x128xi32, #tpu.memory_space<hbm>> -> memref<1x128xi32, #tpu.memory_space<hbm>>
      %dma_start3A_73 = tpu.memref_squeeze %dma_start3A_72 : memref<1x128xi32, #tpu.memory_space<hbm>> -> memref<128xi32, #tpu.memory_space<hbm>>
      tpu.enqueue_dma source(%dma_start3A_73 : memref<128xi32, #tpu.memory_space<hbm>>) target(%dma_start3A_66 : memref<128xi32, #tpu.memory_space<vmem>>) target_semaphore(%arg15 : memref<!tpu.dma_semaphore, #tpu.memory_space<semaphore_mem>>)
      %scan3A = arith.constant 0 : i32
      %scan3A_74 = arith.constant 0 : i32
      %scan3A_75 = arith.constant 79 : i32
      %scan3A_76 = arith.addi %scan3A_74, %scan3A_75 : i32
      %scan3A_77 = arith.constant 1 : i32
      scf.for %scan3A_90 = %scan3A_74 to %scan3A_76 step %scan3A_77  : i32 {
        %rem3A = arith.constant 2 : i32
        %rem3A_91 = arith.remsi %scan3A_90, %rem3A : i32
        %sub3A = arith.constant 1 : i32
        %sub3A_92 = arith.subi %sub3A, %rem3A_91 : i32
        %rem3A_93 = arith.constant 4 : i32
        %rem3A_94 = arith.remsi %scan3A_90, %rem3A_93 : i32
        %dma_wait3A_95 = arith.constant 0 : i32
        %dma_wait3A_96 = arith.constant 0 : i32
        %dma_wait3A_97 = tpu.memref_slice %arg12[%rem3A_91, %dma_wait3A_95, %dma_wait3A_96] : memref<2x128x128xf32, #tpu.memory_space<vmem>> -> memref<1x128x128xf32, #tpu.memory_space<vmem>>
        %dma_wait3A_98 = tpu.memref_squeeze %dma_wait3A_97 : memref<1x128x128xf32, #tpu.memory_space<vmem>> -> memref<128x128xf32, #tpu.memory_space<vmem>>
        %dma_wait3A_99 = arith.constant 0 : i32
        %dma_wait3A_100 = tpu.memref_slice %arg10[%scan3A_90, %dma_wait3A_99] : memref<79x128xi32, #tpu.memory_space<vmem>> -> memref<1x128xi32, #tpu.memory_space<vmem>>
        %dma_wait3A_101 = tpu.memref_squeeze %dma_wait3A_100 : memref<1x128xi32, #tpu.memory_space<vmem>> -> memref<128xi32, #tpu.memory_space<vmem>>
        %dma_wait3A_102 = arith.constant 0 : i32
        %dma_wait3A_103 = arith.constant 0 : i32
        %dma_wait3A_104 = tpu.memref_slice %arg3[%dma_wait3A_102, %dma_wait3A_103] : memref<10240x128xf32, #tpu.memory_space<hbm>> -> memref<10240x128xf32, #tpu.memory_space<hbm>>
        tpu.wait_indirect_dma semaphore(%arg13 : memref<!tpu.dma_semaphore, #tpu.memory_space<semaphore_mem>>) src(%dma_wait3A_104 : memref<10240x128xf32, #tpu.memory_space<hbm>>) dst(%dma_wait3A_98 : memref<128x128xf32, #tpu.memory_space<vmem>>)
        %eq3A_105 = arith.constant 0 : i32
        %eq3A_106 = arith.cmpi eq, %rem3A_91, %eq3A_105 : i32
        %convert_element_type3A_107 = arith.extui %eq3A_106 : i1 to i32
        %cond3A_108 = arith.constant 0 : i32
        %cond3A_109 = arith.cmpi ne, %convert_element_type3A_107, %cond3A_108 : i32
        scf.if %cond3A_109 {
          %dma_wait3A_178 = arith.constant 0 : i32
          %dma_wait3A_179 = tpu.memref_slice %arg11[%rem3A_94, %dma_wait3A_178] : memref<4x128xi32, #tpu.memory_space<vmem>> -> memref<1x128xi32, #tpu.memory_space<vmem>>
          %dma_wait3A_180 = tpu.memref_squeeze %dma_wait3A_179 : memref<1x128xi32, #tpu.memory_space<vmem>> -> memref<128xi32, #tpu.memory_space<vmem>>
          %dma_wait3A_181 = arith.constant 0 : i32
          %dma_wait3A_182 = arith.constant 0 : i32
          %dma_wait3A_183 = tpu.memref_slice %arg5[%arg1, %dma_wait3A_181, %dma_wait3A_182] : memref<16x79x128xi32, #tpu.memory_space<hbm>> -> memref<1x79x128xi32, #tpu.memory_space<hbm>>
          %dma_wait3A_184 = tpu.memref_squeeze %dma_wait3A_183 : memref<1x79x128xi32, #tpu.memory_space<hbm>> -> memref<79x128xi32, #tpu.memory_space<hbm>>
          %dma_wait3A_185 = arith.constant 0 : i32
          %dma_wait3A_186 = tpu.memref_slice %dma_wait3A_184[%scan3A_90, %dma_wait3A_185] : memref<79x128xi32, #tpu.memory_space<hbm>> -> memref<1x128xi32, #tpu.memory_space<hbm>>
          %dma_wait3A_187 = tpu.memref_squeeze %dma_wait3A_186 : memref<1x128xi32, #tpu.memory_space<hbm>> -> memref<128xi32, #tpu.memory_space<hbm>>
          %dma_wait3A_188 = arith.constant 0 : i32
          %dma_wait3A_189 = tpu.memref_slice %arg11[%rem3A_94, %dma_wait3A_188] : memref<4x128xi32, #tpu.memory_space<vmem>> -> memref<1x128xi32, #tpu.memory_space<vmem>>
          %dma_wait3A_190 = tpu.memref_squeeze %dma_wait3A_189 : memref<1x128xi32, #tpu.memory_space<vmem>> -> memref<128xi32, #tpu.memory_space<vmem>>
          %dma_wait3A_191 = arith.constant 0 : i32
          %dma_wait3A_192 = arith.constant 0 : i32
          %dma_wait3A_193 = tpu.memref_slice %arg5[%arg1, %dma_wait3A_191, %dma_wait3A_192] : memref<16x79x128xi32, #tpu.memory_space<hbm>> -> memref<1x79x128xi32, #tpu.memory_space<hbm>>
          %dma_wait3A_194 = tpu.memref_squeeze %dma_wait3A_193 : memref<1x79x128xi32, #tpu.memory_space<hbm>> -> memref<79x128xi32, #tpu.memory_space<hbm>>
          %dma_wait3A_195 = arith.constant 0 : i32
          %dma_wait3A_196 = tpu.memref_slice %dma_wait3A_194[%scan3A_90, %dma_wait3A_195] : memref<79x128xi32, #tpu.memory_space<hbm>> -> memref<1x128xi32, #tpu.memory_space<hbm>>
          %dma_wait3A_197 = tpu.memref_squeeze %dma_wait3A_196 : memref<1x128xi32, #tpu.memory_space<hbm>> -> memref<128xi32, #tpu.memory_space<hbm>>
          tpu.wait_dma2 semaphore(%arg14 : memref<!tpu.dma_semaphore, #tpu.memory_space<semaphore_mem>>) src(%dma_wait3A_197 : memref<128xi32, #tpu.memory_space<hbm>>) dst(%dma_wait3A_190 : memref<128xi32, #tpu.memory_space<vmem>>)
        } else {
        }
        %eq3A_110 = arith.constant 0 : i32
        %eq3A_111 = arith.cmpi eq, %rem3A_91, %eq3A_110 : i32
        %convert_element_type3A_112 = arith.extui %eq3A_111 : i1 to i32
        %cond3A_113 = arith.constant 0 : i32
        %cond3A_114 = arith.cmpi ne, %convert_element_type3A_112, %cond3A_113 : i32
        scf.if %cond3A_114 {
          %dma_start3A_178 = arith.constant 0 : i32
          %dma_start3A_179 = arith.constant 0 : i32
          %dma_start3A_180 = tpu.memref_slice %arg12[%rem3A_91, %dma_start3A_178, %dma_start3A_179] : memref<2x128x128xf32, #tpu.memory_space<vmem>> -> memref<1x128x128xf32, #tpu.memory_space<vmem>>
          %dma_start3A_181 = tpu.memref_squeeze %dma_start3A_180 : memref<1x128x128xf32, #tpu.memory_space<vmem>> -> memref<128x128xf32, #tpu.memory_space<vmem>>
          %dma_start3A_182 = arith.constant 0 : i32
          %dma_start3A_183 = tpu.memref_slice %arg11[%rem3A_94, %dma_start3A_182] : memref<4x128xi32, #tpu.memory_space<vmem>> -> memref<1x128xi32, #tpu.memory_space<vmem>>
          %dma_start3A_184 = tpu.memref_squeeze %dma_start3A_183 : memref<1x128xi32, #tpu.memory_space<vmem>> -> memref<128xi32, #tpu.memory_space<vmem>>
          %dma_start3A_185 = arith.constant 0 : i32
          %dma_start3A_186 = arith.constant 0 : i32
          %dma_start3A_187 = tpu.memref_slice %arg9[%dma_start3A_185, %dma_start3A_186] : memref<10240x128xf32, #tpu.memory_space<vmem_shared>> -> memref<10240x128xf32, #tpu.memory_space<vmem_shared>>
          tpu.enqueue_indirect_dma source(%dma_start3A_181 : memref<128x128xf32, #tpu.memory_space<vmem>>) target(%dma_start3A_187 : memref<10240x128xf32, #tpu.memory_space<vmem_shared>>) offsets(%dma_start3A_184 : memref<128xi32, #tpu.memory_space<vmem>>) semaphore(%arg16 : memref<!tpu.dma_semaphore, #tpu.memory_space<semaphore_mem>>) {add = true}
        } else {
        }
        %eq3A_115 = arith.constant 1 : i32
        %eq3A_116 = arith.cmpi eq, %rem3A_91, %eq3A_115 : i32
        %convert_element_type3A_117 = arith.extui %eq3A_116 : i1 to i32
        %cond3A_118 = arith.constant 0 : i32
        %cond3A_119 = arith.cmpi ne, %convert_element_type3A_117, %cond3A_118 : i32
        scf.if %cond3A_119 {
          %dma_wait3A_178 = arith.constant 0 : i32
          %dma_wait3A_179 = tpu.memref_slice %arg11[%rem3A_94, %dma_wait3A_178] : memref<4x128xi32, #tpu.memory_space<vmem>> -> memref<1x128xi32, #tpu.memory_space<vmem>>
          %dma_wait3A_180 = tpu.memref_squeeze %dma_wait3A_179 : memref<1x128xi32, #tpu.memory_space<vmem>> -> memref<128xi32, #tpu.memory_space<vmem>>
          %dma_wait3A_181 = arith.constant 0 : i32
          %dma_wait3A_182 = arith.constant 0 : i32
          %dma_wait3A_183 = tpu.memref_slice %arg5[%arg1, %dma_wait3A_181, %dma_wait3A_182] : memref<16x79x128xi32, #tpu.memory_space<hbm>> -> memref<1x79x128xi32, #tpu.memory_space<hbm>>
          %dma_wait3A_184 = tpu.memref_squeeze %dma_wait3A_183 : memref<1x79x128xi32, #tpu.memory_space<hbm>> -> memref<79x128xi32, #tpu.memory_space<hbm>>
          %dma_wait3A_185 = arith.constant 0 : i32
          %dma_wait3A_186 = tpu.memref_slice %dma_wait3A_184[%scan3A_90, %dma_wait3A_185] : memref<79x128xi32, #tpu.memory_space<hbm>> -> memref<1x128xi32, #tpu.memory_space<hbm>>
          %dma_wait3A_187 = tpu.memref_squeeze %dma_wait3A_186 : memref<1x128xi32, #tpu.memory_space<hbm>> -> memref<128xi32, #tpu.memory_space<hbm>>
          %dma_wait3A_188 = arith.constant 0 : i32
          %dma_wait3A_189 = tpu.memref_slice %arg11[%rem3A_94, %dma_wait3A_188] : memref<4x128xi32, #tpu.memory_space<vmem>> -> memref<1x128xi32, #tpu.memory_space<vmem>>
          %dma_wait3A_190 = tpu.memref_squeeze %dma_wait3A_189 : memref<1x128xi32, #tpu.memory_space<vmem>> -> memref<128xi32, #tpu.memory_space<vmem>>
          %dma_wait3A_191 = arith.constant 0 : i32
          %dma_wait3A_192 = arith.constant 0 : i32
          %dma_wait3A_193 = tpu.memref_slice %arg5[%arg1, %dma_wait3A_191, %dma_wait3A_192] : memref<16x79x128xi32, #tpu.memory_space<hbm>> -> memref<1x79x128xi32, #tpu.memory_space<hbm>>
          %dma_wait3A_194 = tpu.memref_squeeze %dma_wait3A_193 : memref<1x79x128xi32, #tpu.memory_space<hbm>> -> memref<79x128xi32, #tpu.memory_space<hbm>>
          %dma_wait3A_195 = arith.constant 0 : i32
          %dma_wait3A_196 = tpu.memref_slice %dma_wait3A_194[%scan3A_90, %dma_wait3A_195] : memref<79x128xi32, #tpu.memory_space<hbm>> -> memref<1x128xi32, #tpu.memory_space<hbm>>
          %dma_wait3A_197 = tpu.memref_squeeze %dma_wait3A_196 : memref<1x128xi32, #tpu.memory_space<hbm>> -> memref<128xi32, #tpu.memory_space<hbm>>
          tpu.wait_dma2 semaphore(%arg15 : memref<!tpu.dma_semaphore, #tpu.memory_space<semaphore_mem>>) src(%dma_wait3A_197 : memref<128xi32, #tpu.memory_space<hbm>>) dst(%dma_wait3A_190 : memref<128xi32, #tpu.memory_space<vmem>>)
        } else {
        }
        %eq3A_120 = arith.constant 1 : i32
        %eq3A_121 = arith.cmpi eq, %rem3A_91, %eq3A_120 : i32
        %convert_element_type3A_122 = arith.extui %eq3A_121 : i1 to i32
        %cond3A_123 = arith.constant 0 : i32
        %cond3A_124 = arith.cmpi ne, %convert_element_type3A_122, %cond3A_123 : i32
        scf.if %cond3A_124 {
          %dma_start3A_178 = arith.constant 0 : i32
          %dma_start3A_179 = arith.constant 0 : i32
          %dma_start3A_180 = tpu.memref_slice %arg12[%rem3A_91, %dma_start3A_178, %dma_start3A_179] : memref<2x128x128xf32, #tpu.memory_space<vmem>> -> memref<1x128x128xf32, #tpu.memory_space<vmem>>
          %dma_start3A_181 = tpu.memref_squeeze %dma_start3A_180 : memref<1x128x128xf32, #tpu.memory_space<vmem>> -> memref<128x128xf32, #tpu.memory_space<vmem>>
          %dma_start3A_182 = arith.constant 0 : i32
          %dma_start3A_183 = tpu.memref_slice %arg11[%rem3A_94, %dma_start3A_182] : memref<4x128xi32, #tpu.memory_space<vmem>> -> memref<1x128xi32, #tpu.memory_space<vmem>>
          %dma_start3A_184 = tpu.memref_squeeze %dma_start3A_183 : memref<1x128xi32, #tpu.memory_space<vmem>> -> memref<128xi32, #tpu.memory_space<vmem>>
          %dma_start3A_185 = arith.constant 0 : i32
          %dma_start3A_186 = arith.constant 0 : i32
          %dma_start3A_187 = tpu.memref_slice %arg9[%dma_start3A_185, %dma_start3A_186] : memref<10240x128xf32, #tpu.memory_space<vmem_shared>> -> memref<10240x128xf32, #tpu.memory_space<vmem_shared>>
          tpu.enqueue_indirect_dma source(%dma_start3A_181 : memref<128x128xf32, #tpu.memory_space<vmem>>) target(%dma_start3A_187 : memref<10240x128xf32, #tpu.memory_space<vmem_shared>>) offsets(%dma_start3A_184 : memref<128xi32, #tpu.memory_space<vmem>>) semaphore(%arg17 : memref<!tpu.dma_semaphore, #tpu.memory_space<semaphore_mem>>) {add = true}
        } else {
        }
        %sub3A_125 = arith.constant 1 : i32
        %sub3A_126 = arith.subi %scan3A_90, %sub3A_125 : i32
        %max3A = arith.constant 0 : i32
        %max3A_127 = arith.maxsi %sub3A_126, %max3A : i32
        %rem3A_128 = arith.constant 4 : i32
        %rem3A_129 = arith.remsi %max3A_127, %rem3A_128 : i32
        %ge3A = arith.constant 1 : i32
        %ge3A_130 = arith.cmpi sge, %scan3A_90, %ge3A : i32
        %eq3A_131 = arith.constant 0 : i32
        %eq3A_132 = arith.cmpi eq, %sub3A_92, %eq3A_131 : i32
        %and3A = arith.andi %ge3A_130, %eq3A_132 : i1
        %convert_element_type3A_133 = arith.extui %and3A : i1 to i32
        %cond3A_134 = arith.constant 0 : i32
        %cond3A_135 = arith.cmpi ne, %convert_element_type3A_133, %cond3A_134 : i32
        scf.if %cond3A_135 {
          %dma_wait3A_178 = arith.constant 0 : i32
          %dma_wait3A_179 = arith.constant 0 : i32
          %dma_wait3A_180 = tpu.memref_slice %arg12[%sub3A_92, %dma_wait3A_178, %dma_wait3A_179] : memref<2x128x128xf32, #tpu.memory_space<vmem>> -> memref<1x128x128xf32, #tpu.memory_space<vmem>>
          %dma_wait3A_181 = tpu.memref_squeeze %dma_wait3A_180 : memref<1x128x128xf32, #tpu.memory_space<vmem>> -> memref<128x128xf32, #tpu.memory_space<vmem>>
          %dma_wait3A_182 = arith.constant 0 : i32
          %dma_wait3A_183 = tpu.memref_slice %arg11[%rem3A_129, %dma_wait3A_182] : memref<4x128xi32, #tpu.memory_space<vmem>> -> memref<1x128xi32, #tpu.memory_space<vmem>>
          %dma_wait3A_184 = tpu.memref_squeeze %dma_wait3A_183 : memref<1x128xi32, #tpu.memory_space<vmem>> -> memref<128xi32, #tpu.memory_space<vmem>>
          %dma_wait3A_185 = arith.constant 0 : i32
          %dma_wait3A_186 = arith.constant 0 : i32
          %dma_wait3A_187 = tpu.memref_slice %arg9[%dma_wait3A_185, %dma_wait3A_186] : memref<10240x128xf32, #tpu.memory_space<vmem_shared>> -> memref<10240x128xf32, #tpu.memory_space<vmem_shared>>
          tpu.wait_indirect_dma semaphore(%arg16 : memref<!tpu.dma_semaphore, #tpu.memory_space<semaphore_mem>>) src(%dma_wait3A_181 : memref<128x128xf32, #tpu.memory_space<vmem>>) dst(%dma_wait3A_187 : memref<10240x128xf32, #tpu.memory_space<vmem_shared>>)
        } else {
        }
        %ge3A_136 = arith.constant 1 : i32
        %ge3A_137 = arith.cmpi sge, %scan3A_90, %ge3A_136 : i32
        %eq3A_138 = arith.constant 1 : i32
        %eq3A_139 = arith.cmpi eq, %sub3A_92, %eq3A_138 : i32
        %and3A_140 = arith.andi %ge3A_137, %eq3A_139 : i1
        %convert_element_type3A_141 = arith.extui %and3A_140 : i1 to i32
        %cond3A_142 = arith.constant 0 : i32
        %cond3A_143 = arith.cmpi ne, %convert_element_type3A_141, %cond3A_142 : i32
        scf.if %cond3A_143 {
          %dma_wait3A_178 = arith.constant 0 : i32
          %dma_wait3A_179 = arith.constant 0 : i32
          %dma_wait3A_180 = tpu.memref_slice %arg12[%sub3A_92, %dma_wait3A_178, %dma_wait3A_179] : memref<2x128x128xf32, #tpu.memory_space<vmem>> -> memref<1x128x128xf32, #tpu.memory_space<vmem>>
          %dma_wait3A_181 = tpu.memref_squeeze %dma_wait3A_180 : memref<1x128x128xf32, #tpu.memory_space<vmem>> -> memref<128x128xf32, #tpu.memory_space<vmem>>
          %dma_wait3A_182 = arith.constant 0 : i32
          %dma_wait3A_183 = tpu.memref_slice %arg11[%rem3A_129, %dma_wait3A_182] : memref<4x128xi32, #tpu.memory_space<vmem>> -> memref<1x128xi32, #tpu.memory_space<vmem>>
          %dma_wait3A_184 = tpu.memref_squeeze %dma_wait3A_183 : memref<1x128xi32, #tpu.memory_space<vmem>> -> memref<128xi32, #tpu.memory_space<vmem>>
          %dma_wait3A_185 = arith.constant 0 : i32
          %dma_wait3A_186 = arith.constant 0 : i32
          %dma_wait3A_187 = tpu.memref_slice %arg9[%dma_wait3A_185, %dma_wait3A_186] : memref<10240x128xf32, #tpu.memory_space<vmem_shared>> -> memref<10240x128xf32, #tpu.memory_space<vmem_shared>>
          tpu.wait_indirect_dma semaphore(%arg17 : memref<!tpu.dma_semaphore, #tpu.memory_space<semaphore_mem>>) src(%dma_wait3A_181 : memref<128x128xf32, #tpu.memory_space<vmem>>) dst(%dma_wait3A_187 : memref<10240x128xf32, #tpu.memory_space<vmem_shared>>)
        } else {
        }
        %add3A = arith.constant 1 : i32
        %add3A_144 = arith.addi %scan3A_90, %add3A : i32
        %min3A = arith.constant 78 : i32
        %min3A_145 = arith.minsi %add3A_144, %min3A : i32
        %add3A_146 = arith.constant 1 : i32
        %add3A_147 = arith.addi %scan3A_90, %add3A_146 : i32
        %lt3A = arith.constant 79 : i32
        %lt3A_148 = arith.cmpi slt, %add3A_147, %lt3A : i32
        %convert_element_type3A_149 = arith.extui %lt3A_148 : i1 to i32
        %cond3A_150 = arith.constant 0 : i32
        %cond3A_151 = arith.cmpi ne, %convert_element_type3A_149, %cond3A_150 : i32
        scf.if %cond3A_151 {
          %dma_start3A_178 = arith.constant 0 : i32
          %dma_start3A_179 = arith.constant 0 : i32
          %dma_start3A_180 = tpu.memref_slice %arg12[%sub3A_92, %dma_start3A_178, %dma_start3A_179] : memref<2x128x128xf32, #tpu.memory_space<vmem>> -> memref<1x128x128xf32, #tpu.memory_space<vmem>>
          %dma_start3A_181 = tpu.memref_squeeze %dma_start3A_180 : memref<1x128x128xf32, #tpu.memory_space<vmem>> -> memref<128x128xf32, #tpu.memory_space<vmem>>
          %dma_start3A_182 = arith.constant 0 : i32
          %dma_start3A_183 = tpu.memref_slice %arg10[%min3A_145, %dma_start3A_182] : memref<79x128xi32, #tpu.memory_space<vmem>> -> memref<1x128xi32, #tpu.memory_space<vmem>>
          %dma_start3A_184 = tpu.memref_squeeze %dma_start3A_183 : memref<1x128xi32, #tpu.memory_space<vmem>> -> memref<128xi32, #tpu.memory_space<vmem>>
          %dma_start3A_185 = arith.constant 0 : i32
          %dma_start3A_186 = arith.constant 0 : i32
          %dma_start3A_187 = tpu.memref_slice %arg3[%dma_start3A_185, %dma_start3A_186] : memref<10240x128xf32, #tpu.memory_space<hbm>> -> memref<10240x128xf32, #tpu.memory_space<hbm>>
          tpu.enqueue_indirect_dma source(%dma_start3A_187 : memref<10240x128xf32, #tpu.memory_space<hbm>>) target(%dma_start3A_181 : memref<128x128xf32, #tpu.memory_space<vmem>>) offsets(%dma_start3A_184 : memref<128xi32, #tpu.memory_space<vmem>>) semaphore(%arg13 : memref<!tpu.dma_semaphore, #tpu.memory_space<semaphore_mem>>)
        } else {
        }
        %add3A_152 = arith.constant 2 : i32
        %add3A_153 = arith.addi %scan3A_90, %add3A_152 : i32
        %min3A_154 = arith.constant 78 : i32
        %min3A_155 = arith.minsi %add3A_153, %min3A_154 : i32
        %rem3A_156 = arith.constant 4 : i32
        %rem3A_157 = arith.remsi %min3A_155, %rem3A_156 : i32
        %add3A_158 = arith.constant 2 : i32
        %add3A_159 = arith.addi %scan3A_90, %add3A_158 : i32
        %lt3A_160 = arith.constant 79 : i32
        %lt3A_161 = arith.cmpi slt, %add3A_159, %lt3A_160 : i32
        %eq3A_162 = arith.constant 0 : i32
        %eq3A_163 = arith.cmpi eq, %rem3A_91, %eq3A_162 : i32
        %and3A_164 = arith.andi %lt3A_161, %eq3A_163 : i1
        %convert_element_type3A_165 = arith.extui %and3A_164 : i1 to i32
        %cond3A_166 = arith.constant 0 : i32
        %cond3A_167 = arith.cmpi ne, %convert_element_type3A_165, %cond3A_166 : i32
        scf.if %cond3A_167 {
          %dma_start3A_178 = arith.constant 0 : i32
          %dma_start3A_179 = tpu.memref_slice %arg11[%rem3A_157, %dma_start3A_178] : memref<4x128xi32, #tpu.memory_space<vmem>> -> memref<1x128xi32, #tpu.memory_space<vmem>>
          %dma_start3A_180 = tpu.memref_squeeze %dma_start3A_179 : memref<1x128xi32, #tpu.memory_space<vmem>> -> memref<128xi32, #tpu.memory_space<vmem>>
          %dma_start3A_181 = arith.constant 0 : i32
          %dma_start3A_182 = arith.constant 0 : i32
          %dma_start3A_183 = tpu.memref_slice %arg5[%arg1, %dma_start3A_181, %dma_start3A_182] : memref<16x79x128xi32, #tpu.memory_space<hbm>> -> memref<1x79x128xi32, #tpu.memory_space<hbm>>
          %dma_start3A_184 = tpu.memref_squeeze %dma_start3A_183 : memref<1x79x128xi32, #tpu.memory_space<hbm>> -> memref<79x128xi32, #tpu.memory_space<hbm>>
          %dma_start3A_185 = arith.constant 0 : i32
          %dma_start3A_186 = tpu.memref_slice %dma_start3A_184[%min3A_155, %dma_start3A_185] : memref<79x128xi32, #tpu.memory_space<hbm>> -> memref<1x128xi32, #tpu.memory_space<hbm>>
          %dma_start3A_187 = tpu.memref_squeeze %dma_start3A_186 : memref<1x128xi32, #tpu.memory_space<hbm>> -> memref<128xi32, #tpu.memory_space<hbm>>
          %dma_start3A_188 = arith.constant 0 : i32
          %dma_start3A_189 = tpu.memref_slice %arg11[%rem3A_157, %dma_start3A_188] : memref<4x128xi32, #tpu.memory_space<vmem>> -> memref<1x128xi32, #tpu.memory_space<vmem>>
          %dma_start3A_190 = tpu.memref_squeeze %dma_start3A_189 : memref<1x128xi32, #tpu.memory_space<vmem>> -> memref<128xi32, #tpu.memory_space<vmem>>
          %dma_start3A_191 = arith.constant 0 : i32
          %dma_start3A_192 = arith.constant 0 : i32
          %dma_start3A_193 = tpu.memref_slice %arg5[%arg1, %dma_start3A_191, %dma_start3A_192] : memref<16x79x128xi32, #tpu.memory_space<hbm>> -> memref<1x79x128xi32, #tpu.memory_space<hbm>>
          %dma_start3A_194 = tpu.memref_squeeze %dma_start3A_193 : memref<1x79x128xi32, #tpu.memory_space<hbm>> -> memref<79x128xi32, #tpu.memory_space<hbm>>
          %dma_start3A_195 = arith.constant 0 : i32
          %dma_start3A_196 = tpu.memref_slice %dma_start3A_194[%min3A_155, %dma_start3A_195] : memref<79x128xi32, #tpu.memory_space<hbm>> -> memref<1x128xi32, #tpu.memory_space<hbm>>
          %dma_start3A_197 = tpu.memref_squeeze %dma_start3A_196 : memref<1x128xi32, #tpu.memory_space<hbm>> -> memref<128xi32, #tpu.memory_space<hbm>>
          tpu.enqueue_dma source(%dma_start3A_197 : memref<128xi32, #tpu.memory_space<hbm>>) target(%dma_start3A_190 : memref<128xi32, #tpu.memory_space<vmem>>) target_semaphore(%arg14 : memref<!tpu.dma_semaphore, #tpu.memory_space<semaphore_mem>>)
        } else {
        }
        %add3A_168 = arith.constant 2 : i32
        %add3A_169 = arith.addi %scan3A_90, %add3A_168 : i32
        %lt3A_170 = arith.constant 79 : i32
        %lt3A_171 = arith.cmpi slt, %add3A_169, %lt3A_170 : i32
        %eq3A_172 = arith.constant 1 : i32
        %eq3A_173 = arith.cmpi eq, %rem3A_91, %eq3A_172 : i32
        %and3A_174 = arith.andi %lt3A_171, %eq3A_173 : i1
        %convert_element_type3A_175 = arith.extui %and3A_174 : i1 to i32
        %cond3A_176 = arith.constant 0 : i32
        %cond3A_177 = arith.cmpi ne, %convert_element_type3A_175, %cond3A_176 : i32
        scf.if %cond3A_177 {
          %dma_start3A_178 = arith.constant 0 : i32
          %dma_start3A_179 = tpu.memref_slice %arg11[%rem3A_157, %dma_start3A_178] : memref<4x128xi32, #tpu.memory_space<vmem>> -> memref<1x128xi32, #tpu.memory_space<vmem>>
          %dma_start3A_180 = tpu.memref_squeeze %dma_start3A_179 : memref<1x128xi32, #tpu.memory_space<vmem>> -> memref<128xi32, #tpu.memory_space<vmem>>
          %dma_start3A_181 = arith.constant 0 : i32
          %dma_start3A_182 = arith.constant 0 : i32
          %dma_start3A_183 = tpu.memref_slice %arg5[%arg1, %dma_start3A_181, %dma_start3A_182] : memref<16x79x128xi32, #tpu.memory_space<hbm>> -> memref<1x79x128xi32, #tpu.memory_space<hbm>>
          %dma_start3A_184 = tpu.memref_squeeze %dma_start3A_183 : memref<1x79x128xi32, #tpu.memory_space<hbm>> -> memref<79x128xi32, #tpu.memory_space<hbm>>
          %dma_start3A_185 = arith.constant 0 : i32
          %dma_start3A_186 = tpu.memref_slice %dma_start3A_184[%min3A_155, %dma_start3A_185] : memref<79x128xi32, #tpu.memory_space<hbm>> -> memref<1x128xi32, #tpu.memory_space<hbm>>
          %dma_start3A_187 = tpu.memref_squeeze %dma_start3A_186 : memref<1x128xi32, #tpu.memory_space<hbm>> -> memref<128xi32, #tpu.memory_space<hbm>>
          %dma_start3A_188 = arith.constant 0 : i32
          %dma_start3A_189 = tpu.memref_slice %arg11[%rem3A_157, %dma_start3A_188] : memref<4x128xi32, #tpu.memory_space<vmem>> -> memref<1x128xi32, #tpu.memory_space<vmem>>
          %dma_start3A_190 = tpu.memref_squeeze %dma_start3A_189 : memref<1x128xi32, #tpu.memory_space<vmem>> -> memref<128xi32, #tpu.memory_space<vmem>>
          %dma_start3A_191 = arith.constant 0 : i32
          %dma_start3A_192 = arith.constant 0 : i32
          %dma_start3A_193 = tpu.memref_slice %arg5[%arg1, %dma_start3A_191, %dma_start3A_192] : memref<16x79x128xi32, #tpu.memory_space<hbm>> -> memref<1x79x128xi32, #tpu.memory_space<hbm>>
          %dma_start3A_194 = tpu.memref_squeeze %dma_start3A_193 : memref<1x79x128xi32, #tpu.memory_space<hbm>> -> memref<79x128xi32, #tpu.memory_space<hbm>>
          %dma_start3A_195 = arith.constant 0 : i32
          %dma_start3A_196 = tpu.memref_slice %dma_start3A_194[%min3A_155, %dma_start3A_195] : memref<79x128xi32, #tpu.memory_space<hbm>> -> memref<1x128xi32, #tpu.memory_space<hbm>>
          %dma_start3A_197 = tpu.memref_squeeze %dma_start3A_196 : memref<1x128xi32, #tpu.memory_space<hbm>> -> memref<128xi32, #tpu.memory_space<hbm>>
          tpu.enqueue_dma source(%dma_start3A_197 : memref<128xi32, #tpu.memory_space<hbm>>) target(%dma_start3A_190 : memref<128xi32, #tpu.memory_space<vmem>>) target_semaphore(%arg15 : memref<!tpu.dma_semaphore, #tpu.memory_space<semaphore_mem>>)
        } else {
        }
      }
      %scan3A_78 = arith.constant 79 : i32
      %dma_wait3A = arith.constant 0 : i32
      %dma_wait3A_79 = arith.constant 2 : i32
      %dma_wait3A_80 = arith.constant 0 : i32
      %dma_wait3A_81 = arith.constant 0 : i32
      %dma_wait3A_82 = tpu.memref_slice %arg12[%dma_wait3A, %dma_wait3A_80, %dma_wait3A_81] : memref<2x128x128xf32, #tpu.memory_space<vmem>> -> memref<1x128x128xf32, #tpu.memory_space<vmem>>
      %dma_wait3A_83 = tpu.memref_squeeze %dma_wait3A_82 : memref<1x128x128xf32, #tpu.memory_space<vmem>> -> memref<128x128xf32, #tpu.memory_space<vmem>>
      %dma_wait3A_84 = arith.constant 0 : i32
      %dma_wait3A_85 = tpu.memref_slice %arg11[%dma_wait3A_79, %dma_wait3A_84] : memref<4x128xi32, #tpu.memory_space<vmem>> -> memref<1x128xi32, #tpu.memory_space<vmem>>
      %dma_wait3A_86 = tpu.memref_squeeze %dma_wait3A_85 : memref<1x128xi32, #tpu.memory_space<vmem>> -> memref<128xi32, #tpu.memory_space<vmem>>
      %dma_wait3A_87 = arith.constant 0 : i32
      %dma_wait3A_88 = arith.constant 0 : i32
      %dma_wait3A_89 = tpu.memref_slice %arg9[%dma_wait3A_87, %dma_wait3A_88] : memref<10240x128xf32, #tpu.memory_space<vmem_shared>> -> memref<10240x128xf32, #tpu.memory_space<vmem_shared>>
      tpu.wait_indirect_dma semaphore(%arg16 : memref<!tpu.dma_semaphore, #tpu.memory_space<semaphore_mem>>) src(%dma_wait3A_83 : memref<128x128xf32, #tpu.memory_space<vmem>>) dst(%dma_wait3A_89 : memref<10240x128xf32, #tpu.memory_space<vmem_shared>>)
    } else {
    }
    %barrier3A_8 = arith.constant 0 : index
    tpu.barrier barrier_id(%barrier3A_8)
    %eq3A_9 = arith.constant 0 : i32
    %eq3A_10 = arith.cmpi eq, %arg0, %eq3A_9 : i32
    %convert_element_type3A_11 = arith.extui %eq3A_10 : i1 to i32
    %cond3A_12 = arith.constant 0 : i32
    %cond3A_13 = arith.cmpi ne, %convert_element_type3A_11, %cond3A_12 : i32
    scf.if %cond3A_13 {
      %mul3A_19 = arith.constant 640 : i32
      %mul3A_20 = arith.muli %arg1, %mul3A_19 : i32
      "tpu.region"() ({
        %run_scoped3A = tpu.sem_alloc : memref<!tpu.dma_semaphore, #tpu.memory_space<semaphore_mem>>
        %dma_start3A = arith.constant 0 : i32
        %dma_start3A_21 = tpu.memref_slice %arg7[%mul3A_20, %dma_start3A] : memref<10240x128xf32, #tpu.memory_space<hbm>> -> memref<640x128xf32, #tpu.memory_space<hbm>>
        %dma_start3A_22 = arith.constant 0 : i32
        %dma_start3A_23 = tpu.memref_slice %arg9[%mul3A_20, %dma_start3A_22] : memref<10240x128xf32, #tpu.memory_space<vmem_shared>> -> memref<640x128xf32, #tpu.memory_space<vmem_shared>>
        tpu.enqueue_dma source(%dma_start3A_23 : memref<640x128xf32, #tpu.memory_space<vmem_shared>>) target(%dma_start3A_21 : memref<640x128xf32, #tpu.memory_space<hbm>>) target_semaphore(%run_scoped3A : memref<!tpu.dma_semaphore, #tpu.memory_space<semaphore_mem>>)
        %dma_wait3A = arith.constant 0 : i32
        %dma_wait3A_24 = tpu.memref_slice %arg7[%mul3A_20, %dma_wait3A] : memref<10240x128xf32, #tpu.memory_space<hbm>> -> memref<640x128xf32, #tpu.memory_space<hbm>>
        %dma_wait3A_25 = arith.constant 0 : i32
        %dma_wait3A_26 = tpu.memref_slice %arg9[%mul3A_20, %dma_wait3A_25] : memref<10240x128xf32, #tpu.memory_space<vmem_shared>> -> memref<640x128xf32, #tpu.memory_space<vmem_shared>>
        tpu.wait_dma2 semaphore(%run_scoped3A : memref<!tpu.dma_semaphore, #tpu.memory_space<semaphore_mem>>) src(%dma_wait3A_26 : memref<640x128xf32, #tpu.memory_space<vmem_shared>>) dst(%dma_wait3A_24 : memref<640x128xf32, #tpu.memory_space<hbm>>)
        tpu.yield
      }) : () -> ()
    } else {
    }
    %eq3A_14 = arith.constant 1 : i32
    %eq3A_15 = arith.cmpi eq, %arg0, %eq3A_14 : i32
    %convert_element_type3A_16 = arith.extui %eq3A_15 : i1 to i32
    %cond3A_17 = arith.constant 0 : i32
    %cond3A_18 = arith.cmpi ne, %convert_element_type3A_16, %cond3A_17 : i32
    scf.if %cond3A_18 {
      %mul3A_19 = arith.constant 640 : i32
      %mul3A_20 = arith.muli %arg1, %mul3A_19 : i32
      "tpu.region"() ({
        %run_scoped3A = tpu.sem_alloc : memref<!tpu.dma_semaphore, #tpu.memory_space<semaphore_mem>>
        %dma_start3A = arith.constant 0 : i32
        %dma_start3A_21 = tpu.memref_slice %arg8[%mul3A_20, %dma_start3A] : memref<10240x128xf32, #tpu.memory_space<hbm>> -> memref<640x128xf32, #tpu.memory_space<hbm>>
        %dma_start3A_22 = arith.constant 0 : i32
        %dma_start3A_23 = tpu.memref_slice %arg9[%mul3A_20, %dma_start3A_22] : memref<10240x128xf32, #tpu.memory_space<vmem_shared>> -> memref<640x128xf32, #tpu.memory_space<vmem_shared>>
        tpu.enqueue_dma source(%dma_start3A_23 : memref<640x128xf32, #tpu.memory_space<vmem_shared>>) target(%dma_start3A_21 : memref<640x128xf32, #tpu.memory_space<hbm>>) target_semaphore(%run_scoped3A : memref<!tpu.dma_semaphore, #tpu.memory_space<semaphore_mem>>)
        %dma_wait3A = arith.constant 0 : i32
        %dma_wait3A_24 = tpu.memref_slice %arg8[%mul3A_20, %dma_wait3A] : memref<10240x128xf32, #tpu.memory_space<hbm>> -> memref<640x128xf32, #tpu.memory_space<hbm>>
        %dma_wait3A_25 = arith.constant 0 : i32
        %dma_wait3A_26 = tpu.memref_slice %arg9[%mul3A_20, %dma_wait3A_25] : memref<10240x128xf32, #tpu.memory_space<vmem_shared>> -> memref<640x128xf32, #tpu.memory_space<vmem_shared>>
        tpu.wait_dma2 semaphore(%run_scoped3A : memref<!tpu.dma_semaphore, #tpu.memory_space<semaphore_mem>>) src(%dma_wait3A_26 : memref<640x128xf32, #tpu.memory_space<vmem_shared>>) dst(%dma_wait3A_24 : memref<640x128xf32, #tpu.memory_space<hbm>>)
        tpu.yield
      }) : () -> ()
    } else {
    }
    return
  }
}

#map = affine_map<(d0, d1) -> (0, 0)>
#map1 = affine_map<(d0, d1) -> (0, 0, 0)>
module attributes {stable_mosaic.version = 14 : i64} {
  func.func @_sc_segsum_body(%arg0: i32, %arg1: i32, %arg2: memref<10240x128xf32, #tpu.memory_space<hbm>>, %arg3: memref<10240x128xf32, #tpu.memory_space<hbm>>, %arg4: memref<16x79x128xi32, #tpu.memory_space<hbm>>, %arg5: memref<16x79x128xi32, #tpu.memory_space<hbm>>, %arg6: memref<640x128xf32, #tpu.memory_space<hbm>>, %arg7: memref<10240x128xf32, #tpu.memory_space<hbm>>, %arg8: memref<10240x128xf32, #tpu.memory_space<hbm>>, %arg9: memref<10240x128xf32, #tpu.memory_space<vmem_shared>>, %arg10: memref<79x128xi32, #tpu.memory_space<vmem>>, %arg11: memref<4x128xi32, #tpu.memory_space<vmem>>, %arg12: memref<2x128x128xf32, #tpu.memory_space<vmem>>, %arg13: memref<!tpu.dma_semaphore, #tpu.memory_space<semaphore_mem>>, %arg14: memref<!tpu.dma_semaphore, #tpu.memory_space<semaphore_mem>>, %arg15: memref<!tpu.dma_semaphore, #tpu.memory_space<semaphore_mem>>, %arg16: memref<!tpu.dma_semaphore, #tpu.memory_space<semaphore_mem>>, %arg17: memref<!tpu.dma_semaphore, #tpu.memory_space<semaphore_mem>>) attributes {dimension_semantics = [#tpu.dimension_semantics<core_parallel>, #tpu.dimension_semantics<subcore_parallel>], iteration_bounds = array<i64: 2, 16>, scalar_prefetch = 0 : i64, scratch_operands = 9 : i64, tpu.core_type = #tpu.core_type<sc_vector_subcore>, window_params = [{transform_indices = #map}, {transform_indices = #map}, {transform_indices = #map1}, {transform_indices = #map1}, {transform_indices = #map}, {transform_indices = #map}, {transform_indices = #map}]} {
    %mul3A = arith.constant 640 : i32
    %mul3A_0 = arith.muli %arg1, %mul3A : i32
    "tpu.region"() ({
      %run_scoped3A = tpu.sem_alloc : memref<!tpu.dma_semaphore, #tpu.memory_space<semaphore_mem>>
      %dma_start3A = arith.constant 0 : i32
      %dma_start3A_19 = tpu.memref_slice %arg9[%mul3A_0, %dma_start3A] : memref<10240x128xf32, #tpu.memory_space<vmem_shared>> -> memref<640x128xf32, #tpu.memory_space<vmem_shared>>
      tpu.enqueue_dma source(%arg6 : memref<640x128xf32, #tpu.memory_space<hbm>>) target(%dma_start3A_19 : memref<640x128xf32, #tpu.memory_space<vmem_shared>>) target_semaphore(%run_scoped3A : memref<!tpu.dma_semaphore, #tpu.memory_space<semaphore_mem>>)
      %dma_wait3A = arith.constant 0 : i32
      %dma_wait3A_20 = tpu.memref_slice %arg9[%mul3A_0, %dma_wait3A] : memref<10240x128xf32, #tpu.memory_space<vmem_shared>> -> memref<640x128xf32, #tpu.memory_space<vmem_shared>>
      tpu.wait_dma2 semaphore(%run_scoped3A : memref<!tpu.dma_semaphore, #tpu.memory_space<semaphore_mem>>) src(%arg6 : memref<640x128xf32, #tpu.memory_space<hbm>>) dst(%dma_wait3A_20 : memref<640x128xf32, #tpu.memory_space<vmem_shared>>)
      tpu.yield
    }) : () -> ()
    "tpu.region"() ({
      %run_scoped3A = tpu.sem_alloc : memref<!tpu.dma_semaphore, #tpu.memory_space<semaphore_mem>>
      %dma_start3A = arith.constant 0 : i32
      %dma_start3A_19 = arith.constant 0 : i32
      %dma_start3A_20 = tpu.memref_slice %arg4[%arg1, %dma_start3A, %dma_start3A_19] : memref<16x79x128xi32, #tpu.memory_space<hbm>> -> memref<1x79x128xi32, #tpu.memory_space<hbm>>
      %dma_start3A_21 = tpu.memref_squeeze %dma_start3A_20 : memref<1x79x128xi32, #tpu.memory_space<hbm>> -> memref<79x128xi32, #tpu.memory_space<hbm>>
      %dma_start3A_22 = arith.constant 0 : i32
      %dma_start3A_23 = arith.constant 0 : i32
      %dma_start3A_24 = tpu.memref_slice %arg4[%arg1, %dma_start3A_22, %dma_start3A_23] : memref<16x79x128xi32, #tpu.memory_space<hbm>> -> memref<1x79x128xi32, #tpu.memory_space<hbm>>
      %dma_start3A_25 = tpu.memref_squeeze %dma_start3A_24 : memref<1x79x128xi32, #tpu.memory_space<hbm>> -> memref<79x128xi32, #tpu.memory_space<hbm>>
      tpu.enqueue_dma source(%dma_start3A_25 : memref<79x128xi32, #tpu.memory_space<hbm>>) target(%arg10 : memref<79x128xi32, #tpu.memory_space<vmem>>) target_semaphore(%run_scoped3A : memref<!tpu.dma_semaphore, #tpu.memory_space<semaphore_mem>>)
      %dma_wait3A = arith.constant 0 : i32
      %dma_wait3A_26 = arith.constant 0 : i32
      %dma_wait3A_27 = tpu.memref_slice %arg4[%arg1, %dma_wait3A, %dma_wait3A_26] : memref<16x79x128xi32, #tpu.memory_space<hbm>> -> memref<1x79x128xi32, #tpu.memory_space<hbm>>
      %dma_wait3A_28 = tpu.memref_squeeze %dma_wait3A_27 : memref<1x79x128xi32, #tpu.memory_space<hbm>> -> memref<79x128xi32, #tpu.memory_space<hbm>>
      %dma_wait3A_29 = arith.constant 0 : i32
      %dma_wait3A_30 = arith.constant 0 : i32
      %dma_wait3A_31 = tpu.memref_slice %arg4[%arg1, %dma_wait3A_29, %dma_wait3A_30] : memref<16x79x128xi32, #tpu.memory_space<hbm>> -> memref<1x79x128xi32, #tpu.memory_space<hbm>>
      %dma_wait3A_32 = tpu.memref_squeeze %dma_wait3A_31 : memref<1x79x128xi32, #tpu.memory_space<hbm>> -> memref<79x128xi32, #tpu.memory_space<hbm>>
      tpu.wait_dma2 semaphore(%run_scoped3A : memref<!tpu.dma_semaphore, #tpu.memory_space<semaphore_mem>>) src(%dma_wait3A_32 : memref<79x128xi32, #tpu.memory_space<hbm>>) dst(%arg10 : memref<79x128xi32, #tpu.memory_space<vmem>>)
      tpu.yield
    }) : () -> ()
    %barrier3A = arith.constant 0 : index
    tpu.barrier barrier_id(%barrier3A)
    %eq3A = arith.constant 0 : i32
    %eq3A_1 = arith.cmpi eq, %arg0, %eq3A : i32
    %convert_element_type3A = arith.extui %eq3A_1 : i1 to i32
    %cond3A = arith.constant 0 : i32
    %cond3A_2 = arith.cmpi ne, %convert_element_type3A, %cond3A : i32
    scf.if %cond3A_2 {
      %dma_start3A = arith.constant 0 : i32
      %dma_start3A_19 = arith.constant 0 : i32
      %dma_start3A_20 = arith.constant 0 : i32
      %dma_start3A_21 = arith.constant 0 : i32
      %dma_start3A_22 = tpu.memref_slice %arg12[%dma_start3A_19, %dma_start3A_20, %dma_start3A_21] : memref<2x128x128xf32, #tpu.memory_space<vmem>> -> memref<1x128x128xf32, #tpu.memory_space<vmem>>
      %dma_start3A_23 = tpu.memref_squeeze %dma_start3A_22 : memref<1x128x128xf32, #tpu.memory_space<vmem>> -> memref<128x128xf32, #tpu.memory_space<vmem>>
      %dma_start3A_24 = arith.constant 0 : i32
      %dma_start3A_25 = tpu.memref_slice %arg10[%dma_start3A, %dma_start3A_24] : memref<79x128xi32, #tpu.memory_space<vmem>> -> memref<1x128xi32, #tpu.memory_space<vmem>>
      %dma_start3A_26 = tpu.memref_squeeze %dma_start3A_25 : memref<1x128xi32, #tpu.memory_space<vmem>> -> memref<128xi32, #tpu.memory_space<vmem>>
      %dma_start3A_27 = arith.constant 0 : i32
      %dma_start3A_28 = arith.constant 0 : i32
      %dma_start3A_29 = tpu.memref_slice %arg2[%dma_start3A_27, %dma_start3A_28] : memref<10240x128xf32, #tpu.memory_space<hbm>> -> memref<10240x128xf32, #tpu.memory_space<hbm>>
      tpu.enqueue_indirect_dma source(%dma_start3A_29 : memref<10240x128xf32, #tpu.memory_space<hbm>>) target(%dma_start3A_23 : memref<128x128xf32, #tpu.memory_space<vmem>>) offsets(%dma_start3A_26 : memref<128xi32, #tpu.memory_space<vmem>>) semaphore(%arg13 : memref<!tpu.dma_semaphore, #tpu.memory_space<semaphore_mem>>)
      %dma_start3A_30 = arith.constant 0 : i32
      %dma_start3A_31 = arith.constant 0 : i32
      %dma_start3A_32 = arith.constant 0 : i32
      %dma_start3A_33 = tpu.memref_slice %arg11[%dma_start3A_31, %dma_start3A_32] : memref<4x128xi32, #tpu.memory_space<vmem>> -> memref<1x128xi32, #tpu.memory_space<vmem>>
      %dma_start3A_34 = tpu.memref_squeeze %dma_start3A_33 : memref<1x128xi32, #tpu.memory_space<vmem>> -> memref<128xi32, #tpu.memory_space<vmem>>
      %dma_start3A_35 = arith.constant 0 : i32
      %dma_start3A_36 = arith.constant 0 : i32
      %dma_start3A_37 = tpu.memref_slice %arg5[%arg1, %dma_start3A_35, %dma_start3A_36] : memref<16x79x128xi32, #tpu.memory_space<hbm>> -> memref<1x79x128xi32, #tpu.memory_space<hbm>>
      %dma_start3A_38 = tpu.memref_squeeze %dma_start3A_37 : memref<1x79x128xi32, #tpu.memory_space<hbm>> -> memref<79x128xi32, #tpu.memory_space<hbm>>
      %dma_start3A_39 = arith.constant 0 : i32
      %dma_start3A_40 = tpu.memref_slice %dma_start3A_38[%dma_start3A_30, %dma_start3A_39] : memref<79x128xi32, #tpu.memory_space<hbm>> -> memref<1x128xi32, #tpu.memory_space<hbm>>
      %dma_start3A_41 = tpu.memref_squeeze %dma_start3A_40 : memref<1x128xi32, #tpu.memory_space<hbm>> -> memref<128xi32, #tpu.memory_space<hbm>>
      %dma_start3A_42 = arith.constant 0 : i32
      %dma_start3A_43 = tpu.memref_slice %arg11[%dma_start3A_31, %dma_start3A_42] : memref<4x128xi32, #tpu.memory_space<vmem>> -> memref<1x128xi32, #tpu.memory_space<vmem>>
      %dma_start3A_44 = tpu.memref_squeeze %dma_start3A_43 : memref<1x128xi32, #tpu.memory_space<vmem>> -> memref<128xi32, #tpu.memory_space<vmem>>
      %dma_start3A_45 = arith.constant 0 : i32
      %dma_start3A_46 = arith.constant 0 : i32
      %dma_start3A_47 = tpu.memref_slice %arg5[%arg1, %dma_start3A_45, %dma_start3A_46] : memref<16x79x128xi32, #tpu.memory_space<hbm>> -> memref<1x79x128xi32, #tpu.memory_space<hbm>>
      %dma_start3A_48 = tpu.memref_squeeze %dma_start3A_47 : memref<1x79x128xi32, #tpu.memory_space<hbm>> -> memref<79x128xi32, #tpu.memory_space<hbm>>
      %dma_start3A_49 = arith.constant 0 : i32
      %dma_start3A_50 = tpu.memref_slice %dma_start3A_48[%dma_start3A_30, %dma_start3A_49] : memref<79x128xi32, #tpu.memory_space<hbm>> -> memref<1x128xi32, #tpu.memory_space<hbm>>
      %dma_start3A_51 = tpu.memref_squeeze %dma_start3A_50 : memref<1x128xi32, #tpu.memory_space<hbm>> -> memref<128xi32, #tpu.memory_space<hbm>>
      tpu.enqueue_dma source(%dma_start3A_51 : memref<128xi32, #tpu.memory_space<hbm>>) target(%dma_start3A_44 : memref<128xi32, #tpu.memory_space<vmem>>) target_semaphore(%arg14 : memref<!tpu.dma_semaphore, #tpu.memory_space<semaphore_mem>>)
      %dma_start3A_52 = arith.constant 1 : i32
      %dma_start3A_53 = arith.constant 1 : i32
      %dma_start3A_54 = arith.constant 0 : i32
      %dma_start3A_55 = tpu.memref_slice %arg11[%dma_start3A_53, %dma_start3A_54] : memref<4x128xi32, #tpu.memory_space<vmem>> -> memref<1x128xi32, #tpu.memory_space<vmem>>
      %dma_start3A_56 = tpu.memref_squeeze %dma_start3A_55 : memref<1x128xi32, #tpu.memory_space<vmem>> -> memref<128xi32, #tpu.memory_space<vmem>>
      %dma_start3A_57 = arith.constant 0 : i32
      %dma_start3A_58 = arith.constant 0 : i32
      %dma_start3A_59 = tpu.memref_slice %arg5[%arg1, %dma_start3A_57, %dma_start3A_58] : memref<16x79x128xi32, #tpu.memory_space<hbm>> -> memref<1x79x128xi32, #tpu.memory_space<hbm>>
      %dma_start3A_60 = tpu.memref_squeeze %dma_start3A_59 : memref<1x79x128xi32, #tpu.memory_space<hbm>> -> memref<79x128xi32, #tpu.memory_space<hbm>>
      %dma_start3A_61 = arith.constant 0 : i32
      %dma_start3A_62 = tpu.memref_slice %dma_start3A_60[%dma_start3A_52, %dma_start3A_61] : memref<79x128xi32, #tpu.memory_space<hbm>> -> memref<1x128xi32, #tpu.memory_space<hbm>>
      %dma_start3A_63 = tpu.memref_squeeze %dma_start3A_62 : memref<1x128xi32, #tpu.memory_space<hbm>> -> memref<128xi32, #tpu.memory_space<hbm>>
      %dma_start3A_64 = arith.constant 0 : i32
      %dma_start3A_65 = tpu.memref_slice %arg11[%dma_start3A_53, %dma_start3A_64] : memref<4x128xi32, #tpu.memory_space<vmem>> -> memref<1x128xi32, #tpu.memory_space<vmem>>
      %dma_start3A_66 = tpu.memref_squeeze %dma_start3A_65 : memref<1x128xi32, #tpu.memory_space<vmem>> -> memref<128xi32, #tpu.memory_space<vmem>>
      %dma_start3A_67 = arith.constant 0 : i32
      %dma_start3A_68 = arith.constant 0 : i32
      %dma_start3A_69 = tpu.memref_slice %arg5[%arg1, %dma_start3A_67, %dma_start3A_68] : memref<16x79x128xi32, #tpu.memory_space<hbm>> -> memref<1x79x128xi32, #tpu.memory_space<hbm>>
      %dma_start3A_70 = tpu.memref_squeeze %dma_start3A_69 : memref<1x79x128xi32, #tpu.memory_space<hbm>> -> memref<79x128xi32, #tpu.memory_space<hbm>>
      %dma_start3A_71 = arith.constant 0 : i32
      %dma_start3A_72 = tpu.memref_slice %dma_start3A_70[%dma_start3A_52, %dma_start3A_71] : memref<79x128xi32, #tpu.memory_space<hbm>> -> memref<1x128xi32, #tpu.memory_space<hbm>>
      %dma_start3A_73 = tpu.memref_squeeze %dma_start3A_72 : memref<1x128xi32, #tpu.memory_space<hbm>> -> memref<128xi32, #tpu.memory_space<hbm>>
      tpu.enqueue_dma source(%dma_start3A_73 : memref<128xi32, #tpu.memory_space<hbm>>) target(%dma_start3A_66 : memref<128xi32, #tpu.memory_space<vmem>>) target_semaphore(%arg15 : memref<!tpu.dma_semaphore, #tpu.memory_space<semaphore_mem>>)
      %scan3A = arith.constant 0 : i32
      %scan3A_74 = arith.constant 0 : i32
      %scan3A_75 = arith.constant 79 : i32
      %scan3A_76 = arith.addi %scan3A_74, %scan3A_75 : i32
      %scan3A_77 = arith.constant 1 : i32
      scf.for %scan3A_90 = %scan3A_74 to %scan3A_76 step %scan3A_77  : i32 {
        %rem3A = arith.constant 2 : i32
        %rem3A_91 = arith.remsi %scan3A_90, %rem3A : i32
        %sub3A = arith.constant 1 : i32
        %sub3A_92 = arith.subi %sub3A, %rem3A_91 : i32
        %rem3A_93 = arith.constant 4 : i32
        %rem3A_94 = arith.remsi %scan3A_90, %rem3A_93 : i32
        %dma_wait3A_95 = arith.constant 0 : i32
        %dma_wait3A_96 = arith.constant 0 : i32
        %dma_wait3A_97 = tpu.memref_slice %arg12[%rem3A_91, %dma_wait3A_95, %dma_wait3A_96] : memref<2x128x128xf32, #tpu.memory_space<vmem>> -> memref<1x128x128xf32, #tpu.memory_space<vmem>>
        %dma_wait3A_98 = tpu.memref_squeeze %dma_wait3A_97 : memref<1x128x128xf32, #tpu.memory_space<vmem>> -> memref<128x128xf32, #tpu.memory_space<vmem>>
        %dma_wait3A_99 = arith.constant 0 : i32
        %dma_wait3A_100 = tpu.memref_slice %arg10[%scan3A_90, %dma_wait3A_99] : memref<79x128xi32, #tpu.memory_space<vmem>> -> memref<1x128xi32, #tpu.memory_space<vmem>>
        %dma_wait3A_101 = tpu.memref_squeeze %dma_wait3A_100 : memref<1x128xi32, #tpu.memory_space<vmem>> -> memref<128xi32, #tpu.memory_space<vmem>>
        %dma_wait3A_102 = arith.constant 0 : i32
        %dma_wait3A_103 = arith.constant 0 : i32
        %dma_wait3A_104 = tpu.memref_slice %arg2[%dma_wait3A_102, %dma_wait3A_103] : memref<10240x128xf32, #tpu.memory_space<hbm>> -> memref<10240x128xf32, #tpu.memory_space<hbm>>
        tpu.wait_indirect_dma semaphore(%arg13 : memref<!tpu.dma_semaphore, #tpu.memory_space<semaphore_mem>>) src(%dma_wait3A_104 : memref<10240x128xf32, #tpu.memory_space<hbm>>) dst(%dma_wait3A_98 : memref<128x128xf32, #tpu.memory_space<vmem>>)
        %eq3A_105 = arith.constant 0 : i32
        %eq3A_106 = arith.cmpi eq, %rem3A_91, %eq3A_105 : i32
        %convert_element_type3A_107 = arith.extui %eq3A_106 : i1 to i32
        %cond3A_108 = arith.constant 0 : i32
        %cond3A_109 = arith.cmpi ne, %convert_element_type3A_107, %cond3A_108 : i32
        scf.if %cond3A_109 {
          %dma_wait3A_178 = arith.constant 0 : i32
          %dma_wait3A_179 = tpu.memref_slice %arg11[%rem3A_94, %dma_wait3A_178] : memref<4x128xi32, #tpu.memory_space<vmem>> -> memref<1x128xi32, #tpu.memory_space<vmem>>
          %dma_wait3A_180 = tpu.memref_squeeze %dma_wait3A_179 : memref<1x128xi32, #tpu.memory_space<vmem>> -> memref<128xi32, #tpu.memory_space<vmem>>
          %dma_wait3A_181 = arith.constant 0 : i32
          %dma_wait3A_182 = arith.constant 0 : i32
          %dma_wait3A_183 = tpu.memref_slice %arg5[%arg1, %dma_wait3A_181, %dma_wait3A_182] : memref<16x79x128xi32, #tpu.memory_space<hbm>> -> memref<1x79x128xi32, #tpu.memory_space<hbm>>
          %dma_wait3A_184 = tpu.memref_squeeze %dma_wait3A_183 : memref<1x79x128xi32, #tpu.memory_space<hbm>> -> memref<79x128xi32, #tpu.memory_space<hbm>>
          %dma_wait3A_185 = arith.constant 0 : i32
          %dma_wait3A_186 = tpu.memref_slice %dma_wait3A_184[%scan3A_90, %dma_wait3A_185] : memref<79x128xi32, #tpu.memory_space<hbm>> -> memref<1x128xi32, #tpu.memory_space<hbm>>
          %dma_wait3A_187 = tpu.memref_squeeze %dma_wait3A_186 : memref<1x128xi32, #tpu.memory_space<hbm>> -> memref<128xi32, #tpu.memory_space<hbm>>
          %dma_wait3A_188 = arith.constant 0 : i32
          %dma_wait3A_189 = tpu.memref_slice %arg11[%rem3A_94, %dma_wait3A_188] : memref<4x128xi32, #tpu.memory_space<vmem>> -> memref<1x128xi32, #tpu.memory_space<vmem>>
          %dma_wait3A_190 = tpu.memref_squeeze %dma_wait3A_189 : memref<1x128xi32, #tpu.memory_space<vmem>> -> memref<128xi32, #tpu.memory_space<vmem>>
          %dma_wait3A_191 = arith.constant 0 : i32
          %dma_wait3A_192 = arith.constant 0 : i32
          %dma_wait3A_193 = tpu.memref_slice %arg5[%arg1, %dma_wait3A_191, %dma_wait3A_192] : memref<16x79x128xi32, #tpu.memory_space<hbm>> -> memref<1x79x128xi32, #tpu.memory_space<hbm>>
          %dma_wait3A_194 = tpu.memref_squeeze %dma_wait3A_193 : memref<1x79x128xi32, #tpu.memory_space<hbm>> -> memref<79x128xi32, #tpu.memory_space<hbm>>
          %dma_wait3A_195 = arith.constant 0 : i32
          %dma_wait3A_196 = tpu.memref_slice %dma_wait3A_194[%scan3A_90, %dma_wait3A_195] : memref<79x128xi32, #tpu.memory_space<hbm>> -> memref<1x128xi32, #tpu.memory_space<hbm>>
          %dma_wait3A_197 = tpu.memref_squeeze %dma_wait3A_196 : memref<1x128xi32, #tpu.memory_space<hbm>> -> memref<128xi32, #tpu.memory_space<hbm>>
          tpu.wait_dma2 semaphore(%arg14 : memref<!tpu.dma_semaphore, #tpu.memory_space<semaphore_mem>>) src(%dma_wait3A_197 : memref<128xi32, #tpu.memory_space<hbm>>) dst(%dma_wait3A_190 : memref<128xi32, #tpu.memory_space<vmem>>)
        } else {
        }
        %eq3A_110 = arith.constant 0 : i32
        %eq3A_111 = arith.cmpi eq, %rem3A_91, %eq3A_110 : i32
        %convert_element_type3A_112 = arith.extui %eq3A_111 : i1 to i32
        %cond3A_113 = arith.constant 0 : i32
        %cond3A_114 = arith.cmpi ne, %convert_element_type3A_112, %cond3A_113 : i32
        scf.if %cond3A_114 {
          %dma_start3A_178 = arith.constant 0 : i32
          %dma_start3A_179 = arith.constant 0 : i32
          %dma_start3A_180 = tpu.memref_slice %arg12[%rem3A_91, %dma_start3A_178, %dma_start3A_179] : memref<2x128x128xf32, #tpu.memory_space<vmem>> -> memref<1x128x128xf32, #tpu.memory_space<vmem>>
          %dma_start3A_181 = tpu.memref_squeeze %dma_start3A_180 : memref<1x128x128xf32, #tpu.memory_space<vmem>> -> memref<128x128xf32, #tpu.memory_space<vmem>>
          %dma_start3A_182 = arith.constant 0 : i32
          %dma_start3A_183 = tpu.memref_slice %arg11[%rem3A_94, %dma_start3A_182] : memref<4x128xi32, #tpu.memory_space<vmem>> -> memref<1x128xi32, #tpu.memory_space<vmem>>
          %dma_start3A_184 = tpu.memref_squeeze %dma_start3A_183 : memref<1x128xi32, #tpu.memory_space<vmem>> -> memref<128xi32, #tpu.memory_space<vmem>>
          %dma_start3A_185 = arith.constant 0 : i32
          %dma_start3A_186 = arith.constant 0 : i32
          %dma_start3A_187 = tpu.memref_slice %arg9[%dma_start3A_185, %dma_start3A_186] : memref<10240x128xf32, #tpu.memory_space<vmem_shared>> -> memref<10240x128xf32, #tpu.memory_space<vmem_shared>>
          tpu.enqueue_indirect_dma source(%dma_start3A_181 : memref<128x128xf32, #tpu.memory_space<vmem>>) target(%dma_start3A_187 : memref<10240x128xf32, #tpu.memory_space<vmem_shared>>) offsets(%dma_start3A_184 : memref<128xi32, #tpu.memory_space<vmem>>) semaphore(%arg16 : memref<!tpu.dma_semaphore, #tpu.memory_space<semaphore_mem>>) {add = true}
        } else {
        }
        %eq3A_115 = arith.constant 1 : i32
        %eq3A_116 = arith.cmpi eq, %rem3A_91, %eq3A_115 : i32
        %convert_element_type3A_117 = arith.extui %eq3A_116 : i1 to i32
        %cond3A_118 = arith.constant 0 : i32
        %cond3A_119 = arith.cmpi ne, %convert_element_type3A_117, %cond3A_118 : i32
        scf.if %cond3A_119 {
          %dma_wait3A_178 = arith.constant 0 : i32
          %dma_wait3A_179 = tpu.memref_slice %arg11[%rem3A_94, %dma_wait3A_178] : memref<4x128xi32, #tpu.memory_space<vmem>> -> memref<1x128xi32, #tpu.memory_space<vmem>>
          %dma_wait3A_180 = tpu.memref_squeeze %dma_wait3A_179 : memref<1x128xi32, #tpu.memory_space<vmem>> -> memref<128xi32, #tpu.memory_space<vmem>>
          %dma_wait3A_181 = arith.constant 0 : i32
          %dma_wait3A_182 = arith.constant 0 : i32
          %dma_wait3A_183 = tpu.memref_slice %arg5[%arg1, %dma_wait3A_181, %dma_wait3A_182] : memref<16x79x128xi32, #tpu.memory_space<hbm>> -> memref<1x79x128xi32, #tpu.memory_space<hbm>>
          %dma_wait3A_184 = tpu.memref_squeeze %dma_wait3A_183 : memref<1x79x128xi32, #tpu.memory_space<hbm>> -> memref<79x128xi32, #tpu.memory_space<hbm>>
          %dma_wait3A_185 = arith.constant 0 : i32
          %dma_wait3A_186 = tpu.memref_slice %dma_wait3A_184[%scan3A_90, %dma_wait3A_185] : memref<79x128xi32, #tpu.memory_space<hbm>> -> memref<1x128xi32, #tpu.memory_space<hbm>>
          %dma_wait3A_187 = tpu.memref_squeeze %dma_wait3A_186 : memref<1x128xi32, #tpu.memory_space<hbm>> -> memref<128xi32, #tpu.memory_space<hbm>>
          %dma_wait3A_188 = arith.constant 0 : i32
          %dma_wait3A_189 = tpu.memref_slice %arg11[%rem3A_94, %dma_wait3A_188] : memref<4x128xi32, #tpu.memory_space<vmem>> -> memref<1x128xi32, #tpu.memory_space<vmem>>
          %dma_wait3A_190 = tpu.memref_squeeze %dma_wait3A_189 : memref<1x128xi32, #tpu.memory_space<vmem>> -> memref<128xi32, #tpu.memory_space<vmem>>
          %dma_wait3A_191 = arith.constant 0 : i32
          %dma_wait3A_192 = arith.constant 0 : i32
          %dma_wait3A_193 = tpu.memref_slice %arg5[%arg1, %dma_wait3A_191, %dma_wait3A_192] : memref<16x79x128xi32, #tpu.memory_space<hbm>> -> memref<1x79x128xi32, #tpu.memory_space<hbm>>
          %dma_wait3A_194 = tpu.memref_squeeze %dma_wait3A_193 : memref<1x79x128xi32, #tpu.memory_space<hbm>> -> memref<79x128xi32, #tpu.memory_space<hbm>>
          %dma_wait3A_195 = arith.constant 0 : i32
          %dma_wait3A_196 = tpu.memref_slice %dma_wait3A_194[%scan3A_90, %dma_wait3A_195] : memref<79x128xi32, #tpu.memory_space<hbm>> -> memref<1x128xi32, #tpu.memory_space<hbm>>
          %dma_wait3A_197 = tpu.memref_squeeze %dma_wait3A_196 : memref<1x128xi32, #tpu.memory_space<hbm>> -> memref<128xi32, #tpu.memory_space<hbm>>
          tpu.wait_dma2 semaphore(%arg15 : memref<!tpu.dma_semaphore, #tpu.memory_space<semaphore_mem>>) src(%dma_wait3A_197 : memref<128xi32, #tpu.memory_space<hbm>>) dst(%dma_wait3A_190 : memref<128xi32, #tpu.memory_space<vmem>>)
        } else {
        }
        %eq3A_120 = arith.constant 1 : i32
        %eq3A_121 = arith.cmpi eq, %rem3A_91, %eq3A_120 : i32
        %convert_element_type3A_122 = arith.extui %eq3A_121 : i1 to i32
        %cond3A_123 = arith.constant 0 : i32
        %cond3A_124 = arith.cmpi ne, %convert_element_type3A_122, %cond3A_123 : i32
        scf.if %cond3A_124 {
          %dma_start3A_178 = arith.constant 0 : i32
          %dma_start3A_179 = arith.constant 0 : i32
          %dma_start3A_180 = tpu.memref_slice %arg12[%rem3A_91, %dma_start3A_178, %dma_start3A_179] : memref<2x128x128xf32, #tpu.memory_space<vmem>> -> memref<1x128x128xf32, #tpu.memory_space<vmem>>
          %dma_start3A_181 = tpu.memref_squeeze %dma_start3A_180 : memref<1x128x128xf32, #tpu.memory_space<vmem>> -> memref<128x128xf32, #tpu.memory_space<vmem>>
          %dma_start3A_182 = arith.constant 0 : i32
          %dma_start3A_183 = tpu.memref_slice %arg11[%rem3A_94, %dma_start3A_182] : memref<4x128xi32, #tpu.memory_space<vmem>> -> memref<1x128xi32, #tpu.memory_space<vmem>>
          %dma_start3A_184 = tpu.memref_squeeze %dma_start3A_183 : memref<1x128xi32, #tpu.memory_space<vmem>> -> memref<128xi32, #tpu.memory_space<vmem>>
          %dma_start3A_185 = arith.constant 0 : i32
          %dma_start3A_186 = arith.constant 0 : i32
          %dma_start3A_187 = tpu.memref_slice %arg9[%dma_start3A_185, %dma_start3A_186] : memref<10240x128xf32, #tpu.memory_space<vmem_shared>> -> memref<10240x128xf32, #tpu.memory_space<vmem_shared>>
          tpu.enqueue_indirect_dma source(%dma_start3A_181 : memref<128x128xf32, #tpu.memory_space<vmem>>) target(%dma_start3A_187 : memref<10240x128xf32, #tpu.memory_space<vmem_shared>>) offsets(%dma_start3A_184 : memref<128xi32, #tpu.memory_space<vmem>>) semaphore(%arg17 : memref<!tpu.dma_semaphore, #tpu.memory_space<semaphore_mem>>) {add = true}
        } else {
        }
        %sub3A_125 = arith.constant 1 : i32
        %sub3A_126 = arith.subi %scan3A_90, %sub3A_125 : i32
        %max3A = arith.constant 0 : i32
        %max3A_127 = arith.maxsi %sub3A_126, %max3A : i32
        %rem3A_128 = arith.constant 4 : i32
        %rem3A_129 = arith.remsi %max3A_127, %rem3A_128 : i32
        %ge3A = arith.constant 1 : i32
        %ge3A_130 = arith.cmpi sge, %scan3A_90, %ge3A : i32
        %eq3A_131 = arith.constant 0 : i32
        %eq3A_132 = arith.cmpi eq, %sub3A_92, %eq3A_131 : i32
        %and3A = arith.andi %ge3A_130, %eq3A_132 : i1
        %convert_element_type3A_133 = arith.extui %and3A : i1 to i32
        %cond3A_134 = arith.constant 0 : i32
        %cond3A_135 = arith.cmpi ne, %convert_element_type3A_133, %cond3A_134 : i32
        scf.if %cond3A_135 {
          %dma_wait3A_178 = arith.constant 0 : i32
          %dma_wait3A_179 = arith.constant 0 : i32
          %dma_wait3A_180 = tpu.memref_slice %arg12[%sub3A_92, %dma_wait3A_178, %dma_wait3A_179] : memref<2x128x128xf32, #tpu.memory_space<vmem>> -> memref<1x128x128xf32, #tpu.memory_space<vmem>>
          %dma_wait3A_181 = tpu.memref_squeeze %dma_wait3A_180 : memref<1x128x128xf32, #tpu.memory_space<vmem>> -> memref<128x128xf32, #tpu.memory_space<vmem>>
          %dma_wait3A_182 = arith.constant 0 : i32
          %dma_wait3A_183 = tpu.memref_slice %arg11[%rem3A_129, %dma_wait3A_182] : memref<4x128xi32, #tpu.memory_space<vmem>> -> memref<1x128xi32, #tpu.memory_space<vmem>>
          %dma_wait3A_184 = tpu.memref_squeeze %dma_wait3A_183 : memref<1x128xi32, #tpu.memory_space<vmem>> -> memref<128xi32, #tpu.memory_space<vmem>>
          %dma_wait3A_185 = arith.constant 0 : i32
          %dma_wait3A_186 = arith.constant 0 : i32
          %dma_wait3A_187 = tpu.memref_slice %arg9[%dma_wait3A_185, %dma_wait3A_186] : memref<10240x128xf32, #tpu.memory_space<vmem_shared>> -> memref<10240x128xf32, #tpu.memory_space<vmem_shared>>
          tpu.wait_indirect_dma semaphore(%arg16 : memref<!tpu.dma_semaphore, #tpu.memory_space<semaphore_mem>>) src(%dma_wait3A_181 : memref<128x128xf32, #tpu.memory_space<vmem>>) dst(%dma_wait3A_187 : memref<10240x128xf32, #tpu.memory_space<vmem_shared>>)
        } else {
        }
        %ge3A_136 = arith.constant 1 : i32
        %ge3A_137 = arith.cmpi sge, %scan3A_90, %ge3A_136 : i32
        %eq3A_138 = arith.constant 1 : i32
        %eq3A_139 = arith.cmpi eq, %sub3A_92, %eq3A_138 : i32
        %and3A_140 = arith.andi %ge3A_137, %eq3A_139 : i1
        %convert_element_type3A_141 = arith.extui %and3A_140 : i1 to i32
        %cond3A_142 = arith.constant 0 : i32
        %cond3A_143 = arith.cmpi ne, %convert_element_type3A_141, %cond3A_142 : i32
        scf.if %cond3A_143 {
          %dma_wait3A_178 = arith.constant 0 : i32
          %dma_wait3A_179 = arith.constant 0 : i32
          %dma_wait3A_180 = tpu.memref_slice %arg12[%sub3A_92, %dma_wait3A_178, %dma_wait3A_179] : memref<2x128x128xf32, #tpu.memory_space<vmem>> -> memref<1x128x128xf32, #tpu.memory_space<vmem>>
          %dma_wait3A_181 = tpu.memref_squeeze %dma_wait3A_180 : memref<1x128x128xf32, #tpu.memory_space<vmem>> -> memref<128x128xf32, #tpu.memory_space<vmem>>
          %dma_wait3A_182 = arith.constant 0 : i32
          %dma_wait3A_183 = tpu.memref_slice %arg11[%rem3A_129, %dma_wait3A_182] : memref<4x128xi32, #tpu.memory_space<vmem>> -> memref<1x128xi32, #tpu.memory_space<vmem>>
          %dma_wait3A_184 = tpu.memref_squeeze %dma_wait3A_183 : memref<1x128xi32, #tpu.memory_space<vmem>> -> memref<128xi32, #tpu.memory_space<vmem>>
          %dma_wait3A_185 = arith.constant 0 : i32
          %dma_wait3A_186 = arith.constant 0 : i32
          %dma_wait3A_187 = tpu.memref_slice %arg9[%dma_wait3A_185, %dma_wait3A_186] : memref<10240x128xf32, #tpu.memory_space<vmem_shared>> -> memref<10240x128xf32, #tpu.memory_space<vmem_shared>>
          tpu.wait_indirect_dma semaphore(%arg17 : memref<!tpu.dma_semaphore, #tpu.memory_space<semaphore_mem>>) src(%dma_wait3A_181 : memref<128x128xf32, #tpu.memory_space<vmem>>) dst(%dma_wait3A_187 : memref<10240x128xf32, #tpu.memory_space<vmem_shared>>)
        } else {
        }
        %add3A = arith.constant 1 : i32
        %add3A_144 = arith.addi %scan3A_90, %add3A : i32
        %min3A = arith.constant 78 : i32
        %min3A_145 = arith.minsi %add3A_144, %min3A : i32
        %add3A_146 = arith.constant 1 : i32
        %add3A_147 = arith.addi %scan3A_90, %add3A_146 : i32
        %lt3A = arith.constant 79 : i32
        %lt3A_148 = arith.cmpi slt, %add3A_147, %lt3A : i32
        %convert_element_type3A_149 = arith.extui %lt3A_148 : i1 to i32
        %cond3A_150 = arith.constant 0 : i32
        %cond3A_151 = arith.cmpi ne, %convert_element_type3A_149, %cond3A_150 : i32
        scf.if %cond3A_151 {
          %dma_start3A_178 = arith.constant 0 : i32
          %dma_start3A_179 = arith.constant 0 : i32
          %dma_start3A_180 = tpu.memref_slice %arg12[%sub3A_92, %dma_start3A_178, %dma_start3A_179] : memref<2x128x128xf32, #tpu.memory_space<vmem>> -> memref<1x128x128xf32, #tpu.memory_space<vmem>>
          %dma_start3A_181 = tpu.memref_squeeze %dma_start3A_180 : memref<1x128x128xf32, #tpu.memory_space<vmem>> -> memref<128x128xf32, #tpu.memory_space<vmem>>
          %dma_start3A_182 = arith.constant 0 : i32
          %dma_start3A_183 = tpu.memref_slice %arg10[%min3A_145, %dma_start3A_182] : memref<79x128xi32, #tpu.memory_space<vmem>> -> memref<1x128xi32, #tpu.memory_space<vmem>>
          %dma_start3A_184 = tpu.memref_squeeze %dma_start3A_183 : memref<1x128xi32, #tpu.memory_space<vmem>> -> memref<128xi32, #tpu.memory_space<vmem>>
          %dma_start3A_185 = arith.constant 0 : i32
          %dma_start3A_186 = arith.constant 0 : i32
          %dma_start3A_187 = tpu.memref_slice %arg2[%dma_start3A_185, %dma_start3A_186] : memref<10240x128xf32, #tpu.memory_space<hbm>> -> memref<10240x128xf32, #tpu.memory_space<hbm>>
          tpu.enqueue_indirect_dma source(%dma_start3A_187 : memref<10240x128xf32, #tpu.memory_space<hbm>>) target(%dma_start3A_181 : memref<128x128xf32, #tpu.memory_space<vmem>>) offsets(%dma_start3A_184 : memref<128xi32, #tpu.memory_space<vmem>>) semaphore(%arg13 : memref<!tpu.dma_semaphore, #tpu.memory_space<semaphore_mem>>)
        } else {
        }
        %add3A_152 = arith.constant 2 : i32
        %add3A_153 = arith.addi %scan3A_90, %add3A_152 : i32
        %min3A_154 = arith.constant 78 : i32
        %min3A_155 = arith.minsi %add3A_153, %min3A_154 : i32
        %rem3A_156 = arith.constant 4 : i32
        %rem3A_157 = arith.remsi %min3A_155, %rem3A_156 : i32
        %add3A_158 = arith.constant 2 : i32
        %add3A_159 = arith.addi %scan3A_90, %add3A_158 : i32
        %lt3A_160 = arith.constant 79 : i32
        %lt3A_161 = arith.cmpi slt, %add3A_159, %lt3A_160 : i32
        %eq3A_162 = arith.constant 0 : i32
        %eq3A_163 = arith.cmpi eq, %rem3A_91, %eq3A_162 : i32
        %and3A_164 = arith.andi %lt3A_161, %eq3A_163 : i1
        %convert_element_type3A_165 = arith.extui %and3A_164 : i1 to i32
        %cond3A_166 = arith.constant 0 : i32
        %cond3A_167 = arith.cmpi ne, %convert_element_type3A_165, %cond3A_166 : i32
        scf.if %cond3A_167 {
          %dma_start3A_178 = arith.constant 0 : i32
          %dma_start3A_179 = tpu.memref_slice %arg11[%rem3A_157, %dma_start3A_178] : memref<4x128xi32, #tpu.memory_space<vmem>> -> memref<1x128xi32, #tpu.memory_space<vmem>>
          %dma_start3A_180 = tpu.memref_squeeze %dma_start3A_179 : memref<1x128xi32, #tpu.memory_space<vmem>> -> memref<128xi32, #tpu.memory_space<vmem>>
          %dma_start3A_181 = arith.constant 0 : i32
          %dma_start3A_182 = arith.constant 0 : i32
          %dma_start3A_183 = tpu.memref_slice %arg5[%arg1, %dma_start3A_181, %dma_start3A_182] : memref<16x79x128xi32, #tpu.memory_space<hbm>> -> memref<1x79x128xi32, #tpu.memory_space<hbm>>
          %dma_start3A_184 = tpu.memref_squeeze %dma_start3A_183 : memref<1x79x128xi32, #tpu.memory_space<hbm>> -> memref<79x128xi32, #tpu.memory_space<hbm>>
          %dma_start3A_185 = arith.constant 0 : i32
          %dma_start3A_186 = tpu.memref_slice %dma_start3A_184[%min3A_155, %dma_start3A_185] : memref<79x128xi32, #tpu.memory_space<hbm>> -> memref<1x128xi32, #tpu.memory_space<hbm>>
          %dma_start3A_187 = tpu.memref_squeeze %dma_start3A_186 : memref<1x128xi32, #tpu.memory_space<hbm>> -> memref<128xi32, #tpu.memory_space<hbm>>
          %dma_start3A_188 = arith.constant 0 : i32
          %dma_start3A_189 = tpu.memref_slice %arg11[%rem3A_157, %dma_start3A_188] : memref<4x128xi32, #tpu.memory_space<vmem>> -> memref<1x128xi32, #tpu.memory_space<vmem>>
          %dma_start3A_190 = tpu.memref_squeeze %dma_start3A_189 : memref<1x128xi32, #tpu.memory_space<vmem>> -> memref<128xi32, #tpu.memory_space<vmem>>
          %dma_start3A_191 = arith.constant 0 : i32
          %dma_start3A_192 = arith.constant 0 : i32
          %dma_start3A_193 = tpu.memref_slice %arg5[%arg1, %dma_start3A_191, %dma_start3A_192] : memref<16x79x128xi32, #tpu.memory_space<hbm>> -> memref<1x79x128xi32, #tpu.memory_space<hbm>>
          %dma_start3A_194 = tpu.memref_squeeze %dma_start3A_193 : memref<1x79x128xi32, #tpu.memory_space<hbm>> -> memref<79x128xi32, #tpu.memory_space<hbm>>
          %dma_start3A_195 = arith.constant 0 : i32
          %dma_start3A_196 = tpu.memref_slice %dma_start3A_194[%min3A_155, %dma_start3A_195] : memref<79x128xi32, #tpu.memory_space<hbm>> -> memref<1x128xi32, #tpu.memory_space<hbm>>
          %dma_start3A_197 = tpu.memref_squeeze %dma_start3A_196 : memref<1x128xi32, #tpu.memory_space<hbm>> -> memref<128xi32, #tpu.memory_space<hbm>>
          tpu.enqueue_dma source(%dma_start3A_197 : memref<128xi32, #tpu.memory_space<hbm>>) target(%dma_start3A_190 : memref<128xi32, #tpu.memory_space<vmem>>) target_semaphore(%arg14 : memref<!tpu.dma_semaphore, #tpu.memory_space<semaphore_mem>>)
        } else {
        }
        %add3A_168 = arith.constant 2 : i32
        %add3A_169 = arith.addi %scan3A_90, %add3A_168 : i32
        %lt3A_170 = arith.constant 79 : i32
        %lt3A_171 = arith.cmpi slt, %add3A_169, %lt3A_170 : i32
        %eq3A_172 = arith.constant 1 : i32
        %eq3A_173 = arith.cmpi eq, %rem3A_91, %eq3A_172 : i32
        %and3A_174 = arith.andi %lt3A_171, %eq3A_173 : i1
        %convert_element_type3A_175 = arith.extui %and3A_174 : i1 to i32
        %cond3A_176 = arith.constant 0 : i32
        %cond3A_177 = arith.cmpi ne, %convert_element_type3A_175, %cond3A_176 : i32
        scf.if %cond3A_177 {
          %dma_start3A_178 = arith.constant 0 : i32
          %dma_start3A_179 = tpu.memref_slice %arg11[%rem3A_157, %dma_start3A_178] : memref<4x128xi32, #tpu.memory_space<vmem>> -> memref<1x128xi32, #tpu.memory_space<vmem>>
          %dma_start3A_180 = tpu.memref_squeeze %dma_start3A_179 : memref<1x128xi32, #tpu.memory_space<vmem>> -> memref<128xi32, #tpu.memory_space<vmem>>
          %dma_start3A_181 = arith.constant 0 : i32
          %dma_start3A_182 = arith.constant 0 : i32
          %dma_start3A_183 = tpu.memref_slice %arg5[%arg1, %dma_start3A_181, %dma_start3A_182] : memref<16x79x128xi32, #tpu.memory_space<hbm>> -> memref<1x79x128xi32, #tpu.memory_space<hbm>>
          %dma_start3A_184 = tpu.memref_squeeze %dma_start3A_183 : memref<1x79x128xi32, #tpu.memory_space<hbm>> -> memref<79x128xi32, #tpu.memory_space<hbm>>
          %dma_start3A_185 = arith.constant 0 : i32
          %dma_start3A_186 = tpu.memref_slice %dma_start3A_184[%min3A_155, %dma_start3A_185] : memref<79x128xi32, #tpu.memory_space<hbm>> -> memref<1x128xi32, #tpu.memory_space<hbm>>
          %dma_start3A_187 = tpu.memref_squeeze %dma_start3A_186 : memref<1x128xi32, #tpu.memory_space<hbm>> -> memref<128xi32, #tpu.memory_space<hbm>>
          %dma_start3A_188 = arith.constant 0 : i32
          %dma_start3A_189 = tpu.memref_slice %arg11[%rem3A_157, %dma_start3A_188] : memref<4x128xi32, #tpu.memory_space<vmem>> -> memref<1x128xi32, #tpu.memory_space<vmem>>
          %dma_start3A_190 = tpu.memref_squeeze %dma_start3A_189 : memref<1x128xi32, #tpu.memory_space<vmem>> -> memref<128xi32, #tpu.memory_space<vmem>>
          %dma_start3A_191 = arith.constant 0 : i32
          %dma_start3A_192 = arith.constant 0 : i32
          %dma_start3A_193 = tpu.memref_slice %arg5[%arg1, %dma_start3A_191, %dma_start3A_192] : memref<16x79x128xi32, #tpu.memory_space<hbm>> -> memref<1x79x128xi32, #tpu.memory_space<hbm>>
          %dma_start3A_194 = tpu.memref_squeeze %dma_start3A_193 : memref<1x79x128xi32, #tpu.memory_space<hbm>> -> memref<79x128xi32, #tpu.memory_space<hbm>>
          %dma_start3A_195 = arith.constant 0 : i32
          %dma_start3A_196 = tpu.memref_slice %dma_start3A_194[%min3A_155, %dma_start3A_195] : memref<79x128xi32, #tpu.memory_space<hbm>> -> memref<1x128xi32, #tpu.memory_space<hbm>>
          %dma_start3A_197 = tpu.memref_squeeze %dma_start3A_196 : memref<1x128xi32, #tpu.memory_space<hbm>> -> memref<128xi32, #tpu.memory_space<hbm>>
          tpu.enqueue_dma source(%dma_start3A_197 : memref<128xi32, #tpu.memory_space<hbm>>) target(%dma_start3A_190 : memref<128xi32, #tpu.memory_space<vmem>>) target_semaphore(%arg15 : memref<!tpu.dma_semaphore, #tpu.memory_space<semaphore_mem>>)
        } else {
        }
      }
      %scan3A_78 = arith.constant 79 : i32
      %dma_wait3A = arith.constant 0 : i32
      %dma_wait3A_79 = arith.constant 2 : i32
      %dma_wait3A_80 = arith.constant 0 : i32
      %dma_wait3A_81 = arith.constant 0 : i32
      %dma_wait3A_82 = tpu.memref_slice %arg12[%dma_wait3A, %dma_wait3A_80, %dma_wait3A_81] : memref<2x128x128xf32, #tpu.memory_space<vmem>> -> memref<1x128x128xf32, #tpu.memory_space<vmem>>
      %dma_wait3A_83 = tpu.memref_squeeze %dma_wait3A_82 : memref<1x128x128xf32, #tpu.memory_space<vmem>> -> memref<128x128xf32, #tpu.memory_space<vmem>>
      %dma_wait3A_84 = arith.constant 0 : i32
      %dma_wait3A_85 = tpu.memref_slice %arg11[%dma_wait3A_79, %dma_wait3A_84] : memref<4x128xi32, #tpu.memory_space<vmem>> -> memref<1x128xi32, #tpu.memory_space<vmem>>
      %dma_wait3A_86 = tpu.memref_squeeze %dma_wait3A_85 : memref<1x128xi32, #tpu.memory_space<vmem>> -> memref<128xi32, #tpu.memory_space<vmem>>
      %dma_wait3A_87 = arith.constant 0 : i32
      %dma_wait3A_88 = arith.constant 0 : i32
      %dma_wait3A_89 = tpu.memref_slice %arg9[%dma_wait3A_87, %dma_wait3A_88] : memref<10240x128xf32, #tpu.memory_space<vmem_shared>> -> memref<10240x128xf32, #tpu.memory_space<vmem_shared>>
      tpu.wait_indirect_dma semaphore(%arg16 : memref<!tpu.dma_semaphore, #tpu.memory_space<semaphore_mem>>) src(%dma_wait3A_83 : memref<128x128xf32, #tpu.memory_space<vmem>>) dst(%dma_wait3A_89 : memref<10240x128xf32, #tpu.memory_space<vmem_shared>>)
    } else {
    }
    %eq3A_3 = arith.constant 1 : i32
    %eq3A_4 = arith.cmpi eq, %arg0, %eq3A_3 : i32
    %convert_element_type3A_5 = arith.extui %eq3A_4 : i1 to i32
    %cond3A_6 = arith.constant 0 : i32
    %cond3A_7 = arith.cmpi ne, %convert_element_type3A_5, %cond3A_6 : i32
    scf.if %cond3A_7 {
      %dma_start3A = arith.constant 0 : i32
      %dma_start3A_19 = arith.constant 0 : i32
      %dma_start3A_20 = arith.constant 0 : i32
      %dma_start3A_21 = arith.constant 0 : i32
      %dma_start3A_22 = tpu.memref_slice %arg12[%dma_start3A_19, %dma_start3A_20, %dma_start3A_21] : memref<2x128x128xf32, #tpu.memory_space<vmem>> -> memref<1x128x128xf32, #tpu.memory_space<vmem>>
      %dma_start3A_23 = tpu.memref_squeeze %dma_start3A_22 : memref<1x128x128xf32, #tpu.memory_space<vmem>> -> memref<128x128xf32, #tpu.memory_space<vmem>>
      %dma_start3A_24 = arith.constant 0 : i32
      %dma_start3A_25 = tpu.memref_slice %arg10[%dma_start3A, %dma_start3A_24] : memref<79x128xi32, #tpu.memory_space<vmem>> -> memref<1x128xi32, #tpu.memory_space<vmem>>
      %dma_start3A_26 = tpu.memref_squeeze %dma_start3A_25 : memref<1x128xi32, #tpu.memory_space<vmem>> -> memref<128xi32, #tpu.memory_space<vmem>>
      %dma_start3A_27 = arith.constant 0 : i32
      %dma_start3A_28 = arith.constant 0 : i32
      %dma_start3A_29 = tpu.memref_slice %arg3[%dma_start3A_27, %dma_start3A_28] : memref<10240x128xf32, #tpu.memory_space<hbm>> -> memref<10240x128xf32, #tpu.memory_space<hbm>>
      tpu.enqueue_indirect_dma source(%dma_start3A_29 : memref<10240x128xf32, #tpu.memory_space<hbm>>) target(%dma_start3A_23 : memref<128x128xf32, #tpu.memory_space<vmem>>) offsets(%dma_start3A_26 : memref<128xi32, #tpu.memory_space<vmem>>) semaphore(%arg13 : memref<!tpu.dma_semaphore, #tpu.memory_space<semaphore_mem>>)
      %dma_start3A_30 = arith.constant 0 : i32
      %dma_start3A_31 = arith.constant 0 : i32
      %dma_start3A_32 = arith.constant 0 : i32
      %dma_start3A_33 = tpu.memref_slice %arg11[%dma_start3A_31, %dma_start3A_32] : memref<4x128xi32, #tpu.memory_space<vmem>> -> memref<1x128xi32, #tpu.memory_space<vmem>>
      %dma_start3A_34 = tpu.memref_squeeze %dma_start3A_33 : memref<1x128xi32, #tpu.memory_space<vmem>> -> memref<128xi32, #tpu.memory_space<vmem>>
      %dma_start3A_35 = arith.constant 0 : i32
      %dma_start3A_36 = arith.constant 0 : i32
      %dma_start3A_37 = tpu.memref_slice %arg5[%arg1, %dma_start3A_35, %dma_start3A_36] : memref<16x79x128xi32, #tpu.memory_space<hbm>> -> memref<1x79x128xi32, #tpu.memory_space<hbm>>
      %dma_start3A_38 = tpu.memref_squeeze %dma_start3A_37 : memref<1x79x128xi32, #tpu.memory_space<hbm>> -> memref<79x128xi32, #tpu.memory_space<hbm>>
      %dma_start3A_39 = arith.constant 0 : i32
      %dma_start3A_40 = tpu.memref_slice %dma_start3A_38[%dma_start3A_30, %dma_start3A_39] : memref<79x128xi32, #tpu.memory_space<hbm>> -> memref<1x128xi32, #tpu.memory_space<hbm>>
      %dma_start3A_41 = tpu.memref_squeeze %dma_start3A_40 : memref<1x128xi32, #tpu.memory_space<hbm>> -> memref<128xi32, #tpu.memory_space<hbm>>
      %dma_start3A_42 = arith.constant 0 : i32
      %dma_start3A_43 = tpu.memref_slice %arg11[%dma_start3A_31, %dma_start3A_42] : memref<4x128xi32, #tpu.memory_space<vmem>> -> memref<1x128xi32, #tpu.memory_space<vmem>>
      %dma_start3A_44 = tpu.memref_squeeze %dma_start3A_43 : memref<1x128xi32, #tpu.memory_space<vmem>> -> memref<128xi32, #tpu.memory_space<vmem>>
      %dma_start3A_45 = arith.constant 0 : i32
      %dma_start3A_46 = arith.constant 0 : i32
      %dma_start3A_47 = tpu.memref_slice %arg5[%arg1, %dma_start3A_45, %dma_start3A_46] : memref<16x79x128xi32, #tpu.memory_space<hbm>> -> memref<1x79x128xi32, #tpu.memory_space<hbm>>
      %dma_start3A_48 = tpu.memref_squeeze %dma_start3A_47 : memref<1x79x128xi32, #tpu.memory_space<hbm>> -> memref<79x128xi32, #tpu.memory_space<hbm>>
      %dma_start3A_49 = arith.constant 0 : i32
      %dma_start3A_50 = tpu.memref_slice %dma_start3A_48[%dma_start3A_30, %dma_start3A_49] : memref<79x128xi32, #tpu.memory_space<hbm>> -> memref<1x128xi32, #tpu.memory_space<hbm>>
      %dma_start3A_51 = tpu.memref_squeeze %dma_start3A_50 : memref<1x128xi32, #tpu.memory_space<hbm>> -> memref<128xi32, #tpu.memory_space<hbm>>
      tpu.enqueue_dma source(%dma_start3A_51 : memref<128xi32, #tpu.memory_space<hbm>>) target(%dma_start3A_44 : memref<128xi32, #tpu.memory_space<vmem>>) target_semaphore(%arg14 : memref<!tpu.dma_semaphore, #tpu.memory_space<semaphore_mem>>)
      %dma_start3A_52 = arith.constant 1 : i32
      %dma_start3A_53 = arith.constant 1 : i32
      %dma_start3A_54 = arith.constant 0 : i32
      %dma_start3A_55 = tpu.memref_slice %arg11[%dma_start3A_53, %dma_start3A_54] : memref<4x128xi32, #tpu.memory_space<vmem>> -> memref<1x128xi32, #tpu.memory_space<vmem>>
      %dma_start3A_56 = tpu.memref_squeeze %dma_start3A_55 : memref<1x128xi32, #tpu.memory_space<vmem>> -> memref<128xi32, #tpu.memory_space<vmem>>
      %dma_start3A_57 = arith.constant 0 : i32
      %dma_start3A_58 = arith.constant 0 : i32
      %dma_start3A_59 = tpu.memref_slice %arg5[%arg1, %dma_start3A_57, %dma_start3A_58] : memref<16x79x128xi32, #tpu.memory_space<hbm>> -> memref<1x79x128xi32, #tpu.memory_space<hbm>>
      %dma_start3A_60 = tpu.memref_squeeze %dma_start3A_59 : memref<1x79x128xi32, #tpu.memory_space<hbm>> -> memref<79x128xi32, #tpu.memory_space<hbm>>
      %dma_start3A_61 = arith.constant 0 : i32
      %dma_start3A_62 = tpu.memref_slice %dma_start3A_60[%dma_start3A_52, %dma_start3A_61] : memref<79x128xi32, #tpu.memory_space<hbm>> -> memref<1x128xi32, #tpu.memory_space<hbm>>
      %dma_start3A_63 = tpu.memref_squeeze %dma_start3A_62 : memref<1x128xi32, #tpu.memory_space<hbm>> -> memref<128xi32, #tpu.memory_space<hbm>>
      %dma_start3A_64 = arith.constant 0 : i32
      %dma_start3A_65 = tpu.memref_slice %arg11[%dma_start3A_53, %dma_start3A_64] : memref<4x128xi32, #tpu.memory_space<vmem>> -> memref<1x128xi32, #tpu.memory_space<vmem>>
      %dma_start3A_66 = tpu.memref_squeeze %dma_start3A_65 : memref<1x128xi32, #tpu.memory_space<vmem>> -> memref<128xi32, #tpu.memory_space<vmem>>
      %dma_start3A_67 = arith.constant 0 : i32
      %dma_start3A_68 = arith.constant 0 : i32
      %dma_start3A_69 = tpu.memref_slice %arg5[%arg1, %dma_start3A_67, %dma_start3A_68] : memref<16x79x128xi32, #tpu.memory_space<hbm>> -> memref<1x79x128xi32, #tpu.memory_space<hbm>>
      %dma_start3A_70 = tpu.memref_squeeze %dma_start3A_69 : memref<1x79x128xi32, #tpu.memory_space<hbm>> -> memref<79x128xi32, #tpu.memory_space<hbm>>
      %dma_start3A_71 = arith.constant 0 : i32
      %dma_start3A_72 = tpu.memref_slice %dma_start3A_70[%dma_start3A_52, %dma_start3A_71] : memref<79x128xi32, #tpu.memory_space<hbm>> -> memref<1x128xi32, #tpu.memory_space<hbm>>
      %dma_start3A_73 = tpu.memref_squeeze %dma_start3A_72 : memref<1x128xi32, #tpu.memory_space<hbm>> -> memref<128xi32, #tpu.memory_space<hbm>>
      tpu.enqueue_dma source(%dma_start3A_73 : memref<128xi32, #tpu.memory_space<hbm>>) target(%dma_start3A_66 : memref<128xi32, #tpu.memory_space<vmem>>) target_semaphore(%arg15 : memref<!tpu.dma_semaphore, #tpu.memory_space<semaphore_mem>>)
      %scan3A = arith.constant 0 : i32
      %scan3A_74 = arith.constant 0 : i32
      %scan3A_75 = arith.constant 79 : i32
      %scan3A_76 = arith.addi %scan3A_74, %scan3A_75 : i32
      %scan3A_77 = arith.constant 1 : i32
      scf.for %scan3A_90 = %scan3A_74 to %scan3A_76 step %scan3A_77  : i32 {
        %rem3A = arith.constant 2 : i32
        %rem3A_91 = arith.remsi %scan3A_90, %rem3A : i32
        %sub3A = arith.constant 1 : i32
        %sub3A_92 = arith.subi %sub3A, %rem3A_91 : i32
        %rem3A_93 = arith.constant 4 : i32
        %rem3A_94 = arith.remsi %scan3A_90, %rem3A_93 : i32
        %dma_wait3A_95 = arith.constant 0 : i32
        %dma_wait3A_96 = arith.constant 0 : i32
        %dma_wait3A_97 = tpu.memref_slice %arg12[%rem3A_91, %dma_wait3A_95, %dma_wait3A_96] : memref<2x128x128xf32, #tpu.memory_space<vmem>> -> memref<1x128x128xf32, #tpu.memory_space<vmem>>
        %dma_wait3A_98 = tpu.memref_squeeze %dma_wait3A_97 : memref<1x128x128xf32, #tpu.memory_space<vmem>> -> memref<128x128xf32, #tpu.memory_space<vmem>>
        %dma_wait3A_99 = arith.constant 0 : i32
        %dma_wait3A_100 = tpu.memref_slice %arg10[%scan3A_90, %dma_wait3A_99] : memref<79x128xi32, #tpu.memory_space<vmem>> -> memref<1x128xi32, #tpu.memory_space<vmem>>
        %dma_wait3A_101 = tpu.memref_squeeze %dma_wait3A_100 : memref<1x128xi32, #tpu.memory_space<vmem>> -> memref<128xi32, #tpu.memory_space<vmem>>
        %dma_wait3A_102 = arith.constant 0 : i32
        %dma_wait3A_103 = arith.constant 0 : i32
        %dma_wait3A_104 = tpu.memref_slice %arg3[%dma_wait3A_102, %dma_wait3A_103] : memref<10240x128xf32, #tpu.memory_space<hbm>> -> memref<10240x128xf32, #tpu.memory_space<hbm>>
        tpu.wait_indirect_dma semaphore(%arg13 : memref<!tpu.dma_semaphore, #tpu.memory_space<semaphore_mem>>) src(%dma_wait3A_104 : memref<10240x128xf32, #tpu.memory_space<hbm>>) dst(%dma_wait3A_98 : memref<128x128xf32, #tpu.memory_space<vmem>>)
        %eq3A_105 = arith.constant 0 : i32
        %eq3A_106 = arith.cmpi eq, %rem3A_91, %eq3A_105 : i32
        %convert_element_type3A_107 = arith.extui %eq3A_106 : i1 to i32
        %cond3A_108 = arith.constant 0 : i32
        %cond3A_109 = arith.cmpi ne, %convert_element_type3A_107, %cond3A_108 : i32
        scf.if %cond3A_109 {
          %dma_wait3A_178 = arith.constant 0 : i32
          %dma_wait3A_179 = tpu.memref_slice %arg11[%rem3A_94, %dma_wait3A_178] : memref<4x128xi32, #tpu.memory_space<vmem>> -> memref<1x128xi32, #tpu.memory_space<vmem>>
          %dma_wait3A_180 = tpu.memref_squeeze %dma_wait3A_179 : memref<1x128xi32, #tpu.memory_space<vmem>> -> memref<128xi32, #tpu.memory_space<vmem>>
          %dma_wait3A_181 = arith.constant 0 : i32
          %dma_wait3A_182 = arith.constant 0 : i32
          %dma_wait3A_183 = tpu.memref_slice %arg5[%arg1, %dma_wait3A_181, %dma_wait3A_182] : memref<16x79x128xi32, #tpu.memory_space<hbm>> -> memref<1x79x128xi32, #tpu.memory_space<hbm>>
          %dma_wait3A_184 = tpu.memref_squeeze %dma_wait3A_183 : memref<1x79x128xi32, #tpu.memory_space<hbm>> -> memref<79x128xi32, #tpu.memory_space<hbm>>
          %dma_wait3A_185 = arith.constant 0 : i32
          %dma_wait3A_186 = tpu.memref_slice %dma_wait3A_184[%scan3A_90, %dma_wait3A_185] : memref<79x128xi32, #tpu.memory_space<hbm>> -> memref<1x128xi32, #tpu.memory_space<hbm>>
          %dma_wait3A_187 = tpu.memref_squeeze %dma_wait3A_186 : memref<1x128xi32, #tpu.memory_space<hbm>> -> memref<128xi32, #tpu.memory_space<hbm>>
          %dma_wait3A_188 = arith.constant 0 : i32
          %dma_wait3A_189 = tpu.memref_slice %arg11[%rem3A_94, %dma_wait3A_188] : memref<4x128xi32, #tpu.memory_space<vmem>> -> memref<1x128xi32, #tpu.memory_space<vmem>>
          %dma_wait3A_190 = tpu.memref_squeeze %dma_wait3A_189 : memref<1x128xi32, #tpu.memory_space<vmem>> -> memref<128xi32, #tpu.memory_space<vmem>>
          %dma_wait3A_191 = arith.constant 0 : i32
          %dma_wait3A_192 = arith.constant 0 : i32
          %dma_wait3A_193 = tpu.memref_slice %arg5[%arg1, %dma_wait3A_191, %dma_wait3A_192] : memref<16x79x128xi32, #tpu.memory_space<hbm>> -> memref<1x79x128xi32, #tpu.memory_space<hbm>>
          %dma_wait3A_194 = tpu.memref_squeeze %dma_wait3A_193 : memref<1x79x128xi32, #tpu.memory_space<hbm>> -> memref<79x128xi32, #tpu.memory_space<hbm>>
          %dma_wait3A_195 = arith.constant 0 : i32
          %dma_wait3A_196 = tpu.memref_slice %dma_wait3A_194[%scan3A_90, %dma_wait3A_195] : memref<79x128xi32, #tpu.memory_space<hbm>> -> memref<1x128xi32, #tpu.memory_space<hbm>>
          %dma_wait3A_197 = tpu.memref_squeeze %dma_wait3A_196 : memref<1x128xi32, #tpu.memory_space<hbm>> -> memref<128xi32, #tpu.memory_space<hbm>>
          tpu.wait_dma2 semaphore(%arg14 : memref<!tpu.dma_semaphore, #tpu.memory_space<semaphore_mem>>) src(%dma_wait3A_197 : memref<128xi32, #tpu.memory_space<hbm>>) dst(%dma_wait3A_190 : memref<128xi32, #tpu.memory_space<vmem>>)
        } else {
        }
        %eq3A_110 = arith.constant 0 : i32
        %eq3A_111 = arith.cmpi eq, %rem3A_91, %eq3A_110 : i32
        %convert_element_type3A_112 = arith.extui %eq3A_111 : i1 to i32
        %cond3A_113 = arith.constant 0 : i32
        %cond3A_114 = arith.cmpi ne, %convert_element_type3A_112, %cond3A_113 : i32
        scf.if %cond3A_114 {
          %dma_start3A_178 = arith.constant 0 : i32
          %dma_start3A_179 = arith.constant 0 : i32
          %dma_start3A_180 = tpu.memref_slice %arg12[%rem3A_91, %dma_start3A_178, %dma_start3A_179] : memref<2x128x128xf32, #tpu.memory_space<vmem>> -> memref<1x128x128xf32, #tpu.memory_space<vmem>>
          %dma_start3A_181 = tpu.memref_squeeze %dma_start3A_180 : memref<1x128x128xf32, #tpu.memory_space<vmem>> -> memref<128x128xf32, #tpu.memory_space<vmem>>
          %dma_start3A_182 = arith.constant 0 : i32
          %dma_start3A_183 = tpu.memref_slice %arg11[%rem3A_94, %dma_start3A_182] : memref<4x128xi32, #tpu.memory_space<vmem>> -> memref<1x128xi32, #tpu.memory_space<vmem>>
          %dma_start3A_184 = tpu.memref_squeeze %dma_start3A_183 : memref<1x128xi32, #tpu.memory_space<vmem>> -> memref<128xi32, #tpu.memory_space<vmem>>
          %dma_start3A_185 = arith.constant 0 : i32
          %dma_start3A_186 = arith.constant 0 : i32
          %dma_start3A_187 = tpu.memref_slice %arg9[%dma_start3A_185, %dma_start3A_186] : memref<10240x128xf32, #tpu.memory_space<vmem_shared>> -> memref<10240x128xf32, #tpu.memory_space<vmem_shared>>
          tpu.enqueue_indirect_dma source(%dma_start3A_181 : memref<128x128xf32, #tpu.memory_space<vmem>>) target(%dma_start3A_187 : memref<10240x128xf32, #tpu.memory_space<vmem_shared>>) offsets(%dma_start3A_184 : memref<128xi32, #tpu.memory_space<vmem>>) semaphore(%arg16 : memref<!tpu.dma_semaphore, #tpu.memory_space<semaphore_mem>>) {add = true}
        } else {
        }
        %eq3A_115 = arith.constant 1 : i32
        %eq3A_116 = arith.cmpi eq, %rem3A_91, %eq3A_115 : i32
        %convert_element_type3A_117 = arith.extui %eq3A_116 : i1 to i32
        %cond3A_118 = arith.constant 0 : i32
        %cond3A_119 = arith.cmpi ne, %convert_element_type3A_117, %cond3A_118 : i32
        scf.if %cond3A_119 {
          %dma_wait3A_178 = arith.constant 0 : i32
          %dma_wait3A_179 = tpu.memref_slice %arg11[%rem3A_94, %dma_wait3A_178] : memref<4x128xi32, #tpu.memory_space<vmem>> -> memref<1x128xi32, #tpu.memory_space<vmem>>
          %dma_wait3A_180 = tpu.memref_squeeze %dma_wait3A_179 : memref<1x128xi32, #tpu.memory_space<vmem>> -> memref<128xi32, #tpu.memory_space<vmem>>
          %dma_wait3A_181 = arith.constant 0 : i32
          %dma_wait3A_182 = arith.constant 0 : i32
          %dma_wait3A_183 = tpu.memref_slice %arg5[%arg1, %dma_wait3A_181, %dma_wait3A_182] : memref<16x79x128xi32, #tpu.memory_space<hbm>> -> memref<1x79x128xi32, #tpu.memory_space<hbm>>
          %dma_wait3A_184 = tpu.memref_squeeze %dma_wait3A_183 : memref<1x79x128xi32, #tpu.memory_space<hbm>> -> memref<79x128xi32, #tpu.memory_space<hbm>>
          %dma_wait3A_185 = arith.constant 0 : i32
          %dma_wait3A_186 = tpu.memref_slice %dma_wait3A_184[%scan3A_90, %dma_wait3A_185] : memref<79x128xi32, #tpu.memory_space<hbm>> -> memref<1x128xi32, #tpu.memory_space<hbm>>
          %dma_wait3A_187 = tpu.memref_squeeze %dma_wait3A_186 : memref<1x128xi32, #tpu.memory_space<hbm>> -> memref<128xi32, #tpu.memory_space<hbm>>
          %dma_wait3A_188 = arith.constant 0 : i32
          %dma_wait3A_189 = tpu.memref_slice %arg11[%rem3A_94, %dma_wait3A_188] : memref<4x128xi32, #tpu.memory_space<vmem>> -> memref<1x128xi32, #tpu.memory_space<vmem>>
          %dma_wait3A_190 = tpu.memref_squeeze %dma_wait3A_189 : memref<1x128xi32, #tpu.memory_space<vmem>> -> memref<128xi32, #tpu.memory_space<vmem>>
          %dma_wait3A_191 = arith.constant 0 : i32
          %dma_wait3A_192 = arith.constant 0 : i32
          %dma_wait3A_193 = tpu.memref_slice %arg5[%arg1, %dma_wait3A_191, %dma_wait3A_192] : memref<16x79x128xi32, #tpu.memory_space<hbm>> -> memref<1x79x128xi32, #tpu.memory_space<hbm>>
          %dma_wait3A_194 = tpu.memref_squeeze %dma_wait3A_193 : memref<1x79x128xi32, #tpu.memory_space<hbm>> -> memref<79x128xi32, #tpu.memory_space<hbm>>
          %dma_wait3A_195 = arith.constant 0 : i32
          %dma_wait3A_196 = tpu.memref_slice %dma_wait3A_194[%scan3A_90, %dma_wait3A_195] : memref<79x128xi32, #tpu.memory_space<hbm>> -> memref<1x128xi32, #tpu.memory_space<hbm>>
          %dma_wait3A_197 = tpu.memref_squeeze %dma_wait3A_196 : memref<1x128xi32, #tpu.memory_space<hbm>> -> memref<128xi32, #tpu.memory_space<hbm>>
          tpu.wait_dma2 semaphore(%arg15 : memref<!tpu.dma_semaphore, #tpu.memory_space<semaphore_mem>>) src(%dma_wait3A_197 : memref<128xi32, #tpu.memory_space<hbm>>) dst(%dma_wait3A_190 : memref<128xi32, #tpu.memory_space<vmem>>)
        } else {
        }
        %eq3A_120 = arith.constant 1 : i32
        %eq3A_121 = arith.cmpi eq, %rem3A_91, %eq3A_120 : i32
        %convert_element_type3A_122 = arith.extui %eq3A_121 : i1 to i32
        %cond3A_123 = arith.constant 0 : i32
        %cond3A_124 = arith.cmpi ne, %convert_element_type3A_122, %cond3A_123 : i32
        scf.if %cond3A_124 {
          %dma_start3A_178 = arith.constant 0 : i32
          %dma_start3A_179 = arith.constant 0 : i32
          %dma_start3A_180 = tpu.memref_slice %arg12[%rem3A_91, %dma_start3A_178, %dma_start3A_179] : memref<2x128x128xf32, #tpu.memory_space<vmem>> -> memref<1x128x128xf32, #tpu.memory_space<vmem>>
          %dma_start3A_181 = tpu.memref_squeeze %dma_start3A_180 : memref<1x128x128xf32, #tpu.memory_space<vmem>> -> memref<128x128xf32, #tpu.memory_space<vmem>>
          %dma_start3A_182 = arith.constant 0 : i32
          %dma_start3A_183 = tpu.memref_slice %arg11[%rem3A_94, %dma_start3A_182] : memref<4x128xi32, #tpu.memory_space<vmem>> -> memref<1x128xi32, #tpu.memory_space<vmem>>
          %dma_start3A_184 = tpu.memref_squeeze %dma_start3A_183 : memref<1x128xi32, #tpu.memory_space<vmem>> -> memref<128xi32, #tpu.memory_space<vmem>>
          %dma_start3A_185 = arith.constant 0 : i32
          %dma_start3A_186 = arith.constant 0 : i32
          %dma_start3A_187 = tpu.memref_slice %arg9[%dma_start3A_185, %dma_start3A_186] : memref<10240x128xf32, #tpu.memory_space<vmem_shared>> -> memref<10240x128xf32, #tpu.memory_space<vmem_shared>>
          tpu.enqueue_indirect_dma source(%dma_start3A_181 : memref<128x128xf32, #tpu.memory_space<vmem>>) target(%dma_start3A_187 : memref<10240x128xf32, #tpu.memory_space<vmem_shared>>) offsets(%dma_start3A_184 : memref<128xi32, #tpu.memory_space<vmem>>) semaphore(%arg17 : memref<!tpu.dma_semaphore, #tpu.memory_space<semaphore_mem>>) {add = true}
        } else {
        }
        %sub3A_125 = arith.constant 1 : i32
        %sub3A_126 = arith.subi %scan3A_90, %sub3A_125 : i32
        %max3A = arith.constant 0 : i32
        %max3A_127 = arith.maxsi %sub3A_126, %max3A : i32
        %rem3A_128 = arith.constant 4 : i32
        %rem3A_129 = arith.remsi %max3A_127, %rem3A_128 : i32
        %ge3A = arith.constant 1 : i32
        %ge3A_130 = arith.cmpi sge, %scan3A_90, %ge3A : i32
        %eq3A_131 = arith.constant 0 : i32
        %eq3A_132 = arith.cmpi eq, %sub3A_92, %eq3A_131 : i32
        %and3A = arith.andi %ge3A_130, %eq3A_132 : i1
        %convert_element_type3A_133 = arith.extui %and3A : i1 to i32
        %cond3A_134 = arith.constant 0 : i32
        %cond3A_135 = arith.cmpi ne, %convert_element_type3A_133, %cond3A_134 : i32
        scf.if %cond3A_135 {
          %dma_wait3A_178 = arith.constant 0 : i32
          %dma_wait3A_179 = arith.constant 0 : i32
          %dma_wait3A_180 = tpu.memref_slice %arg12[%sub3A_92, %dma_wait3A_178, %dma_wait3A_179] : memref<2x128x128xf32, #tpu.memory_space<vmem>> -> memref<1x128x128xf32, #tpu.memory_space<vmem>>
          %dma_wait3A_181 = tpu.memref_squeeze %dma_wait3A_180 : memref<1x128x128xf32, #tpu.memory_space<vmem>> -> memref<128x128xf32, #tpu.memory_space<vmem>>
          %dma_wait3A_182 = arith.constant 0 : i32
          %dma_wait3A_183 = tpu.memref_slice %arg11[%rem3A_129, %dma_wait3A_182] : memref<4x128xi32, #tpu.memory_space<vmem>> -> memref<1x128xi32, #tpu.memory_space<vmem>>
          %dma_wait3A_184 = tpu.memref_squeeze %dma_wait3A_183 : memref<1x128xi32, #tpu.memory_space<vmem>> -> memref<128xi32, #tpu.memory_space<vmem>>
          %dma_wait3A_185 = arith.constant 0 : i32
          %dma_wait3A_186 = arith.constant 0 : i32
          %dma_wait3A_187 = tpu.memref_slice %arg9[%dma_wait3A_185, %dma_wait3A_186] : memref<10240x128xf32, #tpu.memory_space<vmem_shared>> -> memref<10240x128xf32, #tpu.memory_space<vmem_shared>>
          tpu.wait_indirect_dma semaphore(%arg16 : memref<!tpu.dma_semaphore, #tpu.memory_space<semaphore_mem>>) src(%dma_wait3A_181 : memref<128x128xf32, #tpu.memory_space<vmem>>) dst(%dma_wait3A_187 : memref<10240x128xf32, #tpu.memory_space<vmem_shared>>)
        } else {
        }
        %ge3A_136 = arith.constant 1 : i32
        %ge3A_137 = arith.cmpi sge, %scan3A_90, %ge3A_136 : i32
        %eq3A_138 = arith.constant 1 : i32
        %eq3A_139 = arith.cmpi eq, %sub3A_92, %eq3A_138 : i32
        %and3A_140 = arith.andi %ge3A_137, %eq3A_139 : i1
        %convert_element_type3A_141 = arith.extui %and3A_140 : i1 to i32
        %cond3A_142 = arith.constant 0 : i32
        %cond3A_143 = arith.cmpi ne, %convert_element_type3A_141, %cond3A_142 : i32
        scf.if %cond3A_143 {
          %dma_wait3A_178 = arith.constant 0 : i32
          %dma_wait3A_179 = arith.constant 0 : i32
          %dma_wait3A_180 = tpu.memref_slice %arg12[%sub3A_92, %dma_wait3A_178, %dma_wait3A_179] : memref<2x128x128xf32, #tpu.memory_space<vmem>> -> memref<1x128x128xf32, #tpu.memory_space<vmem>>
          %dma_wait3A_181 = tpu.memref_squeeze %dma_wait3A_180 : memref<1x128x128xf32, #tpu.memory_space<vmem>> -> memref<128x128xf32, #tpu.memory_space<vmem>>
          %dma_wait3A_182 = arith.constant 0 : i32
          %dma_wait3A_183 = tpu.memref_slice %arg11[%rem3A_129, %dma_wait3A_182] : memref<4x128xi32, #tpu.memory_space<vmem>> -> memref<1x128xi32, #tpu.memory_space<vmem>>
          %dma_wait3A_184 = tpu.memref_squeeze %dma_wait3A_183 : memref<1x128xi32, #tpu.memory_space<vmem>> -> memref<128xi32, #tpu.memory_space<vmem>>
          %dma_wait3A_185 = arith.constant 0 : i32
          %dma_wait3A_186 = arith.constant 0 : i32
          %dma_wait3A_187 = tpu.memref_slice %arg9[%dma_wait3A_185, %dma_wait3A_186] : memref<10240x128xf32, #tpu.memory_space<vmem_shared>> -> memref<10240x128xf32, #tpu.memory_space<vmem_shared>>
          tpu.wait_indirect_dma semaphore(%arg17 : memref<!tpu.dma_semaphore, #tpu.memory_space<semaphore_mem>>) src(%dma_wait3A_181 : memref<128x128xf32, #tpu.memory_space<vmem>>) dst(%dma_wait3A_187 : memref<10240x128xf32, #tpu.memory_space<vmem_shared>>)
        } else {
        }
        %add3A = arith.constant 1 : i32
        %add3A_144 = arith.addi %scan3A_90, %add3A : i32
        %min3A = arith.constant 78 : i32
        %min3A_145 = arith.minsi %add3A_144, %min3A : i32
        %add3A_146 = arith.constant 1 : i32
        %add3A_147 = arith.addi %scan3A_90, %add3A_146 : i32
        %lt3A = arith.constant 79 : i32
        %lt3A_148 = arith.cmpi slt, %add3A_147, %lt3A : i32
        %convert_element_type3A_149 = arith.extui %lt3A_148 : i1 to i32
        %cond3A_150 = arith.constant 0 : i32
        %cond3A_151 = arith.cmpi ne, %convert_element_type3A_149, %cond3A_150 : i32
        scf.if %cond3A_151 {
          %dma_start3A_178 = arith.constant 0 : i32
          %dma_start3A_179 = arith.constant 0 : i32
          %dma_start3A_180 = tpu.memref_slice %arg12[%sub3A_92, %dma_start3A_178, %dma_start3A_179] : memref<2x128x128xf32, #tpu.memory_space<vmem>> -> memref<1x128x128xf32, #tpu.memory_space<vmem>>
          %dma_start3A_181 = tpu.memref_squeeze %dma_start3A_180 : memref<1x128x128xf32, #tpu.memory_space<vmem>> -> memref<128x128xf32, #tpu.memory_space<vmem>>
          %dma_start3A_182 = arith.constant 0 : i32
          %dma_start3A_183 = tpu.memref_slice %arg10[%min3A_145, %dma_start3A_182] : memref<79x128xi32, #tpu.memory_space<vmem>> -> memref<1x128xi32, #tpu.memory_space<vmem>>
          %dma_start3A_184 = tpu.memref_squeeze %dma_start3A_183 : memref<1x128xi32, #tpu.memory_space<vmem>> -> memref<128xi32, #tpu.memory_space<vmem>>
          %dma_start3A_185 = arith.constant 0 : i32
          %dma_start3A_186 = arith.constant 0 : i32
          %dma_start3A_187 = tpu.memref_slice %arg3[%dma_start3A_185, %dma_start3A_186] : memref<10240x128xf32, #tpu.memory_space<hbm>> -> memref<10240x128xf32, #tpu.memory_space<hbm>>
          tpu.enqueue_indirect_dma source(%dma_start3A_187 : memref<10240x128xf32, #tpu.memory_space<hbm>>) target(%dma_start3A_181 : memref<128x128xf32, #tpu.memory_space<vmem>>) offsets(%dma_start3A_184 : memref<128xi32, #tpu.memory_space<vmem>>) semaphore(%arg13 : memref<!tpu.dma_semaphore, #tpu.memory_space<semaphore_mem>>)
        } else {
        }
        %add3A_152 = arith.constant 2 : i32
        %add3A_153 = arith.addi %scan3A_90, %add3A_152 : i32
        %min3A_154 = arith.constant 78 : i32
        %min3A_155 = arith.minsi %add3A_153, %min3A_154 : i32
        %rem3A_156 = arith.constant 4 : i32
        %rem3A_157 = arith.remsi %min3A_155, %rem3A_156 : i32
        %add3A_158 = arith.constant 2 : i32
        %add3A_159 = arith.addi %scan3A_90, %add3A_158 : i32
        %lt3A_160 = arith.constant 79 : i32
        %lt3A_161 = arith.cmpi slt, %add3A_159, %lt3A_160 : i32
        %eq3A_162 = arith.constant 0 : i32
        %eq3A_163 = arith.cmpi eq, %rem3A_91, %eq3A_162 : i32
        %and3A_164 = arith.andi %lt3A_161, %eq3A_163 : i1
        %convert_element_type3A_165 = arith.extui %and3A_164 : i1 to i32
        %cond3A_166 = arith.constant 0 : i32
        %cond3A_167 = arith.cmpi ne, %convert_element_type3A_165, %cond3A_166 : i32
        scf.if %cond3A_167 {
          %dma_start3A_178 = arith.constant 0 : i32
          %dma_start3A_179 = tpu.memref_slice %arg11[%rem3A_157, %dma_start3A_178] : memref<4x128xi32, #tpu.memory_space<vmem>> -> memref<1x128xi32, #tpu.memory_space<vmem>>
          %dma_start3A_180 = tpu.memref_squeeze %dma_start3A_179 : memref<1x128xi32, #tpu.memory_space<vmem>> -> memref<128xi32, #tpu.memory_space<vmem>>
          %dma_start3A_181 = arith.constant 0 : i32
          %dma_start3A_182 = arith.constant 0 : i32
          %dma_start3A_183 = tpu.memref_slice %arg5[%arg1, %dma_start3A_181, %dma_start3A_182] : memref<16x79x128xi32, #tpu.memory_space<hbm>> -> memref<1x79x128xi32, #tpu.memory_space<hbm>>
          %dma_start3A_184 = tpu.memref_squeeze %dma_start3A_183 : memref<1x79x128xi32, #tpu.memory_space<hbm>> -> memref<79x128xi32, #tpu.memory_space<hbm>>
          %dma_start3A_185 = arith.constant 0 : i32
          %dma_start3A_186 = tpu.memref_slice %dma_start3A_184[%min3A_155, %dma_start3A_185] : memref<79x128xi32, #tpu.memory_space<hbm>> -> memref<1x128xi32, #tpu.memory_space<hbm>>
          %dma_start3A_187 = tpu.memref_squeeze %dma_start3A_186 : memref<1x128xi32, #tpu.memory_space<hbm>> -> memref<128xi32, #tpu.memory_space<hbm>>
          %dma_start3A_188 = arith.constant 0 : i32
          %dma_start3A_189 = tpu.memref_slice %arg11[%rem3A_157, %dma_start3A_188] : memref<4x128xi32, #tpu.memory_space<vmem>> -> memref<1x128xi32, #tpu.memory_space<vmem>>
          %dma_start3A_190 = tpu.memref_squeeze %dma_start3A_189 : memref<1x128xi32, #tpu.memory_space<vmem>> -> memref<128xi32, #tpu.memory_space<vmem>>
          %dma_start3A_191 = arith.constant 0 : i32
          %dma_start3A_192 = arith.constant 0 : i32
          %dma_start3A_193 = tpu.memref_slice %arg5[%arg1, %dma_start3A_191, %dma_start3A_192] : memref<16x79x128xi32, #tpu.memory_space<hbm>> -> memref<1x79x128xi32, #tpu.memory_space<hbm>>
          %dma_start3A_194 = tpu.memref_squeeze %dma_start3A_193 : memref<1x79x128xi32, #tpu.memory_space<hbm>> -> memref<79x128xi32, #tpu.memory_space<hbm>>
          %dma_start3A_195 = arith.constant 0 : i32
          %dma_start3A_196 = tpu.memref_slice %dma_start3A_194[%min3A_155, %dma_start3A_195] : memref<79x128xi32, #tpu.memory_space<hbm>> -> memref<1x128xi32, #tpu.memory_space<hbm>>
          %dma_start3A_197 = tpu.memref_squeeze %dma_start3A_196 : memref<1x128xi32, #tpu.memory_space<hbm>> -> memref<128xi32, #tpu.memory_space<hbm>>
          tpu.enqueue_dma source(%dma_start3A_197 : memref<128xi32, #tpu.memory_space<hbm>>) target(%dma_start3A_190 : memref<128xi32, #tpu.memory_space<vmem>>) target_semaphore(%arg14 : memref<!tpu.dma_semaphore, #tpu.memory_space<semaphore_mem>>)
        } else {
        }
        %add3A_168 = arith.constant 2 : i32
        %add3A_169 = arith.addi %scan3A_90, %add3A_168 : i32
        %lt3A_170 = arith.constant 79 : i32
        %lt3A_171 = arith.cmpi slt, %add3A_169, %lt3A_170 : i32
        %eq3A_172 = arith.constant 1 : i32
        %eq3A_173 = arith.cmpi eq, %rem3A_91, %eq3A_172 : i32
        %and3A_174 = arith.andi %lt3A_171, %eq3A_173 : i1
        %convert_element_type3A_175 = arith.extui %and3A_174 : i1 to i32
        %cond3A_176 = arith.constant 0 : i32
        %cond3A_177 = arith.cmpi ne, %convert_element_type3A_175, %cond3A_176 : i32
        scf.if %cond3A_177 {
          %dma_start3A_178 = arith.constant 0 : i32
          %dma_start3A_179 = tpu.memref_slice %arg11[%rem3A_157, %dma_start3A_178] : memref<4x128xi32, #tpu.memory_space<vmem>> -> memref<1x128xi32, #tpu.memory_space<vmem>>
          %dma_start3A_180 = tpu.memref_squeeze %dma_start3A_179 : memref<1x128xi32, #tpu.memory_space<vmem>> -> memref<128xi32, #tpu.memory_space<vmem>>
          %dma_start3A_181 = arith.constant 0 : i32
          %dma_start3A_182 = arith.constant 0 : i32
          %dma_start3A_183 = tpu.memref_slice %arg5[%arg1, %dma_start3A_181, %dma_start3A_182] : memref<16x79x128xi32, #tpu.memory_space<hbm>> -> memref<1x79x128xi32, #tpu.memory_space<hbm>>
          %dma_start3A_184 = tpu.memref_squeeze %dma_start3A_183 : memref<1x79x128xi32, #tpu.memory_space<hbm>> -> memref<79x128xi32, #tpu.memory_space<hbm>>
          %dma_start3A_185 = arith.constant 0 : i32
          %dma_start3A_186 = tpu.memref_slice %dma_start3A_184[%min3A_155, %dma_start3A_185] : memref<79x128xi32, #tpu.memory_space<hbm>> -> memref<1x128xi32, #tpu.memory_space<hbm>>
          %dma_start3A_187 = tpu.memref_squeeze %dma_start3A_186 : memref<1x128xi32, #tpu.memory_space<hbm>> -> memref<128xi32, #tpu.memory_space<hbm>>
          %dma_start3A_188 = arith.constant 0 : i32
          %dma_start3A_189 = tpu.memref_slice %arg11[%rem3A_157, %dma_start3A_188] : memref<4x128xi32, #tpu.memory_space<vmem>> -> memref<1x128xi32, #tpu.memory_space<vmem>>
          %dma_start3A_190 = tpu.memref_squeeze %dma_start3A_189 : memref<1x128xi32, #tpu.memory_space<vmem>> -> memref<128xi32, #tpu.memory_space<vmem>>
          %dma_start3A_191 = arith.constant 0 : i32
          %dma_start3A_192 = arith.constant 0 : i32
          %dma_start3A_193 = tpu.memref_slice %arg5[%arg1, %dma_start3A_191, %dma_start3A_192] : memref<16x79x128xi32, #tpu.memory_space<hbm>> -> memref<1x79x128xi32, #tpu.memory_space<hbm>>
          %dma_start3A_194 = tpu.memref_squeeze %dma_start3A_193 : memref<1x79x128xi32, #tpu.memory_space<hbm>> -> memref<79x128xi32, #tpu.memory_space<hbm>>
          %dma_start3A_195 = arith.constant 0 : i32
          %dma_start3A_196 = tpu.memref_slice %dma_start3A_194[%min3A_155, %dma_start3A_195] : memref<79x128xi32, #tpu.memory_space<hbm>> -> memref<1x128xi32, #tpu.memory_space<hbm>>
          %dma_start3A_197 = tpu.memref_squeeze %dma_start3A_196 : memref<1x128xi32, #tpu.memory_space<hbm>> -> memref<128xi32, #tpu.memory_space<hbm>>
          tpu.enqueue_dma source(%dma_start3A_197 : memref<128xi32, #tpu.memory_space<hbm>>) target(%dma_start3A_190 : memref<128xi32, #tpu.memory_space<vmem>>) target_semaphore(%arg15 : memref<!tpu.dma_semaphore, #tpu.memory_space<semaphore_mem>>)
        } else {
        }
      }
      %scan3A_78 = arith.constant 79 : i32
      %dma_wait3A = arith.constant 0 : i32
      %dma_wait3A_79 = arith.constant 2 : i32
      %dma_wait3A_80 = arith.constant 0 : i32
      %dma_wait3A_81 = arith.constant 0 : i32
      %dma_wait3A_82 = tpu.memref_slice %arg12[%dma_wait3A, %dma_wait3A_80, %dma_wait3A_81] : memref<2x128x128xf32, #tpu.memory_space<vmem>> -> memref<1x128x128xf32, #tpu.memory_space<vmem>>
      %dma_wait3A_83 = tpu.memref_squeeze %dma_wait3A_82 : memref<1x128x128xf32, #tpu.memory_space<vmem>> -> memref<128x128xf32, #tpu.memory_space<vmem>>
      %dma_wait3A_84 = arith.constant 0 : i32
      %dma_wait3A_85 = tpu.memref_slice %arg11[%dma_wait3A_79, %dma_wait3A_84] : memref<4x128xi32, #tpu.memory_space<vmem>> -> memref<1x128xi32, #tpu.memory_space<vmem>>
      %dma_wait3A_86 = tpu.memref_squeeze %dma_wait3A_85 : memref<1x128xi32, #tpu.memory_space<vmem>> -> memref<128xi32, #tpu.memory_space<vmem>>
      %dma_wait3A_87 = arith.constant 0 : i32
      %dma_wait3A_88 = arith.constant 0 : i32
      %dma_wait3A_89 = tpu.memref_slice %arg9[%dma_wait3A_87, %dma_wait3A_88] : memref<10240x128xf32, #tpu.memory_space<vmem_shared>> -> memref<10240x128xf32, #tpu.memory_space<vmem_shared>>
      tpu.wait_indirect_dma semaphore(%arg16 : memref<!tpu.dma_semaphore, #tpu.memory_space<semaphore_mem>>) src(%dma_wait3A_83 : memref<128x128xf32, #tpu.memory_space<vmem>>) dst(%dma_wait3A_89 : memref<10240x128xf32, #tpu.memory_space<vmem_shared>>)
    } else {
    }
    %barrier3A_8 = arith.constant 0 : index
    tpu.barrier barrier_id(%barrier3A_8)
    %eq3A_9 = arith.constant 0 : i32
    %eq3A_10 = arith.cmpi eq, %arg0, %eq3A_9 : i32
    %convert_element_type3A_11 = arith.extui %eq3A_10 : i1 to i32
    %cond3A_12 = arith.constant 0 : i32
    %cond3A_13 = arith.cmpi ne, %convert_element_type3A_11, %cond3A_12 : i32
    scf.if %cond3A_13 {
      %mul3A_19 = arith.constant 640 : i32
      %mul3A_20 = arith.muli %arg1, %mul3A_19 : i32
      "tpu.region"() ({
        %run_scoped3A = tpu.sem_alloc : memref<!tpu.dma_semaphore, #tpu.memory_space<semaphore_mem>>
        %dma_start3A = arith.constant 0 : i32
        %dma_start3A_21 = tpu.memref_slice %arg7[%mul3A_20, %dma_start3A] : memref<10240x128xf32, #tpu.memory_space<hbm>> -> memref<640x128xf32, #tpu.memory_space<hbm>>
        %dma_start3A_22 = arith.constant 0 : i32
        %dma_start3A_23 = tpu.memref_slice %arg9[%mul3A_20, %dma_start3A_22] : memref<10240x128xf32, #tpu.memory_space<vmem_shared>> -> memref<640x128xf32, #tpu.memory_space<vmem_shared>>
        tpu.enqueue_dma source(%dma_start3A_23 : memref<640x128xf32, #tpu.memory_space<vmem_shared>>) target(%dma_start3A_21 : memref<640x128xf32, #tpu.memory_space<hbm>>) target_semaphore(%run_scoped3A : memref<!tpu.dma_semaphore, #tpu.memory_space<semaphore_mem>>)
        %dma_wait3A = arith.constant 0 : i32
        %dma_wait3A_24 = tpu.memref_slice %arg7[%mul3A_20, %dma_wait3A] : memref<10240x128xf32, #tpu.memory_space<hbm>> -> memref<640x128xf32, #tpu.memory_space<hbm>>
        %dma_wait3A_25 = arith.constant 0 : i32
        %dma_wait3A_26 = tpu.memref_slice %arg9[%mul3A_20, %dma_wait3A_25] : memref<10240x128xf32, #tpu.memory_space<vmem_shared>> -> memref<640x128xf32, #tpu.memory_space<vmem_shared>>
        tpu.wait_dma2 semaphore(%run_scoped3A : memref<!tpu.dma_semaphore, #tpu.memory_space<semaphore_mem>>) src(%dma_wait3A_26 : memref<640x128xf32, #tpu.memory_space<vmem_shared>>) dst(%dma_wait3A_24 : memref<640x128xf32, #tpu.memory_space<hbm>>)
        tpu.yield
      }) : () -> ()
    } else {
    }
    %eq3A_14 = arith.constant 1 : i32
    %eq3A_15 = arith.cmpi eq, %arg0, %eq3A_14 : i32
    %convert_element_type3A_16 = arith.extui %eq3A_15 : i1 to i32
    %cond3A_17 = arith.constant 0 : i32
    %cond3A_18 = arith.cmpi ne, %convert_element_type3A_16, %cond3A_17 : i32
    scf.if %cond3A_18 {
      %mul3A_19 = arith.constant 640 : i32
      %mul3A_20 = arith.muli %arg1, %mul3A_19 : i32
      "tpu.region"() ({
        %run_scoped3A = tpu.sem_alloc : memref<!tpu.dma_semaphore, #tpu.memory_space<semaphore_mem>>
        %dma_start3A = arith.constant 0 : i32
        %dma_start3A_21 = tpu.memref_slice %arg8[%mul3A_20, %dma_start3A] : memref<10240x128xf32, #tpu.memory_space<hbm>> -> memref<640x128xf32, #tpu.memory_space<hbm>>
        %dma_start3A_22 = arith.constant 0 : i32
        %dma_start3A_23 = tpu.memref_slice %arg9[%mul3A_20, %dma_start3A_22] : memref<10240x128xf32, #tpu.memory_space<vmem_shared>> -> memref<640x128xf32, #tpu.memory_space<vmem_shared>>
        tpu.enqueue_dma source(%dma_start3A_23 : memref<640x128xf32, #tpu.memory_space<vmem_shared>>) target(%dma_start3A_21 : memref<640x128xf32, #tpu.memory_space<hbm>>) target_semaphore(%run_scoped3A : memref<!tpu.dma_semaphore, #tpu.memory_space<semaphore_mem>>)
        %dma_wait3A = arith.constant 0 : i32
        %dma_wait3A_24 = tpu.memref_slice %arg8[%mul3A_20, %dma_wait3A] : memref<10240x128xf32, #tpu.memory_space<hbm>> -> memref<640x128xf32, #tpu.memory_space<hbm>>
        %dma_wait3A_25 = arith.constant 0 : i32
        %dma_wait3A_26 = tpu.memref_slice %arg9[%mul3A_20, %dma_wait3A_25] : memref<10240x128xf32, #tpu.memory_space<vmem_shared>> -> memref<640x128xf32, #tpu.memory_space<vmem_shared>>
        tpu.wait_dma2 semaphore(%run_scoped3A : memref<!tpu.dma_semaphore, #tpu.memory_space<semaphore_mem>>) src(%dma_wait3A_26 : memref<640x128xf32, #tpu.memory_space<vmem_shared>>) dst(%dma_wait3A_24 : memref<640x128xf32, #tpu.memory_space<hbm>>)
        tpu.yield
      }) : () -> ()
    } else {
    }
    return
  }
}

#map = affine_map<(d0, d1) -> (0, 0)>
#map1 = affine_map<(d0, d1) -> (0, 0, 0)>
module attributes {stable_mosaic.version = 14 : i64} {
  func.func @_sc_segsum_body(%arg0: i32, %arg1: i32, %arg2: memref<10240x128xf32, #tpu.memory_space<hbm>>, %arg3: memref<10240x128xf32, #tpu.memory_space<hbm>>, %arg4: memref<16x79x128xi32, #tpu.memory_space<hbm>>, %arg5: memref<16x79x128xi32, #tpu.memory_space<hbm>>, %arg6: memref<640x128xf32, #tpu.memory_space<hbm>>, %arg7: memref<10240x128xf32, #tpu.memory_space<hbm>>, %arg8: memref<10240x128xf32, #tpu.memory_space<hbm>>, %arg9: memref<10240x128xf32, #tpu.memory_space<vmem_shared>>, %arg10: memref<79x128xi32, #tpu.memory_space<vmem>>, %arg11: memref<4x128xi32, #tpu.memory_space<vmem>>, %arg12: memref<2x128x128xf32, #tpu.memory_space<vmem>>, %arg13: memref<!tpu.dma_semaphore, #tpu.memory_space<semaphore_mem>>, %arg14: memref<!tpu.dma_semaphore, #tpu.memory_space<semaphore_mem>>, %arg15: memref<!tpu.dma_semaphore, #tpu.memory_space<semaphore_mem>>, %arg16: memref<!tpu.dma_semaphore, #tpu.memory_space<semaphore_mem>>, %arg17: memref<!tpu.dma_semaphore, #tpu.memory_space<semaphore_mem>>) attributes {dimension_semantics = [#tpu.dimension_semantics<core_parallel>, #tpu.dimension_semantics<subcore_parallel>], iteration_bounds = array<i64: 2, 16>, scalar_prefetch = 0 : i64, scratch_operands = 9 : i64, tpu.core_type = #tpu.core_type<sc_vector_subcore>, window_params = [{transform_indices = #map}, {transform_indices = #map}, {transform_indices = #map1}, {transform_indices = #map1}, {transform_indices = #map}, {transform_indices = #map}, {transform_indices = #map}]} {
    %mul3A = arith.constant 640 : i32
    %mul3A_0 = arith.muli %arg1, %mul3A : i32
    "tpu.region"() ({
      %run_scoped3A = tpu.sem_alloc : memref<!tpu.dma_semaphore, #tpu.memory_space<semaphore_mem>>
      %dma_start3A = arith.constant 0 : i32
      %dma_start3A_19 = tpu.memref_slice %arg9[%mul3A_0, %dma_start3A] : memref<10240x128xf32, #tpu.memory_space<vmem_shared>> -> memref<640x128xf32, #tpu.memory_space<vmem_shared>>
      tpu.enqueue_dma source(%arg6 : memref<640x128xf32, #tpu.memory_space<hbm>>) target(%dma_start3A_19 : memref<640x128xf32, #tpu.memory_space<vmem_shared>>) target_semaphore(%run_scoped3A : memref<!tpu.dma_semaphore, #tpu.memory_space<semaphore_mem>>)
      %dma_wait3A = arith.constant 0 : i32
      %dma_wait3A_20 = tpu.memref_slice %arg9[%mul3A_0, %dma_wait3A] : memref<10240x128xf32, #tpu.memory_space<vmem_shared>> -> memref<640x128xf32, #tpu.memory_space<vmem_shared>>
      tpu.wait_dma2 semaphore(%run_scoped3A : memref<!tpu.dma_semaphore, #tpu.memory_space<semaphore_mem>>) src(%arg6 : memref<640x128xf32, #tpu.memory_space<hbm>>) dst(%dma_wait3A_20 : memref<640x128xf32, #tpu.memory_space<vmem_shared>>)
      tpu.yield
    }) : () -> ()
    "tpu.region"() ({
      %run_scoped3A = tpu.sem_alloc : memref<!tpu.dma_semaphore, #tpu.memory_space<semaphore_mem>>
      %dma_start3A = arith.constant 0 : i32
      %dma_start3A_19 = arith.constant 0 : i32
      %dma_start3A_20 = tpu.memref_slice %arg4[%arg1, %dma_start3A, %dma_start3A_19] : memref<16x79x128xi32, #tpu.memory_space<hbm>> -> memref<1x79x128xi32, #tpu.memory_space<hbm>>
      %dma_start3A_21 = tpu.memref_squeeze %dma_start3A_20 : memref<1x79x128xi32, #tpu.memory_space<hbm>> -> memref<79x128xi32, #tpu.memory_space<hbm>>
      %dma_start3A_22 = arith.constant 0 : i32
      %dma_start3A_23 = arith.constant 0 : i32
      %dma_start3A_24 = tpu.memref_slice %arg4[%arg1, %dma_start3A_22, %dma_start3A_23] : memref<16x79x128xi32, #tpu.memory_space<hbm>> -> memref<1x79x128xi32, #tpu.memory_space<hbm>>
      %dma_start3A_25 = tpu.memref_squeeze %dma_start3A_24 : memref<1x79x128xi32, #tpu.memory_space<hbm>> -> memref<79x128xi32, #tpu.memory_space<hbm>>
      tpu.enqueue_dma source(%dma_start3A_25 : memref<79x128xi32, #tpu.memory_space<hbm>>) target(%arg10 : memref<79x128xi32, #tpu.memory_space<vmem>>) target_semaphore(%run_scoped3A : memref<!tpu.dma_semaphore, #tpu.memory_space<semaphore_mem>>)
      %dma_wait3A = arith.constant 0 : i32
      %dma_wait3A_26 = arith.constant 0 : i32
      %dma_wait3A_27 = tpu.memref_slice %arg4[%arg1, %dma_wait3A, %dma_wait3A_26] : memref<16x79x128xi32, #tpu.memory_space<hbm>> -> memref<1x79x128xi32, #tpu.memory_space<hbm>>
      %dma_wait3A_28 = tpu.memref_squeeze %dma_wait3A_27 : memref<1x79x128xi32, #tpu.memory_space<hbm>> -> memref<79x128xi32, #tpu.memory_space<hbm>>
      %dma_wait3A_29 = arith.constant 0 : i32
      %dma_wait3A_30 = arith.constant 0 : i32
      %dma_wait3A_31 = tpu.memref_slice %arg4[%arg1, %dma_wait3A_29, %dma_wait3A_30] : memref<16x79x128xi32, #tpu.memory_space<hbm>> -> memref<1x79x128xi32, #tpu.memory_space<hbm>>
      %dma_wait3A_32 = tpu.memref_squeeze %dma_wait3A_31 : memref<1x79x128xi32, #tpu.memory_space<hbm>> -> memref<79x128xi32, #tpu.memory_space<hbm>>
      tpu.wait_dma2 semaphore(%run_scoped3A : memref<!tpu.dma_semaphore, #tpu.memory_space<semaphore_mem>>) src(%dma_wait3A_32 : memref<79x128xi32, #tpu.memory_space<hbm>>) dst(%arg10 : memref<79x128xi32, #tpu.memory_space<vmem>>)
      tpu.yield
    }) : () -> ()
    %barrier3A = arith.constant 0 : index
    tpu.barrier barrier_id(%barrier3A)
    %eq3A = arith.constant 0 : i32
    %eq3A_1 = arith.cmpi eq, %arg0, %eq3A : i32
    %convert_element_type3A = arith.extui %eq3A_1 : i1 to i32
    %cond3A = arith.constant 0 : i32
    %cond3A_2 = arith.cmpi ne, %convert_element_type3A, %cond3A : i32
    scf.if %cond3A_2 {
      %dma_start3A = arith.constant 0 : i32
      %dma_start3A_19 = arith.constant 0 : i32
      %dma_start3A_20 = arith.constant 0 : i32
      %dma_start3A_21 = arith.constant 0 : i32
      %dma_start3A_22 = tpu.memref_slice %arg12[%dma_start3A_19, %dma_start3A_20, %dma_start3A_21] : memref<2x128x128xf32, #tpu.memory_space<vmem>> -> memref<1x128x128xf32, #tpu.memory_space<vmem>>
      %dma_start3A_23 = tpu.memref_squeeze %dma_start3A_22 : memref<1x128x128xf32, #tpu.memory_space<vmem>> -> memref<128x128xf32, #tpu.memory_space<vmem>>
      %dma_start3A_24 = arith.constant 0 : i32
      %dma_start3A_25 = tpu.memref_slice %arg10[%dma_start3A, %dma_start3A_24] : memref<79x128xi32, #tpu.memory_space<vmem>> -> memref<1x128xi32, #tpu.memory_space<vmem>>
      %dma_start3A_26 = tpu.memref_squeeze %dma_start3A_25 : memref<1x128xi32, #tpu.memory_space<vmem>> -> memref<128xi32, #tpu.memory_space<vmem>>
      %dma_start3A_27 = arith.constant 0 : i32
      %dma_start3A_28 = arith.constant 0 : i32
      %dma_start3A_29 = tpu.memref_slice %arg2[%dma_start3A_27, %dma_start3A_28] : memref<10240x128xf32, #tpu.memory_space<hbm>> -> memref<10240x128xf32, #tpu.memory_space<hbm>>
      tpu.enqueue_indirect_dma source(%dma_start3A_29 : memref<10240x128xf32, #tpu.memory_space<hbm>>) target(%dma_start3A_23 : memref<128x128xf32, #tpu.memory_space<vmem>>) offsets(%dma_start3A_26 : memref<128xi32, #tpu.memory_space<vmem>>) semaphore(%arg13 : memref<!tpu.dma_semaphore, #tpu.memory_space<semaphore_mem>>)
      %dma_start3A_30 = arith.constant 0 : i32
      %dma_start3A_31 = arith.constant 0 : i32
      %dma_start3A_32 = arith.constant 0 : i32
      %dma_start3A_33 = tpu.memref_slice %arg11[%dma_start3A_31, %dma_start3A_32] : memref<4x128xi32, #tpu.memory_space<vmem>> -> memref<1x128xi32, #tpu.memory_space<vmem>>
      %dma_start3A_34 = tpu.memref_squeeze %dma_start3A_33 : memref<1x128xi32, #tpu.memory_space<vmem>> -> memref<128xi32, #tpu.memory_space<vmem>>
      %dma_start3A_35 = arith.constant 0 : i32
      %dma_start3A_36 = arith.constant 0 : i32
      %dma_start3A_37 = tpu.memref_slice %arg5[%arg1, %dma_start3A_35, %dma_start3A_36] : memref<16x79x128xi32, #tpu.memory_space<hbm>> -> memref<1x79x128xi32, #tpu.memory_space<hbm>>
      %dma_start3A_38 = tpu.memref_squeeze %dma_start3A_37 : memref<1x79x128xi32, #tpu.memory_space<hbm>> -> memref<79x128xi32, #tpu.memory_space<hbm>>
      %dma_start3A_39 = arith.constant 0 : i32
      %dma_start3A_40 = tpu.memref_slice %dma_start3A_38[%dma_start3A_30, %dma_start3A_39] : memref<79x128xi32, #tpu.memory_space<hbm>> -> memref<1x128xi32, #tpu.memory_space<hbm>>
      %dma_start3A_41 = tpu.memref_squeeze %dma_start3A_40 : memref<1x128xi32, #tpu.memory_space<hbm>> -> memref<128xi32, #tpu.memory_space<hbm>>
      %dma_start3A_42 = arith.constant 0 : i32
      %dma_start3A_43 = tpu.memref_slice %arg11[%dma_start3A_31, %dma_start3A_42] : memref<4x128xi32, #tpu.memory_space<vmem>> -> memref<1x128xi32, #tpu.memory_space<vmem>>
      %dma_start3A_44 = tpu.memref_squeeze %dma_start3A_43 : memref<1x128xi32, #tpu.memory_space<vmem>> -> memref<128xi32, #tpu.memory_space<vmem>>
      %dma_start3A_45 = arith.constant 0 : i32
      %dma_start3A_46 = arith.constant 0 : i32
      %dma_start3A_47 = tpu.memref_slice %arg5[%arg1, %dma_start3A_45, %dma_start3A_46] : memref<16x79x128xi32, #tpu.memory_space<hbm>> -> memref<1x79x128xi32, #tpu.memory_space<hbm>>
      %dma_start3A_48 = tpu.memref_squeeze %dma_start3A_47 : memref<1x79x128xi32, #tpu.memory_space<hbm>> -> memref<79x128xi32, #tpu.memory_space<hbm>>
      %dma_start3A_49 = arith.constant 0 : i32
      %dma_start3A_50 = tpu.memref_slice %dma_start3A_48[%dma_start3A_30, %dma_start3A_49] : memref<79x128xi32, #tpu.memory_space<hbm>> -> memref<1x128xi32, #tpu.memory_space<hbm>>
      %dma_start3A_51 = tpu.memref_squeeze %dma_start3A_50 : memref<1x128xi32, #tpu.memory_space<hbm>> -> memref<128xi32, #tpu.memory_space<hbm>>
      tpu.enqueue_dma source(%dma_start3A_51 : memref<128xi32, #tpu.memory_space<hbm>>) target(%dma_start3A_44 : memref<128xi32, #tpu.memory_space<vmem>>) target_semaphore(%arg14 : memref<!tpu.dma_semaphore, #tpu.memory_space<semaphore_mem>>)
      %dma_start3A_52 = arith.constant 1 : i32
      %dma_start3A_53 = arith.constant 1 : i32
      %dma_start3A_54 = arith.constant 0 : i32
      %dma_start3A_55 = tpu.memref_slice %arg11[%dma_start3A_53, %dma_start3A_54] : memref<4x128xi32, #tpu.memory_space<vmem>> -> memref<1x128xi32, #tpu.memory_space<vmem>>
      %dma_start3A_56 = tpu.memref_squeeze %dma_start3A_55 : memref<1x128xi32, #tpu.memory_space<vmem>> -> memref<128xi32, #tpu.memory_space<vmem>>
      %dma_start3A_57 = arith.constant 0 : i32
      %dma_start3A_58 = arith.constant 0 : i32
      %dma_start3A_59 = tpu.memref_slice %arg5[%arg1, %dma_start3A_57, %dma_start3A_58] : memref<16x79x128xi32, #tpu.memory_space<hbm>> -> memref<1x79x128xi32, #tpu.memory_space<hbm>>
      %dma_start3A_60 = tpu.memref_squeeze %dma_start3A_59 : memref<1x79x128xi32, #tpu.memory_space<hbm>> -> memref<79x128xi32, #tpu.memory_space<hbm>>
      %dma_start3A_61 = arith.constant 0 : i32
      %dma_start3A_62 = tpu.memref_slice %dma_start3A_60[%dma_start3A_52, %dma_start3A_61] : memref<79x128xi32, #tpu.memory_space<hbm>> -> memref<1x128xi32, #tpu.memory_space<hbm>>
      %dma_start3A_63 = tpu.memref_squeeze %dma_start3A_62 : memref<1x128xi32, #tpu.memory_space<hbm>> -> memref<128xi32, #tpu.memory_space<hbm>>
      %dma_start3A_64 = arith.constant 0 : i32
      %dma_start3A_65 = tpu.memref_slice %arg11[%dma_start3A_53, %dma_start3A_64] : memref<4x128xi32, #tpu.memory_space<vmem>> -> memref<1x128xi32, #tpu.memory_space<vmem>>
      %dma_start3A_66 = tpu.memref_squeeze %dma_start3A_65 : memref<1x128xi32, #tpu.memory_space<vmem>> -> memref<128xi32, #tpu.memory_space<vmem>>
      %dma_start3A_67 = arith.constant 0 : i32
      %dma_start3A_68 = arith.constant 0 : i32
      %dma_start3A_69 = tpu.memref_slice %arg5[%arg1, %dma_start3A_67, %dma_start3A_68] : memref<16x79x128xi32, #tpu.memory_space<hbm>> -> memref<1x79x128xi32, #tpu.memory_space<hbm>>
      %dma_start3A_70 = tpu.memref_squeeze %dma_start3A_69 : memref<1x79x128xi32, #tpu.memory_space<hbm>> -> memref<79x128xi32, #tpu.memory_space<hbm>>
      %dma_start3A_71 = arith.constant 0 : i32
      %dma_start3A_72 = tpu.memref_slice %dma_start3A_70[%dma_start3A_52, %dma_start3A_71] : memref<79x128xi32, #tpu.memory_space<hbm>> -> memref<1x128xi32, #tpu.memory_space<hbm>>
      %dma_start3A_73 = tpu.memref_squeeze %dma_start3A_72 : memref<1x128xi32, #tpu.memory_space<hbm>> -> memref<128xi32, #tpu.memory_space<hbm>>
      tpu.enqueue_dma source(%dma_start3A_73 : memref<128xi32, #tpu.memory_space<hbm>>) target(%dma_start3A_66 : memref<128xi32, #tpu.memory_space<vmem>>) target_semaphore(%arg15 : memref<!tpu.dma_semaphore, #tpu.memory_space<semaphore_mem>>)
      %scan3A = arith.constant 0 : i32
      %scan3A_74 = arith.constant 0 : i32
      %scan3A_75 = arith.constant 79 : i32
      %scan3A_76 = arith.addi %scan3A_74, %scan3A_75 : i32
      %scan3A_77 = arith.constant 1 : i32
      scf.for %scan3A_90 = %scan3A_74 to %scan3A_76 step %scan3A_77  : i32 {
        %rem3A = arith.constant 2 : i32
        %rem3A_91 = arith.remsi %scan3A_90, %rem3A : i32
        %sub3A = arith.constant 1 : i32
        %sub3A_92 = arith.subi %sub3A, %rem3A_91 : i32
        %rem3A_93 = arith.constant 4 : i32
        %rem3A_94 = arith.remsi %scan3A_90, %rem3A_93 : i32
        %dma_wait3A_95 = arith.constant 0 : i32
        %dma_wait3A_96 = arith.constant 0 : i32
        %dma_wait3A_97 = tpu.memref_slice %arg12[%rem3A_91, %dma_wait3A_95, %dma_wait3A_96] : memref<2x128x128xf32, #tpu.memory_space<vmem>> -> memref<1x128x128xf32, #tpu.memory_space<vmem>>
        %dma_wait3A_98 = tpu.memref_squeeze %dma_wait3A_97 : memref<1x128x128xf32, #tpu.memory_space<vmem>> -> memref<128x128xf32, #tpu.memory_space<vmem>>
        %dma_wait3A_99 = arith.constant 0 : i32
        %dma_wait3A_100 = tpu.memref_slice %arg10[%scan3A_90, %dma_wait3A_99] : memref<79x128xi32, #tpu.memory_space<vmem>> -> memref<1x128xi32, #tpu.memory_space<vmem>>
        %dma_wait3A_101 = tpu.memref_squeeze %dma_wait3A_100 : memref<1x128xi32, #tpu.memory_space<vmem>> -> memref<128xi32, #tpu.memory_space<vmem>>
        %dma_wait3A_102 = arith.constant 0 : i32
        %dma_wait3A_103 = arith.constant 0 : i32
        %dma_wait3A_104 = tpu.memref_slice %arg2[%dma_wait3A_102, %dma_wait3A_103] : memref<10240x128xf32, #tpu.memory_space<hbm>> -> memref<10240x128xf32, #tpu.memory_space<hbm>>
        tpu.wait_indirect_dma semaphore(%arg13 : memref<!tpu.dma_semaphore, #tpu.memory_space<semaphore_mem>>) src(%dma_wait3A_104 : memref<10240x128xf32, #tpu.memory_space<hbm>>) dst(%dma_wait3A_98 : memref<128x128xf32, #tpu.memory_space<vmem>>)
        %eq3A_105 = arith.constant 0 : i32
        %eq3A_106 = arith.cmpi eq, %rem3A_91, %eq3A_105 : i32
        %convert_element_type3A_107 = arith.extui %eq3A_106 : i1 to i32
        %cond3A_108 = arith.constant 0 : i32
        %cond3A_109 = arith.cmpi ne, %convert_element_type3A_107, %cond3A_108 : i32
        scf.if %cond3A_109 {
          %dma_wait3A_178 = arith.constant 0 : i32
          %dma_wait3A_179 = tpu.memref_slice %arg11[%rem3A_94, %dma_wait3A_178] : memref<4x128xi32, #tpu.memory_space<vmem>> -> memref<1x128xi32, #tpu.memory_space<vmem>>
          %dma_wait3A_180 = tpu.memref_squeeze %dma_wait3A_179 : memref<1x128xi32, #tpu.memory_space<vmem>> -> memref<128xi32, #tpu.memory_space<vmem>>
          %dma_wait3A_181 = arith.constant 0 : i32
          %dma_wait3A_182 = arith.constant 0 : i32
          %dma_wait3A_183 = tpu.memref_slice %arg5[%arg1, %dma_wait3A_181, %dma_wait3A_182] : memref<16x79x128xi32, #tpu.memory_space<hbm>> -> memref<1x79x128xi32, #tpu.memory_space<hbm>>
          %dma_wait3A_184 = tpu.memref_squeeze %dma_wait3A_183 : memref<1x79x128xi32, #tpu.memory_space<hbm>> -> memref<79x128xi32, #tpu.memory_space<hbm>>
          %dma_wait3A_185 = arith.constant 0 : i32
          %dma_wait3A_186 = tpu.memref_slice %dma_wait3A_184[%scan3A_90, %dma_wait3A_185] : memref<79x128xi32, #tpu.memory_space<hbm>> -> memref<1x128xi32, #tpu.memory_space<hbm>>
          %dma_wait3A_187 = tpu.memref_squeeze %dma_wait3A_186 : memref<1x128xi32, #tpu.memory_space<hbm>> -> memref<128xi32, #tpu.memory_space<hbm>>
          %dma_wait3A_188 = arith.constant 0 : i32
          %dma_wait3A_189 = tpu.memref_slice %arg11[%rem3A_94, %dma_wait3A_188] : memref<4x128xi32, #tpu.memory_space<vmem>> -> memref<1x128xi32, #tpu.memory_space<vmem>>
          %dma_wait3A_190 = tpu.memref_squeeze %dma_wait3A_189 : memref<1x128xi32, #tpu.memory_space<vmem>> -> memref<128xi32, #tpu.memory_space<vmem>>
          %dma_wait3A_191 = arith.constant 0 : i32
          %dma_wait3A_192 = arith.constant 0 : i32
          %dma_wait3A_193 = tpu.memref_slice %arg5[%arg1, %dma_wait3A_191, %dma_wait3A_192] : memref<16x79x128xi32, #tpu.memory_space<hbm>> -> memref<1x79x128xi32, #tpu.memory_space<hbm>>
          %dma_wait3A_194 = tpu.memref_squeeze %dma_wait3A_193 : memref<1x79x128xi32, #tpu.memory_space<hbm>> -> memref<79x128xi32, #tpu.memory_space<hbm>>
          %dma_wait3A_195 = arith.constant 0 : i32
          %dma_wait3A_196 = tpu.memref_slice %dma_wait3A_194[%scan3A_90, %dma_wait3A_195] : memref<79x128xi32, #tpu.memory_space<hbm>> -> memref<1x128xi32, #tpu.memory_space<hbm>>
          %dma_wait3A_197 = tpu.memref_squeeze %dma_wait3A_196 : memref<1x128xi32, #tpu.memory_space<hbm>> -> memref<128xi32, #tpu.memory_space<hbm>>
          tpu.wait_dma2 semaphore(%arg14 : memref<!tpu.dma_semaphore, #tpu.memory_space<semaphore_mem>>) src(%dma_wait3A_197 : memref<128xi32, #tpu.memory_space<hbm>>) dst(%dma_wait3A_190 : memref<128xi32, #tpu.memory_space<vmem>>)
        } else {
        }
        %eq3A_110 = arith.constant 0 : i32
        %eq3A_111 = arith.cmpi eq, %rem3A_91, %eq3A_110 : i32
        %convert_element_type3A_112 = arith.extui %eq3A_111 : i1 to i32
        %cond3A_113 = arith.constant 0 : i32
        %cond3A_114 = arith.cmpi ne, %convert_element_type3A_112, %cond3A_113 : i32
        scf.if %cond3A_114 {
          %dma_start3A_178 = arith.constant 0 : i32
          %dma_start3A_179 = arith.constant 0 : i32
          %dma_start3A_180 = tpu.memref_slice %arg12[%rem3A_91, %dma_start3A_178, %dma_start3A_179] : memref<2x128x128xf32, #tpu.memory_space<vmem>> -> memref<1x128x128xf32, #tpu.memory_space<vmem>>
          %dma_start3A_181 = tpu.memref_squeeze %dma_start3A_180 : memref<1x128x128xf32, #tpu.memory_space<vmem>> -> memref<128x128xf32, #tpu.memory_space<vmem>>
          %dma_start3A_182 = arith.constant 0 : i32
          %dma_start3A_183 = tpu.memref_slice %arg11[%rem3A_94, %dma_start3A_182] : memref<4x128xi32, #tpu.memory_space<vmem>> -> memref<1x128xi32, #tpu.memory_space<vmem>>
          %dma_start3A_184 = tpu.memref_squeeze %dma_start3A_183 : memref<1x128xi32, #tpu.memory_space<vmem>> -> memref<128xi32, #tpu.memory_space<vmem>>
          %dma_start3A_185 = arith.constant 0 : i32
          %dma_start3A_186 = arith.constant 0 : i32
          %dma_start3A_187 = tpu.memref_slice %arg9[%dma_start3A_185, %dma_start3A_186] : memref<10240x128xf32, #tpu.memory_space<vmem_shared>> -> memref<10240x128xf32, #tpu.memory_space<vmem_shared>>
          tpu.enqueue_indirect_dma source(%dma_start3A_181 : memref<128x128xf32, #tpu.memory_space<vmem>>) target(%dma_start3A_187 : memref<10240x128xf32, #tpu.memory_space<vmem_shared>>) offsets(%dma_start3A_184 : memref<128xi32, #tpu.memory_space<vmem>>) semaphore(%arg16 : memref<!tpu.dma_semaphore, #tpu.memory_space<semaphore_mem>>) {add = true}
        } else {
        }
        %eq3A_115 = arith.constant 1 : i32
        %eq3A_116 = arith.cmpi eq, %rem3A_91, %eq3A_115 : i32
        %convert_element_type3A_117 = arith.extui %eq3A_116 : i1 to i32
        %cond3A_118 = arith.constant 0 : i32
        %cond3A_119 = arith.cmpi ne, %convert_element_type3A_117, %cond3A_118 : i32
        scf.if %cond3A_119 {
          %dma_wait3A_178 = arith.constant 0 : i32
          %dma_wait3A_179 = tpu.memref_slice %arg11[%rem3A_94, %dma_wait3A_178] : memref<4x128xi32, #tpu.memory_space<vmem>> -> memref<1x128xi32, #tpu.memory_space<vmem>>
          %dma_wait3A_180 = tpu.memref_squeeze %dma_wait3A_179 : memref<1x128xi32, #tpu.memory_space<vmem>> -> memref<128xi32, #tpu.memory_space<vmem>>
          %dma_wait3A_181 = arith.constant 0 : i32
          %dma_wait3A_182 = arith.constant 0 : i32
          %dma_wait3A_183 = tpu.memref_slice %arg5[%arg1, %dma_wait3A_181, %dma_wait3A_182] : memref<16x79x128xi32, #tpu.memory_space<hbm>> -> memref<1x79x128xi32, #tpu.memory_space<hbm>>
          %dma_wait3A_184 = tpu.memref_squeeze %dma_wait3A_183 : memref<1x79x128xi32, #tpu.memory_space<hbm>> -> memref<79x128xi32, #tpu.memory_space<hbm>>
          %dma_wait3A_185 = arith.constant 0 : i32
          %dma_wait3A_186 = tpu.memref_slice %dma_wait3A_184[%scan3A_90, %dma_wait3A_185] : memref<79x128xi32, #tpu.memory_space<hbm>> -> memref<1x128xi32, #tpu.memory_space<hbm>>
          %dma_wait3A_187 = tpu.memref_squeeze %dma_wait3A_186 : memref<1x128xi32, #tpu.memory_space<hbm>> -> memref<128xi32, #tpu.memory_space<hbm>>
          %dma_wait3A_188 = arith.constant 0 : i32
          %dma_wait3A_189 = tpu.memref_slice %arg11[%rem3A_94, %dma_wait3A_188] : memref<4x128xi32, #tpu.memory_space<vmem>> -> memref<1x128xi32, #tpu.memory_space<vmem>>
          %dma_wait3A_190 = tpu.memref_squeeze %dma_wait3A_189 : memref<1x128xi32, #tpu.memory_space<vmem>> -> memref<128xi32, #tpu.memory_space<vmem>>
          %dma_wait3A_191 = arith.constant 0 : i32
          %dma_wait3A_192 = arith.constant 0 : i32
          %dma_wait3A_193 = tpu.memref_slice %arg5[%arg1, %dma_wait3A_191, %dma_wait3A_192] : memref<16x79x128xi32, #tpu.memory_space<hbm>> -> memref<1x79x128xi32, #tpu.memory_space<hbm>>
          %dma_wait3A_194 = tpu.memref_squeeze %dma_wait3A_193 : memref<1x79x128xi32, #tpu.memory_space<hbm>> -> memref<79x128xi32, #tpu.memory_space<hbm>>
          %dma_wait3A_195 = arith.constant 0 : i32
          %dma_wait3A_196 = tpu.memref_slice %dma_wait3A_194[%scan3A_90, %dma_wait3A_195] : memref<79x128xi32, #tpu.memory_space<hbm>> -> memref<1x128xi32, #tpu.memory_space<hbm>>
          %dma_wait3A_197 = tpu.memref_squeeze %dma_wait3A_196 : memref<1x128xi32, #tpu.memory_space<hbm>> -> memref<128xi32, #tpu.memory_space<hbm>>
          tpu.wait_dma2 semaphore(%arg15 : memref<!tpu.dma_semaphore, #tpu.memory_space<semaphore_mem>>) src(%dma_wait3A_197 : memref<128xi32, #tpu.memory_space<hbm>>) dst(%dma_wait3A_190 : memref<128xi32, #tpu.memory_space<vmem>>)
        } else {
        }
        %eq3A_120 = arith.constant 1 : i32
        %eq3A_121 = arith.cmpi eq, %rem3A_91, %eq3A_120 : i32
        %convert_element_type3A_122 = arith.extui %eq3A_121 : i1 to i32
        %cond3A_123 = arith.constant 0 : i32
        %cond3A_124 = arith.cmpi ne, %convert_element_type3A_122, %cond3A_123 : i32
        scf.if %cond3A_124 {
          %dma_start3A_178 = arith.constant 0 : i32
          %dma_start3A_179 = arith.constant 0 : i32
          %dma_start3A_180 = tpu.memref_slice %arg12[%rem3A_91, %dma_start3A_178, %dma_start3A_179] : memref<2x128x128xf32, #tpu.memory_space<vmem>> -> memref<1x128x128xf32, #tpu.memory_space<vmem>>
          %dma_start3A_181 = tpu.memref_squeeze %dma_start3A_180 : memref<1x128x128xf32, #tpu.memory_space<vmem>> -> memref<128x128xf32, #tpu.memory_space<vmem>>
          %dma_start3A_182 = arith.constant 0 : i32
          %dma_start3A_183 = tpu.memref_slice %arg11[%rem3A_94, %dma_start3A_182] : memref<4x128xi32, #tpu.memory_space<vmem>> -> memref<1x128xi32, #tpu.memory_space<vmem>>
          %dma_start3A_184 = tpu.memref_squeeze %dma_start3A_183 : memref<1x128xi32, #tpu.memory_space<vmem>> -> memref<128xi32, #tpu.memory_space<vmem>>
          %dma_start3A_185 = arith.constant 0 : i32
          %dma_start3A_186 = arith.constant 0 : i32
          %dma_start3A_187 = tpu.memref_slice %arg9[%dma_start3A_185, %dma_start3A_186] : memref<10240x128xf32, #tpu.memory_space<vmem_shared>> -> memref<10240x128xf32, #tpu.memory_space<vmem_shared>>
          tpu.enqueue_indirect_dma source(%dma_start3A_181 : memref<128x128xf32, #tpu.memory_space<vmem>>) target(%dma_start3A_187 : memref<10240x128xf32, #tpu.memory_space<vmem_shared>>) offsets(%dma_start3A_184 : memref<128xi32, #tpu.memory_space<vmem>>) semaphore(%arg17 : memref<!tpu.dma_semaphore, #tpu.memory_space<semaphore_mem>>) {add = true}
        } else {
        }
        %sub3A_125 = arith.constant 1 : i32
        %sub3A_126 = arith.subi %scan3A_90, %sub3A_125 : i32
        %max3A = arith.constant 0 : i32
        %max3A_127 = arith.maxsi %sub3A_126, %max3A : i32
        %rem3A_128 = arith.constant 4 : i32
        %rem3A_129 = arith.remsi %max3A_127, %rem3A_128 : i32
        %ge3A = arith.constant 1 : i32
        %ge3A_130 = arith.cmpi sge, %scan3A_90, %ge3A : i32
        %eq3A_131 = arith.constant 0 : i32
        %eq3A_132 = arith.cmpi eq, %sub3A_92, %eq3A_131 : i32
        %and3A = arith.andi %ge3A_130, %eq3A_132 : i1
        %convert_element_type3A_133 = arith.extui %and3A : i1 to i32
        %cond3A_134 = arith.constant 0 : i32
        %cond3A_135 = arith.cmpi ne, %convert_element_type3A_133, %cond3A_134 : i32
        scf.if %cond3A_135 {
          %dma_wait3A_178 = arith.constant 0 : i32
          %dma_wait3A_179 = arith.constant 0 : i32
          %dma_wait3A_180 = tpu.memref_slice %arg12[%sub3A_92, %dma_wait3A_178, %dma_wait3A_179] : memref<2x128x128xf32, #tpu.memory_space<vmem>> -> memref<1x128x128xf32, #tpu.memory_space<vmem>>
          %dma_wait3A_181 = tpu.memref_squeeze %dma_wait3A_180 : memref<1x128x128xf32, #tpu.memory_space<vmem>> -> memref<128x128xf32, #tpu.memory_space<vmem>>
          %dma_wait3A_182 = arith.constant 0 : i32
          %dma_wait3A_183 = tpu.memref_slice %arg11[%rem3A_129, %dma_wait3A_182] : memref<4x128xi32, #tpu.memory_space<vmem>> -> memref<1x128xi32, #tpu.memory_space<vmem>>
          %dma_wait3A_184 = tpu.memref_squeeze %dma_wait3A_183 : memref<1x128xi32, #tpu.memory_space<vmem>> -> memref<128xi32, #tpu.memory_space<vmem>>
          %dma_wait3A_185 = arith.constant 0 : i32
          %dma_wait3A_186 = arith.constant 0 : i32
          %dma_wait3A_187 = tpu.memref_slice %arg9[%dma_wait3A_185, %dma_wait3A_186] : memref<10240x128xf32, #tpu.memory_space<vmem_shared>> -> memref<10240x128xf32, #tpu.memory_space<vmem_shared>>
          tpu.wait_indirect_dma semaphore(%arg16 : memref<!tpu.dma_semaphore, #tpu.memory_space<semaphore_mem>>) src(%dma_wait3A_181 : memref<128x128xf32, #tpu.memory_space<vmem>>) dst(%dma_wait3A_187 : memref<10240x128xf32, #tpu.memory_space<vmem_shared>>)
        } else {
        }
        %ge3A_136 = arith.constant 1 : i32
        %ge3A_137 = arith.cmpi sge, %scan3A_90, %ge3A_136 : i32
        %eq3A_138 = arith.constant 1 : i32
        %eq3A_139 = arith.cmpi eq, %sub3A_92, %eq3A_138 : i32
        %and3A_140 = arith.andi %ge3A_137, %eq3A_139 : i1
        %convert_element_type3A_141 = arith.extui %and3A_140 : i1 to i32
        %cond3A_142 = arith.constant 0 : i32
        %cond3A_143 = arith.cmpi ne, %convert_element_type3A_141, %cond3A_142 : i32
        scf.if %cond3A_143 {
          %dma_wait3A_178 = arith.constant 0 : i32
          %dma_wait3A_179 = arith.constant 0 : i32
          %dma_wait3A_180 = tpu.memref_slice %arg12[%sub3A_92, %dma_wait3A_178, %dma_wait3A_179] : memref<2x128x128xf32, #tpu.memory_space<vmem>> -> memref<1x128x128xf32, #tpu.memory_space<vmem>>
          %dma_wait3A_181 = tpu.memref_squeeze %dma_wait3A_180 : memref<1x128x128xf32, #tpu.memory_space<vmem>> -> memref<128x128xf32, #tpu.memory_space<vmem>>
          %dma_wait3A_182 = arith.constant 0 : i32
          %dma_wait3A_183 = tpu.memref_slice %arg11[%rem3A_129, %dma_wait3A_182] : memref<4x128xi32, #tpu.memory_space<vmem>> -> memref<1x128xi32, #tpu.memory_space<vmem>>
          %dma_wait3A_184 = tpu.memref_squeeze %dma_wait3A_183 : memref<1x128xi32, #tpu.memory_space<vmem>> -> memref<128xi32, #tpu.memory_space<vmem>>
          %dma_wait3A_185 = arith.constant 0 : i32
          %dma_wait3A_186 = arith.constant 0 : i32
          %dma_wait3A_187 = tpu.memref_slice %arg9[%dma_wait3A_185, %dma_wait3A_186] : memref<10240x128xf32, #tpu.memory_space<vmem_shared>> -> memref<10240x128xf32, #tpu.memory_space<vmem_shared>>
          tpu.wait_indirect_dma semaphore(%arg17 : memref<!tpu.dma_semaphore, #tpu.memory_space<semaphore_mem>>) src(%dma_wait3A_181 : memref<128x128xf32, #tpu.memory_space<vmem>>) dst(%dma_wait3A_187 : memref<10240x128xf32, #tpu.memory_space<vmem_shared>>)
        } else {
        }
        %add3A = arith.constant 1 : i32
        %add3A_144 = arith.addi %scan3A_90, %add3A : i32
        %min3A = arith.constant 78 : i32
        %min3A_145 = arith.minsi %add3A_144, %min3A : i32
        %add3A_146 = arith.constant 1 : i32
        %add3A_147 = arith.addi %scan3A_90, %add3A_146 : i32
        %lt3A = arith.constant 79 : i32
        %lt3A_148 = arith.cmpi slt, %add3A_147, %lt3A : i32
        %convert_element_type3A_149 = arith.extui %lt3A_148 : i1 to i32
        %cond3A_150 = arith.constant 0 : i32
        %cond3A_151 = arith.cmpi ne, %convert_element_type3A_149, %cond3A_150 : i32
        scf.if %cond3A_151 {
          %dma_start3A_178 = arith.constant 0 : i32
          %dma_start3A_179 = arith.constant 0 : i32
          %dma_start3A_180 = tpu.memref_slice %arg12[%sub3A_92, %dma_start3A_178, %dma_start3A_179] : memref<2x128x128xf32, #tpu.memory_space<vmem>> -> memref<1x128x128xf32, #tpu.memory_space<vmem>>
          %dma_start3A_181 = tpu.memref_squeeze %dma_start3A_180 : memref<1x128x128xf32, #tpu.memory_space<vmem>> -> memref<128x128xf32, #tpu.memory_space<vmem>>
          %dma_start3A_182 = arith.constant 0 : i32
          %dma_start3A_183 = tpu.memref_slice %arg10[%min3A_145, %dma_start3A_182] : memref<79x128xi32, #tpu.memory_space<vmem>> -> memref<1x128xi32, #tpu.memory_space<vmem>>
          %dma_start3A_184 = tpu.memref_squeeze %dma_start3A_183 : memref<1x128xi32, #tpu.memory_space<vmem>> -> memref<128xi32, #tpu.memory_space<vmem>>
          %dma_start3A_185 = arith.constant 0 : i32
          %dma_start3A_186 = arith.constant 0 : i32
          %dma_start3A_187 = tpu.memref_slice %arg2[%dma_start3A_185, %dma_start3A_186] : memref<10240x128xf32, #tpu.memory_space<hbm>> -> memref<10240x128xf32, #tpu.memory_space<hbm>>
          tpu.enqueue_indirect_dma source(%dma_start3A_187 : memref<10240x128xf32, #tpu.memory_space<hbm>>) target(%dma_start3A_181 : memref<128x128xf32, #tpu.memory_space<vmem>>) offsets(%dma_start3A_184 : memref<128xi32, #tpu.memory_space<vmem>>) semaphore(%arg13 : memref<!tpu.dma_semaphore, #tpu.memory_space<semaphore_mem>>)
        } else {
        }
        %add3A_152 = arith.constant 2 : i32
        %add3A_153 = arith.addi %scan3A_90, %add3A_152 : i32
        %min3A_154 = arith.constant 78 : i32
        %min3A_155 = arith.minsi %add3A_153, %min3A_154 : i32
        %rem3A_156 = arith.constant 4 : i32
        %rem3A_157 = arith.remsi %min3A_155, %rem3A_156 : i32
        %add3A_158 = arith.constant 2 : i32
        %add3A_159 = arith.addi %scan3A_90, %add3A_158 : i32
        %lt3A_160 = arith.constant 79 : i32
        %lt3A_161 = arith.cmpi slt, %add3A_159, %lt3A_160 : i32
        %eq3A_162 = arith.constant 0 : i32
        %eq3A_163 = arith.cmpi eq, %rem3A_91, %eq3A_162 : i32
        %and3A_164 = arith.andi %lt3A_161, %eq3A_163 : i1
        %convert_element_type3A_165 = arith.extui %and3A_164 : i1 to i32
        %cond3A_166 = arith.constant 0 : i32
        %cond3A_167 = arith.cmpi ne, %convert_element_type3A_165, %cond3A_166 : i32
        scf.if %cond3A_167 {
          %dma_start3A_178 = arith.constant 0 : i32
          %dma_start3A_179 = tpu.memref_slice %arg11[%rem3A_157, %dma_start3A_178] : memref<4x128xi32, #tpu.memory_space<vmem>> -> memref<1x128xi32, #tpu.memory_space<vmem>>
          %dma_start3A_180 = tpu.memref_squeeze %dma_start3A_179 : memref<1x128xi32, #tpu.memory_space<vmem>> -> memref<128xi32, #tpu.memory_space<vmem>>
          %dma_start3A_181 = arith.constant 0 : i32
          %dma_start3A_182 = arith.constant 0 : i32
          %dma_start3A_183 = tpu.memref_slice %arg5[%arg1, %dma_start3A_181, %dma_start3A_182] : memref<16x79x128xi32, #tpu.memory_space<hbm>> -> memref<1x79x128xi32, #tpu.memory_space<hbm>>
          %dma_start3A_184 = tpu.memref_squeeze %dma_start3A_183 : memref<1x79x128xi32, #tpu.memory_space<hbm>> -> memref<79x128xi32, #tpu.memory_space<hbm>>
          %dma_start3A_185 = arith.constant 0 : i32
          %dma_start3A_186 = tpu.memref_slice %dma_start3A_184[%min3A_155, %dma_start3A_185] : memref<79x128xi32, #tpu.memory_space<hbm>> -> memref<1x128xi32, #tpu.memory_space<hbm>>
          %dma_start3A_187 = tpu.memref_squeeze %dma_start3A_186 : memref<1x128xi32, #tpu.memory_space<hbm>> -> memref<128xi32, #tpu.memory_space<hbm>>
          %dma_start3A_188 = arith.constant 0 : i32
          %dma_start3A_189 = tpu.memref_slice %arg11[%rem3A_157, %dma_start3A_188] : memref<4x128xi32, #tpu.memory_space<vmem>> -> memref<1x128xi32, #tpu.memory_space<vmem>>
          %dma_start3A_190 = tpu.memref_squeeze %dma_start3A_189 : memref<1x128xi32, #tpu.memory_space<vmem>> -> memref<128xi32, #tpu.memory_space<vmem>>
          %dma_start3A_191 = arith.constant 0 : i32
          %dma_start3A_192 = arith.constant 0 : i32
          %dma_start3A_193 = tpu.memref_slice %arg5[%arg1, %dma_start3A_191, %dma_start3A_192] : memref<16x79x128xi32, #tpu.memory_space<hbm>> -> memref<1x79x128xi32, #tpu.memory_space<hbm>>
          %dma_start3A_194 = tpu.memref_squeeze %dma_start3A_193 : memref<1x79x128xi32, #tpu.memory_space<hbm>> -> memref<79x128xi32, #tpu.memory_space<hbm>>
          %dma_start3A_195 = arith.constant 0 : i32
          %dma_start3A_196 = tpu.memref_slice %dma_start3A_194[%min3A_155, %dma_start3A_195] : memref<79x128xi32, #tpu.memory_space<hbm>> -> memref<1x128xi32, #tpu.memory_space<hbm>>
          %dma_start3A_197 = tpu.memref_squeeze %dma_start3A_196 : memref<1x128xi32, #tpu.memory_space<hbm>> -> memref<128xi32, #tpu.memory_space<hbm>>
          tpu.enqueue_dma source(%dma_start3A_197 : memref<128xi32, #tpu.memory_space<hbm>>) target(%dma_start3A_190 : memref<128xi32, #tpu.memory_space<vmem>>) target_semaphore(%arg14 : memref<!tpu.dma_semaphore, #tpu.memory_space<semaphore_mem>>)
        } else {
        }
        %add3A_168 = arith.constant 2 : i32
        %add3A_169 = arith.addi %scan3A_90, %add3A_168 : i32
        %lt3A_170 = arith.constant 79 : i32
        %lt3A_171 = arith.cmpi slt, %add3A_169, %lt3A_170 : i32
        %eq3A_172 = arith.constant 1 : i32
        %eq3A_173 = arith.cmpi eq, %rem3A_91, %eq3A_172 : i32
        %and3A_174 = arith.andi %lt3A_171, %eq3A_173 : i1
        %convert_element_type3A_175 = arith.extui %and3A_174 : i1 to i32
        %cond3A_176 = arith.constant 0 : i32
        %cond3A_177 = arith.cmpi ne, %convert_element_type3A_175, %cond3A_176 : i32
        scf.if %cond3A_177 {
          %dma_start3A_178 = arith.constant 0 : i32
          %dma_start3A_179 = tpu.memref_slice %arg11[%rem3A_157, %dma_start3A_178] : memref<4x128xi32, #tpu.memory_space<vmem>> -> memref<1x128xi32, #tpu.memory_space<vmem>>
          %dma_start3A_180 = tpu.memref_squeeze %dma_start3A_179 : memref<1x128xi32, #tpu.memory_space<vmem>> -> memref<128xi32, #tpu.memory_space<vmem>>
          %dma_start3A_181 = arith.constant 0 : i32
          %dma_start3A_182 = arith.constant 0 : i32
          %dma_start3A_183 = tpu.memref_slice %arg5[%arg1, %dma_start3A_181, %dma_start3A_182] : memref<16x79x128xi32, #tpu.memory_space<hbm>> -> memref<1x79x128xi32, #tpu.memory_space<hbm>>
          %dma_start3A_184 = tpu.memref_squeeze %dma_start3A_183 : memref<1x79x128xi32, #tpu.memory_space<hbm>> -> memref<79x128xi32, #tpu.memory_space<hbm>>
          %dma_start3A_185 = arith.constant 0 : i32
          %dma_start3A_186 = tpu.memref_slice %dma_start3A_184[%min3A_155, %dma_start3A_185] : memref<79x128xi32, #tpu.memory_space<hbm>> -> memref<1x128xi32, #tpu.memory_space<hbm>>
          %dma_start3A_187 = tpu.memref_squeeze %dma_start3A_186 : memref<1x128xi32, #tpu.memory_space<hbm>> -> memref<128xi32, #tpu.memory_space<hbm>>
          %dma_start3A_188 = arith.constant 0 : i32
          %dma_start3A_189 = tpu.memref_slice %arg11[%rem3A_157, %dma_start3A_188] : memref<4x128xi32, #tpu.memory_space<vmem>> -> memref<1x128xi32, #tpu.memory_space<vmem>>
          %dma_start3A_190 = tpu.memref_squeeze %dma_start3A_189 : memref<1x128xi32, #tpu.memory_space<vmem>> -> memref<128xi32, #tpu.memory_space<vmem>>
          %dma_start3A_191 = arith.constant 0 : i32
          %dma_start3A_192 = arith.constant 0 : i32
          %dma_start3A_193 = tpu.memref_slice %arg5[%arg1, %dma_start3A_191, %dma_start3A_192] : memref<16x79x128xi32, #tpu.memory_space<hbm>> -> memref<1x79x128xi32, #tpu.memory_space<hbm>>
          %dma_start3A_194 = tpu.memref_squeeze %dma_start3A_193 : memref<1x79x128xi32, #tpu.memory_space<hbm>> -> memref<79x128xi32, #tpu.memory_space<hbm>>
          %dma_start3A_195 = arith.constant 0 : i32
          %dma_start3A_196 = tpu.memref_slice %dma_start3A_194[%min3A_155, %dma_start3A_195] : memref<79x128xi32, #tpu.memory_space<hbm>> -> memref<1x128xi32, #tpu.memory_space<hbm>>
          %dma_start3A_197 = tpu.memref_squeeze %dma_start3A_196 : memref<1x128xi32, #tpu.memory_space<hbm>> -> memref<128xi32, #tpu.memory_space<hbm>>
          tpu.enqueue_dma source(%dma_start3A_197 : memref<128xi32, #tpu.memory_space<hbm>>) target(%dma_start3A_190 : memref<128xi32, #tpu.memory_space<vmem>>) target_semaphore(%arg15 : memref<!tpu.dma_semaphore, #tpu.memory_space<semaphore_mem>>)
        } else {
        }
      }
      %scan3A_78 = arith.constant 79 : i32
      %dma_wait3A = arith.constant 0 : i32
      %dma_wait3A_79 = arith.constant 2 : i32
      %dma_wait3A_80 = arith.constant 0 : i32
      %dma_wait3A_81 = arith.constant 0 : i32
      %dma_wait3A_82 = tpu.memref_slice %arg12[%dma_wait3A, %dma_wait3A_80, %dma_wait3A_81] : memref<2x128x128xf32, #tpu.memory_space<vmem>> -> memref<1x128x128xf32, #tpu.memory_space<vmem>>
      %dma_wait3A_83 = tpu.memref_squeeze %dma_wait3A_82 : memref<1x128x128xf32, #tpu.memory_space<vmem>> -> memref<128x128xf32, #tpu.memory_space<vmem>>
      %dma_wait3A_84 = arith.constant 0 : i32
      %dma_wait3A_85 = tpu.memref_slice %arg11[%dma_wait3A_79, %dma_wait3A_84] : memref<4x128xi32, #tpu.memory_space<vmem>> -> memref<1x128xi32, #tpu.memory_space<vmem>>
      %dma_wait3A_86 = tpu.memref_squeeze %dma_wait3A_85 : memref<1x128xi32, #tpu.memory_space<vmem>> -> memref<128xi32, #tpu.memory_space<vmem>>
      %dma_wait3A_87 = arith.constant 0 : i32
      %dma_wait3A_88 = arith.constant 0 : i32
      %dma_wait3A_89 = tpu.memref_slice %arg9[%dma_wait3A_87, %dma_wait3A_88] : memref<10240x128xf32, #tpu.memory_space<vmem_shared>> -> memref<10240x128xf32, #tpu.memory_space<vmem_shared>>
      tpu.wait_indirect_dma semaphore(%arg16 : memref<!tpu.dma_semaphore, #tpu.memory_space<semaphore_mem>>) src(%dma_wait3A_83 : memref<128x128xf32, #tpu.memory_space<vmem>>) dst(%dma_wait3A_89 : memref<10240x128xf32, #tpu.memory_space<vmem_shared>>)
    } else {
    }
    %eq3A_3 = arith.constant 1 : i32
    %eq3A_4 = arith.cmpi eq, %arg0, %eq3A_3 : i32
    %convert_element_type3A_5 = arith.extui %eq3A_4 : i1 to i32
    %cond3A_6 = arith.constant 0 : i32
    %cond3A_7 = arith.cmpi ne, %convert_element_type3A_5, %cond3A_6 : i32
    scf.if %cond3A_7 {
      %dma_start3A = arith.constant 0 : i32
      %dma_start3A_19 = arith.constant 0 : i32
      %dma_start3A_20 = arith.constant 0 : i32
      %dma_start3A_21 = arith.constant 0 : i32
      %dma_start3A_22 = tpu.memref_slice %arg12[%dma_start3A_19, %dma_start3A_20, %dma_start3A_21] : memref<2x128x128xf32, #tpu.memory_space<vmem>> -> memref<1x128x128xf32, #tpu.memory_space<vmem>>
      %dma_start3A_23 = tpu.memref_squeeze %dma_start3A_22 : memref<1x128x128xf32, #tpu.memory_space<vmem>> -> memref<128x128xf32, #tpu.memory_space<vmem>>
      %dma_start3A_24 = arith.constant 0 : i32
      %dma_start3A_25 = tpu.memref_slice %arg10[%dma_start3A, %dma_start3A_24] : memref<79x128xi32, #tpu.memory_space<vmem>> -> memref<1x128xi32, #tpu.memory_space<vmem>>
      %dma_start3A_26 = tpu.memref_squeeze %dma_start3A_25 : memref<1x128xi32, #tpu.memory_space<vmem>> -> memref<128xi32, #tpu.memory_space<vmem>>
      %dma_start3A_27 = arith.constant 0 : i32
      %dma_start3A_28 = arith.constant 0 : i32
      %dma_start3A_29 = tpu.memref_slice %arg3[%dma_start3A_27, %dma_start3A_28] : memref<10240x128xf32, #tpu.memory_space<hbm>> -> memref<10240x128xf32, #tpu.memory_space<hbm>>
      tpu.enqueue_indirect_dma source(%dma_start3A_29 : memref<10240x128xf32, #tpu.memory_space<hbm>>) target(%dma_start3A_23 : memref<128x128xf32, #tpu.memory_space<vmem>>) offsets(%dma_start3A_26 : memref<128xi32, #tpu.memory_space<vmem>>) semaphore(%arg13 : memref<!tpu.dma_semaphore, #tpu.memory_space<semaphore_mem>>)
      %dma_start3A_30 = arith.constant 0 : i32
      %dma_start3A_31 = arith.constant 0 : i32
      %dma_start3A_32 = arith.constant 0 : i32
      %dma_start3A_33 = tpu.memref_slice %arg11[%dma_start3A_31, %dma_start3A_32] : memref<4x128xi32, #tpu.memory_space<vmem>> -> memref<1x128xi32, #tpu.memory_space<vmem>>
      %dma_start3A_34 = tpu.memref_squeeze %dma_start3A_33 : memref<1x128xi32, #tpu.memory_space<vmem>> -> memref<128xi32, #tpu.memory_space<vmem>>
      %dma_start3A_35 = arith.constant 0 : i32
      %dma_start3A_36 = arith.constant 0 : i32
      %dma_start3A_37 = tpu.memref_slice %arg5[%arg1, %dma_start3A_35, %dma_start3A_36] : memref<16x79x128xi32, #tpu.memory_space<hbm>> -> memref<1x79x128xi32, #tpu.memory_space<hbm>>
      %dma_start3A_38 = tpu.memref_squeeze %dma_start3A_37 : memref<1x79x128xi32, #tpu.memory_space<hbm>> -> memref<79x128xi32, #tpu.memory_space<hbm>>
      %dma_start3A_39 = arith.constant 0 : i32
      %dma_start3A_40 = tpu.memref_slice %dma_start3A_38[%dma_start3A_30, %dma_start3A_39] : memref<79x128xi32, #tpu.memory_space<hbm>> -> memref<1x128xi32, #tpu.memory_space<hbm>>
      %dma_start3A_41 = tpu.memref_squeeze %dma_start3A_40 : memref<1x128xi32, #tpu.memory_space<hbm>> -> memref<128xi32, #tpu.memory_space<hbm>>
      %dma_start3A_42 = arith.constant 0 : i32
      %dma_start3A_43 = tpu.memref_slice %arg11[%dma_start3A_31, %dma_start3A_42] : memref<4x128xi32, #tpu.memory_space<vmem>> -> memref<1x128xi32, #tpu.memory_space<vmem>>
      %dma_start3A_44 = tpu.memref_squeeze %dma_start3A_43 : memref<1x128xi32, #tpu.memory_space<vmem>> -> memref<128xi32, #tpu.memory_space<vmem>>
      %dma_start3A_45 = arith.constant 0 : i32
      %dma_start3A_46 = arith.constant 0 : i32
      %dma_start3A_47 = tpu.memref_slice %arg5[%arg1, %dma_start3A_45, %dma_start3A_46] : memref<16x79x128xi32, #tpu.memory_space<hbm>> -> memref<1x79x128xi32, #tpu.memory_space<hbm>>
      %dma_start3A_48 = tpu.memref_squeeze %dma_start3A_47 : memref<1x79x128xi32, #tpu.memory_space<hbm>> -> memref<79x128xi32, #tpu.memory_space<hbm>>
      %dma_start3A_49 = arith.constant 0 : i32
      %dma_start3A_50 = tpu.memref_slice %dma_start3A_48[%dma_start3A_30, %dma_start3A_49] : memref<79x128xi32, #tpu.memory_space<hbm>> -> memref<1x128xi32, #tpu.memory_space<hbm>>
      %dma_start3A_51 = tpu.memref_squeeze %dma_start3A_50 : memref<1x128xi32, #tpu.memory_space<hbm>> -> memref<128xi32, #tpu.memory_space<hbm>>
      tpu.enqueue_dma source(%dma_start3A_51 : memref<128xi32, #tpu.memory_space<hbm>>) target(%dma_start3A_44 : memref<128xi32, #tpu.memory_space<vmem>>) target_semaphore(%arg14 : memref<!tpu.dma_semaphore, #tpu.memory_space<semaphore_mem>>)
      %dma_start3A_52 = arith.constant 1 : i32
      %dma_start3A_53 = arith.constant 1 : i32
      %dma_start3A_54 = arith.constant 0 : i32
      %dma_start3A_55 = tpu.memref_slice %arg11[%dma_start3A_53, %dma_start3A_54] : memref<4x128xi32, #tpu.memory_space<vmem>> -> memref<1x128xi32, #tpu.memory_space<vmem>>
      %dma_start3A_56 = tpu.memref_squeeze %dma_start3A_55 : memref<1x128xi32, #tpu.memory_space<vmem>> -> memref<128xi32, #tpu.memory_space<vmem>>
      %dma_start3A_57 = arith.constant 0 : i32
      %dma_start3A_58 = arith.constant 0 : i32
      %dma_start3A_59 = tpu.memref_slice %arg5[%arg1, %dma_start3A_57, %dma_start3A_58] : memref<16x79x128xi32, #tpu.memory_space<hbm>> -> memref<1x79x128xi32, #tpu.memory_space<hbm>>
      %dma_start3A_60 = tpu.memref_squeeze %dma_start3A_59 : memref<1x79x128xi32, #tpu.memory_space<hbm>> -> memref<79x128xi32, #tpu.memory_space<hbm>>
      %dma_start3A_61 = arith.constant 0 : i32
      %dma_start3A_62 = tpu.memref_slice %dma_start3A_60[%dma_start3A_52, %dma_start3A_61] : memref<79x128xi32, #tpu.memory_space<hbm>> -> memref<1x128xi32, #tpu.memory_space<hbm>>
      %dma_start3A_63 = tpu.memref_squeeze %dma_start3A_62 : memref<1x128xi32, #tpu.memory_space<hbm>> -> memref<128xi32, #tpu.memory_space<hbm>>
      %dma_start3A_64 = arith.constant 0 : i32
      %dma_start3A_65 = tpu.memref_slice %arg11[%dma_start3A_53, %dma_start3A_64] : memref<4x128xi32, #tpu.memory_space<vmem>> -> memref<1x128xi32, #tpu.memory_space<vmem>>
      %dma_start3A_66 = tpu.memref_squeeze %dma_start3A_65 : memref<1x128xi32, #tpu.memory_space<vmem>> -> memref<128xi32, #tpu.memory_space<vmem>>
      %dma_start3A_67 = arith.constant 0 : i32
      %dma_start3A_68 = arith.constant 0 : i32
      %dma_start3A_69 = tpu.memref_slice %arg5[%arg1, %dma_start3A_67, %dma_start3A_68] : memref<16x79x128xi32, #tpu.memory_space<hbm>> -> memref<1x79x128xi32, #tpu.memory_space<hbm>>
      %dma_start3A_70 = tpu.memref_squeeze %dma_start3A_69 : memref<1x79x128xi32, #tpu.memory_space<hbm>> -> memref<79x128xi32, #tpu.memory_space<hbm>>
      %dma_start3A_71 = arith.constant 0 : i32
      %dma_start3A_72 = tpu.memref_slice %dma_start3A_70[%dma_start3A_52, %dma_start3A_71] : memref<79x128xi32, #tpu.memory_space<hbm>> -> memref<1x128xi32, #tpu.memory_space<hbm>>
      %dma_start3A_73 = tpu.memref_squeeze %dma_start3A_72 : memref<1x128xi32, #tpu.memory_space<hbm>> -> memref<128xi32, #tpu.memory_space<hbm>>
      tpu.enqueue_dma source(%dma_start3A_73 : memref<128xi32, #tpu.memory_space<hbm>>) target(%dma_start3A_66 : memref<128xi32, #tpu.memory_space<vmem>>) target_semaphore(%arg15 : memref<!tpu.dma_semaphore, #tpu.memory_space<semaphore_mem>>)
      %scan3A = arith.constant 0 : i32
      %scan3A_74 = arith.constant 0 : i32
      %scan3A_75 = arith.constant 79 : i32
      %scan3A_76 = arith.addi %scan3A_74, %scan3A_75 : i32
      %scan3A_77 = arith.constant 1 : i32
      scf.for %scan3A_90 = %scan3A_74 to %scan3A_76 step %scan3A_77  : i32 {
        %rem3A = arith.constant 2 : i32
        %rem3A_91 = arith.remsi %scan3A_90, %rem3A : i32
        %sub3A = arith.constant 1 : i32
        %sub3A_92 = arith.subi %sub3A, %rem3A_91 : i32
        %rem3A_93 = arith.constant 4 : i32
        %rem3A_94 = arith.remsi %scan3A_90, %rem3A_93 : i32
        %dma_wait3A_95 = arith.constant 0 : i32
        %dma_wait3A_96 = arith.constant 0 : i32
        %dma_wait3A_97 = tpu.memref_slice %arg12[%rem3A_91, %dma_wait3A_95, %dma_wait3A_96] : memref<2x128x128xf32, #tpu.memory_space<vmem>> -> memref<1x128x128xf32, #tpu.memory_space<vmem>>
        %dma_wait3A_98 = tpu.memref_squeeze %dma_wait3A_97 : memref<1x128x128xf32, #tpu.memory_space<vmem>> -> memref<128x128xf32, #tpu.memory_space<vmem>>
        %dma_wait3A_99 = arith.constant 0 : i32
        %dma_wait3A_100 = tpu.memref_slice %arg10[%scan3A_90, %dma_wait3A_99] : memref<79x128xi32, #tpu.memory_space<vmem>> -> memref<1x128xi32, #tpu.memory_space<vmem>>
        %dma_wait3A_101 = tpu.memref_squeeze %dma_wait3A_100 : memref<1x128xi32, #tpu.memory_space<vmem>> -> memref<128xi32, #tpu.memory_space<vmem>>
        %dma_wait3A_102 = arith.constant 0 : i32
        %dma_wait3A_103 = arith.constant 0 : i32
        %dma_wait3A_104 = tpu.memref_slice %arg3[%dma_wait3A_102, %dma_wait3A_103] : memref<10240x128xf32, #tpu.memory_space<hbm>> -> memref<10240x128xf32, #tpu.memory_space<hbm>>
        tpu.wait_indirect_dma semaphore(%arg13 : memref<!tpu.dma_semaphore, #tpu.memory_space<semaphore_mem>>) src(%dma_wait3A_104 : memref<10240x128xf32, #tpu.memory_space<hbm>>) dst(%dma_wait3A_98 : memref<128x128xf32, #tpu.memory_space<vmem>>)
        %eq3A_105 = arith.constant 0 : i32
        %eq3A_106 = arith.cmpi eq, %rem3A_91, %eq3A_105 : i32
        %convert_element_type3A_107 = arith.extui %eq3A_106 : i1 to i32
        %cond3A_108 = arith.constant 0 : i32
        %cond3A_109 = arith.cmpi ne, %convert_element_type3A_107, %cond3A_108 : i32
        scf.if %cond3A_109 {
          %dma_wait3A_178 = arith.constant 0 : i32
          %dma_wait3A_179 = tpu.memref_slice %arg11[%rem3A_94, %dma_wait3A_178] : memref<4x128xi32, #tpu.memory_space<vmem>> -> memref<1x128xi32, #tpu.memory_space<vmem>>
          %dma_wait3A_180 = tpu.memref_squeeze %dma_wait3A_179 : memref<1x128xi32, #tpu.memory_space<vmem>> -> memref<128xi32, #tpu.memory_space<vmem>>
          %dma_wait3A_181 = arith.constant 0 : i32
          %dma_wait3A_182 = arith.constant 0 : i32
          %dma_wait3A_183 = tpu.memref_slice %arg5[%arg1, %dma_wait3A_181, %dma_wait3A_182] : memref<16x79x128xi32, #tpu.memory_space<hbm>> -> memref<1x79x128xi32, #tpu.memory_space<hbm>>
          %dma_wait3A_184 = tpu.memref_squeeze %dma_wait3A_183 : memref<1x79x128xi32, #tpu.memory_space<hbm>> -> memref<79x128xi32, #tpu.memory_space<hbm>>
          %dma_wait3A_185 = arith.constant 0 : i32
          %dma_wait3A_186 = tpu.memref_slice %dma_wait3A_184[%scan3A_90, %dma_wait3A_185] : memref<79x128xi32, #tpu.memory_space<hbm>> -> memref<1x128xi32, #tpu.memory_space<hbm>>
          %dma_wait3A_187 = tpu.memref_squeeze %dma_wait3A_186 : memref<1x128xi32, #tpu.memory_space<hbm>> -> memref<128xi32, #tpu.memory_space<hbm>>
          %dma_wait3A_188 = arith.constant 0 : i32
          %dma_wait3A_189 = tpu.memref_slice %arg11[%rem3A_94, %dma_wait3A_188] : memref<4x128xi32, #tpu.memory_space<vmem>> -> memref<1x128xi32, #tpu.memory_space<vmem>>
          %dma_wait3A_190 = tpu.memref_squeeze %dma_wait3A_189 : memref<1x128xi32, #tpu.memory_space<vmem>> -> memref<128xi32, #tpu.memory_space<vmem>>
          %dma_wait3A_191 = arith.constant 0 : i32
          %dma_wait3A_192 = arith.constant 0 : i32
          %dma_wait3A_193 = tpu.memref_slice %arg5[%arg1, %dma_wait3A_191, %dma_wait3A_192] : memref<16x79x128xi32, #tpu.memory_space<hbm>> -> memref<1x79x128xi32, #tpu.memory_space<hbm>>
          %dma_wait3A_194 = tpu.memref_squeeze %dma_wait3A_193 : memref<1x79x128xi32, #tpu.memory_space<hbm>> -> memref<79x128xi32, #tpu.memory_space<hbm>>
          %dma_wait3A_195 = arith.constant 0 : i32
          %dma_wait3A_196 = tpu.memref_slice %dma_wait3A_194[%scan3A_90, %dma_wait3A_195] : memref<79x128xi32, #tpu.memory_space<hbm>> -> memref<1x128xi32, #tpu.memory_space<hbm>>
          %dma_wait3A_197 = tpu.memref_squeeze %dma_wait3A_196 : memref<1x128xi32, #tpu.memory_space<hbm>> -> memref<128xi32, #tpu.memory_space<hbm>>
          tpu.wait_dma2 semaphore(%arg14 : memref<!tpu.dma_semaphore, #tpu.memory_space<semaphore_mem>>) src(%dma_wait3A_197 : memref<128xi32, #tpu.memory_space<hbm>>) dst(%dma_wait3A_190 : memref<128xi32, #tpu.memory_space<vmem>>)
        } else {
        }
        %eq3A_110 = arith.constant 0 : i32
        %eq3A_111 = arith.cmpi eq, %rem3A_91, %eq3A_110 : i32
        %convert_element_type3A_112 = arith.extui %eq3A_111 : i1 to i32
        %cond3A_113 = arith.constant 0 : i32
        %cond3A_114 = arith.cmpi ne, %convert_element_type3A_112, %cond3A_113 : i32
        scf.if %cond3A_114 {
          %dma_start3A_178 = arith.constant 0 : i32
          %dma_start3A_179 = arith.constant 0 : i32
          %dma_start3A_180 = tpu.memref_slice %arg12[%rem3A_91, %dma_start3A_178, %dma_start3A_179] : memref<2x128x128xf32, #tpu.memory_space<vmem>> -> memref<1x128x128xf32, #tpu.memory_space<vmem>>
          %dma_start3A_181 = tpu.memref_squeeze %dma_start3A_180 : memref<1x128x128xf32, #tpu.memory_space<vmem>> -> memref<128x128xf32, #tpu.memory_space<vmem>>
          %dma_start3A_182 = arith.constant 0 : i32
          %dma_start3A_183 = tpu.memref_slice %arg11[%rem3A_94, %dma_start3A_182] : memref<4x128xi32, #tpu.memory_space<vmem>> -> memref<1x128xi32, #tpu.memory_space<vmem>>
          %dma_start3A_184 = tpu.memref_squeeze %dma_start3A_183 : memref<1x128xi32, #tpu.memory_space<vmem>> -> memref<128xi32, #tpu.memory_space<vmem>>
          %dma_start3A_185 = arith.constant 0 : i32
          %dma_start3A_186 = arith.constant 0 : i32
          %dma_start3A_187 = tpu.memref_slice %arg9[%dma_start3A_185, %dma_start3A_186] : memref<10240x128xf32, #tpu.memory_space<vmem_shared>> -> memref<10240x128xf32, #tpu.memory_space<vmem_shared>>
          tpu.enqueue_indirect_dma source(%dma_start3A_181 : memref<128x128xf32, #tpu.memory_space<vmem>>) target(%dma_start3A_187 : memref<10240x128xf32, #tpu.memory_space<vmem_shared>>) offsets(%dma_start3A_184 : memref<128xi32, #tpu.memory_space<vmem>>) semaphore(%arg16 : memref<!tpu.dma_semaphore, #tpu.memory_space<semaphore_mem>>) {add = true}
        } else {
        }
        %eq3A_115 = arith.constant 1 : i32
        %eq3A_116 = arith.cmpi eq, %rem3A_91, %eq3A_115 : i32
        %convert_element_type3A_117 = arith.extui %eq3A_116 : i1 to i32
        %cond3A_118 = arith.constant 0 : i32
        %cond3A_119 = arith.cmpi ne, %convert_element_type3A_117, %cond3A_118 : i32
        scf.if %cond3A_119 {
          %dma_wait3A_178 = arith.constant 0 : i32
          %dma_wait3A_179 = tpu.memref_slice %arg11[%rem3A_94, %dma_wait3A_178] : memref<4x128xi32, #tpu.memory_space<vmem>> -> memref<1x128xi32, #tpu.memory_space<vmem>>
          %dma_wait3A_180 = tpu.memref_squeeze %dma_wait3A_179 : memref<1x128xi32, #tpu.memory_space<vmem>> -> memref<128xi32, #tpu.memory_space<vmem>>
          %dma_wait3A_181 = arith.constant 0 : i32
          %dma_wait3A_182 = arith.constant 0 : i32
          %dma_wait3A_183 = tpu.memref_slice %arg5[%arg1, %dma_wait3A_181, %dma_wait3A_182] : memref<16x79x128xi32, #tpu.memory_space<hbm>> -> memref<1x79x128xi32, #tpu.memory_space<hbm>>
          %dma_wait3A_184 = tpu.memref_squeeze %dma_wait3A_183 : memref<1x79x128xi32, #tpu.memory_space<hbm>> -> memref<79x128xi32, #tpu.memory_space<hbm>>
          %dma_wait3A_185 = arith.constant 0 : i32
          %dma_wait3A_186 = tpu.memref_slice %dma_wait3A_184[%scan3A_90, %dma_wait3A_185] : memref<79x128xi32, #tpu.memory_space<hbm>> -> memref<1x128xi32, #tpu.memory_space<hbm>>
          %dma_wait3A_187 = tpu.memref_squeeze %dma_wait3A_186 : memref<1x128xi32, #tpu.memory_space<hbm>> -> memref<128xi32, #tpu.memory_space<hbm>>
          %dma_wait3A_188 = arith.constant 0 : i32
          %dma_wait3A_189 = tpu.memref_slice %arg11[%rem3A_94, %dma_wait3A_188] : memref<4x128xi32, #tpu.memory_space<vmem>> -> memref<1x128xi32, #tpu.memory_space<vmem>>
          %dma_wait3A_190 = tpu.memref_squeeze %dma_wait3A_189 : memref<1x128xi32, #tpu.memory_space<vmem>> -> memref<128xi32, #tpu.memory_space<vmem>>
          %dma_wait3A_191 = arith.constant 0 : i32
          %dma_wait3A_192 = arith.constant 0 : i32
          %dma_wait3A_193 = tpu.memref_slice %arg5[%arg1, %dma_wait3A_191, %dma_wait3A_192] : memref<16x79x128xi32, #tpu.memory_space<hbm>> -> memref<1x79x128xi32, #tpu.memory_space<hbm>>
          %dma_wait3A_194 = tpu.memref_squeeze %dma_wait3A_193 : memref<1x79x128xi32, #tpu.memory_space<hbm>> -> memref<79x128xi32, #tpu.memory_space<hbm>>
          %dma_wait3A_195 = arith.constant 0 : i32
          %dma_wait3A_196 = tpu.memref_slice %dma_wait3A_194[%scan3A_90, %dma_wait3A_195] : memref<79x128xi32, #tpu.memory_space<hbm>> -> memref<1x128xi32, #tpu.memory_space<hbm>>
          %dma_wait3A_197 = tpu.memref_squeeze %dma_wait3A_196 : memref<1x128xi32, #tpu.memory_space<hbm>> -> memref<128xi32, #tpu.memory_space<hbm>>
          tpu.wait_dma2 semaphore(%arg15 : memref<!tpu.dma_semaphore, #tpu.memory_space<semaphore_mem>>) src(%dma_wait3A_197 : memref<128xi32, #tpu.memory_space<hbm>>) dst(%dma_wait3A_190 : memref<128xi32, #tpu.memory_space<vmem>>)
        } else {
        }
        %eq3A_120 = arith.constant 1 : i32
        %eq3A_121 = arith.cmpi eq, %rem3A_91, %eq3A_120 : i32
        %convert_element_type3A_122 = arith.extui %eq3A_121 : i1 to i32
        %cond3A_123 = arith.constant 0 : i32
        %cond3A_124 = arith.cmpi ne, %convert_element_type3A_122, %cond3A_123 : i32
        scf.if %cond3A_124 {
          %dma_start3A_178 = arith.constant 0 : i32
          %dma_start3A_179 = arith.constant 0 : i32
          %dma_start3A_180 = tpu.memref_slice %arg12[%rem3A_91, %dma_start3A_178, %dma_start3A_179] : memref<2x128x128xf32, #tpu.memory_space<vmem>> -> memref<1x128x128xf32, #tpu.memory_space<vmem>>
          %dma_start3A_181 = tpu.memref_squeeze %dma_start3A_180 : memref<1x128x128xf32, #tpu.memory_space<vmem>> -> memref<128x128xf32, #tpu.memory_space<vmem>>
          %dma_start3A_182 = arith.constant 0 : i32
          %dma_start3A_183 = tpu.memref_slice %arg11[%rem3A_94, %dma_start3A_182] : memref<4x128xi32, #tpu.memory_space<vmem>> -> memref<1x128xi32, #tpu.memory_space<vmem>>
          %dma_start3A_184 = tpu.memref_squeeze %dma_start3A_183 : memref<1x128xi32, #tpu.memory_space<vmem>> -> memref<128xi32, #tpu.memory_space<vmem>>
          %dma_start3A_185 = arith.constant 0 : i32
          %dma_start3A_186 = arith.constant 0 : i32
          %dma_start3A_187 = tpu.memref_slice %arg9[%dma_start3A_185, %dma_start3A_186] : memref<10240x128xf32, #tpu.memory_space<vmem_shared>> -> memref<10240x128xf32, #tpu.memory_space<vmem_shared>>
          tpu.enqueue_indirect_dma source(%dma_start3A_181 : memref<128x128xf32, #tpu.memory_space<vmem>>) target(%dma_start3A_187 : memref<10240x128xf32, #tpu.memory_space<vmem_shared>>) offsets(%dma_start3A_184 : memref<128xi32, #tpu.memory_space<vmem>>) semaphore(%arg17 : memref<!tpu.dma_semaphore, #tpu.memory_space<semaphore_mem>>) {add = true}
        } else {
        }
        %sub3A_125 = arith.constant 1 : i32
        %sub3A_126 = arith.subi %scan3A_90, %sub3A_125 : i32
        %max3A = arith.constant 0 : i32
        %max3A_127 = arith.maxsi %sub3A_126, %max3A : i32
        %rem3A_128 = arith.constant 4 : i32
        %rem3A_129 = arith.remsi %max3A_127, %rem3A_128 : i32
        %ge3A = arith.constant 1 : i32
        %ge3A_130 = arith.cmpi sge, %scan3A_90, %ge3A : i32
        %eq3A_131 = arith.constant 0 : i32
        %eq3A_132 = arith.cmpi eq, %sub3A_92, %eq3A_131 : i32
        %and3A = arith.andi %ge3A_130, %eq3A_132 : i1
        %convert_element_type3A_133 = arith.extui %and3A : i1 to i32
        %cond3A_134 = arith.constant 0 : i32
        %cond3A_135 = arith.cmpi ne, %convert_element_type3A_133, %cond3A_134 : i32
        scf.if %cond3A_135 {
          %dma_wait3A_178 = arith.constant 0 : i32
          %dma_wait3A_179 = arith.constant 0 : i32
          %dma_wait3A_180 = tpu.memref_slice %arg12[%sub3A_92, %dma_wait3A_178, %dma_wait3A_179] : memref<2x128x128xf32, #tpu.memory_space<vmem>> -> memref<1x128x128xf32, #tpu.memory_space<vmem>>
          %dma_wait3A_181 = tpu.memref_squeeze %dma_wait3A_180 : memref<1x128x128xf32, #tpu.memory_space<vmem>> -> memref<128x128xf32, #tpu.memory_space<vmem>>
          %dma_wait3A_182 = arith.constant 0 : i32
          %dma_wait3A_183 = tpu.memref_slice %arg11[%rem3A_129, %dma_wait3A_182] : memref<4x128xi32, #tpu.memory_space<vmem>> -> memref<1x128xi32, #tpu.memory_space<vmem>>
          %dma_wait3A_184 = tpu.memref_squeeze %dma_wait3A_183 : memref<1x128xi32, #tpu.memory_space<vmem>> -> memref<128xi32, #tpu.memory_space<vmem>>
          %dma_wait3A_185 = arith.constant 0 : i32
          %dma_wait3A_186 = arith.constant 0 : i32
          %dma_wait3A_187 = tpu.memref_slice %arg9[%dma_wait3A_185, %dma_wait3A_186] : memref<10240x128xf32, #tpu.memory_space<vmem_shared>> -> memref<10240x128xf32, #tpu.memory_space<vmem_shared>>
          tpu.wait_indirect_dma semaphore(%arg16 : memref<!tpu.dma_semaphore, #tpu.memory_space<semaphore_mem>>) src(%dma_wait3A_181 : memref<128x128xf32, #tpu.memory_space<vmem>>) dst(%dma_wait3A_187 : memref<10240x128xf32, #tpu.memory_space<vmem_shared>>)
        } else {
        }
        %ge3A_136 = arith.constant 1 : i32
        %ge3A_137 = arith.cmpi sge, %scan3A_90, %ge3A_136 : i32
        %eq3A_138 = arith.constant 1 : i32
        %eq3A_139 = arith.cmpi eq, %sub3A_92, %eq3A_138 : i32
        %and3A_140 = arith.andi %ge3A_137, %eq3A_139 : i1
        %convert_element_type3A_141 = arith.extui %and3A_140 : i1 to i32
        %cond3A_142 = arith.constant 0 : i32
        %cond3A_143 = arith.cmpi ne, %convert_element_type3A_141, %cond3A_142 : i32
        scf.if %cond3A_143 {
          %dma_wait3A_178 = arith.constant 0 : i32
          %dma_wait3A_179 = arith.constant 0 : i32
          %dma_wait3A_180 = tpu.memref_slice %arg12[%sub3A_92, %dma_wait3A_178, %dma_wait3A_179] : memref<2x128x128xf32, #tpu.memory_space<vmem>> -> memref<1x128x128xf32, #tpu.memory_space<vmem>>
          %dma_wait3A_181 = tpu.memref_squeeze %dma_wait3A_180 : memref<1x128x128xf32, #tpu.memory_space<vmem>> -> memref<128x128xf32, #tpu.memory_space<vmem>>
          %dma_wait3A_182 = arith.constant 0 : i32
          %dma_wait3A_183 = tpu.memref_slice %arg11[%rem3A_129, %dma_wait3A_182] : memref<4x128xi32, #tpu.memory_space<vmem>> -> memref<1x128xi32, #tpu.memory_space<vmem>>
          %dma_wait3A_184 = tpu.memref_squeeze %dma_wait3A_183 : memref<1x128xi32, #tpu.memory_space<vmem>> -> memref<128xi32, #tpu.memory_space<vmem>>
          %dma_wait3A_185 = arith.constant 0 : i32
          %dma_wait3A_186 = arith.constant 0 : i32
          %dma_wait3A_187 = tpu.memref_slice %arg9[%dma_wait3A_185, %dma_wait3A_186] : memref<10240x128xf32, #tpu.memory_space<vmem_shared>> -> memref<10240x128xf32, #tpu.memory_space<vmem_shared>>
          tpu.wait_indirect_dma semaphore(%arg17 : memref<!tpu.dma_semaphore, #tpu.memory_space<semaphore_mem>>) src(%dma_wait3A_181 : memref<128x128xf32, #tpu.memory_space<vmem>>) dst(%dma_wait3A_187 : memref<10240x128xf32, #tpu.memory_space<vmem_shared>>)
        } else {
        }
        %add3A = arith.constant 1 : i32
        %add3A_144 = arith.addi %scan3A_90, %add3A : i32
        %min3A = arith.constant 78 : i32
        %min3A_145 = arith.minsi %add3A_144, %min3A : i32
        %add3A_146 = arith.constant 1 : i32
        %add3A_147 = arith.addi %scan3A_90, %add3A_146 : i32
        %lt3A = arith.constant 79 : i32
        %lt3A_148 = arith.cmpi slt, %add3A_147, %lt3A : i32
        %convert_element_type3A_149 = arith.extui %lt3A_148 : i1 to i32
        %cond3A_150 = arith.constant 0 : i32
        %cond3A_151 = arith.cmpi ne, %convert_element_type3A_149, %cond3A_150 : i32
        scf.if %cond3A_151 {
          %dma_start3A_178 = arith.constant 0 : i32
          %dma_start3A_179 = arith.constant 0 : i32
          %dma_start3A_180 = tpu.memref_slice %arg12[%sub3A_92, %dma_start3A_178, %dma_start3A_179] : memref<2x128x128xf32, #tpu.memory_space<vmem>> -> memref<1x128x128xf32, #tpu.memory_space<vmem>>
          %dma_start3A_181 = tpu.memref_squeeze %dma_start3A_180 : memref<1x128x128xf32, #tpu.memory_space<vmem>> -> memref<128x128xf32, #tpu.memory_space<vmem>>
          %dma_start3A_182 = arith.constant 0 : i32
          %dma_start3A_183 = tpu.memref_slice %arg10[%min3A_145, %dma_start3A_182] : memref<79x128xi32, #tpu.memory_space<vmem>> -> memref<1x128xi32, #tpu.memory_space<vmem>>
          %dma_start3A_184 = tpu.memref_squeeze %dma_start3A_183 : memref<1x128xi32, #tpu.memory_space<vmem>> -> memref<128xi32, #tpu.memory_space<vmem>>
          %dma_start3A_185 = arith.constant 0 : i32
          %dma_start3A_186 = arith.constant 0 : i32
          %dma_start3A_187 = tpu.memref_slice %arg3[%dma_start3A_185, %dma_start3A_186] : memref<10240x128xf32, #tpu.memory_space<hbm>> -> memref<10240x128xf32, #tpu.memory_space<hbm>>
          tpu.enqueue_indirect_dma source(%dma_start3A_187 : memref<10240x128xf32, #tpu.memory_space<hbm>>) target(%dma_start3A_181 : memref<128x128xf32, #tpu.memory_space<vmem>>) offsets(%dma_start3A_184 : memref<128xi32, #tpu.memory_space<vmem>>) semaphore(%arg13 : memref<!tpu.dma_semaphore, #tpu.memory_space<semaphore_mem>>)
        } else {
        }
        %add3A_152 = arith.constant 2 : i32
        %add3A_153 = arith.addi %scan3A_90, %add3A_152 : i32
        %min3A_154 = arith.constant 78 : i32
        %min3A_155 = arith.minsi %add3A_153, %min3A_154 : i32
        %rem3A_156 = arith.constant 4 : i32
        %rem3A_157 = arith.remsi %min3A_155, %rem3A_156 : i32
        %add3A_158 = arith.constant 2 : i32
        %add3A_159 = arith.addi %scan3A_90, %add3A_158 : i32
        %lt3A_160 = arith.constant 79 : i32
        %lt3A_161 = arith.cmpi slt, %add3A_159, %lt3A_160 : i32
        %eq3A_162 = arith.constant 0 : i32
        %eq3A_163 = arith.cmpi eq, %rem3A_91, %eq3A_162 : i32
        %and3A_164 = arith.andi %lt3A_161, %eq3A_163 : i1
        %convert_element_type3A_165 = arith.extui %and3A_164 : i1 to i32
        %cond3A_166 = arith.constant 0 : i32
        %cond3A_167 = arith.cmpi ne, %convert_element_type3A_165, %cond3A_166 : i32
        scf.if %cond3A_167 {
          %dma_start3A_178 = arith.constant 0 : i32
          %dma_start3A_179 = tpu.memref_slice %arg11[%rem3A_157, %dma_start3A_178] : memref<4x128xi32, #tpu.memory_space<vmem>> -> memref<1x128xi32, #tpu.memory_space<vmem>>
          %dma_start3A_180 = tpu.memref_squeeze %dma_start3A_179 : memref<1x128xi32, #tpu.memory_space<vmem>> -> memref<128xi32, #tpu.memory_space<vmem>>
          %dma_start3A_181 = arith.constant 0 : i32
          %dma_start3A_182 = arith.constant 0 : i32
          %dma_start3A_183 = tpu.memref_slice %arg5[%arg1, %dma_start3A_181, %dma_start3A_182] : memref<16x79x128xi32, #tpu.memory_space<hbm>> -> memref<1x79x128xi32, #tpu.memory_space<hbm>>
          %dma_start3A_184 = tpu.memref_squeeze %dma_start3A_183 : memref<1x79x128xi32, #tpu.memory_space<hbm>> -> memref<79x128xi32, #tpu.memory_space<hbm>>
          %dma_start3A_185 = arith.constant 0 : i32
          %dma_start3A_186 = tpu.memref_slice %dma_start3A_184[%min3A_155, %dma_start3A_185] : memref<79x128xi32, #tpu.memory_space<hbm>> -> memref<1x128xi32, #tpu.memory_space<hbm>>
          %dma_start3A_187 = tpu.memref_squeeze %dma_start3A_186 : memref<1x128xi32, #tpu.memory_space<hbm>> -> memref<128xi32, #tpu.memory_space<hbm>>
          %dma_start3A_188 = arith.constant 0 : i32
          %dma_start3A_189 = tpu.memref_slice %arg11[%rem3A_157, %dma_start3A_188] : memref<4x128xi32, #tpu.memory_space<vmem>> -> memref<1x128xi32, #tpu.memory_space<vmem>>
          %dma_start3A_190 = tpu.memref_squeeze %dma_start3A_189 : memref<1x128xi32, #tpu.memory_space<vmem>> -> memref<128xi32, #tpu.memory_space<vmem>>
          %dma_start3A_191 = arith.constant 0 : i32
          %dma_start3A_192 = arith.constant 0 : i32
          %dma_start3A_193 = tpu.memref_slice %arg5[%arg1, %dma_start3A_191, %dma_start3A_192] : memref<16x79x128xi32, #tpu.memory_space<hbm>> -> memref<1x79x128xi32, #tpu.memory_space<hbm>>
          %dma_start3A_194 = tpu.memref_squeeze %dma_start3A_193 : memref<1x79x128xi32, #tpu.memory_space<hbm>> -> memref<79x128xi32, #tpu.memory_space<hbm>>
          %dma_start3A_195 = arith.constant 0 : i32
          %dma_start3A_196 = tpu.memref_slice %dma_start3A_194[%min3A_155, %dma_start3A_195] : memref<79x128xi32, #tpu.memory_space<hbm>> -> memref<1x128xi32, #tpu.memory_space<hbm>>
          %dma_start3A_197 = tpu.memref_squeeze %dma_start3A_196 : memref<1x128xi32, #tpu.memory_space<hbm>> -> memref<128xi32, #tpu.memory_space<hbm>>
          tpu.enqueue_dma source(%dma_start3A_197 : memref<128xi32, #tpu.memory_space<hbm>>) target(%dma_start3A_190 : memref<128xi32, #tpu.memory_space<vmem>>) target_semaphore(%arg14 : memref<!tpu.dma_semaphore, #tpu.memory_space<semaphore_mem>>)
        } else {
        }
        %add3A_168 = arith.constant 2 : i32
        %add3A_169 = arith.addi %scan3A_90, %add3A_168 : i32
        %lt3A_170 = arith.constant 79 : i32
        %lt3A_171 = arith.cmpi slt, %add3A_169, %lt3A_170 : i32
        %eq3A_172 = arith.constant 1 : i32
        %eq3A_173 = arith.cmpi eq, %rem3A_91, %eq3A_172 : i32
        %and3A_174 = arith.andi %lt3A_171, %eq3A_173 : i1
        %convert_element_type3A_175 = arith.extui %and3A_174 : i1 to i32
        %cond3A_176 = arith.constant 0 : i32
        %cond3A_177 = arith.cmpi ne, %convert_element_type3A_175, %cond3A_176 : i32
        scf.if %cond3A_177 {
          %dma_start3A_178 = arith.constant 0 : i32
          %dma_start3A_179 = tpu.memref_slice %arg11[%rem3A_157, %dma_start3A_178] : memref<4x128xi32, #tpu.memory_space<vmem>> -> memref<1x128xi32, #tpu.memory_space<vmem>>
          %dma_start3A_180 = tpu.memref_squeeze %dma_start3A_179 : memref<1x128xi32, #tpu.memory_space<vmem>> -> memref<128xi32, #tpu.memory_space<vmem>>
          %dma_start3A_181 = arith.constant 0 : i32
          %dma_start3A_182 = arith.constant 0 : i32
          %dma_start3A_183 = tpu.memref_slice %arg5[%arg1, %dma_start3A_181, %dma_start3A_182] : memref<16x79x128xi32, #tpu.memory_space<hbm>> -> memref<1x79x128xi32, #tpu.memory_space<hbm>>
          %dma_start3A_184 = tpu.memref_squeeze %dma_start3A_183 : memref<1x79x128xi32, #tpu.memory_space<hbm>> -> memref<79x128xi32, #tpu.memory_space<hbm>>
          %dma_start3A_185 = arith.constant 0 : i32
          %dma_start3A_186 = tpu.memref_slice %dma_start3A_184[%min3A_155, %dma_start3A_185] : memref<79x128xi32, #tpu.memory_space<hbm>> -> memref<1x128xi32, #tpu.memory_space<hbm>>
          %dma_start3A_187 = tpu.memref_squeeze %dma_start3A_186 : memref<1x128xi32, #tpu.memory_space<hbm>> -> memref<128xi32, #tpu.memory_space<hbm>>
          %dma_start3A_188 = arith.constant 0 : i32
          %dma_start3A_189 = tpu.memref_slice %arg11[%rem3A_157, %dma_start3A_188] : memref<4x128xi32, #tpu.memory_space<vmem>> -> memref<1x128xi32, #tpu.memory_space<vmem>>
          %dma_start3A_190 = tpu.memref_squeeze %dma_start3A_189 : memref<1x128xi32, #tpu.memory_space<vmem>> -> memref<128xi32, #tpu.memory_space<vmem>>
          %dma_start3A_191 = arith.constant 0 : i32
          %dma_start3A_192 = arith.constant 0 : i32
          %dma_start3A_193 = tpu.memref_slice %arg5[%arg1, %dma_start3A_191, %dma_start3A_192] : memref<16x79x128xi32, #tpu.memory_space<hbm>> -> memref<1x79x128xi32, #tpu.memory_space<hbm>>
          %dma_start3A_194 = tpu.memref_squeeze %dma_start3A_193 : memref<1x79x128xi32, #tpu.memory_space<hbm>> -> memref<79x128xi32, #tpu.memory_space<hbm>>
          %dma_start3A_195 = arith.constant 0 : i32
          %dma_start3A_196 = tpu.memref_slice %dma_start3A_194[%min3A_155, %dma_start3A_195] : memref<79x128xi32, #tpu.memory_space<hbm>> -> memref<1x128xi32, #tpu.memory_space<hbm>>
          %dma_start3A_197 = tpu.memref_squeeze %dma_start3A_196 : memref<1x128xi32, #tpu.memory_space<hbm>> -> memref<128xi32, #tpu.memory_space<hbm>>
          tpu.enqueue_dma source(%dma_start3A_197 : memref<128xi32, #tpu.memory_space<hbm>>) target(%dma_start3A_190 : memref<128xi32, #tpu.memory_space<vmem>>) target_semaphore(%arg15 : memref<!tpu.dma_semaphore, #tpu.memory_space<semaphore_mem>>)
        } else {
        }
      }
      %scan3A_78 = arith.constant 79 : i32
      %dma_wait3A = arith.constant 0 : i32
      %dma_wait3A_79 = arith.constant 2 : i32
      %dma_wait3A_80 = arith.constant 0 : i32
      %dma_wait3A_81 = arith.constant 0 : i32
      %dma_wait3A_82 = tpu.memref_slice %arg12[%dma_wait3A, %dma_wait3A_80, %dma_wait3A_81] : memref<2x128x128xf32, #tpu.memory_space<vmem>> -> memref<1x128x128xf32, #tpu.memory_space<vmem>>
      %dma_wait3A_83 = tpu.memref_squeeze %dma_wait3A_82 : memref<1x128x128xf32, #tpu.memory_space<vmem>> -> memref<128x128xf32, #tpu.memory_space<vmem>>
      %dma_wait3A_84 = arith.constant 0 : i32
      %dma_wait3A_85 = tpu.memref_slice %arg11[%dma_wait3A_79, %dma_wait3A_84] : memref<4x128xi32, #tpu.memory_space<vmem>> -> memref<1x128xi32, #tpu.memory_space<vmem>>
      %dma_wait3A_86 = tpu.memref_squeeze %dma_wait3A_85 : memref<1x128xi32, #tpu.memory_space<vmem>> -> memref<128xi32, #tpu.memory_space<vmem>>
      %dma_wait3A_87 = arith.constant 0 : i32
      %dma_wait3A_88 = arith.constant 0 : i32
      %dma_wait3A_89 = tpu.memref_slice %arg9[%dma_wait3A_87, %dma_wait3A_88] : memref<10240x128xf32, #tpu.memory_space<vmem_shared>> -> memref<10240x128xf32, #tpu.memory_space<vmem_shared>>
      tpu.wait_indirect_dma semaphore(%arg16 : memref<!tpu.dma_semaphore, #tpu.memory_space<semaphore_mem>>) src(%dma_wait3A_83 : memref<128x128xf32, #tpu.memory_space<vmem>>) dst(%dma_wait3A_89 : memref<10240x128xf32, #tpu.memory_space<vmem_shared>>)
    } else {
    }
    %barrier3A_8 = arith.constant 0 : index
    tpu.barrier barrier_id(%barrier3A_8)
    %eq3A_9 = arith.constant 0 : i32
    %eq3A_10 = arith.cmpi eq, %arg0, %eq3A_9 : i32
    %convert_element_type3A_11 = arith.extui %eq3A_10 : i1 to i32
    %cond3A_12 = arith.constant 0 : i32
    %cond3A_13 = arith.cmpi ne, %convert_element_type3A_11, %cond3A_12 : i32
    scf.if %cond3A_13 {
      %mul3A_19 = arith.constant 640 : i32
      %mul3A_20 = arith.muli %arg1, %mul3A_19 : i32
      "tpu.region"() ({
        %run_scoped3A = tpu.sem_alloc : memref<!tpu.dma_semaphore, #tpu.memory_space<semaphore_mem>>
        %dma_start3A = arith.constant 0 : i32
        %dma_start3A_21 = tpu.memref_slice %arg7[%mul3A_20, %dma_start3A] : memref<10240x128xf32, #tpu.memory_space<hbm>> -> memref<640x128xf32, #tpu.memory_space<hbm>>
        %dma_start3A_22 = arith.constant 0 : i32
        %dma_start3A_23 = tpu.memref_slice %arg9[%mul3A_20, %dma_start3A_22] : memref<10240x128xf32, #tpu.memory_space<vmem_shared>> -> memref<640x128xf32, #tpu.memory_space<vmem_shared>>
        tpu.enqueue_dma source(%dma_start3A_23 : memref<640x128xf32, #tpu.memory_space<vmem_shared>>) target(%dma_start3A_21 : memref<640x128xf32, #tpu.memory_space<hbm>>) target_semaphore(%run_scoped3A : memref<!tpu.dma_semaphore, #tpu.memory_space<semaphore_mem>>)
        %dma_wait3A = arith.constant 0 : i32
        %dma_wait3A_24 = tpu.memref_slice %arg7[%mul3A_20, %dma_wait3A] : memref<10240x128xf32, #tpu.memory_space<hbm>> -> memref<640x128xf32, #tpu.memory_space<hbm>>
        %dma_wait3A_25 = arith.constant 0 : i32
        %dma_wait3A_26 = tpu.memref_slice %arg9[%mul3A_20, %dma_wait3A_25] : memref<10240x128xf32, #tpu.memory_space<vmem_shared>> -> memref<640x128xf32, #tpu.memory_space<vmem_shared>>
        tpu.wait_dma2 semaphore(%run_scoped3A : memref<!tpu.dma_semaphore, #tpu.memory_space<semaphore_mem>>) src(%dma_wait3A_26 : memref<640x128xf32, #tpu.memory_space<vmem_shared>>) dst(%dma_wait3A_24 : memref<640x128xf32, #tpu.memory_space<hbm>>)
        tpu.yield
      }) : () -> ()
    } else {
    }
    %eq3A_14 = arith.constant 1 : i32
    %eq3A_15 = arith.cmpi eq, %arg0, %eq3A_14 : i32
    %convert_element_type3A_16 = arith.extui %eq3A_15 : i1 to i32
    %cond3A_17 = arith.constant 0 : i32
    %cond3A_18 = arith.cmpi ne, %convert_element_type3A_16, %cond3A_17 : i32
    scf.if %cond3A_18 {
      %mul3A_19 = arith.constant 640 : i32
      %mul3A_20 = arith.muli %arg1, %mul3A_19 : i32
      "tpu.region"() ({
        %run_scoped3A = tpu.sem_alloc : memref<!tpu.dma_semaphore, #tpu.memory_space<semaphore_mem>>
        %dma_start3A = arith.constant 0 : i32
        %dma_start3A_21 = tpu.memref_slice %arg8[%mul3A_20, %dma_start3A] : memref<10240x128xf32, #tpu.memory_space<hbm>> -> memref<640x128xf32, #tpu.memory_space<hbm>>
        %dma_start3A_22 = arith.constant 0 : i32
        %dma_start3A_23 = tpu.memref_slice %arg9[%mul3A_20, %dma_start3A_22] : memref<10240x128xf32, #tpu.memory_space<vmem_shared>> -> memref<640x128xf32, #tpu.memory_space<vmem_shared>>
        tpu.enqueue_dma source(%dma_start3A_23 : memref<640x128xf32, #tpu.memory_space<vmem_shared>>) target(%dma_start3A_21 : memref<640x128xf32, #tpu.memory_space<hbm>>) target_semaphore(%run_scoped3A : memref<!tpu.dma_semaphore, #tpu.memory_space<semaphore_mem>>)
        %dma_wait3A = arith.constant 0 : i32
        %dma_wait3A_24 = tpu.memref_slice %arg8[%mul3A_20, %dma_wait3A] : memref<10240x128xf32, #tpu.memory_space<hbm>> -> memref<640x128xf32, #tpu.memory_space<hbm>>
        %dma_wait3A_25 = arith.constant 0 : i32
        %dma_wait3A_26 = tpu.memref_slice %arg9[%mul3A_20, %dma_wait3A_25] : memref<10240x128xf32, #tpu.memory_space<vmem_shared>> -> memref<640x128xf32, #tpu.memory_space<vmem_shared>>
        tpu.wait_dma2 semaphore(%run_scoped3A : memref<!tpu.dma_semaphore, #tpu.memory_space<semaphore_mem>>) src(%dma_wait3A_26 : memref<640x128xf32, #tpu.memory_space<vmem_shared>>) dst(%dma_wait3A_24 : memref<640x128xf32, #tpu.memory_space<hbm>>)
        tpu.yield
      }) : () -> ()
    } else {
    }
    return
  }
}

#map = affine_map<(d0, d1) -> (0, 0)>
#map1 = affine_map<(d0, d1) -> (0, 0, 0)>
module attributes {stable_mosaic.version = 14 : i64} {
  func.func @_sc_segsum_body(%arg0: i32, %arg1: i32, %arg2: memref<10240x128xf32, #tpu.memory_space<hbm>>, %arg3: memref<10240x128xf32, #tpu.memory_space<hbm>>, %arg4: memref<16x79x128xi32, #tpu.memory_space<hbm>>, %arg5: memref<16x79x128xi32, #tpu.memory_space<hbm>>, %arg6: memref<640x128xf32, #tpu.memory_space<hbm>>, %arg7: memref<10240x128xf32, #tpu.memory_space<hbm>>, %arg8: memref<10240x128xf32, #tpu.memory_space<hbm>>, %arg9: memref<10240x128xf32, #tpu.memory_space<vmem_shared>>, %arg10: memref<79x128xi32, #tpu.memory_space<vmem>>, %arg11: memref<4x128xi32, #tpu.memory_space<vmem>>, %arg12: memref<2x128x128xf32, #tpu.memory_space<vmem>>, %arg13: memref<!tpu.dma_semaphore, #tpu.memory_space<semaphore_mem>>, %arg14: memref<!tpu.dma_semaphore, #tpu.memory_space<semaphore_mem>>, %arg15: memref<!tpu.dma_semaphore, #tpu.memory_space<semaphore_mem>>, %arg16: memref<!tpu.dma_semaphore, #tpu.memory_space<semaphore_mem>>, %arg17: memref<!tpu.dma_semaphore, #tpu.memory_space<semaphore_mem>>) attributes {dimension_semantics = [#tpu.dimension_semantics<core_parallel>, #tpu.dimension_semantics<subcore_parallel>], iteration_bounds = array<i64: 2, 16>, scalar_prefetch = 0 : i64, scratch_operands = 9 : i64, tpu.core_type = #tpu.core_type<sc_vector_subcore>, window_params = [{transform_indices = #map}, {transform_indices = #map}, {transform_indices = #map1}, {transform_indices = #map1}, {transform_indices = #map}, {transform_indices = #map}, {transform_indices = #map}]} {
    %mul3A = arith.constant 640 : i32
    %mul3A_0 = arith.muli %arg1, %mul3A : i32
    "tpu.region"() ({
      %run_scoped3A = tpu.sem_alloc : memref<!tpu.dma_semaphore, #tpu.memory_space<semaphore_mem>>
      %dma_start3A = arith.constant 0 : i32
      %dma_start3A_19 = tpu.memref_slice %arg9[%mul3A_0, %dma_start3A] : memref<10240x128xf32, #tpu.memory_space<vmem_shared>> -> memref<640x128xf32, #tpu.memory_space<vmem_shared>>
      tpu.enqueue_dma source(%arg6 : memref<640x128xf32, #tpu.memory_space<hbm>>) target(%dma_start3A_19 : memref<640x128xf32, #tpu.memory_space<vmem_shared>>) target_semaphore(%run_scoped3A : memref<!tpu.dma_semaphore, #tpu.memory_space<semaphore_mem>>)
      %dma_wait3A = arith.constant 0 : i32
      %dma_wait3A_20 = tpu.memref_slice %arg9[%mul3A_0, %dma_wait3A] : memref<10240x128xf32, #tpu.memory_space<vmem_shared>> -> memref<640x128xf32, #tpu.memory_space<vmem_shared>>
      tpu.wait_dma2 semaphore(%run_scoped3A : memref<!tpu.dma_semaphore, #tpu.memory_space<semaphore_mem>>) src(%arg6 : memref<640x128xf32, #tpu.memory_space<hbm>>) dst(%dma_wait3A_20 : memref<640x128xf32, #tpu.memory_space<vmem_shared>>)
      tpu.yield
    }) : () -> ()
    "tpu.region"() ({
      %run_scoped3A = tpu.sem_alloc : memref<!tpu.dma_semaphore, #tpu.memory_space<semaphore_mem>>
      %dma_start3A = arith.constant 0 : i32
      %dma_start3A_19 = arith.constant 0 : i32
      %dma_start3A_20 = tpu.memref_slice %arg4[%arg1, %dma_start3A, %dma_start3A_19] : memref<16x79x128xi32, #tpu.memory_space<hbm>> -> memref<1x79x128xi32, #tpu.memory_space<hbm>>
      %dma_start3A_21 = tpu.memref_squeeze %dma_start3A_20 : memref<1x79x128xi32, #tpu.memory_space<hbm>> -> memref<79x128xi32, #tpu.memory_space<hbm>>
      %dma_start3A_22 = arith.constant 0 : i32
      %dma_start3A_23 = arith.constant 0 : i32
      %dma_start3A_24 = tpu.memref_slice %arg4[%arg1, %dma_start3A_22, %dma_start3A_23] : memref<16x79x128xi32, #tpu.memory_space<hbm>> -> memref<1x79x128xi32, #tpu.memory_space<hbm>>
      %dma_start3A_25 = tpu.memref_squeeze %dma_start3A_24 : memref<1x79x128xi32, #tpu.memory_space<hbm>> -> memref<79x128xi32, #tpu.memory_space<hbm>>
      tpu.enqueue_dma source(%dma_start3A_25 : memref<79x128xi32, #tpu.memory_space<hbm>>) target(%arg10 : memref<79x128xi32, #tpu.memory_space<vmem>>) target_semaphore(%run_scoped3A : memref<!tpu.dma_semaphore, #tpu.memory_space<semaphore_mem>>)
      %dma_wait3A = arith.constant 0 : i32
      %dma_wait3A_26 = arith.constant 0 : i32
      %dma_wait3A_27 = tpu.memref_slice %arg4[%arg1, %dma_wait3A, %dma_wait3A_26] : memref<16x79x128xi32, #tpu.memory_space<hbm>> -> memref<1x79x128xi32, #tpu.memory_space<hbm>>
      %dma_wait3A_28 = tpu.memref_squeeze %dma_wait3A_27 : memref<1x79x128xi32, #tpu.memory_space<hbm>> -> memref<79x128xi32, #tpu.memory_space<hbm>>
      %dma_wait3A_29 = arith.constant 0 : i32
      %dma_wait3A_30 = arith.constant 0 : i32
      %dma_wait3A_31 = tpu.memref_slice %arg4[%arg1, %dma_wait3A_29, %dma_wait3A_30] : memref<16x79x128xi32, #tpu.memory_space<hbm>> -> memref<1x79x128xi32, #tpu.memory_space<hbm>>
      %dma_wait3A_32 = tpu.memref_squeeze %dma_wait3A_31 : memref<1x79x128xi32, #tpu.memory_space<hbm>> -> memref<79x128xi32, #tpu.memory_space<hbm>>
      tpu.wait_dma2 semaphore(%run_scoped3A : memref<!tpu.dma_semaphore, #tpu.memory_space<semaphore_mem>>) src(%dma_wait3A_32 : memref<79x128xi32, #tpu.memory_space<hbm>>) dst(%arg10 : memref<79x128xi32, #tpu.memory_space<vmem>>)
      tpu.yield
    }) : () -> ()
    %barrier3A = arith.constant 0 : index
    tpu.barrier barrier_id(%barrier3A)
    %eq3A = arith.constant 0 : i32
    %eq3A_1 = arith.cmpi eq, %arg0, %eq3A : i32
    %convert_element_type3A = arith.extui %eq3A_1 : i1 to i32
    %cond3A = arith.constant 0 : i32
    %cond3A_2 = arith.cmpi ne, %convert_element_type3A, %cond3A : i32
    scf.if %cond3A_2 {
      %dma_start3A = arith.constant 0 : i32
      %dma_start3A_19 = arith.constant 0 : i32
      %dma_start3A_20 = arith.constant 0 : i32
      %dma_start3A_21 = arith.constant 0 : i32
      %dma_start3A_22 = tpu.memref_slice %arg12[%dma_start3A_19, %dma_start3A_20, %dma_start3A_21] : memref<2x128x128xf32, #tpu.memory_space<vmem>> -> memref<1x128x128xf32, #tpu.memory_space<vmem>>
      %dma_start3A_23 = tpu.memref_squeeze %dma_start3A_22 : memref<1x128x128xf32, #tpu.memory_space<vmem>> -> memref<128x128xf32, #tpu.memory_space<vmem>>
      %dma_start3A_24 = arith.constant 0 : i32
      %dma_start3A_25 = tpu.memref_slice %arg10[%dma_start3A, %dma_start3A_24] : memref<79x128xi32, #tpu.memory_space<vmem>> -> memref<1x128xi32, #tpu.memory_space<vmem>>
      %dma_start3A_26 = tpu.memref_squeeze %dma_start3A_25 : memref<1x128xi32, #tpu.memory_space<vmem>> -> memref<128xi32, #tpu.memory_space<vmem>>
      %dma_start3A_27 = arith.constant 0 : i32
      %dma_start3A_28 = arith.constant 0 : i32
      %dma_start3A_29 = tpu.memref_slice %arg2[%dma_start3A_27, %dma_start3A_28] : memref<10240x128xf32, #tpu.memory_space<hbm>> -> memref<10240x128xf32, #tpu.memory_space<hbm>>
      tpu.enqueue_indirect_dma source(%dma_start3A_29 : memref<10240x128xf32, #tpu.memory_space<hbm>>) target(%dma_start3A_23 : memref<128x128xf32, #tpu.memory_space<vmem>>) offsets(%dma_start3A_26 : memref<128xi32, #tpu.memory_space<vmem>>) semaphore(%arg13 : memref<!tpu.dma_semaphore, #tpu.memory_space<semaphore_mem>>)
      %dma_start3A_30 = arith.constant 0 : i32
      %dma_start3A_31 = arith.constant 0 : i32
      %dma_start3A_32 = arith.constant 0 : i32
      %dma_start3A_33 = tpu.memref_slice %arg11[%dma_start3A_31, %dma_start3A_32] : memref<4x128xi32, #tpu.memory_space<vmem>> -> memref<1x128xi32, #tpu.memory_space<vmem>>
      %dma_start3A_34 = tpu.memref_squeeze %dma_start3A_33 : memref<1x128xi32, #tpu.memory_space<vmem>> -> memref<128xi32, #tpu.memory_space<vmem>>
      %dma_start3A_35 = arith.constant 0 : i32
      %dma_start3A_36 = arith.constant 0 : i32
      %dma_start3A_37 = tpu.memref_slice %arg5[%arg1, %dma_start3A_35, %dma_start3A_36] : memref<16x79x128xi32, #tpu.memory_space<hbm>> -> memref<1x79x128xi32, #tpu.memory_space<hbm>>
      %dma_start3A_38 = tpu.memref_squeeze %dma_start3A_37 : memref<1x79x128xi32, #tpu.memory_space<hbm>> -> memref<79x128xi32, #tpu.memory_space<hbm>>
      %dma_start3A_39 = arith.constant 0 : i32
      %dma_start3A_40 = tpu.memref_slice %dma_start3A_38[%dma_start3A_30, %dma_start3A_39] : memref<79x128xi32, #tpu.memory_space<hbm>> -> memref<1x128xi32, #tpu.memory_space<hbm>>
      %dma_start3A_41 = tpu.memref_squeeze %dma_start3A_40 : memref<1x128xi32, #tpu.memory_space<hbm>> -> memref<128xi32, #tpu.memory_space<hbm>>
      %dma_start3A_42 = arith.constant 0 : i32
      %dma_start3A_43 = tpu.memref_slice %arg11[%dma_start3A_31, %dma_start3A_42] : memref<4x128xi32, #tpu.memory_space<vmem>> -> memref<1x128xi32, #tpu.memory_space<vmem>>
      %dma_start3A_44 = tpu.memref_squeeze %dma_start3A_43 : memref<1x128xi32, #tpu.memory_space<vmem>> -> memref<128xi32, #tpu.memory_space<vmem>>
      %dma_start3A_45 = arith.constant 0 : i32
      %dma_start3A_46 = arith.constant 0 : i32
      %dma_start3A_47 = tpu.memref_slice %arg5[%arg1, %dma_start3A_45, %dma_start3A_46] : memref<16x79x128xi32, #tpu.memory_space<hbm>> -> memref<1x79x128xi32, #tpu.memory_space<hbm>>
      %dma_start3A_48 = tpu.memref_squeeze %dma_start3A_47 : memref<1x79x128xi32, #tpu.memory_space<hbm>> -> memref<79x128xi32, #tpu.memory_space<hbm>>
      %dma_start3A_49 = arith.constant 0 : i32
      %dma_start3A_50 = tpu.memref_slice %dma_start3A_48[%dma_start3A_30, %dma_start3A_49] : memref<79x128xi32, #tpu.memory_space<hbm>> -> memref<1x128xi32, #tpu.memory_space<hbm>>
      %dma_start3A_51 = tpu.memref_squeeze %dma_start3A_50 : memref<1x128xi32, #tpu.memory_space<hbm>> -> memref<128xi32, #tpu.memory_space<hbm>>
      tpu.enqueue_dma source(%dma_start3A_51 : memref<128xi32, #tpu.memory_space<hbm>>) target(%dma_start3A_44 : memref<128xi32, #tpu.memory_space<vmem>>) target_semaphore(%arg14 : memref<!tpu.dma_semaphore, #tpu.memory_space<semaphore_mem>>)
      %dma_start3A_52 = arith.constant 1 : i32
      %dma_start3A_53 = arith.constant 1 : i32
      %dma_start3A_54 = arith.constant 0 : i32
      %dma_start3A_55 = tpu.memref_slice %arg11[%dma_start3A_53, %dma_start3A_54] : memref<4x128xi32, #tpu.memory_space<vmem>> -> memref<1x128xi32, #tpu.memory_space<vmem>>
      %dma_start3A_56 = tpu.memref_squeeze %dma_start3A_55 : memref<1x128xi32, #tpu.memory_space<vmem>> -> memref<128xi32, #tpu.memory_space<vmem>>
      %dma_start3A_57 = arith.constant 0 : i32
      %dma_start3A_58 = arith.constant 0 : i32
      %dma_start3A_59 = tpu.memref_slice %arg5[%arg1, %dma_start3A_57, %dma_start3A_58] : memref<16x79x128xi32, #tpu.memory_space<hbm>> -> memref<1x79x128xi32, #tpu.memory_space<hbm>>
      %dma_start3A_60 = tpu.memref_squeeze %dma_start3A_59 : memref<1x79x128xi32, #tpu.memory_space<hbm>> -> memref<79x128xi32, #tpu.memory_space<hbm>>
      %dma_start3A_61 = arith.constant 0 : i32
      %dma_start3A_62 = tpu.memref_slice %dma_start3A_60[%dma_start3A_52, %dma_start3A_61] : memref<79x128xi32, #tpu.memory_space<hbm>> -> memref<1x128xi32, #tpu.memory_space<hbm>>
      %dma_start3A_63 = tpu.memref_squeeze %dma_start3A_62 : memref<1x128xi32, #tpu.memory_space<hbm>> -> memref<128xi32, #tpu.memory_space<hbm>>
      %dma_start3A_64 = arith.constant 0 : i32
      %dma_start3A_65 = tpu.memref_slice %arg11[%dma_start3A_53, %dma_start3A_64] : memref<4x128xi32, #tpu.memory_space<vmem>> -> memref<1x128xi32, #tpu.memory_space<vmem>>
      %dma_start3A_66 = tpu.memref_squeeze %dma_start3A_65 : memref<1x128xi32, #tpu.memory_space<vmem>> -> memref<128xi32, #tpu.memory_space<vmem>>
      %dma_start3A_67 = arith.constant 0 : i32
      %dma_start3A_68 = arith.constant 0 : i32
      %dma_start3A_69 = tpu.memref_slice %arg5[%arg1, %dma_start3A_67, %dma_start3A_68] : memref<16x79x128xi32, #tpu.memory_space<hbm>> -> memref<1x79x128xi32, #tpu.memory_space<hbm>>
      %dma_start3A_70 = tpu.memref_squeeze %dma_start3A_69 : memref<1x79x128xi32, #tpu.memory_space<hbm>> -> memref<79x128xi32, #tpu.memory_space<hbm>>
      %dma_start3A_71 = arith.constant 0 : i32
      %dma_start3A_72 = tpu.memref_slice %dma_start3A_70[%dma_start3A_52, %dma_start3A_71] : memref<79x128xi32, #tpu.memory_space<hbm>> -> memref<1x128xi32, #tpu.memory_space<hbm>>
      %dma_start3A_73 = tpu.memref_squeeze %dma_start3A_72 : memref<1x128xi32, #tpu.memory_space<hbm>> -> memref<128xi32, #tpu.memory_space<hbm>>
      tpu.enqueue_dma source(%dma_start3A_73 : memref<128xi32, #tpu.memory_space<hbm>>) target(%dma_start3A_66 : memref<128xi32, #tpu.memory_space<vmem>>) target_semaphore(%arg15 : memref<!tpu.dma_semaphore, #tpu.memory_space<semaphore_mem>>)
      %scan3A = arith.constant 0 : i32
      %scan3A_74 = arith.constant 0 : i32
      %scan3A_75 = arith.constant 79 : i32
      %scan3A_76 = arith.addi %scan3A_74, %scan3A_75 : i32
      %scan3A_77 = arith.constant 1 : i32
      scf.for %scan3A_90 = %scan3A_74 to %scan3A_76 step %scan3A_77  : i32 {
        %rem3A = arith.constant 2 : i32
        %rem3A_91 = arith.remsi %scan3A_90, %rem3A : i32
        %sub3A = arith.constant 1 : i32
        %sub3A_92 = arith.subi %sub3A, %rem3A_91 : i32
        %rem3A_93 = arith.constant 4 : i32
        %rem3A_94 = arith.remsi %scan3A_90, %rem3A_93 : i32
        %dma_wait3A_95 = arith.constant 0 : i32
        %dma_wait3A_96 = arith.constant 0 : i32
        %dma_wait3A_97 = tpu.memref_slice %arg12[%rem3A_91, %dma_wait3A_95, %dma_wait3A_96] : memref<2x128x128xf32, #tpu.memory_space<vmem>> -> memref<1x128x128xf32, #tpu.memory_space<vmem>>
        %dma_wait3A_98 = tpu.memref_squeeze %dma_wait3A_97 : memref<1x128x128xf32, #tpu.memory_space<vmem>> -> memref<128x128xf32, #tpu.memory_space<vmem>>
        %dma_wait3A_99 = arith.constant 0 : i32
        %dma_wait3A_100 = tpu.memref_slice %arg10[%scan3A_90, %dma_wait3A_99] : memref<79x128xi32, #tpu.memory_space<vmem>> -> memref<1x128xi32, #tpu.memory_space<vmem>>
        %dma_wait3A_101 = tpu.memref_squeeze %dma_wait3A_100 : memref<1x128xi32, #tpu.memory_space<vmem>> -> memref<128xi32, #tpu.memory_space<vmem>>
        %dma_wait3A_102 = arith.constant 0 : i32
        %dma_wait3A_103 = arith.constant 0 : i32
        %dma_wait3A_104 = tpu.memref_slice %arg2[%dma_wait3A_102, %dma_wait3A_103] : memref<10240x128xf32, #tpu.memory_space<hbm>> -> memref<10240x128xf32, #tpu.memory_space<hbm>>
        tpu.wait_indirect_dma semaphore(%arg13 : memref<!tpu.dma_semaphore, #tpu.memory_space<semaphore_mem>>) src(%dma_wait3A_104 : memref<10240x128xf32, #tpu.memory_space<hbm>>) dst(%dma_wait3A_98 : memref<128x128xf32, #tpu.memory_space<vmem>>)
        %eq3A_105 = arith.constant 0 : i32
        %eq3A_106 = arith.cmpi eq, %rem3A_91, %eq3A_105 : i32
        %convert_element_type3A_107 = arith.extui %eq3A_106 : i1 to i32
        %cond3A_108 = arith.constant 0 : i32
        %cond3A_109 = arith.cmpi ne, %convert_element_type3A_107, %cond3A_108 : i32
        scf.if %cond3A_109 {
          %dma_wait3A_178 = arith.constant 0 : i32
          %dma_wait3A_179 = tpu.memref_slice %arg11[%rem3A_94, %dma_wait3A_178] : memref<4x128xi32, #tpu.memory_space<vmem>> -> memref<1x128xi32, #tpu.memory_space<vmem>>
          %dma_wait3A_180 = tpu.memref_squeeze %dma_wait3A_179 : memref<1x128xi32, #tpu.memory_space<vmem>> -> memref<128xi32, #tpu.memory_space<vmem>>
          %dma_wait3A_181 = arith.constant 0 : i32
          %dma_wait3A_182 = arith.constant 0 : i32
          %dma_wait3A_183 = tpu.memref_slice %arg5[%arg1, %dma_wait3A_181, %dma_wait3A_182] : memref<16x79x128xi32, #tpu.memory_space<hbm>> -> memref<1x79x128xi32, #tpu.memory_space<hbm>>
          %dma_wait3A_184 = tpu.memref_squeeze %dma_wait3A_183 : memref<1x79x128xi32, #tpu.memory_space<hbm>> -> memref<79x128xi32, #tpu.memory_space<hbm>>
          %dma_wait3A_185 = arith.constant 0 : i32
          %dma_wait3A_186 = tpu.memref_slice %dma_wait3A_184[%scan3A_90, %dma_wait3A_185] : memref<79x128xi32, #tpu.memory_space<hbm>> -> memref<1x128xi32, #tpu.memory_space<hbm>>
          %dma_wait3A_187 = tpu.memref_squeeze %dma_wait3A_186 : memref<1x128xi32, #tpu.memory_space<hbm>> -> memref<128xi32, #tpu.memory_space<hbm>>
          %dma_wait3A_188 = arith.constant 0 : i32
          %dma_wait3A_189 = tpu.memref_slice %arg11[%rem3A_94, %dma_wait3A_188] : memref<4x128xi32, #tpu.memory_space<vmem>> -> memref<1x128xi32, #tpu.memory_space<vmem>>
          %dma_wait3A_190 = tpu.memref_squeeze %dma_wait3A_189 : memref<1x128xi32, #tpu.memory_space<vmem>> -> memref<128xi32, #tpu.memory_space<vmem>>
          %dma_wait3A_191 = arith.constant 0 : i32
          %dma_wait3A_192 = arith.constant 0 : i32
          %dma_wait3A_193 = tpu.memref_slice %arg5[%arg1, %dma_wait3A_191, %dma_wait3A_192] : memref<16x79x128xi32, #tpu.memory_space<hbm>> -> memref<1x79x128xi32, #tpu.memory_space<hbm>>
          %dma_wait3A_194 = tpu.memref_squeeze %dma_wait3A_193 : memref<1x79x128xi32, #tpu.memory_space<hbm>> -> memref<79x128xi32, #tpu.memory_space<hbm>>
          %dma_wait3A_195 = arith.constant 0 : i32
          %dma_wait3A_196 = tpu.memref_slice %dma_wait3A_194[%scan3A_90, %dma_wait3A_195] : memref<79x128xi32, #tpu.memory_space<hbm>> -> memref<1x128xi32, #tpu.memory_space<hbm>>
          %dma_wait3A_197 = tpu.memref_squeeze %dma_wait3A_196 : memref<1x128xi32, #tpu.memory_space<hbm>> -> memref<128xi32, #tpu.memory_space<hbm>>
          tpu.wait_dma2 semaphore(%arg14 : memref<!tpu.dma_semaphore, #tpu.memory_space<semaphore_mem>>) src(%dma_wait3A_197 : memref<128xi32, #tpu.memory_space<hbm>>) dst(%dma_wait3A_190 : memref<128xi32, #tpu.memory_space<vmem>>)
        } else {
        }
        %eq3A_110 = arith.constant 0 : i32
        %eq3A_111 = arith.cmpi eq, %rem3A_91, %eq3A_110 : i32
        %convert_element_type3A_112 = arith.extui %eq3A_111 : i1 to i32
        %cond3A_113 = arith.constant 0 : i32
        %cond3A_114 = arith.cmpi ne, %convert_element_type3A_112, %cond3A_113 : i32
        scf.if %cond3A_114 {
          %dma_start3A_178 = arith.constant 0 : i32
          %dma_start3A_179 = arith.constant 0 : i32
          %dma_start3A_180 = tpu.memref_slice %arg12[%rem3A_91, %dma_start3A_178, %dma_start3A_179] : memref<2x128x128xf32, #tpu.memory_space<vmem>> -> memref<1x128x128xf32, #tpu.memory_space<vmem>>
          %dma_start3A_181 = tpu.memref_squeeze %dma_start3A_180 : memref<1x128x128xf32, #tpu.memory_space<vmem>> -> memref<128x128xf32, #tpu.memory_space<vmem>>
          %dma_start3A_182 = arith.constant 0 : i32
          %dma_start3A_183 = tpu.memref_slice %arg11[%rem3A_94, %dma_start3A_182] : memref<4x128xi32, #tpu.memory_space<vmem>> -> memref<1x128xi32, #tpu.memory_space<vmem>>
          %dma_start3A_184 = tpu.memref_squeeze %dma_start3A_183 : memref<1x128xi32, #tpu.memory_space<vmem>> -> memref<128xi32, #tpu.memory_space<vmem>>
          %dma_start3A_185 = arith.constant 0 : i32
          %dma_start3A_186 = arith.constant 0 : i32
          %dma_start3A_187 = tpu.memref_slice %arg9[%dma_start3A_185, %dma_start3A_186] : memref<10240x128xf32, #tpu.memory_space<vmem_shared>> -> memref<10240x128xf32, #tpu.memory_space<vmem_shared>>
          tpu.enqueue_indirect_dma source(%dma_start3A_181 : memref<128x128xf32, #tpu.memory_space<vmem>>) target(%dma_start3A_187 : memref<10240x128xf32, #tpu.memory_space<vmem_shared>>) offsets(%dma_start3A_184 : memref<128xi32, #tpu.memory_space<vmem>>) semaphore(%arg16 : memref<!tpu.dma_semaphore, #tpu.memory_space<semaphore_mem>>) {add = true}
        } else {
        }
        %eq3A_115 = arith.constant 1 : i32
        %eq3A_116 = arith.cmpi eq, %rem3A_91, %eq3A_115 : i32
        %convert_element_type3A_117 = arith.extui %eq3A_116 : i1 to i32
        %cond3A_118 = arith.constant 0 : i32
        %cond3A_119 = arith.cmpi ne, %convert_element_type3A_117, %cond3A_118 : i32
        scf.if %cond3A_119 {
          %dma_wait3A_178 = arith.constant 0 : i32
          %dma_wait3A_179 = tpu.memref_slice %arg11[%rem3A_94, %dma_wait3A_178] : memref<4x128xi32, #tpu.memory_space<vmem>> -> memref<1x128xi32, #tpu.memory_space<vmem>>
          %dma_wait3A_180 = tpu.memref_squeeze %dma_wait3A_179 : memref<1x128xi32, #tpu.memory_space<vmem>> -> memref<128xi32, #tpu.memory_space<vmem>>
          %dma_wait3A_181 = arith.constant 0 : i32
          %dma_wait3A_182 = arith.constant 0 : i32
          %dma_wait3A_183 = tpu.memref_slice %arg5[%arg1, %dma_wait3A_181, %dma_wait3A_182] : memref<16x79x128xi32, #tpu.memory_space<hbm>> -> memref<1x79x128xi32, #tpu.memory_space<hbm>>
          %dma_wait3A_184 = tpu.memref_squeeze %dma_wait3A_183 : memref<1x79x128xi32, #tpu.memory_space<hbm>> -> memref<79x128xi32, #tpu.memory_space<hbm>>
          %dma_wait3A_185 = arith.constant 0 : i32
          %dma_wait3A_186 = tpu.memref_slice %dma_wait3A_184[%scan3A_90, %dma_wait3A_185] : memref<79x128xi32, #tpu.memory_space<hbm>> -> memref<1x128xi32, #tpu.memory_space<hbm>>
          %dma_wait3A_187 = tpu.memref_squeeze %dma_wait3A_186 : memref<1x128xi32, #tpu.memory_space<hbm>> -> memref<128xi32, #tpu.memory_space<hbm>>
          %dma_wait3A_188 = arith.constant 0 : i32
          %dma_wait3A_189 = tpu.memref_slice %arg11[%rem3A_94, %dma_wait3A_188] : memref<4x128xi32, #tpu.memory_space<vmem>> -> memref<1x128xi32, #tpu.memory_space<vmem>>
          %dma_wait3A_190 = tpu.memref_squeeze %dma_wait3A_189 : memref<1x128xi32, #tpu.memory_space<vmem>> -> memref<128xi32, #tpu.memory_space<vmem>>
          %dma_wait3A_191 = arith.constant 0 : i32
          %dma_wait3A_192 = arith.constant 0 : i32
          %dma_wait3A_193 = tpu.memref_slice %arg5[%arg1, %dma_wait3A_191, %dma_wait3A_192] : memref<16x79x128xi32, #tpu.memory_space<hbm>> -> memref<1x79x128xi32, #tpu.memory_space<hbm>>
          %dma_wait3A_194 = tpu.memref_squeeze %dma_wait3A_193 : memref<1x79x128xi32, #tpu.memory_space<hbm>> -> memref<79x128xi32, #tpu.memory_space<hbm>>
          %dma_wait3A_195 = arith.constant 0 : i32
          %dma_wait3A_196 = tpu.memref_slice %dma_wait3A_194[%scan3A_90, %dma_wait3A_195] : memref<79x128xi32, #tpu.memory_space<hbm>> -> memref<1x128xi32, #tpu.memory_space<hbm>>
          %dma_wait3A_197 = tpu.memref_squeeze %dma_wait3A_196 : memref<1x128xi32, #tpu.memory_space<hbm>> -> memref<128xi32, #tpu.memory_space<hbm>>
          tpu.wait_dma2 semaphore(%arg15 : memref<!tpu.dma_semaphore, #tpu.memory_space<semaphore_mem>>) src(%dma_wait3A_197 : memref<128xi32, #tpu.memory_space<hbm>>) dst(%dma_wait3A_190 : memref<128xi32, #tpu.memory_space<vmem>>)
        } else {
        }
        %eq3A_120 = arith.constant 1 : i32
        %eq3A_121 = arith.cmpi eq, %rem3A_91, %eq3A_120 : i32
        %convert_element_type3A_122 = arith.extui %eq3A_121 : i1 to i32
        %cond3A_123 = arith.constant 0 : i32
        %cond3A_124 = arith.cmpi ne, %convert_element_type3A_122, %cond3A_123 : i32
        scf.if %cond3A_124 {
          %dma_start3A_178 = arith.constant 0 : i32
          %dma_start3A_179 = arith.constant 0 : i32
          %dma_start3A_180 = tpu.memref_slice %arg12[%rem3A_91, %dma_start3A_178, %dma_start3A_179] : memref<2x128x128xf32, #tpu.memory_space<vmem>> -> memref<1x128x128xf32, #tpu.memory_space<vmem>>
          %dma_start3A_181 = tpu.memref_squeeze %dma_start3A_180 : memref<1x128x128xf32, #tpu.memory_space<vmem>> -> memref<128x128xf32, #tpu.memory_space<vmem>>
          %dma_start3A_182 = arith.constant 0 : i32
          %dma_start3A_183 = tpu.memref_slice %arg11[%rem3A_94, %dma_start3A_182] : memref<4x128xi32, #tpu.memory_space<vmem>> -> memref<1x128xi32, #tpu.memory_space<vmem>>
          %dma_start3A_184 = tpu.memref_squeeze %dma_start3A_183 : memref<1x128xi32, #tpu.memory_space<vmem>> -> memref<128xi32, #tpu.memory_space<vmem>>
          %dma_start3A_185 = arith.constant 0 : i32
          %dma_start3A_186 = arith.constant 0 : i32
          %dma_start3A_187 = tpu.memref_slice %arg9[%dma_start3A_185, %dma_start3A_186] : memref<10240x128xf32, #tpu.memory_space<vmem_shared>> -> memref<10240x128xf32, #tpu.memory_space<vmem_shared>>
          tpu.enqueue_indirect_dma source(%dma_start3A_181 : memref<128x128xf32, #tpu.memory_space<vmem>>) target(%dma_start3A_187 : memref<10240x128xf32, #tpu.memory_space<vmem_shared>>) offsets(%dma_start3A_184 : memref<128xi32, #tpu.memory_space<vmem>>) semaphore(%arg17 : memref<!tpu.dma_semaphore, #tpu.memory_space<semaphore_mem>>) {add = true}
        } else {
        }
        %sub3A_125 = arith.constant 1 : i32
        %sub3A_126 = arith.subi %scan3A_90, %sub3A_125 : i32
        %max3A = arith.constant 0 : i32
        %max3A_127 = arith.maxsi %sub3A_126, %max3A : i32
        %rem3A_128 = arith.constant 4 : i32
        %rem3A_129 = arith.remsi %max3A_127, %rem3A_128 : i32
        %ge3A = arith.constant 1 : i32
        %ge3A_130 = arith.cmpi sge, %scan3A_90, %ge3A : i32
        %eq3A_131 = arith.constant 0 : i32
        %eq3A_132 = arith.cmpi eq, %sub3A_92, %eq3A_131 : i32
        %and3A = arith.andi %ge3A_130, %eq3A_132 : i1
        %convert_element_type3A_133 = arith.extui %and3A : i1 to i32
        %cond3A_134 = arith.constant 0 : i32
        %cond3A_135 = arith.cmpi ne, %convert_element_type3A_133, %cond3A_134 : i32
        scf.if %cond3A_135 {
          %dma_wait3A_178 = arith.constant 0 : i32
          %dma_wait3A_179 = arith.constant 0 : i32
          %dma_wait3A_180 = tpu.memref_slice %arg12[%sub3A_92, %dma_wait3A_178, %dma_wait3A_179] : memref<2x128x128xf32, #tpu.memory_space<vmem>> -> memref<1x128x128xf32, #tpu.memory_space<vmem>>
          %dma_wait3A_181 = tpu.memref_squeeze %dma_wait3A_180 : memref<1x128x128xf32, #tpu.memory_space<vmem>> -> memref<128x128xf32, #tpu.memory_space<vmem>>
          %dma_wait3A_182 = arith.constant 0 : i32
          %dma_wait3A_183 = tpu.memref_slice %arg11[%rem3A_129, %dma_wait3A_182] : memref<4x128xi32, #tpu.memory_space<vmem>> -> memref<1x128xi32, #tpu.memory_space<vmem>>
          %dma_wait3A_184 = tpu.memref_squeeze %dma_wait3A_183 : memref<1x128xi32, #tpu.memory_space<vmem>> -> memref<128xi32, #tpu.memory_space<vmem>>
          %dma_wait3A_185 = arith.constant 0 : i32
          %dma_wait3A_186 = arith.constant 0 : i32
          %dma_wait3A_187 = tpu.memref_slice %arg9[%dma_wait3A_185, %dma_wait3A_186] : memref<10240x128xf32, #tpu.memory_space<vmem_shared>> -> memref<10240x128xf32, #tpu.memory_space<vmem_shared>>
          tpu.wait_indirect_dma semaphore(%arg16 : memref<!tpu.dma_semaphore, #tpu.memory_space<semaphore_mem>>) src(%dma_wait3A_181 : memref<128x128xf32, #tpu.memory_space<vmem>>) dst(%dma_wait3A_187 : memref<10240x128xf32, #tpu.memory_space<vmem_shared>>)
        } else {
        }
        %ge3A_136 = arith.constant 1 : i32
        %ge3A_137 = arith.cmpi sge, %scan3A_90, %ge3A_136 : i32
        %eq3A_138 = arith.constant 1 : i32
        %eq3A_139 = arith.cmpi eq, %sub3A_92, %eq3A_138 : i32
        %and3A_140 = arith.andi %ge3A_137, %eq3A_139 : i1
        %convert_element_type3A_141 = arith.extui %and3A_140 : i1 to i32
        %cond3A_142 = arith.constant 0 : i32
        %cond3A_143 = arith.cmpi ne, %convert_element_type3A_141, %cond3A_142 : i32
        scf.if %cond3A_143 {
          %dma_wait3A_178 = arith.constant 0 : i32
          %dma_wait3A_179 = arith.constant 0 : i32
          %dma_wait3A_180 = tpu.memref_slice %arg12[%sub3A_92, %dma_wait3A_178, %dma_wait3A_179] : memref<2x128x128xf32, #tpu.memory_space<vmem>> -> memref<1x128x128xf32, #tpu.memory_space<vmem>>
          %dma_wait3A_181 = tpu.memref_squeeze %dma_wait3A_180 : memref<1x128x128xf32, #tpu.memory_space<vmem>> -> memref<128x128xf32, #tpu.memory_space<vmem>>
          %dma_wait3A_182 = arith.constant 0 : i32
          %dma_wait3A_183 = tpu.memref_slice %arg11[%rem3A_129, %dma_wait3A_182] : memref<4x128xi32, #tpu.memory_space<vmem>> -> memref<1x128xi32, #tpu.memory_space<vmem>>
          %dma_wait3A_184 = tpu.memref_squeeze %dma_wait3A_183 : memref<1x128xi32, #tpu.memory_space<vmem>> -> memref<128xi32, #tpu.memory_space<vmem>>
          %dma_wait3A_185 = arith.constant 0 : i32
          %dma_wait3A_186 = arith.constant 0 : i32
          %dma_wait3A_187 = tpu.memref_slice %arg9[%dma_wait3A_185, %dma_wait3A_186] : memref<10240x128xf32, #tpu.memory_space<vmem_shared>> -> memref<10240x128xf32, #tpu.memory_space<vmem_shared>>
          tpu.wait_indirect_dma semaphore(%arg17 : memref<!tpu.dma_semaphore, #tpu.memory_space<semaphore_mem>>) src(%dma_wait3A_181 : memref<128x128xf32, #tpu.memory_space<vmem>>) dst(%dma_wait3A_187 : memref<10240x128xf32, #tpu.memory_space<vmem_shared>>)
        } else {
        }
        %add3A = arith.constant 1 : i32
        %add3A_144 = arith.addi %scan3A_90, %add3A : i32
        %min3A = arith.constant 78 : i32
        %min3A_145 = arith.minsi %add3A_144, %min3A : i32
        %add3A_146 = arith.constant 1 : i32
        %add3A_147 = arith.addi %scan3A_90, %add3A_146 : i32
        %lt3A = arith.constant 79 : i32
        %lt3A_148 = arith.cmpi slt, %add3A_147, %lt3A : i32
        %convert_element_type3A_149 = arith.extui %lt3A_148 : i1 to i32
        %cond3A_150 = arith.constant 0 : i32
        %cond3A_151 = arith.cmpi ne, %convert_element_type3A_149, %cond3A_150 : i32
        scf.if %cond3A_151 {
          %dma_start3A_178 = arith.constant 0 : i32
          %dma_start3A_179 = arith.constant 0 : i32
          %dma_start3A_180 = tpu.memref_slice %arg12[%sub3A_92, %dma_start3A_178, %dma_start3A_179] : memref<2x128x128xf32, #tpu.memory_space<vmem>> -> memref<1x128x128xf32, #tpu.memory_space<vmem>>
          %dma_start3A_181 = tpu.memref_squeeze %dma_start3A_180 : memref<1x128x128xf32, #tpu.memory_space<vmem>> -> memref<128x128xf32, #tpu.memory_space<vmem>>
          %dma_start3A_182 = arith.constant 0 : i32
          %dma_start3A_183 = tpu.memref_slice %arg10[%min3A_145, %dma_start3A_182] : memref<79x128xi32, #tpu.memory_space<vmem>> -> memref<1x128xi32, #tpu.memory_space<vmem>>
          %dma_start3A_184 = tpu.memref_squeeze %dma_start3A_183 : memref<1x128xi32, #tpu.memory_space<vmem>> -> memref<128xi32, #tpu.memory_space<vmem>>
          %dma_start3A_185 = arith.constant 0 : i32
          %dma_start3A_186 = arith.constant 0 : i32
          %dma_start3A_187 = tpu.memref_slice %arg2[%dma_start3A_185, %dma_start3A_186] : memref<10240x128xf32, #tpu.memory_space<hbm>> -> memref<10240x128xf32, #tpu.memory_space<hbm>>
          tpu.enqueue_indirect_dma source(%dma_start3A_187 : memref<10240x128xf32, #tpu.memory_space<hbm>>) target(%dma_start3A_181 : memref<128x128xf32, #tpu.memory_space<vmem>>) offsets(%dma_start3A_184 : memref<128xi32, #tpu.memory_space<vmem>>) semaphore(%arg13 : memref<!tpu.dma_semaphore, #tpu.memory_space<semaphore_mem>>)
        } else {
        }
        %add3A_152 = arith.constant 2 : i32
        %add3A_153 = arith.addi %scan3A_90, %add3A_152 : i32
        %min3A_154 = arith.constant 78 : i32
        %min3A_155 = arith.minsi %add3A_153, %min3A_154 : i32
        %rem3A_156 = arith.constant 4 : i32
        %rem3A_157 = arith.remsi %min3A_155, %rem3A_156 : i32
        %add3A_158 = arith.constant 2 : i32
        %add3A_159 = arith.addi %scan3A_90, %add3A_158 : i32
        %lt3A_160 = arith.constant 79 : i32
        %lt3A_161 = arith.cmpi slt, %add3A_159, %lt3A_160 : i32
        %eq3A_162 = arith.constant 0 : i32
        %eq3A_163 = arith.cmpi eq, %rem3A_91, %eq3A_162 : i32
        %and3A_164 = arith.andi %lt3A_161, %eq3A_163 : i1
        %convert_element_type3A_165 = arith.extui %and3A_164 : i1 to i32
        %cond3A_166 = arith.constant 0 : i32
        %cond3A_167 = arith.cmpi ne, %convert_element_type3A_165, %cond3A_166 : i32
        scf.if %cond3A_167 {
          %dma_start3A_178 = arith.constant 0 : i32
          %dma_start3A_179 = tpu.memref_slice %arg11[%rem3A_157, %dma_start3A_178] : memref<4x128xi32, #tpu.memory_space<vmem>> -> memref<1x128xi32, #tpu.memory_space<vmem>>
          %dma_start3A_180 = tpu.memref_squeeze %dma_start3A_179 : memref<1x128xi32, #tpu.memory_space<vmem>> -> memref<128xi32, #tpu.memory_space<vmem>>
          %dma_start3A_181 = arith.constant 0 : i32
          %dma_start3A_182 = arith.constant 0 : i32
          %dma_start3A_183 = tpu.memref_slice %arg5[%arg1, %dma_start3A_181, %dma_start3A_182] : memref<16x79x128xi32, #tpu.memory_space<hbm>> -> memref<1x79x128xi32, #tpu.memory_space<hbm>>
          %dma_start3A_184 = tpu.memref_squeeze %dma_start3A_183 : memref<1x79x128xi32, #tpu.memory_space<hbm>> -> memref<79x128xi32, #tpu.memory_space<hbm>>
          %dma_start3A_185 = arith.constant 0 : i32
          %dma_start3A_186 = tpu.memref_slice %dma_start3A_184[%min3A_155, %dma_start3A_185] : memref<79x128xi32, #tpu.memory_space<hbm>> -> memref<1x128xi32, #tpu.memory_space<hbm>>
          %dma_start3A_187 = tpu.memref_squeeze %dma_start3A_186 : memref<1x128xi32, #tpu.memory_space<hbm>> -> memref<128xi32, #tpu.memory_space<hbm>>
          %dma_start3A_188 = arith.constant 0 : i32
          %dma_start3A_189 = tpu.memref_slice %arg11[%rem3A_157, %dma_start3A_188] : memref<4x128xi32, #tpu.memory_space<vmem>> -> memref<1x128xi32, #tpu.memory_space<vmem>>
          %dma_start3A_190 = tpu.memref_squeeze %dma_start3A_189 : memref<1x128xi32, #tpu.memory_space<vmem>> -> memref<128xi32, #tpu.memory_space<vmem>>
          %dma_start3A_191 = arith.constant 0 : i32
          %dma_start3A_192 = arith.constant 0 : i32
          %dma_start3A_193 = tpu.memref_slice %arg5[%arg1, %dma_start3A_191, %dma_start3A_192] : memref<16x79x128xi32, #tpu.memory_space<hbm>> -> memref<1x79x128xi32, #tpu.memory_space<hbm>>
          %dma_start3A_194 = tpu.memref_squeeze %dma_start3A_193 : memref<1x79x128xi32, #tpu.memory_space<hbm>> -> memref<79x128xi32, #tpu.memory_space<hbm>>
          %dma_start3A_195 = arith.constant 0 : i32
          %dma_start3A_196 = tpu.memref_slice %dma_start3A_194[%min3A_155, %dma_start3A_195] : memref<79x128xi32, #tpu.memory_space<hbm>> -> memref<1x128xi32, #tpu.memory_space<hbm>>
          %dma_start3A_197 = tpu.memref_squeeze %dma_start3A_196 : memref<1x128xi32, #tpu.memory_space<hbm>> -> memref<128xi32, #tpu.memory_space<hbm>>
          tpu.enqueue_dma source(%dma_start3A_197 : memref<128xi32, #tpu.memory_space<hbm>>) target(%dma_start3A_190 : memref<128xi32, #tpu.memory_space<vmem>>) target_semaphore(%arg14 : memref<!tpu.dma_semaphore, #tpu.memory_space<semaphore_mem>>)
        } else {
        }
        %add3A_168 = arith.constant 2 : i32
        %add3A_169 = arith.addi %scan3A_90, %add3A_168 : i32
        %lt3A_170 = arith.constant 79 : i32
        %lt3A_171 = arith.cmpi slt, %add3A_169, %lt3A_170 : i32
        %eq3A_172 = arith.constant 1 : i32
        %eq3A_173 = arith.cmpi eq, %rem3A_91, %eq3A_172 : i32
        %and3A_174 = arith.andi %lt3A_171, %eq3A_173 : i1
        %convert_element_type3A_175 = arith.extui %and3A_174 : i1 to i32
        %cond3A_176 = arith.constant 0 : i32
        %cond3A_177 = arith.cmpi ne, %convert_element_type3A_175, %cond3A_176 : i32
        scf.if %cond3A_177 {
          %dma_start3A_178 = arith.constant 0 : i32
          %dma_start3A_179 = tpu.memref_slice %arg11[%rem3A_157, %dma_start3A_178] : memref<4x128xi32, #tpu.memory_space<vmem>> -> memref<1x128xi32, #tpu.memory_space<vmem>>
          %dma_start3A_180 = tpu.memref_squeeze %dma_start3A_179 : memref<1x128xi32, #tpu.memory_space<vmem>> -> memref<128xi32, #tpu.memory_space<vmem>>
          %dma_start3A_181 = arith.constant 0 : i32
          %dma_start3A_182 = arith.constant 0 : i32
          %dma_start3A_183 = tpu.memref_slice %arg5[%arg1, %dma_start3A_181, %dma_start3A_182] : memref<16x79x128xi32, #tpu.memory_space<hbm>> -> memref<1x79x128xi32, #tpu.memory_space<hbm>>
          %dma_start3A_184 = tpu.memref_squeeze %dma_start3A_183 : memref<1x79x128xi32, #tpu.memory_space<hbm>> -> memref<79x128xi32, #tpu.memory_space<hbm>>
          %dma_start3A_185 = arith.constant 0 : i32
          %dma_start3A_186 = tpu.memref_slice %dma_start3A_184[%min3A_155, %dma_start3A_185] : memref<79x128xi32, #tpu.memory_space<hbm>> -> memref<1x128xi32, #tpu.memory_space<hbm>>
          %dma_start3A_187 = tpu.memref_squeeze %dma_start3A_186 : memref<1x128xi32, #tpu.memory_space<hbm>> -> memref<128xi32, #tpu.memory_space<hbm>>
          %dma_start3A_188 = arith.constant 0 : i32
          %dma_start3A_189 = tpu.memref_slice %arg11[%rem3A_157, %dma_start3A_188] : memref<4x128xi32, #tpu.memory_space<vmem>> -> memref<1x128xi32, #tpu.memory_space<vmem>>
          %dma_start3A_190 = tpu.memref_squeeze %dma_start3A_189 : memref<1x128xi32, #tpu.memory_space<vmem>> -> memref<128xi32, #tpu.memory_space<vmem>>
          %dma_start3A_191 = arith.constant 0 : i32
          %dma_start3A_192 = arith.constant 0 : i32
          %dma_start3A_193 = tpu.memref_slice %arg5[%arg1, %dma_start3A_191, %dma_start3A_192] : memref<16x79x128xi32, #tpu.memory_space<hbm>> -> memref<1x79x128xi32, #tpu.memory_space<hbm>>
          %dma_start3A_194 = tpu.memref_squeeze %dma_start3A_193 : memref<1x79x128xi32, #tpu.memory_space<hbm>> -> memref<79x128xi32, #tpu.memory_space<hbm>>
          %dma_start3A_195 = arith.constant 0 : i32
          %dma_start3A_196 = tpu.memref_slice %dma_start3A_194[%min3A_155, %dma_start3A_195] : memref<79x128xi32, #tpu.memory_space<hbm>> -> memref<1x128xi32, #tpu.memory_space<hbm>>
          %dma_start3A_197 = tpu.memref_squeeze %dma_start3A_196 : memref<1x128xi32, #tpu.memory_space<hbm>> -> memref<128xi32, #tpu.memory_space<hbm>>
          tpu.enqueue_dma source(%dma_start3A_197 : memref<128xi32, #tpu.memory_space<hbm>>) target(%dma_start3A_190 : memref<128xi32, #tpu.memory_space<vmem>>) target_semaphore(%arg15 : memref<!tpu.dma_semaphore, #tpu.memory_space<semaphore_mem>>)
        } else {
        }
      }
      %scan3A_78 = arith.constant 79 : i32
      %dma_wait3A = arith.constant 0 : i32
      %dma_wait3A_79 = arith.constant 2 : i32
      %dma_wait3A_80 = arith.constant 0 : i32
      %dma_wait3A_81 = arith.constant 0 : i32
      %dma_wait3A_82 = tpu.memref_slice %arg12[%dma_wait3A, %dma_wait3A_80, %dma_wait3A_81] : memref<2x128x128xf32, #tpu.memory_space<vmem>> -> memref<1x128x128xf32, #tpu.memory_space<vmem>>
      %dma_wait3A_83 = tpu.memref_squeeze %dma_wait3A_82 : memref<1x128x128xf32, #tpu.memory_space<vmem>> -> memref<128x128xf32, #tpu.memory_space<vmem>>
      %dma_wait3A_84 = arith.constant 0 : i32
      %dma_wait3A_85 = tpu.memref_slice %arg11[%dma_wait3A_79, %dma_wait3A_84] : memref<4x128xi32, #tpu.memory_space<vmem>> -> memref<1x128xi32, #tpu.memory_space<vmem>>
      %dma_wait3A_86 = tpu.memref_squeeze %dma_wait3A_85 : memref<1x128xi32, #tpu.memory_space<vmem>> -> memref<128xi32, #tpu.memory_space<vmem>>
      %dma_wait3A_87 = arith.constant 0 : i32
      %dma_wait3A_88 = arith.constant 0 : i32
      %dma_wait3A_89 = tpu.memref_slice %arg9[%dma_wait3A_87, %dma_wait3A_88] : memref<10240x128xf32, #tpu.memory_space<vmem_shared>> -> memref<10240x128xf32, #tpu.memory_space<vmem_shared>>
      tpu.wait_indirect_dma semaphore(%arg16 : memref<!tpu.dma_semaphore, #tpu.memory_space<semaphore_mem>>) src(%dma_wait3A_83 : memref<128x128xf32, #tpu.memory_space<vmem>>) dst(%dma_wait3A_89 : memref<10240x128xf32, #tpu.memory_space<vmem_shared>>)
    } else {
    }
    %eq3A_3 = arith.constant 1 : i32
    %eq3A_4 = arith.cmpi eq, %arg0, %eq3A_3 : i32
    %convert_element_type3A_5 = arith.extui %eq3A_4 : i1 to i32
    %cond3A_6 = arith.constant 0 : i32
    %cond3A_7 = arith.cmpi ne, %convert_element_type3A_5, %cond3A_6 : i32
    scf.if %cond3A_7 {
      %dma_start3A = arith.constant 0 : i32
      %dma_start3A_19 = arith.constant 0 : i32
      %dma_start3A_20 = arith.constant 0 : i32
      %dma_start3A_21 = arith.constant 0 : i32
      %dma_start3A_22 = tpu.memref_slice %arg12[%dma_start3A_19, %dma_start3A_20, %dma_start3A_21] : memref<2x128x128xf32, #tpu.memory_space<vmem>> -> memref<1x128x128xf32, #tpu.memory_space<vmem>>
      %dma_start3A_23 = tpu.memref_squeeze %dma_start3A_22 : memref<1x128x128xf32, #tpu.memory_space<vmem>> -> memref<128x128xf32, #tpu.memory_space<vmem>>
      %dma_start3A_24 = arith.constant 0 : i32
      %dma_start3A_25 = tpu.memref_slice %arg10[%dma_start3A, %dma_start3A_24] : memref<79x128xi32, #tpu.memory_space<vmem>> -> memref<1x128xi32, #tpu.memory_space<vmem>>
      %dma_start3A_26 = tpu.memref_squeeze %dma_start3A_25 : memref<1x128xi32, #tpu.memory_space<vmem>> -> memref<128xi32, #tpu.memory_space<vmem>>
      %dma_start3A_27 = arith.constant 0 : i32
      %dma_start3A_28 = arith.constant 0 : i32
      %dma_start3A_29 = tpu.memref_slice %arg3[%dma_start3A_27, %dma_start3A_28] : memref<10240x128xf32, #tpu.memory_space<hbm>> -> memref<10240x128xf32, #tpu.memory_space<hbm>>
      tpu.enqueue_indirect_dma source(%dma_start3A_29 : memref<10240x128xf32, #tpu.memory_space<hbm>>) target(%dma_start3A_23 : memref<128x128xf32, #tpu.memory_space<vmem>>) offsets(%dma_start3A_26 : memref<128xi32, #tpu.memory_space<vmem>>) semaphore(%arg13 : memref<!tpu.dma_semaphore, #tpu.memory_space<semaphore_mem>>)
      %dma_start3A_30 = arith.constant 0 : i32
      %dma_start3A_31 = arith.constant 0 : i32
      %dma_start3A_32 = arith.constant 0 : i32
      %dma_start3A_33 = tpu.memref_slice %arg11[%dma_start3A_31, %dma_start3A_32] : memref<4x128xi32, #tpu.memory_space<vmem>> -> memref<1x128xi32, #tpu.memory_space<vmem>>
      %dma_start3A_34 = tpu.memref_squeeze %dma_start3A_33 : memref<1x128xi32, #tpu.memory_space<vmem>> -> memref<128xi32, #tpu.memory_space<vmem>>
      %dma_start3A_35 = arith.constant 0 : i32
      %dma_start3A_36 = arith.constant 0 : i32
      %dma_start3A_37 = tpu.memref_slice %arg5[%arg1, %dma_start3A_35, %dma_start3A_36] : memref<16x79x128xi32, #tpu.memory_space<hbm>> -> memref<1x79x128xi32, #tpu.memory_space<hbm>>
      %dma_start3A_38 = tpu.memref_squeeze %dma_start3A_37 : memref<1x79x128xi32, #tpu.memory_space<hbm>> -> memref<79x128xi32, #tpu.memory_space<hbm>>
      %dma_start3A_39 = arith.constant 0 : i32
      %dma_start3A_40 = tpu.memref_slice %dma_start3A_38[%dma_start3A_30, %dma_start3A_39] : memref<79x128xi32, #tpu.memory_space<hbm>> -> memref<1x128xi32, #tpu.memory_space<hbm>>
      %dma_start3A_41 = tpu.memref_squeeze %dma_start3A_40 : memref<1x128xi32, #tpu.memory_space<hbm>> -> memref<128xi32, #tpu.memory_space<hbm>>
      %dma_start3A_42 = arith.constant 0 : i32
      %dma_start3A_43 = tpu.memref_slice %arg11[%dma_start3A_31, %dma_start3A_42] : memref<4x128xi32, #tpu.memory_space<vmem>> -> memref<1x128xi32, #tpu.memory_space<vmem>>
      %dma_start3A_44 = tpu.memref_squeeze %dma_start3A_43 : memref<1x128xi32, #tpu.memory_space<vmem>> -> memref<128xi32, #tpu.memory_space<vmem>>
      %dma_start3A_45 = arith.constant 0 : i32
      %dma_start3A_46 = arith.constant 0 : i32
      %dma_start3A_47 = tpu.memref_slice %arg5[%arg1, %dma_start3A_45, %dma_start3A_46] : memref<16x79x128xi32, #tpu.memory_space<hbm>> -> memref<1x79x128xi32, #tpu.memory_space<hbm>>
      %dma_start3A_48 = tpu.memref_squeeze %dma_start3A_47 : memref<1x79x128xi32, #tpu.memory_space<hbm>> -> memref<79x128xi32, #tpu.memory_space<hbm>>
      %dma_start3A_49 = arith.constant 0 : i32
      %dma_start3A_50 = tpu.memref_slice %dma_start3A_48[%dma_start3A_30, %dma_start3A_49] : memref<79x128xi32, #tpu.memory_space<hbm>> -> memref<1x128xi32, #tpu.memory_space<hbm>>
      %dma_start3A_51 = tpu.memref_squeeze %dma_start3A_50 : memref<1x128xi32, #tpu.memory_space<hbm>> -> memref<128xi32, #tpu.memory_space<hbm>>
      tpu.enqueue_dma source(%dma_start3A_51 : memref<128xi32, #tpu.memory_space<hbm>>) target(%dma_start3A_44 : memref<128xi32, #tpu.memory_space<vmem>>) target_semaphore(%arg14 : memref<!tpu.dma_semaphore, #tpu.memory_space<semaphore_mem>>)
      %dma_start3A_52 = arith.constant 1 : i32
      %dma_start3A_53 = arith.constant 1 : i32
      %dma_start3A_54 = arith.constant 0 : i32
      %dma_start3A_55 = tpu.memref_slice %arg11[%dma_start3A_53, %dma_start3A_54] : memref<4x128xi32, #tpu.memory_space<vmem>> -> memref<1x128xi32, #tpu.memory_space<vmem>>
      %dma_start3A_56 = tpu.memref_squeeze %dma_start3A_55 : memref<1x128xi32, #tpu.memory_space<vmem>> -> memref<128xi32, #tpu.memory_space<vmem>>
      %dma_start3A_57 = arith.constant 0 : i32
      %dma_start3A_58 = arith.constant 0 : i32
      %dma_start3A_59 = tpu.memref_slice %arg5[%arg1, %dma_start3A_57, %dma_start3A_58] : memref<16x79x128xi32, #tpu.memory_space<hbm>> -> memref<1x79x128xi32, #tpu.memory_space<hbm>>
      %dma_start3A_60 = tpu.memref_squeeze %dma_start3A_59 : memref<1x79x128xi32, #tpu.memory_space<hbm>> -> memref<79x128xi32, #tpu.memory_space<hbm>>
      %dma_start3A_61 = arith.constant 0 : i32
      %dma_start3A_62 = tpu.memref_slice %dma_start3A_60[%dma_start3A_52, %dma_start3A_61] : memref<79x128xi32, #tpu.memory_space<hbm>> -> memref<1x128xi32, #tpu.memory_space<hbm>>
      %dma_start3A_63 = tpu.memref_squeeze %dma_start3A_62 : memref<1x128xi32, #tpu.memory_space<hbm>> -> memref<128xi32, #tpu.memory_space<hbm>>
      %dma_start3A_64 = arith.constant 0 : i32
      %dma_start3A_65 = tpu.memref_slice %arg11[%dma_start3A_53, %dma_start3A_64] : memref<4x128xi32, #tpu.memory_space<vmem>> -> memref<1x128xi32, #tpu.memory_space<vmem>>
      %dma_start3A_66 = tpu.memref_squeeze %dma_start3A_65 : memref<1x128xi32, #tpu.memory_space<vmem>> -> memref<128xi32, #tpu.memory_space<vmem>>
      %dma_start3A_67 = arith.constant 0 : i32
      %dma_start3A_68 = arith.constant 0 : i32
      %dma_start3A_69 = tpu.memref_slice %arg5[%arg1, %dma_start3A_67, %dma_start3A_68] : memref<16x79x128xi32, #tpu.memory_space<hbm>> -> memref<1x79x128xi32, #tpu.memory_space<hbm>>
      %dma_start3A_70 = tpu.memref_squeeze %dma_start3A_69 : memref<1x79x128xi32, #tpu.memory_space<hbm>> -> memref<79x128xi32, #tpu.memory_space<hbm>>
      %dma_start3A_71 = arith.constant 0 : i32
      %dma_start3A_72 = tpu.memref_slice %dma_start3A_70[%dma_start3A_52, %dma_start3A_71] : memref<79x128xi32, #tpu.memory_space<hbm>> -> memref<1x128xi32, #tpu.memory_space<hbm>>
      %dma_start3A_73 = tpu.memref_squeeze %dma_start3A_72 : memref<1x128xi32, #tpu.memory_space<hbm>> -> memref<128xi32, #tpu.memory_space<hbm>>
      tpu.enqueue_dma source(%dma_start3A_73 : memref<128xi32, #tpu.memory_space<hbm>>) target(%dma_start3A_66 : memref<128xi32, #tpu.memory_space<vmem>>) target_semaphore(%arg15 : memref<!tpu.dma_semaphore, #tpu.memory_space<semaphore_mem>>)
      %scan3A = arith.constant 0 : i32
      %scan3A_74 = arith.constant 0 : i32
      %scan3A_75 = arith.constant 79 : i32
      %scan3A_76 = arith.addi %scan3A_74, %scan3A_75 : i32
      %scan3A_77 = arith.constant 1 : i32
      scf.for %scan3A_90 = %scan3A_74 to %scan3A_76 step %scan3A_77  : i32 {
        %rem3A = arith.constant 2 : i32
        %rem3A_91 = arith.remsi %scan3A_90, %rem3A : i32
        %sub3A = arith.constant 1 : i32
        %sub3A_92 = arith.subi %sub3A, %rem3A_91 : i32
        %rem3A_93 = arith.constant 4 : i32
        %rem3A_94 = arith.remsi %scan3A_90, %rem3A_93 : i32
        %dma_wait3A_95 = arith.constant 0 : i32
        %dma_wait3A_96 = arith.constant 0 : i32
        %dma_wait3A_97 = tpu.memref_slice %arg12[%rem3A_91, %dma_wait3A_95, %dma_wait3A_96] : memref<2x128x128xf32, #tpu.memory_space<vmem>> -> memref<1x128x128xf32, #tpu.memory_space<vmem>>
        %dma_wait3A_98 = tpu.memref_squeeze %dma_wait3A_97 : memref<1x128x128xf32, #tpu.memory_space<vmem>> -> memref<128x128xf32, #tpu.memory_space<vmem>>
        %dma_wait3A_99 = arith.constant 0 : i32
        %dma_wait3A_100 = tpu.memref_slice %arg10[%scan3A_90, %dma_wait3A_99] : memref<79x128xi32, #tpu.memory_space<vmem>> -> memref<1x128xi32, #tpu.memory_space<vmem>>
        %dma_wait3A_101 = tpu.memref_squeeze %dma_wait3A_100 : memref<1x128xi32, #tpu.memory_space<vmem>> -> memref<128xi32, #tpu.memory_space<vmem>>
        %dma_wait3A_102 = arith.constant 0 : i32
        %dma_wait3A_103 = arith.constant 0 : i32
        %dma_wait3A_104 = tpu.memref_slice %arg3[%dma_wait3A_102, %dma_wait3A_103] : memref<10240x128xf32, #tpu.memory_space<hbm>> -> memref<10240x128xf32, #tpu.memory_space<hbm>>
        tpu.wait_indirect_dma semaphore(%arg13 : memref<!tpu.dma_semaphore, #tpu.memory_space<semaphore_mem>>) src(%dma_wait3A_104 : memref<10240x128xf32, #tpu.memory_space<hbm>>) dst(%dma_wait3A_98 : memref<128x128xf32, #tpu.memory_space<vmem>>)
        %eq3A_105 = arith.constant 0 : i32
        %eq3A_106 = arith.cmpi eq, %rem3A_91, %eq3A_105 : i32
        %convert_element_type3A_107 = arith.extui %eq3A_106 : i1 to i32
        %cond3A_108 = arith.constant 0 : i32
        %cond3A_109 = arith.cmpi ne, %convert_element_type3A_107, %cond3A_108 : i32
        scf.if %cond3A_109 {
          %dma_wait3A_178 = arith.constant 0 : i32
          %dma_wait3A_179 = tpu.memref_slice %arg11[%rem3A_94, %dma_wait3A_178] : memref<4x128xi32, #tpu.memory_space<vmem>> -> memref<1x128xi32, #tpu.memory_space<vmem>>
          %dma_wait3A_180 = tpu.memref_squeeze %dma_wait3A_179 : memref<1x128xi32, #tpu.memory_space<vmem>> -> memref<128xi32, #tpu.memory_space<vmem>>
          %dma_wait3A_181 = arith.constant 0 : i32
          %dma_wait3A_182 = arith.constant 0 : i32
          %dma_wait3A_183 = tpu.memref_slice %arg5[%arg1, %dma_wait3A_181, %dma_wait3A_182] : memref<16x79x128xi32, #tpu.memory_space<hbm>> -> memref<1x79x128xi32, #tpu.memory_space<hbm>>
          %dma_wait3A_184 = tpu.memref_squeeze %dma_wait3A_183 : memref<1x79x128xi32, #tpu.memory_space<hbm>> -> memref<79x128xi32, #tpu.memory_space<hbm>>
          %dma_wait3A_185 = arith.constant 0 : i32
          %dma_wait3A_186 = tpu.memref_slice %dma_wait3A_184[%scan3A_90, %dma_wait3A_185] : memref<79x128xi32, #tpu.memory_space<hbm>> -> memref<1x128xi32, #tpu.memory_space<hbm>>
          %dma_wait3A_187 = tpu.memref_squeeze %dma_wait3A_186 : memref<1x128xi32, #tpu.memory_space<hbm>> -> memref<128xi32, #tpu.memory_space<hbm>>
          %dma_wait3A_188 = arith.constant 0 : i32
          %dma_wait3A_189 = tpu.memref_slice %arg11[%rem3A_94, %dma_wait3A_188] : memref<4x128xi32, #tpu.memory_space<vmem>> -> memref<1x128xi32, #tpu.memory_space<vmem>>
          %dma_wait3A_190 = tpu.memref_squeeze %dma_wait3A_189 : memref<1x128xi32, #tpu.memory_space<vmem>> -> memref<128xi32, #tpu.memory_space<vmem>>
          %dma_wait3A_191 = arith.constant 0 : i32
          %dma_wait3A_192 = arith.constant 0 : i32
          %dma_wait3A_193 = tpu.memref_slice %arg5[%arg1, %dma_wait3A_191, %dma_wait3A_192] : memref<16x79x128xi32, #tpu.memory_space<hbm>> -> memref<1x79x128xi32, #tpu.memory_space<hbm>>
          %dma_wait3A_194 = tpu.memref_squeeze %dma_wait3A_193 : memref<1x79x128xi32, #tpu.memory_space<hbm>> -> memref<79x128xi32, #tpu.memory_space<hbm>>
          %dma_wait3A_195 = arith.constant 0 : i32
          %dma_wait3A_196 = tpu.memref_slice %dma_wait3A_194[%scan3A_90, %dma_wait3A_195] : memref<79x128xi32, #tpu.memory_space<hbm>> -> memref<1x128xi32, #tpu.memory_space<hbm>>
          %dma_wait3A_197 = tpu.memref_squeeze %dma_wait3A_196 : memref<1x128xi32, #tpu.memory_space<hbm>> -> memref<128xi32, #tpu.memory_space<hbm>>
          tpu.wait_dma2 semaphore(%arg14 : memref<!tpu.dma_semaphore, #tpu.memory_space<semaphore_mem>>) src(%dma_wait3A_197 : memref<128xi32, #tpu.memory_space<hbm>>) dst(%dma_wait3A_190 : memref<128xi32, #tpu.memory_space<vmem>>)
        } else {
        }
        %eq3A_110 = arith.constant 0 : i32
        %eq3A_111 = arith.cmpi eq, %rem3A_91, %eq3A_110 : i32
        %convert_element_type3A_112 = arith.extui %eq3A_111 : i1 to i32
        %cond3A_113 = arith.constant 0 : i32
        %cond3A_114 = arith.cmpi ne, %convert_element_type3A_112, %cond3A_113 : i32
        scf.if %cond3A_114 {
          %dma_start3A_178 = arith.constant 0 : i32
          %dma_start3A_179 = arith.constant 0 : i32
          %dma_start3A_180 = tpu.memref_slice %arg12[%rem3A_91, %dma_start3A_178, %dma_start3A_179] : memref<2x128x128xf32, #tpu.memory_space<vmem>> -> memref<1x128x128xf32, #tpu.memory_space<vmem>>
          %dma_start3A_181 = tpu.memref_squeeze %dma_start3A_180 : memref<1x128x128xf32, #tpu.memory_space<vmem>> -> memref<128x128xf32, #tpu.memory_space<vmem>>
          %dma_start3A_182 = arith.constant 0 : i32
          %dma_start3A_183 = tpu.memref_slice %arg11[%rem3A_94, %dma_start3A_182] : memref<4x128xi32, #tpu.memory_space<vmem>> -> memref<1x128xi32, #tpu.memory_space<vmem>>
          %dma_start3A_184 = tpu.memref_squeeze %dma_start3A_183 : memref<1x128xi32, #tpu.memory_space<vmem>> -> memref<128xi32, #tpu.memory_space<vmem>>
          %dma_start3A_185 = arith.constant 0 : i32
          %dma_start3A_186 = arith.constant 0 : i32
          %dma_start3A_187 = tpu.memref_slice %arg9[%dma_start3A_185, %dma_start3A_186] : memref<10240x128xf32, #tpu.memory_space<vmem_shared>> -> memref<10240x128xf32, #tpu.memory_space<vmem_shared>>
          tpu.enqueue_indirect_dma source(%dma_start3A_181 : memref<128x128xf32, #tpu.memory_space<vmem>>) target(%dma_start3A_187 : memref<10240x128xf32, #tpu.memory_space<vmem_shared>>) offsets(%dma_start3A_184 : memref<128xi32, #tpu.memory_space<vmem>>) semaphore(%arg16 : memref<!tpu.dma_semaphore, #tpu.memory_space<semaphore_mem>>) {add = true}
        } else {
        }
        %eq3A_115 = arith.constant 1 : i32
        %eq3A_116 = arith.cmpi eq, %rem3A_91, %eq3A_115 : i32
        %convert_element_type3A_117 = arith.extui %eq3A_116 : i1 to i32
        %cond3A_118 = arith.constant 0 : i32
        %cond3A_119 = arith.cmpi ne, %convert_element_type3A_117, %cond3A_118 : i32
        scf.if %cond3A_119 {
          %dma_wait3A_178 = arith.constant 0 : i32
          %dma_wait3A_179 = tpu.memref_slice %arg11[%rem3A_94, %dma_wait3A_178] : memref<4x128xi32, #tpu.memory_space<vmem>> -> memref<1x128xi32, #tpu.memory_space<vmem>>
          %dma_wait3A_180 = tpu.memref_squeeze %dma_wait3A_179 : memref<1x128xi32, #tpu.memory_space<vmem>> -> memref<128xi32, #tpu.memory_space<vmem>>
          %dma_wait3A_181 = arith.constant 0 : i32
          %dma_wait3A_182 = arith.constant 0 : i32
          %dma_wait3A_183 = tpu.memref_slice %arg5[%arg1, %dma_wait3A_181, %dma_wait3A_182] : memref<16x79x128xi32, #tpu.memory_space<hbm>> -> memref<1x79x128xi32, #tpu.memory_space<hbm>>
          %dma_wait3A_184 = tpu.memref_squeeze %dma_wait3A_183 : memref<1x79x128xi32, #tpu.memory_space<hbm>> -> memref<79x128xi32, #tpu.memory_space<hbm>>
          %dma_wait3A_185 = arith.constant 0 : i32
          %dma_wait3A_186 = tpu.memref_slice %dma_wait3A_184[%scan3A_90, %dma_wait3A_185] : memref<79x128xi32, #tpu.memory_space<hbm>> -> memref<1x128xi32, #tpu.memory_space<hbm>>
          %dma_wait3A_187 = tpu.memref_squeeze %dma_wait3A_186 : memref<1x128xi32, #tpu.memory_space<hbm>> -> memref<128xi32, #tpu.memory_space<hbm>>
          %dma_wait3A_188 = arith.constant 0 : i32
          %dma_wait3A_189 = tpu.memref_slice %arg11[%rem3A_94, %dma_wait3A_188] : memref<4x128xi32, #tpu.memory_space<vmem>> -> memref<1x128xi32, #tpu.memory_space<vmem>>
          %dma_wait3A_190 = tpu.memref_squeeze %dma_wait3A_189 : memref<1x128xi32, #tpu.memory_space<vmem>> -> memref<128xi32, #tpu.memory_space<vmem>>
          %dma_wait3A_191 = arith.constant 0 : i32
          %dma_wait3A_192 = arith.constant 0 : i32
          %dma_wait3A_193 = tpu.memref_slice %arg5[%arg1, %dma_wait3A_191, %dma_wait3A_192] : memref<16x79x128xi32, #tpu.memory_space<hbm>> -> memref<1x79x128xi32, #tpu.memory_space<hbm>>
          %dma_wait3A_194 = tpu.memref_squeeze %dma_wait3A_193 : memref<1x79x128xi32, #tpu.memory_space<hbm>> -> memref<79x128xi32, #tpu.memory_space<hbm>>
          %dma_wait3A_195 = arith.constant 0 : i32
          %dma_wait3A_196 = tpu.memref_slice %dma_wait3A_194[%scan3A_90, %dma_wait3A_195] : memref<79x128xi32, #tpu.memory_space<hbm>> -> memref<1x128xi32, #tpu.memory_space<hbm>>
          %dma_wait3A_197 = tpu.memref_squeeze %dma_wait3A_196 : memref<1x128xi32, #tpu.memory_space<hbm>> -> memref<128xi32, #tpu.memory_space<hbm>>
          tpu.wait_dma2 semaphore(%arg15 : memref<!tpu.dma_semaphore, #tpu.memory_space<semaphore_mem>>) src(%dma_wait3A_197 : memref<128xi32, #tpu.memory_space<hbm>>) dst(%dma_wait3A_190 : memref<128xi32, #tpu.memory_space<vmem>>)
        } else {
        }
        %eq3A_120 = arith.constant 1 : i32
        %eq3A_121 = arith.cmpi eq, %rem3A_91, %eq3A_120 : i32
        %convert_element_type3A_122 = arith.extui %eq3A_121 : i1 to i32
        %cond3A_123 = arith.constant 0 : i32
        %cond3A_124 = arith.cmpi ne, %convert_element_type3A_122, %cond3A_123 : i32
        scf.if %cond3A_124 {
          %dma_start3A_178 = arith.constant 0 : i32
          %dma_start3A_179 = arith.constant 0 : i32
          %dma_start3A_180 = tpu.memref_slice %arg12[%rem3A_91, %dma_start3A_178, %dma_start3A_179] : memref<2x128x128xf32, #tpu.memory_space<vmem>> -> memref<1x128x128xf32, #tpu.memory_space<vmem>>
          %dma_start3A_181 = tpu.memref_squeeze %dma_start3A_180 : memref<1x128x128xf32, #tpu.memory_space<vmem>> -> memref<128x128xf32, #tpu.memory_space<vmem>>
          %dma_start3A_182 = arith.constant 0 : i32
          %dma_start3A_183 = tpu.memref_slice %arg11[%rem3A_94, %dma_start3A_182] : memref<4x128xi32, #tpu.memory_space<vmem>> -> memref<1x128xi32, #tpu.memory_space<vmem>>
          %dma_start3A_184 = tpu.memref_squeeze %dma_start3A_183 : memref<1x128xi32, #tpu.memory_space<vmem>> -> memref<128xi32, #tpu.memory_space<vmem>>
          %dma_start3A_185 = arith.constant 0 : i32
          %dma_start3A_186 = arith.constant 0 : i32
          %dma_start3A_187 = tpu.memref_slice %arg9[%dma_start3A_185, %dma_start3A_186] : memref<10240x128xf32, #tpu.memory_space<vmem_shared>> -> memref<10240x128xf32, #tpu.memory_space<vmem_shared>>
          tpu.enqueue_indirect_dma source(%dma_start3A_181 : memref<128x128xf32, #tpu.memory_space<vmem>>) target(%dma_start3A_187 : memref<10240x128xf32, #tpu.memory_space<vmem_shared>>) offsets(%dma_start3A_184 : memref<128xi32, #tpu.memory_space<vmem>>) semaphore(%arg17 : memref<!tpu.dma_semaphore, #tpu.memory_space<semaphore_mem>>) {add = true}
        } else {
        }
        %sub3A_125 = arith.constant 1 : i32
        %sub3A_126 = arith.subi %scan3A_90, %sub3A_125 : i32
        %max3A = arith.constant 0 : i32
        %max3A_127 = arith.maxsi %sub3A_126, %max3A : i32
        %rem3A_128 = arith.constant 4 : i32
        %rem3A_129 = arith.remsi %max3A_127, %rem3A_128 : i32
        %ge3A = arith.constant 1 : i32
        %ge3A_130 = arith.cmpi sge, %scan3A_90, %ge3A : i32
        %eq3A_131 = arith.constant 0 : i32
        %eq3A_132 = arith.cmpi eq, %sub3A_92, %eq3A_131 : i32
        %and3A = arith.andi %ge3A_130, %eq3A_132 : i1
        %convert_element_type3A_133 = arith.extui %and3A : i1 to i32
        %cond3A_134 = arith.constant 0 : i32
        %cond3A_135 = arith.cmpi ne, %convert_element_type3A_133, %cond3A_134 : i32
        scf.if %cond3A_135 {
          %dma_wait3A_178 = arith.constant 0 : i32
          %dma_wait3A_179 = arith.constant 0 : i32
          %dma_wait3A_180 = tpu.memref_slice %arg12[%sub3A_92, %dma_wait3A_178, %dma_wait3A_179] : memref<2x128x128xf32, #tpu.memory_space<vmem>> -> memref<1x128x128xf32, #tpu.memory_space<vmem>>
          %dma_wait3A_181 = tpu.memref_squeeze %dma_wait3A_180 : memref<1x128x128xf32, #tpu.memory_space<vmem>> -> memref<128x128xf32, #tpu.memory_space<vmem>>
          %dma_wait3A_182 = arith.constant 0 : i32
          %dma_wait3A_183 = tpu.memref_slice %arg11[%rem3A_129, %dma_wait3A_182] : memref<4x128xi32, #tpu.memory_space<vmem>> -> memref<1x128xi32, #tpu.memory_space<vmem>>
          %dma_wait3A_184 = tpu.memref_squeeze %dma_wait3A_183 : memref<1x128xi32, #tpu.memory_space<vmem>> -> memref<128xi32, #tpu.memory_space<vmem>>
          %dma_wait3A_185 = arith.constant 0 : i32
          %dma_wait3A_186 = arith.constant 0 : i32
          %dma_wait3A_187 = tpu.memref_slice %arg9[%dma_wait3A_185, %dma_wait3A_186] : memref<10240x128xf32, #tpu.memory_space<vmem_shared>> -> memref<10240x128xf32, #tpu.memory_space<vmem_shared>>
          tpu.wait_indirect_dma semaphore(%arg16 : memref<!tpu.dma_semaphore, #tpu.memory_space<semaphore_mem>>) src(%dma_wait3A_181 : memref<128x128xf32, #tpu.memory_space<vmem>>) dst(%dma_wait3A_187 : memref<10240x128xf32, #tpu.memory_space<vmem_shared>>)
        } else {
        }
        %ge3A_136 = arith.constant 1 : i32
        %ge3A_137 = arith.cmpi sge, %scan3A_90, %ge3A_136 : i32
        %eq3A_138 = arith.constant 1 : i32
        %eq3A_139 = arith.cmpi eq, %sub3A_92, %eq3A_138 : i32
        %and3A_140 = arith.andi %ge3A_137, %eq3A_139 : i1
        %convert_element_type3A_141 = arith.extui %and3A_140 : i1 to i32
        %cond3A_142 = arith.constant 0 : i32
        %cond3A_143 = arith.cmpi ne, %convert_element_type3A_141, %cond3A_142 : i32
        scf.if %cond3A_143 {
          %dma_wait3A_178 = arith.constant 0 : i32
          %dma_wait3A_179 = arith.constant 0 : i32
          %dma_wait3A_180 = tpu.memref_slice %arg12[%sub3A_92, %dma_wait3A_178, %dma_wait3A_179] : memref<2x128x128xf32, #tpu.memory_space<vmem>> -> memref<1x128x128xf32, #tpu.memory_space<vmem>>
          %dma_wait3A_181 = tpu.memref_squeeze %dma_wait3A_180 : memref<1x128x128xf32, #tpu.memory_space<vmem>> -> memref<128x128xf32, #tpu.memory_space<vmem>>
          %dma_wait3A_182 = arith.constant 0 : i32
          %dma_wait3A_183 = tpu.memref_slice %arg11[%rem3A_129, %dma_wait3A_182] : memref<4x128xi32, #tpu.memory_space<vmem>> -> memref<1x128xi32, #tpu.memory_space<vmem>>
          %dma_wait3A_184 = tpu.memref_squeeze %dma_wait3A_183 : memref<1x128xi32, #tpu.memory_space<vmem>> -> memref<128xi32, #tpu.memory_space<vmem>>
          %dma_wait3A_185 = arith.constant 0 : i32
          %dma_wait3A_186 = arith.constant 0 : i32
          %dma_wait3A_187 = tpu.memref_slice %arg9[%dma_wait3A_185, %dma_wait3A_186] : memref<10240x128xf32, #tpu.memory_space<vmem_shared>> -> memref<10240x128xf32, #tpu.memory_space<vmem_shared>>
          tpu.wait_indirect_dma semaphore(%arg17 : memref<!tpu.dma_semaphore, #tpu.memory_space<semaphore_mem>>) src(%dma_wait3A_181 : memref<128x128xf32, #tpu.memory_space<vmem>>) dst(%dma_wait3A_187 : memref<10240x128xf32, #tpu.memory_space<vmem_shared>>)
        } else {
        }
        %add3A = arith.constant 1 : i32
        %add3A_144 = arith.addi %scan3A_90, %add3A : i32
        %min3A = arith.constant 78 : i32
        %min3A_145 = arith.minsi %add3A_144, %min3A : i32
        %add3A_146 = arith.constant 1 : i32
        %add3A_147 = arith.addi %scan3A_90, %add3A_146 : i32
        %lt3A = arith.constant 79 : i32
        %lt3A_148 = arith.cmpi slt, %add3A_147, %lt3A : i32
        %convert_element_type3A_149 = arith.extui %lt3A_148 : i1 to i32
        %cond3A_150 = arith.constant 0 : i32
        %cond3A_151 = arith.cmpi ne, %convert_element_type3A_149, %cond3A_150 : i32
        scf.if %cond3A_151 {
          %dma_start3A_178 = arith.constant 0 : i32
          %dma_start3A_179 = arith.constant 0 : i32
          %dma_start3A_180 = tpu.memref_slice %arg12[%sub3A_92, %dma_start3A_178, %dma_start3A_179] : memref<2x128x128xf32, #tpu.memory_space<vmem>> -> memref<1x128x128xf32, #tpu.memory_space<vmem>>
          %dma_start3A_181 = tpu.memref_squeeze %dma_start3A_180 : memref<1x128x128xf32, #tpu.memory_space<vmem>> -> memref<128x128xf32, #tpu.memory_space<vmem>>
          %dma_start3A_182 = arith.constant 0 : i32
          %dma_start3A_183 = tpu.memref_slice %arg10[%min3A_145, %dma_start3A_182] : memref<79x128xi32, #tpu.memory_space<vmem>> -> memref<1x128xi32, #tpu.memory_space<vmem>>
          %dma_start3A_184 = tpu.memref_squeeze %dma_start3A_183 : memref<1x128xi32, #tpu.memory_space<vmem>> -> memref<128xi32, #tpu.memory_space<vmem>>
          %dma_start3A_185 = arith.constant 0 : i32
          %dma_start3A_186 = arith.constant 0 : i32
          %dma_start3A_187 = tpu.memref_slice %arg3[%dma_start3A_185, %dma_start3A_186] : memref<10240x128xf32, #tpu.memory_space<hbm>> -> memref<10240x128xf32, #tpu.memory_space<hbm>>
          tpu.enqueue_indirect_dma source(%dma_start3A_187 : memref<10240x128xf32, #tpu.memory_space<hbm>>) target(%dma_start3A_181 : memref<128x128xf32, #tpu.memory_space<vmem>>) offsets(%dma_start3A_184 : memref<128xi32, #tpu.memory_space<vmem>>) semaphore(%arg13 : memref<!tpu.dma_semaphore, #tpu.memory_space<semaphore_mem>>)
        } else {
        }
        %add3A_152 = arith.constant 2 : i32
        %add3A_153 = arith.addi %scan3A_90, %add3A_152 : i32
        %min3A_154 = arith.constant 78 : i32
        %min3A_155 = arith.minsi %add3A_153, %min3A_154 : i32
        %rem3A_156 = arith.constant 4 : i32
        %rem3A_157 = arith.remsi %min3A_155, %rem3A_156 : i32
        %add3A_158 = arith.constant 2 : i32
        %add3A_159 = arith.addi %scan3A_90, %add3A_158 : i32
        %lt3A_160 = arith.constant 79 : i32
        %lt3A_161 = arith.cmpi slt, %add3A_159, %lt3A_160 : i32
        %eq3A_162 = arith.constant 0 : i32
        %eq3A_163 = arith.cmpi eq, %rem3A_91, %eq3A_162 : i32
        %and3A_164 = arith.andi %lt3A_161, %eq3A_163 : i1
        %convert_element_type3A_165 = arith.extui %and3A_164 : i1 to i32
        %cond3A_166 = arith.constant 0 : i32
        %cond3A_167 = arith.cmpi ne, %convert_element_type3A_165, %cond3A_166 : i32
        scf.if %cond3A_167 {
          %dma_start3A_178 = arith.constant 0 : i32
          %dma_start3A_179 = tpu.memref_slice %arg11[%rem3A_157, %dma_start3A_178] : memref<4x128xi32, #tpu.memory_space<vmem>> -> memref<1x128xi32, #tpu.memory_space<vmem>>
          %dma_start3A_180 = tpu.memref_squeeze %dma_start3A_179 : memref<1x128xi32, #tpu.memory_space<vmem>> -> memref<128xi32, #tpu.memory_space<vmem>>
          %dma_start3A_181 = arith.constant 0 : i32
          %dma_start3A_182 = arith.constant 0 : i32
          %dma_start3A_183 = tpu.memref_slice %arg5[%arg1, %dma_start3A_181, %dma_start3A_182] : memref<16x79x128xi32, #tpu.memory_space<hbm>> -> memref<1x79x128xi32, #tpu.memory_space<hbm>>
          %dma_start3A_184 = tpu.memref_squeeze %dma_start3A_183 : memref<1x79x128xi32, #tpu.memory_space<hbm>> -> memref<79x128xi32, #tpu.memory_space<hbm>>
          %dma_start3A_185 = arith.constant 0 : i32
          %dma_start3A_186 = tpu.memref_slice %dma_start3A_184[%min3A_155, %dma_start3A_185] : memref<79x128xi32, #tpu.memory_space<hbm>> -> memref<1x128xi32, #tpu.memory_space<hbm>>
          %dma_start3A_187 = tpu.memref_squeeze %dma_start3A_186 : memref<1x128xi32, #tpu.memory_space<hbm>> -> memref<128xi32, #tpu.memory_space<hbm>>
          %dma_start3A_188 = arith.constant 0 : i32
          %dma_start3A_189 = tpu.memref_slice %arg11[%rem3A_157, %dma_start3A_188] : memref<4x128xi32, #tpu.memory_space<vmem>> -> memref<1x128xi32, #tpu.memory_space<vmem>>
          %dma_start3A_190 = tpu.memref_squeeze %dma_start3A_189 : memref<1x128xi32, #tpu.memory_space<vmem>> -> memref<128xi32, #tpu.memory_space<vmem>>
          %dma_start3A_191 = arith.constant 0 : i32
          %dma_start3A_192 = arith.constant 0 : i32
          %dma_start3A_193 = tpu.memref_slice %arg5[%arg1, %dma_start3A_191, %dma_start3A_192] : memref<16x79x128xi32, #tpu.memory_space<hbm>> -> memref<1x79x128xi32, #tpu.memory_space<hbm>>
          %dma_start3A_194 = tpu.memref_squeeze %dma_start3A_193 : memref<1x79x128xi32, #tpu.memory_space<hbm>> -> memref<79x128xi32, #tpu.memory_space<hbm>>
          %dma_start3A_195 = arith.constant 0 : i32
          %dma_start3A_196 = tpu.memref_slice %dma_start3A_194[%min3A_155, %dma_start3A_195] : memref<79x128xi32, #tpu.memory_space<hbm>> -> memref<1x128xi32, #tpu.memory_space<hbm>>
          %dma_start3A_197 = tpu.memref_squeeze %dma_start3A_196 : memref<1x128xi32, #tpu.memory_space<hbm>> -> memref<128xi32, #tpu.memory_space<hbm>>
          tpu.enqueue_dma source(%dma_start3A_197 : memref<128xi32, #tpu.memory_space<hbm>>) target(%dma_start3A_190 : memref<128xi32, #tpu.memory_space<vmem>>) target_semaphore(%arg14 : memref<!tpu.dma_semaphore, #tpu.memory_space<semaphore_mem>>)
        } else {
        }
        %add3A_168 = arith.constant 2 : i32
        %add3A_169 = arith.addi %scan3A_90, %add3A_168 : i32
        %lt3A_170 = arith.constant 79 : i32
        %lt3A_171 = arith.cmpi slt, %add3A_169, %lt3A_170 : i32
        %eq3A_172 = arith.constant 1 : i32
        %eq3A_173 = arith.cmpi eq, %rem3A_91, %eq3A_172 : i32
        %and3A_174 = arith.andi %lt3A_171, %eq3A_173 : i1
        %convert_element_type3A_175 = arith.extui %and3A_174 : i1 to i32
        %cond3A_176 = arith.constant 0 : i32
        %cond3A_177 = arith.cmpi ne, %convert_element_type3A_175, %cond3A_176 : i32
        scf.if %cond3A_177 {
          %dma_start3A_178 = arith.constant 0 : i32
          %dma_start3A_179 = tpu.memref_slice %arg11[%rem3A_157, %dma_start3A_178] : memref<4x128xi32, #tpu.memory_space<vmem>> -> memref<1x128xi32, #tpu.memory_space<vmem>>
          %dma_start3A_180 = tpu.memref_squeeze %dma_start3A_179 : memref<1x128xi32, #tpu.memory_space<vmem>> -> memref<128xi32, #tpu.memory_space<vmem>>
          %dma_start3A_181 = arith.constant 0 : i32
          %dma_start3A_182 = arith.constant 0 : i32
          %dma_start3A_183 = tpu.memref_slice %arg5[%arg1, %dma_start3A_181, %dma_start3A_182] : memref<16x79x128xi32, #tpu.memory_space<hbm>> -> memref<1x79x128xi32, #tpu.memory_space<hbm>>
          %dma_start3A_184 = tpu.memref_squeeze %dma_start3A_183 : memref<1x79x128xi32, #tpu.memory_space<hbm>> -> memref<79x128xi32, #tpu.memory_space<hbm>>
          %dma_start3A_185 = arith.constant 0 : i32
          %dma_start3A_186 = tpu.memref_slice %dma_start3A_184[%min3A_155, %dma_start3A_185] : memref<79x128xi32, #tpu.memory_space<hbm>> -> memref<1x128xi32, #tpu.memory_space<hbm>>
          %dma_start3A_187 = tpu.memref_squeeze %dma_start3A_186 : memref<1x128xi32, #tpu.memory_space<hbm>> -> memref<128xi32, #tpu.memory_space<hbm>>
          %dma_start3A_188 = arith.constant 0 : i32
          %dma_start3A_189 = tpu.memref_slice %arg11[%rem3A_157, %dma_start3A_188] : memref<4x128xi32, #tpu.memory_space<vmem>> -> memref<1x128xi32, #tpu.memory_space<vmem>>
          %dma_start3A_190 = tpu.memref_squeeze %dma_start3A_189 : memref<1x128xi32, #tpu.memory_space<vmem>> -> memref<128xi32, #tpu.memory_space<vmem>>
          %dma_start3A_191 = arith.constant 0 : i32
          %dma_start3A_192 = arith.constant 0 : i32
          %dma_start3A_193 = tpu.memref_slice %arg5[%arg1, %dma_start3A_191, %dma_start3A_192] : memref<16x79x128xi32, #tpu.memory_space<hbm>> -> memref<1x79x128xi32, #tpu.memory_space<hbm>>
          %dma_start3A_194 = tpu.memref_squeeze %dma_start3A_193 : memref<1x79x128xi32, #tpu.memory_space<hbm>> -> memref<79x128xi32, #tpu.memory_space<hbm>>
          %dma_start3A_195 = arith.constant 0 : i32
          %dma_start3A_196 = tpu.memref_slice %dma_start3A_194[%min3A_155, %dma_start3A_195] : memref<79x128xi32, #tpu.memory_space<hbm>> -> memref<1x128xi32, #tpu.memory_space<hbm>>
          %dma_start3A_197 = tpu.memref_squeeze %dma_start3A_196 : memref<1x128xi32, #tpu.memory_space<hbm>> -> memref<128xi32, #tpu.memory_space<hbm>>
          tpu.enqueue_dma source(%dma_start3A_197 : memref<128xi32, #tpu.memory_space<hbm>>) target(%dma_start3A_190 : memref<128xi32, #tpu.memory_space<vmem>>) target_semaphore(%arg15 : memref<!tpu.dma_semaphore, #tpu.memory_space<semaphore_mem>>)
        } else {
        }
      }
      %scan3A_78 = arith.constant 79 : i32
      %dma_wait3A = arith.constant 0 : i32
      %dma_wait3A_79 = arith.constant 2 : i32
      %dma_wait3A_80 = arith.constant 0 : i32
      %dma_wait3A_81 = arith.constant 0 : i32
      %dma_wait3A_82 = tpu.memref_slice %arg12[%dma_wait3A, %dma_wait3A_80, %dma_wait3A_81] : memref<2x128x128xf32, #tpu.memory_space<vmem>> -> memref<1x128x128xf32, #tpu.memory_space<vmem>>
      %dma_wait3A_83 = tpu.memref_squeeze %dma_wait3A_82 : memref<1x128x128xf32, #tpu.memory_space<vmem>> -> memref<128x128xf32, #tpu.memory_space<vmem>>
      %dma_wait3A_84 = arith.constant 0 : i32
      %dma_wait3A_85 = tpu.memref_slice %arg11[%dma_wait3A_79, %dma_wait3A_84] : memref<4x128xi32, #tpu.memory_space<vmem>> -> memref<1x128xi32, #tpu.memory_space<vmem>>
      %dma_wait3A_86 = tpu.memref_squeeze %dma_wait3A_85 : memref<1x128xi32, #tpu.memory_space<vmem>> -> memref<128xi32, #tpu.memory_space<vmem>>
      %dma_wait3A_87 = arith.constant 0 : i32
      %dma_wait3A_88 = arith.constant 0 : i32
      %dma_wait3A_89 = tpu.memref_slice %arg9[%dma_wait3A_87, %dma_wait3A_88] : memref<10240x128xf32, #tpu.memory_space<vmem_shared>> -> memref<10240x128xf32, #tpu.memory_space<vmem_shared>>
      tpu.wait_indirect_dma semaphore(%arg16 : memref<!tpu.dma_semaphore, #tpu.memory_space<semaphore_mem>>) src(%dma_wait3A_83 : memref<128x128xf32, #tpu.memory_space<vmem>>) dst(%dma_wait3A_89 : memref<10240x128xf32, #tpu.memory_space<vmem_shared>>)
    } else {
    }
    %barrier3A_8 = arith.constant 0 : index
    tpu.barrier barrier_id(%barrier3A_8)
    %eq3A_9 = arith.constant 0 : i32
    %eq3A_10 = arith.cmpi eq, %arg0, %eq3A_9 : i32
    %convert_element_type3A_11 = arith.extui %eq3A_10 : i1 to i32
    %cond3A_12 = arith.constant 0 : i32
    %cond3A_13 = arith.cmpi ne, %convert_element_type3A_11, %cond3A_12 : i32
    scf.if %cond3A_13 {
      %mul3A_19 = arith.constant 640 : i32
      %mul3A_20 = arith.muli %arg1, %mul3A_19 : i32
      "tpu.region"() ({
        %run_scoped3A = tpu.sem_alloc : memref<!tpu.dma_semaphore, #tpu.memory_space<semaphore_mem>>
        %dma_start3A = arith.constant 0 : i32
        %dma_start3A_21 = tpu.memref_slice %arg7[%mul3A_20, %dma_start3A] : memref<10240x128xf32, #tpu.memory_space<hbm>> -> memref<640x128xf32, #tpu.memory_space<hbm>>
        %dma_start3A_22 = arith.constant 0 : i32
        %dma_start3A_23 = tpu.memref_slice %arg9[%mul3A_20, %dma_start3A_22] : memref<10240x128xf32, #tpu.memory_space<vmem_shared>> -> memref<640x128xf32, #tpu.memory_space<vmem_shared>>
        tpu.enqueue_dma source(%dma_start3A_23 : memref<640x128xf32, #tpu.memory_space<vmem_shared>>) target(%dma_start3A_21 : memref<640x128xf32, #tpu.memory_space<hbm>>) target_semaphore(%run_scoped3A : memref<!tpu.dma_semaphore, #tpu.memory_space<semaphore_mem>>)
        %dma_wait3A = arith.constant 0 : i32
        %dma_wait3A_24 = tpu.memref_slice %arg7[%mul3A_20, %dma_wait3A] : memref<10240x128xf32, #tpu.memory_space<hbm>> -> memref<640x128xf32, #tpu.memory_space<hbm>>
        %dma_wait3A_25 = arith.constant 0 : i32
        %dma_wait3A_26 = tpu.memref_slice %arg9[%mul3A_20, %dma_wait3A_25] : memref<10240x128xf32, #tpu.memory_space<vmem_shared>> -> memref<640x128xf32, #tpu.memory_space<vmem_shared>>
        tpu.wait_dma2 semaphore(%run_scoped3A : memref<!tpu.dma_semaphore, #tpu.memory_space<semaphore_mem>>) src(%dma_wait3A_26 : memref<640x128xf32, #tpu.memory_space<vmem_shared>>) dst(%dma_wait3A_24 : memref<640x128xf32, #tpu.memory_space<hbm>>)
        tpu.yield
      }) : () -> ()
    } else {
    }
    %eq3A_14 = arith.constant 1 : i32
    %eq3A_15 = arith.cmpi eq, %arg0, %eq3A_14 : i32
    %convert_element_type3A_16 = arith.extui %eq3A_15 : i1 to i32
    %cond3A_17 = arith.constant 0 : i32
    %cond3A_18 = arith.cmpi ne, %convert_element_type3A_16, %cond3A_17 : i32
    scf.if %cond3A_18 {
      %mul3A_19 = arith.constant 640 : i32
      %mul3A_20 = arith.muli %arg1, %mul3A_19 : i32
      "tpu.region"() ({
        %run_scoped3A = tpu.sem_alloc : memref<!tpu.dma_semaphore, #tpu.memory_space<semaphore_mem>>
        %dma_start3A = arith.constant 0 : i32
        %dma_start3A_21 = tpu.memref_slice %arg8[%mul3A_20, %dma_start3A] : memref<10240x128xf32, #tpu.memory_space<hbm>> -> memref<640x128xf32, #tpu.memory_space<hbm>>
        %dma_start3A_22 = arith.constant 0 : i32
        %dma_start3A_23 = tpu.memref_slice %arg9[%mul3A_20, %dma_start3A_22] : memref<10240x128xf32, #tpu.memory_space<vmem_shared>> -> memref<640x128xf32, #tpu.memory_space<vmem_shared>>
        tpu.enqueue_dma source(%dma_start3A_23 : memref<640x128xf32, #tpu.memory_space<vmem_shared>>) target(%dma_start3A_21 : memref<640x128xf32, #tpu.memory_space<hbm>>) target_semaphore(%run_scoped3A : memref<!tpu.dma_semaphore, #tpu.memory_space<semaphore_mem>>)
        %dma_wait3A = arith.constant 0 : i32
        %dma_wait3A_24 = tpu.memref_slice %arg8[%mul3A_20, %dma_wait3A] : memref<10240x128xf32, #tpu.memory_space<hbm>> -> memref<640x128xf32, #tpu.memory_space<hbm>>
        %dma_wait3A_25 = arith.constant 0 : i32
        %dma_wait3A_26 = tpu.memref_slice %arg9[%mul3A_20, %dma_wait3A_25] : memref<10240x128xf32, #tpu.memory_space<vmem_shared>> -> memref<640x128xf32, #tpu.memory_space<vmem_shared>>
        tpu.wait_dma2 semaphore(%run_scoped3A : memref<!tpu.dma_semaphore, #tpu.memory_space<semaphore_mem>>) src(%dma_wait3A_26 : memref<640x128xf32, #tpu.memory_space<vmem_shared>>) dst(%dma_wait3A_24 : memref<640x128xf32, #tpu.memory_space<hbm>>)
        tpu.yield
      }) : () -> ()
    } else {
    }
    return
  }
}

module attributes {stable_mosaic.version = 14 : i64} {
  func.func @_proj_body(%arg0: i32, %arg1: memref<256x264xf32, #tpu.memory_space<vmem>>, %arg2: memref<264x512xf32, #tpu.memory_space<vmem>>, %arg3: memref<256x128xf32, #tpu.memory_space<vmem>>, %arg4: memref<256x128xf32, #tpu.memory_space<vmem>>, %arg5: memref<256x256xf32, #tpu.memory_space<vmem>>) attributes {dimension_semantics = [#tpu.dimension_semantics<arbitrary>], iteration_bounds = array<i64: 40>, scalar_prefetch = 0 : i64, scratch_operands = 0 : i64, tpu.core_type = #tpu.core_type<tc>, window_params = [{transform_indices = @transform_0, window_bounds = array<i64: 256, 264>}, {pipeline_mode = #tpu.pipeline_mode<synchronous>, transform_indices = @transform_1, window_bounds = array<i64: 264, 512>}, {transform_indices = @transform_2, window_bounds = array<i64: 256, 128>}, {transform_indices = @transform_3, window_bounds = array<i64: 256, 128>}, {transform_indices = @transform_4, window_bounds = array<i64: 256, 256>}]} {
    %get3A = arith.constant 0 : index
    %get3A_0 = arith.constant 0 : index
    %get3A_1 = vector.load %arg1[%get3A, %get3A_0] : memref<256x264xf32, #tpu.memory_space<vmem>>, vector<256x264xf32>
    %get3A_2 = arith.constant 0 : index
    %get3A_3 = arith.constant 0 : index
    %get3A_4 = vector.load %arg2[%get3A_2, %get3A_3] : memref<264x512xf32, #tpu.memory_space<vmem>>, vector<264x512xf32>
    %dot_general3A = arith.constant dense<0.000000e+00> : vector<256x512xf32>
    %dot_general3A_5 = tpu.matmul %get3A_1, %get3A_4, %dot_general3A {dimension_numbers = #tpu.dot_dimension_numbers<[1], [0], [0], [1], [0, 0, 1, 1], [], []>, transpose_lhs_hint = false} : vector<256x264xf32>, vector<264x512xf32>, vector<256x512xf32> -> vector<256x512xf32>
    %slice3A = vector.extract_strided_slice %dot_general3A_5 {offsets = [0, 0], sizes = [256, 128], strides = [1, 1]} : vector<256x512xf32> to vector<256x128xf32>
    %swap3A = arith.constant 0 : index
    %swap3A_6 = arith.constant 0 : index
    %swap3A_7 = vector.load %arg3[%swap3A, %swap3A_6] : memref<256x128xf32, #tpu.memory_space<vmem>>, vector<256x128xf32>
    tpu.vector_store %arg3[%swap3A, %swap3A_6], %slice3A {strides = array<i32>} : memref<256x128xf32, #tpu.memory_space<vmem>>, vector<256x128xf32>,
    %slice3A_8 = vector.extract_strided_slice %dot_general3A_5 {offsets = [0, 128], sizes = [256, 128], strides = [1, 1]} : vector<256x512xf32> to vector<256x128xf32>
    %swap3A_9 = arith.constant 0 : index
    %swap3A_10 = arith.constant 0 : index
    %swap3A_11 = vector.load %arg4[%swap3A_9, %swap3A_10] : memref<256x128xf32, #tpu.memory_space<vmem>>, vector<256x128xf32>
    tpu.vector_store %arg4[%swap3A_9, %swap3A_10], %slice3A_8 {strides = array<i32>} : memref<256x128xf32, #tpu.memory_space<vmem>>, vector<256x128xf32>,
    %slice3A_12 = vector.extract_strided_slice %dot_general3A_5 {offsets = [0, 256], sizes = [256, 256], strides = [1, 1]} : vector<256x512xf32> to vector<256x256xf32>
    %swap3A_13 = arith.constant 0 : index
    %swap3A_14 = arith.constant 0 : index
    %swap3A_15 = vector.load %arg5[%swap3A_13, %swap3A_14] : memref<256x256xf32, #tpu.memory_space<vmem>>, vector<256x256xf32>
    tpu.vector_store %arg5[%swap3A_13, %swap3A_14], %slice3A_12 {strides = array<i32>} : memref<256x256xf32, #tpu.memory_space<vmem>>, vector<256x256xf32>,
    return
  }
  func.func @transform_0(%arg0: i32) -> (i32, i32) {
    %c0_i32 = arith.constant 0 : i32
    %c0_i32_0 = arith.constant 0 : i32
    return %arg0, %c0_i32 : i32, i32
  }
  func.func @transform_1(%arg0: i32) -> (i32, i32) {
    %c0_i32 = arith.constant 0 : i32
    %c0_i32_0 = arith.constant 0 : i32
    %c0_i32_1 = arith.constant 0 : i32
    return %c0_i32, %c0_i32_0 : i32, i32
  }
  func.func @transform_2(%arg0: i32) -> (i32, i32) {
    %c0_i32 = arith.constant 0 : i32
    %c0_i32_0 = arith.constant 0 : i32
    return %arg0, %c0_i32 : i32, i32
  }
  func.func @transform_3(%arg0: i32) -> (i32, i32) {
    %c0_i32 = arith.constant 0 : i32
    %c0_i32_0 = arith.constant 0 : i32
    return %arg0, %c0_i32 : i32, i32
  }
  func.func @transform_4(%arg0: i32) -> (i32, i32) {
    %c0_i32 = arith.constant 0 : i32
    %c0_i32_0 = arith.constant 0 : i32
    return %arg0, %c0_i32 : i32, i32
  }
}

module attributes {stable_mosaic.version = 14 : i64} {
  func.func @_finish_proj_body(%arg0: i32, %arg1: memref<256x128xf32, #tpu.memory_space<vmem>>, %arg2: memref<256x128xf32, #tpu.memory_space<vmem>>, %arg3: memref<256x256xf32, #tpu.memory_space<vmem>>, %arg4: memref<256x128xf32, #tpu.memory_space<vmem>>, %arg5: memref<256x128xf32, #tpu.memory_space<vmem>>, %arg6: memref<1x256xf32, #tpu.memory_space<vmem>>, %arg7: memref<1x256xf32, #tpu.memory_space<vmem>>, %arg8: memref<1x256xf32, #tpu.memory_space<vmem>>, %arg9: memref<256x512xf32, #tpu.memory_space<vmem>>, %arg10: memref<256x256xf32, #tpu.memory_space<vmem>>, %arg11: memref<256x128xf32, #tpu.memory_space<vmem>>, %arg12: memref<256x128xf32, #tpu.memory_space<vmem>>, %arg13: memref<256x256xf32, #tpu.memory_space<vmem>>) attributes {dimension_semantics = [#tpu.dimension_semantics<arbitrary>], iteration_bounds = array<i64: 40>, scalar_prefetch = 0 : i64, scratch_operands = 0 : i64, tpu.core_type = #tpu.core_type<tc>, window_params = [{transform_indices = @transform_0, window_bounds = array<i64: 256, 128>}, {transform_indices = @transform_1, window_bounds = array<i64: 256, 128>}, {transform_indices = @transform_2, window_bounds = array<i64: 256, 256>}, {transform_indices = @transform_3, window_bounds = array<i64: 256, 128>}, {transform_indices = @transform_4, window_bounds = array<i64: 256, 128>}, {pipeline_mode = #tpu.pipeline_mode<synchronous>, transform_indices = @transform_5, window_bounds = array<i64: 1, 256>}, {pipeline_mode = #tpu.pipeline_mode<synchronous>, transform_indices = @transform_6, window_bounds = array<i64: 1, 256>}, {pipeline_mode = #tpu.pipeline_mode<synchronous>, transform_indices = @transform_7, window_bounds = array<i64: 1, 256>}, {pipeline_mode = #tpu.pipeline_mode<synchronous>, transform_indices = @transform_8, window_bounds = array<i64: 256, 512>}, {transform_indices = @transform_9, window_bounds = array<i64: 256, 256>}, {transform_indices = @transform_10, window_bounds = array<i64: 256, 128>}, {transform_indices = @transform_11, window_bounds = array<i64: 256, 128>}, {transform_indices = @transform_12, window_bounds = array<i64: 256, 256>}]} {
    %get3A = arith.constant 0 : index
    %get3A_0 = arith.constant 0 : index
    %get3A_1 = vector.load %arg1[%get3A, %get3A_0] : memref<256x128xf32, #tpu.memory_space<vmem>>, vector<256x128xf32>
    %get3A_2 = arith.constant 0 : index
    %get3A_3 = arith.constant 0 : index
    %get3A_4 = vector.load %arg2[%get3A_2, %get3A_3] : memref<256x128xf32, #tpu.memory_space<vmem>>, vector<256x128xf32>
    %get3A_5 = arith.constant 0 : index
    %get3A_6 = arith.constant 0 : index
    %get3A_7 = vector.load %arg3[%get3A_5, %get3A_6] : memref<256x256xf32, #tpu.memory_space<vmem>>, vector<256x256xf32>
    %get3A_8 = arith.constant 0 : index
    %get3A_9 = arith.constant 0 : index
    %get3A_10 = vector.load %arg4[%get3A_8, %get3A_9] : memref<256x128xf32, #tpu.memory_space<vmem>>, vector<256x128xf32>
    %get3A_11 = arith.constant 0 : index
    %get3A_12 = arith.constant 0 : index
    %get3A_13 = vector.load %arg5[%get3A_11, %get3A_12] : memref<256x128xf32, #tpu.memory_space<vmem>>, vector<256x128xf32>
    %get3A_14 = arith.constant 0 : index
    %get3A_15 = arith.constant 0 : index
    %get3A_16 = vector.load %arg6[%get3A_14, %get3A_15] : memref<1x256xf32, #tpu.memory_space<vmem>>, vector<1x256xf32>
    %get3A_17 = arith.constant 0 : index
    %get3A_18 = arith.constant 0 : index
    %get3A_19 = vector.load %arg7[%get3A_17, %get3A_18] : memref<1x256xf32, #tpu.memory_space<vmem>>, vector<1x256xf32>
    %get3A_20 = arith.constant 0 : index
    %get3A_21 = arith.constant 0 : index
    %get3A_22 = vector.load %arg8[%get3A_20, %get3A_21] : memref<1x256xf32, #tpu.memory_space<vmem>>, vector<1x256xf32>
    %concatenate3A = tpu.concatenate %get3A_1, %get3A_4 in 1 : vector<256x128xf32>, vector<256x128xf32> -> vector<256x256xf32>
    %slice3A = vector.extract_strided_slice %get3A_10 {offsets = [0, 0], sizes = [256, 1], strides = [1, 1]} : vector<256x128xf32> to vector<256x1xf32>
    %slice3A_23 = vector.extract_strided_slice %get3A_13 {offsets = [0, 0], sizes = [256, 1], strides = [1, 1]} : vector<256x128xf32> to vector<256x1xf32>
    %add3A = arith.addf %slice3A, %slice3A_23 : vector<256x1xf32>
    %max3A = arith.constant 1.000000e+00 : f32
    %max3A_24 = vector.broadcast %max3A : f32 to vector<256x1xf32>
    %max3A_25 = arith.maximumf %add3A, %max3A_24 : vector<256x1xf32>
    %div3A = vector.broadcast %max3A_25 : vector<256x1xf32> to vector<256x256xf32>
    %div3A_26 = arith.divf %concatenate3A, %div3A : vector<256x256xf32>
    %add3A_27 = vector.broadcast %get3A_16 : vector<1x256xf32> to vector<256x256xf32>
    %add3A_28 = arith.addf %div3A_26, %add3A_27 : vector<256x256xf32>
    %add3A_29 = arith.addf %add3A_28, %get3A_7 : vector<256x256xf32>
    %reduce_sum3A = arith.constant dense<0.000000e+00> : vector<256xf32>
    %reduce_sum3A_30 = vector.multi_reduction <add>, %add3A_29, %reduce_sum3A [1] : vector<256x256xf32> to vector<256xf32>
    %broadcast_in_dim3A = vector.shape_cast %reduce_sum3A_30 : vector<256xf32> to vector<256x1xf32>
    %div3A_31 = arith.constant 2.560000e+02 : f32
    %div3A_32 = vector.broadcast %div3A_31 : f32 to vector<256x1xf32>
    %div3A_33 = arith.divf %broadcast_in_dim3A, %div3A_32 : vector<256x1xf32>
    %sub3A = vector.broadcast %div3A_33 : vector<256x1xf32> to vector<256x256xf32>
    %sub3A_34 = arith.subf %add3A_29, %sub3A : vector<256x256xf32>
    %mul3A = arith.mulf %sub3A_34, %sub3A_34 : vector<256x256xf32>
    %reduce_sum3A_35 = arith.constant dense<0.000000e+00> : vector<256xf32>
    %reduce_sum3A_36 = vector.multi_reduction <add>, %mul3A, %reduce_sum3A_35 [1] : vector<256x256xf32> to vector<256xf32>
    %broadcast_in_dim3A_37 = vector.shape_cast %reduce_sum3A_36 : vector<256xf32> to vector<256x1xf32>
    %div3A_38 = arith.constant 2.560000e+02 : f32
    %div3A_39 = vector.broadcast %div3A_38 : f32 to vector<256x1xf32>
    %div3A_40 = arith.divf %broadcast_in_dim3A_37, %div3A_39 : vector<256x1xf32>
    %add3A_41 = arith.constant 9.99999974E-6 : f32
    %add3A_42 = vector.broadcast %add3A_41 : f32 to vector<256x1xf32>
    %add3A_43 = arith.addf %div3A_40, %add3A_42 : vector<256x1xf32>
    %rsqrt3A = math.rsqrt %add3A_43 : vector<256x1xf32>
    %mul3A_44 = vector.broadcast %rsqrt3A : vector<256x1xf32> to vector<256x256xf32>
    %mul3A_45 = arith.mulf %sub3A_34, %mul3A_44 : vector<256x256xf32>
    %mul3A_46 = vector.broadcast %get3A_19 : vector<1x256xf32> to vector<256x256xf32>
    %mul3A_47 = arith.mulf %mul3A_45, %mul3A_46 : vector<256x256xf32>
    %add3A_48 = vector.broadcast %get3A_22 : vector<1x256xf32> to vector<256x256xf32>
    %add3A_49 = arith.addf %mul3A_47, %add3A_48 : vector<256x256xf32>
    %max3A_50 = arith.constant 0.000000e+00 : f32
    %max3A_51 = vector.broadcast %max3A_50 : f32 to vector<256x256xf32>
    %max3A_52 = arith.maximumf %add3A_49, %max3A_51 : vector<256x256xf32>
    %swap3A = arith.constant 0 : index
    %swap3A_53 = arith.constant 0 : index
    %swap3A_54 = vector.load %arg10[%swap3A, %swap3A_53] : memref<256x256xf32, #tpu.memory_space<vmem>>, vector<256x256xf32>
    tpu.vector_store %arg10[%swap3A, %swap3A_53], %max3A_52 {strides = array<i32>} : memref<256x256xf32, #tpu.memory_space<vmem>>, vector<256x256xf32>,
    %get3A_55 = arith.constant 0 : index
    %get3A_56 = arith.constant 0 : index
    %get3A_57 = vector.load %arg9[%get3A_55, %get3A_56] : memref<256x512xf32, #tpu.memory_space<vmem>>, vector<256x512xf32>
    %dot_general3A = arith.constant dense<0.000000e+00> : vector<256x512xf32>
    %dot_general3A_58 = tpu.matmul %max3A_52, %get3A_57, %dot_general3A {dimension_numbers = #tpu.dot_dimension_numbers<[1], [0], [0], [1], [0, 0, 1, 1], [], []>, transpose_lhs_hint = false} : vector<256x256xf32>, vector<256x512xf32>, vector<256x512xf32> -> vector<256x512xf32>
    %slice3A_59 = vector.extract_strided_slice %dot_general3A_58 {offsets = [0, 0], sizes = [256, 128], strides = [1, 1]} : vector<256x512xf32> to vector<256x128xf32>
    %swap3A_60 = arith.constant 0 : index
    %swap3A_61 = arith.constant 0 : index
    %swap3A_62 = vector.load %arg11[%swap3A_60, %swap3A_61] : memref<256x128xf32, #tpu.memory_space<vmem>>, vector<256x128xf32>
    tpu.vector_store %arg11[%swap3A_60, %swap3A_61], %slice3A_59 {strides = array<i32>} : memref<256x128xf32, #tpu.memory_space<vmem>>, vector<256x128xf32>,
    %slice3A_63 = vector.extract_strided_slice %dot_general3A_58 {offsets = [0, 128], sizes = [256, 128], strides = [1, 1]} : vector<256x512xf32> to vector<256x128xf32>
    %swap3A_64 = arith.constant 0 : index
    %swap3A_65 = arith.constant 0 : index
    %swap3A_66 = vector.load %arg12[%swap3A_64, %swap3A_65] : memref<256x128xf32, #tpu.memory_space<vmem>>, vector<256x128xf32>
    tpu.vector_store %arg12[%swap3A_64, %swap3A_65], %slice3A_63 {strides = array<i32>} : memref<256x128xf32, #tpu.memory_space<vmem>>, vector<256x128xf32>,
    %slice3A_67 = vector.extract_strided_slice %dot_general3A_58 {offsets = [0, 256], sizes = [256, 256], strides = [1, 1]} : vector<256x512xf32> to vector<256x256xf32>
    %swap3A_68 = arith.constant 0 : index
    %swap3A_69 = arith.constant 0 : index
    %swap3A_70 = vector.load %arg13[%swap3A_68, %swap3A_69] : memref<256x256xf32, #tpu.memory_space<vmem>>, vector<256x256xf32>
    tpu.vector_store %arg13[%swap3A_68, %swap3A_69], %slice3A_67 {strides = array<i32>} : memref<256x256xf32, #tpu.memory_space<vmem>>, vector<256x256xf32>,
    return
  }
  func.func @transform_0(%arg0: i32) -> (i32, i32) {
    %c0_i32 = arith.constant 0 : i32
    %c0_i32_0 = arith.constant 0 : i32
    return %arg0, %c0_i32 : i32, i32
  }
  func.func @transform_1(%arg0: i32) -> (i32, i32) {
    %c0_i32 = arith.constant 0 : i32
    %c0_i32_0 = arith.constant 0 : i32
    return %arg0, %c0_i32 : i32, i32
  }
  func.func @transform_2(%arg0: i32) -> (i32, i32) {
    %c0_i32 = arith.constant 0 : i32
    %c0_i32_0 = arith.constant 0 : i32
    return %arg0, %c0_i32 : i32, i32
  }
  func.func @transform_3(%arg0: i32) -> (i32, i32) {
    %c0_i32 = arith.constant 0 : i32
    %c0_i32_0 = arith.constant 0 : i32
    return %arg0, %c0_i32 : i32, i32
  }
  func.func @transform_4(%arg0: i32) -> (i32, i32) {
    %c0_i32 = arith.constant 0 : i32
    %c0_i32_0 = arith.constant 0 : i32
    return %arg0, %c0_i32 : i32, i32
  }
  func.func @transform_5(%arg0: i32) -> (i32, i32) {
    %c0_i32 = arith.constant 0 : i32
    %c0_i32_0 = arith.constant 0 : i32
    %c0_i32_1 = arith.constant 0 : i32
    return %c0_i32, %c0_i32_0 : i32, i32
  }
  func.func @transform_6(%arg0: i32) -> (i32, i32) {
    %c0_i32 = arith.constant 0 : i32
    %c0_i32_0 = arith.constant 0 : i32
    %c0_i32_1 = arith.constant 0 : i32
    return %c0_i32, %c0_i32_0 : i32, i32
  }
  func.func @transform_7(%arg0: i32) -> (i32, i32) {
    %c0_i32 = arith.constant 0 : i32
    %c0_i32_0 = arith.constant 0 : i32
    %c0_i32_1 = arith.constant 0 : i32
    return %c0_i32, %c0_i32_0 : i32, i32
  }
  func.func @transform_8(%arg0: i32) -> (i32, i32) {
    %c0_i32 = arith.constant 0 : i32
    %c0_i32_0 = arith.constant 0 : i32
    %c0_i32_1 = arith.constant 0 : i32
    return %c0_i32, %c0_i32_0 : i32, i32
  }
  func.func @transform_9(%arg0: i32) -> (i32, i32) {
    %c0_i32 = arith.constant 0 : i32
    %c0_i32_0 = arith.constant 0 : i32
    return %arg0, %c0_i32 : i32, i32
  }
  func.func @transform_10(%arg0: i32) -> (i32, i32) {
    %c0_i32 = arith.constant 0 : i32
    %c0_i32_0 = arith.constant 0 : i32
    return %arg0, %c0_i32 : i32, i32
  }
  func.func @transform_11(%arg0: i32) -> (i32, i32) {
    %c0_i32 = arith.constant 0 : i32
    %c0_i32_0 = arith.constant 0 : i32
    return %arg0, %c0_i32 : i32, i32
  }
  func.func @transform_12(%arg0: i32) -> (i32, i32) {
    %c0_i32 = arith.constant 0 : i32
    %c0_i32_0 = arith.constant 0 : i32
    return %arg0, %c0_i32 : i32, i32
  }
}

module attributes {stable_mosaic.version = 14 : i64} {
  func.func @_mega_body(%arg0: i32, %arg1: memref<256x256xf32, #tpu.memory_space<vmem>>, %arg2: memref<256x256xf32, #tpu.memory_space<vmem>>, %arg3: memref<256x256xf32, #tpu.memory_space<vmem>>, %arg4: memref<256x128xf32, #tpu.memory_space<vmem>>, %arg5: memref<256x128xf32, #tpu.memory_space<vmem>>, %arg6: memref<256x256xf32, #tpu.memory_space<vmem>>, %arg7: memref<256x128xf32, #tpu.memory_space<vmem>>, %arg8: memref<256x128xf32, #tpu.memory_space<vmem>>, %arg9: memref<1x256xf32, #tpu.memory_space<vmem>>, %arg10: memref<1x256xf32, #tpu.memory_space<vmem>>, %arg11: memref<1x256xf32, #tpu.memory_space<vmem>>, %arg12: memref<1x1x256xi32, #tpu.memory_space<vmem>>, %arg13: memref<256x2048xf32, #tpu.memory_space<vmem>>, %arg14: memref<512x2048xf32, #tpu.memory_space<vmem>>, %arg15: memref<1x2048xf32, #tpu.memory_space<vmem>>, %arg16: memref<256x2048xf32, #tpu.memory_space<vmem>>, %arg17: memref<512x2048xf32, #tpu.memory_space<vmem>>, %arg18: memref<1x2048xf32, #tpu.memory_space<vmem>>, %arg19: memref<1x1024xf32, #tpu.memory_space<vmem>>, %arg20: memref<1x256xf32, #tpu.memory_space<vmem>>, %arg21: memref<1x128xf32, #tpu.memory_space<vmem>>, %arg22: memref<256x128xf32, #tpu.memory_space<vmem>>, %arg23: memref<64x128xf32, #tpu.memory_space<vmem>>, %arg24: memref<64x128xf32, #tpu.memory_space<vmem>>, %arg25: memref<64x128xf32, #tpu.memory_space<vmem>>) attributes {dimension_semantics = [#tpu.dimension_semantics<arbitrary>], iteration_bounds = array<i64: 40>, scalar_prefetch = 0 : i64, scratch_operands = 2 : i64, tpu.core_type = #tpu.core_type<tc>, window_params = [{transform_indices = @transform_0, window_bounds = array<i64: 256, 256>}, {transform_indices = @transform_1, window_bounds = array<i64: 256, 256>}, {transform_indices = @transform_2, window_bounds = array<i64: 256, 256>}, {transform_indices = @transform_3, window_bounds = array<i64: 256, 128>}, {transform_indices = @transform_4, window_bounds = array<i64: 256, 128>}, {transform_indices = @transform_5, window_bounds = array<i64: 256, 256>}, {transform_indices = @transform_6, window_bounds = array<i64: 256, 128>}, {transform_indices = @transform_7, window_bounds = array<i64: 256, 128>}, {pipeline_mode = #tpu.pipeline_mode<synchronous>, transform_indices = @transform_8, window_bounds = array<i64: 1, 256>}, {pipeline_mode = #tpu.pipeline_mode<synchronous>, transform_indices = @transform_9, window_bounds = array<i64: 1, 256>}, {pipeline_mode = #tpu.pipeline_mode<synchronous>, transform_indices = @transform_10, window_bounds = array<i64: 1, 256>}, {transform_indices = @transform_11, window_bounds = array<i64: 1, 1, 256>}, {pipeline_mode = #tpu.pipeline_mode<synchronous>, transform_indices = @transform_12, window_bounds = array<i64: 256, 2048>}, {pipeline_mode = #tpu.pipeline_mode<synchronous>, transform_indices = @transform_13, window_bounds = array<i64: 512, 2048>}, {pipeline_mode = #tpu.pipeline_mode<synchronous>, transform_indices = @transform_14, window_bounds = array<i64: 1, 2048>}, {pipeline_mode = #tpu.pipeline_mode<synchronous>, transform_indices = @transform_15, window_bounds = array<i64: 256, 2048>}, {pipeline_mode = #tpu.pipeline_mode<synchronous>, transform_indices = @transform_16, window_bounds = array<i64: 512, 2048>}, {pipeline_mode = #tpu.pipeline_mode<synchronous>, transform_indices = @transform_17, window_bounds = array<i64: 1, 2048>}, {pipeline_mode = #tpu.pipeline_mode<synchronous>, transform_indices = @transform_18, window_bounds = array<i64: 1, 1024>}, {pipeline_mode = #tpu.pipeline_mode<synchronous>, transform_indices = @transform_19, window_bounds = array<i64: 1, 256>}, {pipeline_mode = #tpu.pipeline_mode<synchronous>, transform_indices = @transform_20, window_bounds = array<i64: 1, 128>}, {transform_indices = @transform_21, window_bounds = array<i64: 256, 128>}, {pipeline_mode = #tpu.pipeline_mode<synchronous>, transform_indices = @transform_22, window_bounds = array<i64: 64, 128>}]} {
    %get3A = arith.constant 0 : index
    %get3A_0 = arith.constant 0 : index
    %get3A_1 = vector.load %arg4[%get3A, %get3A_0] : memref<256x128xf32, #tpu.memory_space<vmem>>, vector<256x128xf32>
    %get3A_2 = arith.constant 0 : index
    %get3A_3 = arith.constant 0 : index
    %get3A_4 = vector.load %arg5[%get3A_2, %get3A_3] : memref<256x128xf32, #tpu.memory_space<vmem>>, vector<256x128xf32>
    %get3A_5 = arith.constant 0 : index
    %get3A_6 = arith.constant 0 : index
    %get3A_7 = vector.load %arg6[%get3A_5, %get3A_6] : memref<256x256xf32, #tpu.memory_space<vmem>>, vector<256x256xf32>
    %get3A_8 = arith.constant 0 : index
    %get3A_9 = arith.constant 0 : index
    %get3A_10 = vector.load %arg7[%get3A_8, %get3A_9] : memref<256x128xf32, #tpu.memory_space<vmem>>, vector<256x128xf32>
    %get3A_11 = arith.constant 0 : index
    %get3A_12 = arith.constant 0 : index
    %get3A_13 = vector.load %arg8[%get3A_11, %get3A_12] : memref<256x128xf32, #tpu.memory_space<vmem>>, vector<256x128xf32>
    %get3A_14 = arith.constant 0 : index
    %get3A_15 = arith.constant 0 : index
    %get3A_16 = vector.load %arg9[%get3A_14, %get3A_15] : memref<1x256xf32, #tpu.memory_space<vmem>>, vector<1x256xf32>
    %get3A_17 = arith.constant 0 : index
    %get3A_18 = arith.constant 0 : index
    %get3A_19 = vector.load %arg10[%get3A_17, %get3A_18] : memref<1x256xf32, #tpu.memory_space<vmem>>, vector<1x256xf32>
    %get3A_20 = arith.constant 0 : index
    %get3A_21 = arith.constant 0 : index
    %get3A_22 = vector.load %arg11[%get3A_20, %get3A_21] : memref<1x256xf32, #tpu.memory_space<vmem>>, vector<1x256xf32>
    %concatenate3A = tpu.concatenate %get3A_1, %get3A_4 in 1 : vector<256x128xf32>, vector<256x128xf32> -> vector<256x256xf32>
    %slice3A = vector.extract_strided_slice %get3A_10 {offsets = [0, 0], sizes = [256, 1], strides = [1, 1]} : vector<256x128xf32> to vector<256x1xf32>
    %slice3A_23 = vector.extract_strided_slice %get3A_13 {offsets = [0, 0], sizes = [256, 1], strides = [1, 1]} : vector<256x128xf32> to vector<256x1xf32>
    %add3A = arith.addf %slice3A, %slice3A_23 : vector<256x1xf32>
    %max3A = arith.constant 1.000000e+00 : f32
    %max3A_24 = vector.broadcast %max3A : f32 to vector<256x1xf32>
    %max3A_25 = arith.maximumf %add3A, %max3A_24 : vector<256x1xf32>
    %div3A = vector.broadcast %max3A_25 : vector<256x1xf32> to vector<256x256xf32>
    %div3A_26 = arith.divf %concatenate3A, %div3A : vector<256x256xf32>
    %add3A_27 = vector.broadcast %get3A_16 : vector<1x256xf32> to vector<256x256xf32>
    %add3A_28 = arith.addf %div3A_26, %add3A_27 : vector<256x256xf32>
    %add3A_29 = arith.addf %add3A_28, %get3A_7 : vector<256x256xf32>
    %reduce_sum3A = arith.constant dense<0.000000e+00> : vector<256xf32>
    %reduce_sum3A_30 = vector.multi_reduction <add>, %add3A_29, %reduce_sum3A [1] : vector<256x256xf32> to vector<256xf32>
    %broadcast_in_dim3A = vector.shape_cast %reduce_sum3A_30 : vector<256xf32> to vector<256x1xf32>
    %div3A_31 = arith.constant 2.560000e+02 : f32
    %div3A_32 = vector.broadcast %div3A_31 : f32 to vector<256x1xf32>
    %div3A_33 = arith.divf %broadcast_in_dim3A, %div3A_32 : vector<256x1xf32>
    %sub3A = vector.broadcast %div3A_33 : vector<256x1xf32> to vector<256x256xf32>
    %sub3A_34 = arith.subf %add3A_29, %sub3A : vector<256x256xf32>
    %mul3A = arith.mulf %sub3A_34, %sub3A_34 : vector<256x256xf32>
    %reduce_sum3A_35 = arith.constant dense<0.000000e+00> : vector<256xf32>
    %reduce_sum3A_36 = vector.multi_reduction <add>, %mul3A, %reduce_sum3A_35 [1] : vector<256x256xf32> to vector<256xf32>
    %broadcast_in_dim3A_37 = vector.shape_cast %reduce_sum3A_36 : vector<256xf32> to vector<256x1xf32>
    %div3A_38 = arith.constant 2.560000e+02 : f32
    %div3A_39 = vector.broadcast %div3A_38 : f32 to vector<256x1xf32>
    %div3A_40 = arith.divf %broadcast_in_dim3A_37, %div3A_39 : vector<256x1xf32>
    %add3A_41 = arith.constant 9.99999974E-6 : f32
    %add3A_42 = vector.broadcast %add3A_41 : f32 to vector<256x1xf32>
    %add3A_43 = arith.addf %div3A_40, %add3A_42 : vector<256x1xf32>
    %rsqrt3A = math.rsqrt %add3A_43 : vector<256x1xf32>
    %mul3A_44 = vector.broadcast %rsqrt3A : vector<256x1xf32> to vector<256x256xf32>
    %mul3A_45 = arith.mulf %sub3A_34, %mul3A_44 : vector<256x256xf32>
    %mul3A_46 = vector.broadcast %get3A_19 : vector<1x256xf32> to vector<256x256xf32>
    %mul3A_47 = arith.mulf %mul3A_45, %mul3A_46 : vector<256x256xf32>
    %add3A_48 = vector.broadcast %get3A_22 : vector<1x256xf32> to vector<256x256xf32>
    %add3A_49 = arith.addf %mul3A_47, %add3A_48 : vector<256x256xf32>
    %max3A_50 = arith.constant 0.000000e+00 : f32
    %max3A_51 = vector.broadcast %max3A_50 : f32 to vector<256x256xf32>
    %max3A_52 = arith.maximumf %add3A_49, %max3A_51 : vector<256x256xf32>
    %get3A_53 = arith.constant 0 : index
    %get3A_54 = arith.constant 0 : index
    %get3A_55 = vector.load %arg1[%get3A_53, %get3A_54] : memref<256x256xf32, #tpu.memory_space<vmem>>, vector<256x256xf32>
    %get3A_56 = arith.constant 0 : index
    %get3A_57 = arith.constant 0 : index
    %get3A_58 = vector.load %arg2[%get3A_56, %get3A_57] : memref<256x256xf32, #tpu.memory_space<vmem>>, vector<256x256xf32>
    %get3A_59 = arith.constant 0 : index
    %get3A_60 = arith.constant 0 : index
    %get3A_61 = vector.load %arg3[%get3A_59, %get3A_60] : memref<256x256xf32, #tpu.memory_space<vmem>>, vector<256x256xf32>
    %get3A_62 = arith.constant 0 : index
    %get3A_63 = arith.constant 0 : index
    %get3A_64 = vector.load %arg13[%get3A_62, %get3A_63] : memref<256x2048xf32, #tpu.memory_space<vmem>>, vector<256x2048xf32>
    %get3A_65 = arith.constant 0 : index
    %get3A_66 = arith.constant 0 : index
    %get3A_67 = vector.load %arg14[%get3A_65, %get3A_66] : memref<512x2048xf32, #tpu.memory_space<vmem>>, vector<512x2048xf32>
    %get3A_68 = arith.constant 0 : index
    %get3A_69 = arith.constant 0 : index
    %get3A_70 = vector.load %arg15[%get3A_68, %get3A_69] : memref<1x2048xf32, #tpu.memory_space<vmem>>, vector<1x2048xf32>
    %broadcast_in_dim3A_71 = arith.constant 0.000000e+00 : f32
    %broadcast_in_dim3A_72 = vector.broadcast %broadcast_in_dim3A_71 : f32 to vector<256x512xf32>
    %broadcast_in_dim3A_73 = arith.constant 0.000000e+00 : f32
    %broadcast_in_dim3A_74 = vector.broadcast %broadcast_in_dim3A_73 : f32 to vector<256x512xf32>
    %dot_general3A = arith.constant dense<0.000000e+00> : vector<256x2048xf32>
    %dot_general3A_75 = tpu.matmul %get3A_55, %get3A_64, %dot_general3A {dimension_numbers = #tpu.dot_dimension_numbers<[1], [0], [0], [1], [0, 0, 1, 1], [], []>, transpose_lhs_hint = false} : vector<256x256xf32>, vector<256x2048xf32>, vector<256x2048xf32> -> vector<256x2048xf32>
    %dot_general3A_76 = arith.constant dense<0.000000e+00> : vector<256x2048xf32>
    %dot_general3A_77 = tpu.matmul %broadcast_in_dim3A_72, %get3A_67, %dot_general3A_76 {dimension_numbers = #tpu.dot_dimension_numbers<[1], [0], [0], [1], [0, 0, 1, 1], [], []>, transpose_lhs_hint = false} : vector<256x512xf32>, vector<512x2048xf32>, vector<256x2048xf32> -> vector<256x2048xf32>
    %add3A_78 = arith.addf %dot_general3A_75, %dot_general3A_77 : vector<256x2048xf32>
    %add3A_79 = vector.broadcast %get3A_70 : vector<1x2048xf32> to vector<256x2048xf32>
    %add3A_80 = arith.addf %add3A_78, %add3A_79 : vector<256x2048xf32>
    %slice3A_81 = vector.extract_strided_slice %add3A_80 {offsets = [0, 0], sizes = [256, 512], strides = [1, 1]} : vector<256x2048xf32> to vector<256x512xf32>
    %logistic3A = arith.negf %slice3A_81 : vector<256x512xf32>
    %logistic3A_82 = math.exp %logistic3A : vector<256x512xf32>
    %logistic3A_83 = arith.constant 1.000000e+00 : f32
    %logistic3A_84 = vector.broadcast %logistic3A_83 : f32 to vector<256x512xf32>
    %logistic3A_85 = arith.addf %logistic3A_84, %logistic3A_82 : vector<256x512xf32>
    %logistic3A_86 = arith.divf %logistic3A_84, %logistic3A_85 : vector<256x512xf32>
    %slice3A_87 = vector.extract_strided_slice %add3A_80 {offsets = [0, 512], sizes = [256, 512], strides = [1, 1]} : vector<256x2048xf32> to vector<256x512xf32>
    %logistic3A_88 = arith.negf %slice3A_87 : vector<256x512xf32>
    %logistic3A_89 = math.exp %logistic3A_88 : vector<256x512xf32>
    %logistic3A_90 = arith.constant 1.000000e+00 : f32
    %logistic3A_91 = vector.broadcast %logistic3A_90 : f32 to vector<256x512xf32>
    %logistic3A_92 = arith.addf %logistic3A_91, %logistic3A_89 : vector<256x512xf32>
    %logistic3A_93 = arith.divf %logistic3A_91, %logistic3A_92 : vector<256x512xf32>
    %slice3A_94 = vector.extract_strided_slice %add3A_80 {offsets = [0, 1024], sizes = [256, 512], strides = [1, 1]} : vector<256x2048xf32> to vector<256x512xf32>
    %tanh3A = math.tanh %slice3A_94 : vector<256x512xf32>
    %slice3A_95 = vector.extract_strided_slice %add3A_80 {offsets = [0, 1536], sizes = [256, 512], strides = [1, 1]} : vector<256x2048xf32> to vector<256x512xf32>
    %logistic3A_96 = arith.negf %slice3A_95 : vector<256x512xf32>
    %logistic3A_97 = math.exp %logistic3A_96 : vector<256x512xf32>
    %logistic3A_98 = arith.constant 1.000000e+00 : f32
    %logistic3A_99 = vector.broadcast %logistic3A_98 : f32 to vector<256x512xf32>
    %logistic3A_100 = arith.addf %logistic3A_99, %logistic3A_97 : vector<256x512xf32>
    %logistic3A_101 = arith.divf %logistic3A_99, %logistic3A_100 : vector<256x512xf32>
    %mul3A_102 = arith.mulf %logistic3A_93, %broadcast_in_dim3A_74 : vector<256x512xf32>
    %mul3A_103 = arith.mulf %logistic3A_86, %tanh3A : vector<256x512xf32>
    %add3A_104 = arith.addf %mul3A_102, %mul3A_103 : vector<256x512xf32>
    %tanh3A_105 = math.tanh %add3A_104 : vector<256x512xf32>
    %mul3A_106 = arith.mulf %logistic3A_101, %tanh3A_105 : vector<256x512xf32>
    %dot_general3A_107 = arith.constant dense<0.000000e+00> : vector<256x2048xf32>
    %dot_general3A_108 = tpu.matmul %get3A_58, %get3A_64, %dot_general3A_107 {dimension_numbers = #tpu.dot_dimension_numbers<[1], [0], [0], [1], [0, 0, 1, 1], [], []>, transpose_lhs_hint = false} : vector<256x256xf32>, vector<256x2048xf32>, vector<256x2048xf32> -> vector<256x2048xf32>
    %dot_general3A_109 = arith.constant dense<0.000000e+00> : vector<256x2048xf32>
    %dot_general3A_110 = tpu.matmul %mul3A_106, %get3A_67, %dot_general3A_109 {dimension_numbers = #tpu.dot_dimension_numbers<[1], [0], [0], [1], [0, 0, 1, 1], [], []>, transpose_lhs_hint = false} : vector<256x512xf32>, vector<512x2048xf32>, vector<256x2048xf32> -> vector<256x2048xf32>
    %add3A_111 = arith.addf %dot_general3A_108, %dot_general3A_110 : vector<256x2048xf32>
    %add3A_112 = vector.broadcast %get3A_70 : vector<1x2048xf32> to vector<256x2048xf32>
    %add3A_113 = arith.addf %add3A_111, %add3A_112 : vector<256x2048xf32>
    %slice3A_114 = vector.extract_strided_slice %add3A_113 {offsets = [0, 0], sizes = [256, 512], strides = [1, 1]} : vector<256x2048xf32> to vector<256x512xf32>
    %logistic3A_115 = arith.negf %slice3A_114 : vector<256x512xf32>
    %logistic3A_116 = math.exp %logistic3A_115 : vector<256x512xf32>
    %logistic3A_117 = arith.constant 1.000000e+00 : f32
    %logistic3A_118 = vector.broadcast %logistic3A_117 : f32 to vector<256x512xf32>
    %logistic3A_119 = arith.addf %logistic3A_118, %logistic3A_116 : vector<256x512xf32>
    %logistic3A_120 = arith.divf %logistic3A_118, %logistic3A_119 : vector<256x512xf32>
    %slice3A_121 = vector.extract_strided_slice %add3A_113 {offsets = [0, 512], sizes = [256, 512], strides = [1, 1]} : vector<256x2048xf32> to vector<256x512xf32>
    %logistic3A_122 = arith.negf %slice3A_121 : vector<256x512xf32>
    %logistic3A_123 = math.exp %logistic3A_122 : vector<256x512xf32>
    %logistic3A_124 = arith.constant 1.000000e+00 : f32
    %logistic3A_125 = vector.broadcast %logistic3A_124 : f32 to vector<256x512xf32>
    %logistic3A_126 = arith.addf %logistic3A_125, %logistic3A_123 : vector<256x512xf32>
    %logistic3A_127 = arith.divf %logistic3A_125, %logistic3A_126 : vector<256x512xf32>
    %slice3A_128 = vector.extract_strided_slice %add3A_113 {offsets = [0, 1024], sizes = [256, 512], strides = [1, 1]} : vector<256x2048xf32> to vector<256x512xf32>
    %tanh3A_129 = math.tanh %slice3A_128 : vector<256x512xf32>
    %slice3A_130 = vector.extract_strided_slice %add3A_113 {offsets = [0, 1536], sizes = [256, 512], strides = [1, 1]} : vector<256x2048xf32> to vector<256x512xf32>
    %logistic3A_131 = arith.negf %slice3A_130 : vector<256x512xf32>
    %logistic3A_132 = math.exp %logistic3A_131 : vector<256x512xf32>
    %logistic3A_133 = arith.constant 1.000000e+00 : f32
    %logistic3A_134 = vector.broadcast %logistic3A_133 : f32 to vector<256x512xf32>
    %logistic3A_135 = arith.addf %logistic3A_134, %logistic3A_132 : vector<256x512xf32>
    %logistic3A_136 = arith.divf %logistic3A_134, %logistic3A_135 : vector<256x512xf32>
    %mul3A_137 = arith.mulf %logistic3A_127, %add3A_104 : vector<256x512xf32>
    %mul3A_138 = arith.mulf %logistic3A_120, %tanh3A_129 : vector<256x512xf32>
    %add3A_139 = arith.addf %mul3A_137, %mul3A_138 : vector<256x512xf32>
    %tanh3A_140 = math.tanh %add3A_139 : vector<256x512xf32>
    %mul3A_141 = arith.mulf %logistic3A_136, %tanh3A_140 : vector<256x512xf32>
    %dot_general3A_142 = arith.constant dense<0.000000e+00> : vector<256x2048xf32>
    %dot_general3A_143 = tpu.matmul %get3A_61, %get3A_64, %dot_general3A_142 {dimension_numbers = #tpu.dot_dimension_numbers<[1], [0], [0], [1], [0, 0, 1, 1], [], []>, transpose_lhs_hint = false} : vector<256x256xf32>, vector<256x2048xf32>, vector<256x2048xf32> -> vector<256x2048xf32>
    %dot_general3A_144 = arith.constant dense<0.000000e+00> : vector<256x2048xf32>
    %dot_general3A_145 = tpu.matmul %mul3A_141, %get3A_67, %dot_general3A_144 {dimension_numbers = #tpu.dot_dimension_numbers<[1], [0], [0], [1], [0, 0, 1, 1], [], []>, transpose_lhs_hint = false} : vector<256x512xf32>, vector<512x2048xf32>, vector<256x2048xf32> -> vector<256x2048xf32>
    %add3A_146 = arith.addf %dot_general3A_143, %dot_general3A_145 : vector<256x2048xf32>
    %add3A_147 = vector.broadcast %get3A_70 : vector<1x2048xf32> to vector<256x2048xf32>
    %add3A_148 = arith.addf %add3A_146, %add3A_147 : vector<256x2048xf32>
    %slice3A_149 = vector.extract_strided_slice %add3A_148 {offsets = [0, 0], sizes = [256, 512], strides = [1, 1]} : vector<256x2048xf32> to vector<256x512xf32>
    %logistic3A_150 = arith.negf %slice3A_149 : vector<256x512xf32>
    %logistic3A_151 = math.exp %logistic3A_150 : vector<256x512xf32>
    %logistic3A_152 = arith.constant 1.000000e+00 : f32
    %logistic3A_153 = vector.broadcast %logistic3A_152 : f32 to vector<256x512xf32>
    %logistic3A_154 = arith.addf %logistic3A_153, %logistic3A_151 : vector<256x512xf32>
    %logistic3A_155 = arith.divf %logistic3A_153, %logistic3A_154 : vector<256x512xf32>
    %slice3A_156 = vector.extract_strided_slice %add3A_148 {offsets = [0, 512], sizes = [256, 512], strides = [1, 1]} : vector<256x2048xf32> to vector<256x512xf32>
    %logistic3A_157 = arith.negf %slice3A_156 : vector<256x512xf32>
    %logistic3A_158 = math.exp %logistic3A_157 : vector<256x512xf32>
    %logistic3A_159 = arith.constant 1.000000e+00 : f32
    %logistic3A_160 = vector.broadcast %logistic3A_159 : f32 to vector<256x512xf32>
    %logistic3A_161 = arith.addf %logistic3A_160, %logistic3A_158 : vector<256x512xf32>
    %logistic3A_162 = arith.divf %logistic3A_160, %logistic3A_161 : vector<256x512xf32>
    %slice3A_163 = vector.extract_strided_slice %add3A_148 {offsets = [0, 1024], sizes = [256, 512], strides = [1, 1]} : vector<256x2048xf32> to vector<256x512xf32>
    %tanh3A_164 = math.tanh %slice3A_163 : vector<256x512xf32>
    %slice3A_165 = vector.extract_strided_slice %add3A_148 {offsets = [0, 1536], sizes = [256, 512], strides = [1, 1]} : vector<256x2048xf32> to vector<256x512xf32>
    %logistic3A_166 = arith.negf %slice3A_165 : vector<256x512xf32>
    %logistic3A_167 = math.exp %logistic3A_166 : vector<256x512xf32>
    %logistic3A_168 = arith.constant 1.000000e+00 : f32
    %logistic3A_169 = vector.broadcast %logistic3A_168 : f32 to vector<256x512xf32>
    %logistic3A_170 = arith.addf %logistic3A_169, %logistic3A_167 : vector<256x512xf32>
    %logistic3A_171 = arith.divf %logistic3A_169, %logistic3A_170 : vector<256x512xf32>
    %mul3A_172 = arith.mulf %logistic3A_162, %add3A_139 : vector<256x512xf32>
    %mul3A_173 = arith.mulf %logistic3A_155, %tanh3A_164 : vector<256x512xf32>
    %add3A_174 = arith.addf %mul3A_172, %mul3A_173 : vector<256x512xf32>
    %tanh3A_175 = math.tanh %add3A_174 : vector<256x512xf32>
    %mul3A_176 = arith.mulf %logistic3A_171, %tanh3A_175 : vector<256x512xf32>
    %dot_general3A_177 = arith.constant dense<0.000000e+00> : vector<256x2048xf32>
    %dot_general3A_178 = tpu.matmul %max3A_52, %get3A_64, %dot_general3A_177 {dimension_numbers = #tpu.dot_dimension_numbers<[1], [0], [0], [1], [0, 0, 1, 1], [], []>, transpose_lhs_hint = false} : vector<256x256xf32>, vector<256x2048xf32>, vector<256x2048xf32> -> vector<256x2048xf32>
    %dot_general3A_179 = arith.constant dense<0.000000e+00> : vector<256x2048xf32>
    %dot_general3A_180 = tpu.matmul %mul3A_176, %get3A_67, %dot_general3A_179 {dimension_numbers = #tpu.dot_dimension_numbers<[1], [0], [0], [1], [0, 0, 1, 1], [], []>, transpose_lhs_hint = false} : vector<256x512xf32>, vector<512x2048xf32>, vector<256x2048xf32> -> vector<256x2048xf32>
    %add3A_181 = arith.addf %dot_general3A_178, %dot_general3A_180 : vector<256x2048xf32>
    %add3A_182 = vector.broadcast %get3A_70 : vector<1x2048xf32> to vector<256x2048xf32>
    %add3A_183 = arith.addf %add3A_181, %add3A_182 : vector<256x2048xf32>
    %slice3A_184 = vector.extract_strided_slice %add3A_183 {offsets = [0, 0], sizes = [256, 512], strides = [1, 1]} : vector<256x2048xf32> to vector<256x512xf32>
    %logistic3A_185 = arith.negf %slice3A_184 : vector<256x512xf32>
    %logistic3A_186 = math.exp %logistic3A_185 : vector<256x512xf32>
    %logistic3A_187 = arith.constant 1.000000e+00 : f32
    %logistic3A_188 = vector.broadcast %logistic3A_187 : f32 to vector<256x512xf32>
    %logistic3A_189 = arith.addf %logistic3A_188, %logistic3A_186 : vector<256x512xf32>
    %logistic3A_190 = arith.divf %logistic3A_188, %logistic3A_189 : vector<256x512xf32>
    %slice3A_191 = vector.extract_strided_slice %add3A_183 {offsets = [0, 512], sizes = [256, 512], strides = [1, 1]} : vector<256x2048xf32> to vector<256x512xf32>
    %logistic3A_192 = arith.negf %slice3A_191 : vector<256x512xf32>
    %logistic3A_193 = math.exp %logistic3A_192 : vector<256x512xf32>
    %logistic3A_194 = arith.constant 1.000000e+00 : f32
    %logistic3A_195 = vector.broadcast %logistic3A_194 : f32 to vector<256x512xf32>
    %logistic3A_196 = arith.addf %logistic3A_195, %logistic3A_193 : vector<256x512xf32>
    %logistic3A_197 = arith.divf %logistic3A_195, %logistic3A_196 : vector<256x512xf32>
    %slice3A_198 = vector.extract_strided_slice %add3A_183 {offsets = [0, 1024], sizes = [256, 512], strides = [1, 1]} : vector<256x2048xf32> to vector<256x512xf32>
    %tanh3A_199 = math.tanh %slice3A_198 : vector<256x512xf32>
    %slice3A_200 = vector.extract_strided_slice %add3A_183 {offsets = [0, 1536], sizes = [256, 512], strides = [1, 1]} : vector<256x2048xf32> to vector<256x512xf32>
    %logistic3A_201 = arith.negf %slice3A_200 : vector<256x512xf32>
    %logistic3A_202 = math.exp %logistic3A_201 : vector<256x512xf32>
    %logistic3A_203 = arith.constant 1.000000e+00 : f32
    %logistic3A_204 = vector.broadcast %logistic3A_203 : f32 to vector<256x512xf32>
    %logistic3A_205 = arith.addf %logistic3A_204, %logistic3A_202 : vector<256x512xf32>
    %logistic3A_206 = arith.divf %logistic3A_204, %logistic3A_205 : vector<256x512xf32>
    %mul3A_207 = arith.mulf %logistic3A_197, %add3A_174 : vector<256x512xf32>
    %mul3A_208 = arith.mulf %logistic3A_190, %tanh3A_199 : vector<256x512xf32>
    %add3A_209 = arith.addf %mul3A_207, %mul3A_208 : vector<256x512xf32>
    %tanh3A_210 = math.tanh %add3A_209 : vector<256x512xf32>
    %mul3A_211 = arith.mulf %logistic3A_206, %tanh3A_210 : vector<256x512xf32>
    %get3A_212 = arith.constant 0 : index
    %get3A_213 = arith.constant 0 : index
    %get3A_214 = vector.load %arg16[%get3A_212, %get3A_213] : memref<256x2048xf32, #tpu.memory_space<vmem>>, vector<256x2048xf32>
    %get3A_215 = arith.constant 0 : index
    %get3A_216 = arith.constant 0 : index
    %get3A_217 = vector.load %arg17[%get3A_215, %get3A_216] : memref<512x2048xf32, #tpu.memory_space<vmem>>, vector<512x2048xf32>
    %get3A_218 = arith.constant 0 : index
    %get3A_219 = arith.constant 0 : index
    %get3A_220 = vector.load %arg18[%get3A_218, %get3A_219] : memref<1x2048xf32, #tpu.memory_space<vmem>>, vector<1x2048xf32>
    %broadcast_in_dim3A_221 = arith.constant 0.000000e+00 : f32
    %broadcast_in_dim3A_222 = vector.broadcast %broadcast_in_dim3A_221 : f32 to vector<256x512xf32>
    %broadcast_in_dim3A_223 = arith.constant 0.000000e+00 : f32
    %broadcast_in_dim3A_224 = vector.broadcast %broadcast_in_dim3A_223 : f32 to vector<256x512xf32>
    %dot_general3A_225 = arith.constant dense<0.000000e+00> : vector<256x2048xf32>
    %dot_general3A_226 = tpu.matmul %max3A_52, %get3A_214, %dot_general3A_225 {dimension_numbers = #tpu.dot_dimension_numbers<[1], [0], [0], [1], [0, 0, 1, 1], [], []>, transpose_lhs_hint = false} : vector<256x256xf32>, vector<256x2048xf32>, vector<256x2048xf32> -> vector<256x2048xf32>
    %dot_general3A_227 = arith.constant dense<0.000000e+00> : vector<256x2048xf32>
    %dot_general3A_228 = tpu.matmul %broadcast_in_dim3A_222, %get3A_217, %dot_general3A_227 {dimension_numbers = #tpu.dot_dimension_numbers<[1], [0], [0], [1], [0, 0, 1, 1], [], []>, transpose_lhs_hint = false} : vector<256x512xf32>, vector<512x2048xf32>, vector<256x2048xf32> -> vector<256x2048xf32>
    %add3A_229 = arith.addf %dot_general3A_226, %dot_general3A_228 : vector<256x2048xf32>
    %add3A_230 = vector.broadcast %get3A_220 : vector<1x2048xf32> to vector<256x2048xf32>
    %add3A_231 = arith.addf %add3A_229, %add3A_230 : vector<256x2048xf32>
    %slice3A_232 = vector.extract_strided_slice %add3A_231 {offsets = [0, 0], sizes = [256, 512], strides = [1, 1]} : vector<256x2048xf32> to vector<256x512xf32>
    %logistic3A_233 = arith.negf %slice3A_232 : vector<256x512xf32>
    %logistic3A_234 = math.exp %logistic3A_233 : vector<256x512xf32>
    %logistic3A_235 = arith.constant 1.000000e+00 : f32
    %logistic3A_236 = vector.broadcast %logistic3A_235 : f32 to vector<256x512xf32>
    %logistic3A_237 = arith.addf %logistic3A_236, %logistic3A_234 : vector<256x512xf32>
    %logistic3A_238 = arith.divf %logistic3A_236, %logistic3A_237 : vector<256x512xf32>
    %slice3A_239 = vector.extract_strided_slice %add3A_231 {offsets = [0, 512], sizes = [256, 512], strides = [1, 1]} : vector<256x2048xf32> to vector<256x512xf32>
    %logistic3A_240 = arith.negf %slice3A_239 : vector<256x512xf32>
    %logistic3A_241 = math.exp %logistic3A_240 : vector<256x512xf32>
    %logistic3A_242 = arith.constant 1.000000e+00 : f32
    %logistic3A_243 = vector.broadcast %logistic3A_242 : f32 to vector<256x512xf32>
    %logistic3A_244 = arith.addf %logistic3A_243, %logistic3A_241 : vector<256x512xf32>
    %logistic3A_245 = arith.divf %logistic3A_243, %logistic3A_244 : vector<256x512xf32>
    %slice3A_246 = vector.extract_strided_slice %add3A_231 {offsets = [0, 1024], sizes = [256, 512], strides = [1, 1]} : vector<256x2048xf32> to vector<256x512xf32>
    %tanh3A_247 = math.tanh %slice3A_246 : vector<256x512xf32>
    %slice3A_248 = vector.extract_strided_slice %add3A_231 {offsets = [0, 1536], sizes = [256, 512], strides = [1, 1]} : vector<256x2048xf32> to vector<256x512xf32>
    %logistic3A_249 = arith.negf %slice3A_248 : vector<256x512xf32>
    %logistic3A_250 = math.exp %logistic3A_249 : vector<256x512xf32>
    %logistic3A_251 = arith.constant 1.000000e+00 : f32
    %logistic3A_252 = vector.broadcast %logistic3A_251 : f32 to vector<256x512xf32>
    %logistic3A_253 = arith.addf %logistic3A_252, %logistic3A_250 : vector<256x512xf32>
    %logistic3A_254 = arith.divf %logistic3A_252, %logistic3A_253 : vector<256x512xf32>
    %mul3A_255 = arith.mulf %logistic3A_245, %broadcast_in_dim3A_224 : vector<256x512xf32>
    %mul3A_256 = arith.mulf %logistic3A_238, %tanh3A_247 : vector<256x512xf32>
    %add3A_257 = arith.addf %mul3A_255, %mul3A_256 : vector<256x512xf32>
    %tanh3A_258 = math.tanh %add3A_257 : vector<256x512xf32>
    %mul3A_259 = arith.mulf %logistic3A_254, %tanh3A_258 : vector<256x512xf32>
    %dot_general3A_260 = arith.constant dense<0.000000e+00> : vector<256x2048xf32>
    %dot_general3A_261 = tpu.matmul %get3A_61, %get3A_214, %dot_general3A_260 {dimension_numbers = #tpu.dot_dimension_numbers<[1], [0], [0], [1], [0, 0, 1, 1], [], []>, transpose_lhs_hint = false} : vector<256x256xf32>, vector<256x2048xf32>, vector<256x2048xf32> -> vector<256x2048xf32>
    %dot_general3A_262 = arith.constant dense<0.000000e+00> : vector<256x2048xf32>
    %dot_general3A_263 = tpu.matmul %mul3A_259, %get3A_217, %dot_general3A_262 {dimension_numbers = #tpu.dot_dimension_numbers<[1], [0], [0], [1], [0, 0, 1, 1], [], []>, transpose_lhs_hint = false} : vector<256x512xf32>, vector<512x2048xf32>, vector<256x2048xf32> -> vector<256x2048xf32>
    %add3A_264 = arith.addf %dot_general3A_261, %dot_general3A_263 : vector<256x2048xf32>
    %add3A_265 = vector.broadcast %get3A_220 : vector<1x2048xf32> to vector<256x2048xf32>
    %add3A_266 = arith.addf %add3A_264, %add3A_265 : vector<256x2048xf32>
    %slice3A_267 = vector.extract_strided_slice %add3A_266 {offsets = [0, 0], sizes = [256, 512], strides = [1, 1]} : vector<256x2048xf32> to vector<256x512xf32>
    %logistic3A_268 = arith.negf %slice3A_267 : vector<256x512xf32>
    %logistic3A_269 = math.exp %logistic3A_268 : vector<256x512xf32>
    %logistic3A_270 = arith.constant 1.000000e+00 : f32
    %logistic3A_271 = vector.broadcast %logistic3A_270 : f32 to vector<256x512xf32>
    %logistic3A_272 = arith.addf %logistic3A_271, %logistic3A_269 : vector<256x512xf32>
    %logistic3A_273 = arith.divf %logistic3A_271, %logistic3A_272 : vector<256x512xf32>
    %slice3A_274 = vector.extract_strided_slice %add3A_266 {offsets = [0, 512], sizes = [256, 512], strides = [1, 1]} : vector<256x2048xf32> to vector<256x512xf32>
    %logistic3A_275 = arith.negf %slice3A_274 : vector<256x512xf32>
    %logistic3A_276 = math.exp %logistic3A_275 : vector<256x512xf32>
    %logistic3A_277 = arith.constant 1.000000e+00 : f32
    %logistic3A_278 = vector.broadcast %logistic3A_277 : f32 to vector<256x512xf32>
    %logistic3A_279 = arith.addf %logistic3A_278, %logistic3A_276 : vector<256x512xf32>
    %logistic3A_280 = arith.divf %logistic3A_278, %logistic3A_279 : vector<256x512xf32>
    %slice3A_281 = vector.extract_strided_slice %add3A_266 {offsets = [0, 1024], sizes = [256, 512], strides = [1, 1]} : vector<256x2048xf32> to vector<256x512xf32>
    %tanh3A_282 = math.tanh %slice3A_281 : vector<256x512xf32>
    %slice3A_283 = vector.extract_strided_slice %add3A_266 {offsets = [0, 1536], sizes = [256, 512], strides = [1, 1]} : vector<256x2048xf32> to vector<256x512xf32>
    %logistic3A_284 = arith.negf %slice3A_283 : vector<256x512xf32>
    %logistic3A_285 = math.exp %logistic3A_284 : vector<256x512xf32>
    %logistic3A_286 = arith.constant 1.000000e+00 : f32
    %logistic3A_287 = vector.broadcast %logistic3A_286 : f32 to vector<256x512xf32>
    %logistic3A_288 = arith.addf %logistic3A_287, %logistic3A_285 : vector<256x512xf32>
    %logistic3A_289 = arith.divf %logistic3A_287, %logistic3A_288 : vector<256x512xf32>
    %mul3A_290 = arith.mulf %logistic3A_280, %add3A_257 : vector<256x512xf32>
    %mul3A_291 = arith.mulf %logistic3A_273, %tanh3A_282 : vector<256x512xf32>
    %add3A_292 = arith.addf %mul3A_290, %mul3A_291 : vector<256x512xf32>
    %tanh3A_293 = math.tanh %add3A_292 : vector<256x512xf32>
    %mul3A_294 = arith.mulf %logistic3A_289, %tanh3A_293 : vector<256x512xf32>
    %dot_general3A_295 = arith.constant dense<0.000000e+00> : vector<256x2048xf32>
    %dot_general3A_296 = tpu.matmul %get3A_58, %get3A_214, %dot_general3A_295 {dimension_numbers = #tpu.dot_dimension_numbers<[1], [0], [0], [1], [0, 0, 1, 1], [], []>, transpose_lhs_hint = false} : vector<256x256xf32>, vector<256x2048xf32>, vector<256x2048xf32> -> vector<256x2048xf32>
    %dot_general3A_297 = arith.constant dense<0.000000e+00> : vector<256x2048xf32>
    %dot_general3A_298 = tpu.matmul %mul3A_294, %get3A_217, %dot_general3A_297 {dimension_numbers = #tpu.dot_dimension_numbers<[1], [0], [0], [1], [0, 0, 1, 1], [], []>, transpose_lhs_hint = false} : vector<256x512xf32>, vector<512x2048xf32>, vector<256x2048xf32> -> vector<256x2048xf32>
    %add3A_299 = arith.addf %dot_general3A_296, %dot_general3A_298 : vector<256x2048xf32>
    %add3A_300 = vector.broadcast %get3A_220 : vector<1x2048xf32> to vector<256x2048xf32>
    %add3A_301 = arith.addf %add3A_299, %add3A_300 : vector<256x2048xf32>
    %slice3A_302 = vector.extract_strided_slice %add3A_301 {offsets = [0, 0], sizes = [256, 512], strides = [1, 1]} : vector<256x2048xf32> to vector<256x512xf32>
    %logistic3A_303 = arith.negf %slice3A_302 : vector<256x512xf32>
    %logistic3A_304 = math.exp %logistic3A_303 : vector<256x512xf32>
    %logistic3A_305 = arith.constant 1.000000e+00 : f32
    %logistic3A_306 = vector.broadcast %logistic3A_305 : f32 to vector<256x512xf32>
    %logistic3A_307 = arith.addf %logistic3A_306, %logistic3A_304 : vector<256x512xf32>
    %logistic3A_308 = arith.divf %logistic3A_306, %logistic3A_307 : vector<256x512xf32>
    %slice3A_309 = vector.extract_strided_slice %add3A_301 {offsets = [0, 512], sizes = [256, 512], strides = [1, 1]} : vector<256x2048xf32> to vector<256x512xf32>
    %logistic3A_310 = arith.negf %slice3A_309 : vector<256x512xf32>
    %logistic3A_311 = math.exp %logistic3A_310 : vector<256x512xf32>
    %logistic3A_312 = arith.constant 1.000000e+00 : f32
    %logistic3A_313 = vector.broadcast %logistic3A_312 : f32 to vector<256x512xf32>
    %logistic3A_314 = arith.addf %logistic3A_313, %logistic3A_311 : vector<256x512xf32>
    %logistic3A_315 = arith.divf %logistic3A_313, %logistic3A_314 : vector<256x512xf32>
    %slice3A_316 = vector.extract_strided_slice %add3A_301 {offsets = [0, 1024], sizes = [256, 512], strides = [1, 1]} : vector<256x2048xf32> to vector<256x512xf32>
    %tanh3A_317 = math.tanh %slice3A_316 : vector<256x512xf32>
    %slice3A_318 = vector.extract_strided_slice %add3A_301 {offsets = [0, 1536], sizes = [256, 512], strides = [1, 1]} : vector<256x2048xf32> to vector<256x512xf32>
    %logistic3A_319 = arith.negf %slice3A_318 : vector<256x512xf32>
    %logistic3A_320 = math.exp %logistic3A_319 : vector<256x512xf32>
    %logistic3A_321 = arith.constant 1.000000e+00 : f32
    %logistic3A_322 = vector.broadcast %logistic3A_321 : f32 to vector<256x512xf32>
    %logistic3A_323 = arith.addf %logistic3A_322, %logistic3A_320 : vector<256x512xf32>
    %logistic3A_324 = arith.divf %logistic3A_322, %logistic3A_323 : vector<256x512xf32>
    %mul3A_325 = arith.mulf %logistic3A_315, %add3A_292 : vector<256x512xf32>
    %mul3A_326 = arith.mulf %logistic3A_308, %tanh3A_317 : vector<256x512xf32>
    %add3A_327 = arith.addf %mul3A_325, %mul3A_326 : vector<256x512xf32>
    %tanh3A_328 = math.tanh %add3A_327 : vector<256x512xf32>
    %mul3A_329 = arith.mulf %logistic3A_324, %tanh3A_328 : vector<256x512xf32>
    %dot_general3A_330 = arith.constant dense<0.000000e+00> : vector<256x2048xf32>
    %dot_general3A_331 = tpu.matmul %get3A_55, %get3A_214, %dot_general3A_330 {dimension_numbers = #tpu.dot_dimension_numbers<[1], [0], [0], [1], [0, 0, 1, 1], [], []>, transpose_lhs_hint = false} : vector<256x256xf32>, vector<256x2048xf32>, vector<256x2048xf32> -> vector<256x2048xf32>
    %dot_general3A_332 = arith.constant dense<0.000000e+00> : vector<256x2048xf32>
    %dot_general3A_333 = tpu.matmul %mul3A_329, %get3A_217, %dot_general3A_332 {dimension_numbers = #tpu.dot_dimension_numbers<[1], [0], [0], [1], [0, 0, 1, 1], [], []>, transpose_lhs_hint = false} : vector<256x512xf32>, vector<512x2048xf32>, vector<256x2048xf32> -> vector<256x2048xf32>
    %add3A_334 = arith.addf %dot_general3A_331, %dot_general3A_333 : vector<256x2048xf32>
    %add3A_335 = vector.broadcast %get3A_220 : vector<1x2048xf32> to vector<256x2048xf32>
    %add3A_336 = arith.addf %add3A_334, %add3A_335 : vector<256x2048xf32>
    %slice3A_337 = vector.extract_strided_slice %add3A_336 {offsets = [0, 0], sizes = [256, 512], strides = [1, 1]} : vector<256x2048xf32> to vector<256x512xf32>
    %logistic3A_338 = arith.negf %slice3A_337 : vector<256x512xf32>
    %logistic3A_339 = math.exp %logistic3A_338 : vector<256x512xf32>
    %logistic3A_340 = arith.constant 1.000000e+00 : f32
    %logistic3A_341 = vector.broadcast %logistic3A_340 : f32 to vector<256x512xf32>
    %logistic3A_342 = arith.addf %logistic3A_341, %logistic3A_339 : vector<256x512xf32>
    %logistic3A_343 = arith.divf %logistic3A_341, %logistic3A_342 : vector<256x512xf32>
    %slice3A_344 = vector.extract_strided_slice %add3A_336 {offsets = [0, 512], sizes = [256, 512], strides = [1, 1]} : vector<256x2048xf32> to vector<256x512xf32>
    %logistic3A_345 = arith.negf %slice3A_344 : vector<256x512xf32>
    %logistic3A_346 = math.exp %logistic3A_345 : vector<256x512xf32>
    %logistic3A_347 = arith.constant 1.000000e+00 : f32
    %logistic3A_348 = vector.broadcast %logistic3A_347 : f32 to vector<256x512xf32>
    %logistic3A_349 = arith.addf %logistic3A_348, %logistic3A_346 : vector<256x512xf32>
    %logistic3A_350 = arith.divf %logistic3A_348, %logistic3A_349 : vector<256x512xf32>
    %slice3A_351 = vector.extract_strided_slice %add3A_336 {offsets = [0, 1024], sizes = [256, 512], strides = [1, 1]} : vector<256x2048xf32> to vector<256x512xf32>
    %tanh3A_352 = math.tanh %slice3A_351 : vector<256x512xf32>
    %slice3A_353 = vector.extract_strided_slice %add3A_336 {offsets = [0, 1536], sizes = [256, 512], strides = [1, 1]} : vector<256x2048xf32> to vector<256x512xf32>
    %logistic3A_354 = arith.negf %slice3A_353 : vector<256x512xf32>
    %logistic3A_355 = math.exp %logistic3A_354 : vector<256x512xf32>
    %logistic3A_356 = arith.constant 1.000000e+00 : f32
    %logistic3A_357 = vector.broadcast %logistic3A_356 : f32 to vector<256x512xf32>
    %logistic3A_358 = arith.addf %logistic3A_357, %logistic3A_355 : vector<256x512xf32>
    %logistic3A_359 = arith.divf %logistic3A_357, %logistic3A_358 : vector<256x512xf32>
    %mul3A_360 = arith.mulf %logistic3A_350, %add3A_327 : vector<256x512xf32>
    %mul3A_361 = arith.mulf %logistic3A_343, %tanh3A_352 : vector<256x512xf32>
    %add3A_362 = arith.addf %mul3A_360, %mul3A_361 : vector<256x512xf32>
    %tanh3A_363 = math.tanh %add3A_362 : vector<256x512xf32>
    %mul3A_364 = arith.mulf %logistic3A_359, %tanh3A_363 : vector<256x512xf32>
    %get3A_365 = arith.constant 0 : index
    %get3A_366 = arith.constant 0 : index
    %get3A_367 = vector.load %arg19[%get3A_365, %get3A_366] : memref<1x1024xf32, #tpu.memory_space<vmem>>, vector<1x1024xf32>
    %slice3A_368 = vector.extract_strided_slice %get3A_367 {offsets = [0, 0], sizes = [1, 512], strides = [1, 1]} : vector<1x1024xf32> to vector<1x512xf32>
    %slice3A_369 = vector.extract_strided_slice %get3A_367 {offsets = [0, 512], sizes = [1, 512], strides = [1, 1]} : vector<1x1024xf32> to vector<1x512xf32>
    %mul3A_370 = vector.broadcast %slice3A_368 : vector<1x512xf32> to vector<256x512xf32>
    %mul3A_371 = arith.mulf %mul3A_106, %mul3A_370 : vector<256x512xf32>
    %reduce_sum3A_372 = arith.constant dense<0.000000e+00> : vector<256xf32>
    %reduce_sum3A_373 = vector.multi_reduction <add>, %mul3A_371, %reduce_sum3A_372 [1] : vector<256x512xf32> to vector<256xf32>
    %broadcast_in_dim3A_374 = vector.shape_cast %reduce_sum3A_373 : vector<256xf32> to vector<256x1xf32>
    %mul3A_375 = vector.broadcast %slice3A_369 : vector<1x512xf32> to vector<256x512xf32>
    %mul3A_376 = arith.mulf %mul3A_364, %mul3A_375 : vector<256x512xf32>
    %reduce_sum3A_377 = arith.constant dense<0.000000e+00> : vector<256xf32>
    %reduce_sum3A_378 = vector.multi_reduction <add>, %mul3A_376, %reduce_sum3A_377 [1] : vector<256x512xf32> to vector<256xf32>
    %broadcast_in_dim3A_379 = vector.shape_cast %reduce_sum3A_378 : vector<256xf32> to vector<256x1xf32>
    %add3A_380 = arith.addf %broadcast_in_dim3A_374, %broadcast_in_dim3A_379 : vector<256x1xf32>
    %mul3A_381 = vector.broadcast %slice3A_368 : vector<1x512xf32> to vector<256x512xf32>
    %mul3A_382 = arith.mulf %mul3A_141, %mul3A_381 : vector<256x512xf32>
    %reduce_sum3A_383 = arith.constant dense<0.000000e+00> : vector<256xf32>
    %reduce_sum3A_384 = vector.multi_reduction <add>, %mul3A_382, %reduce_sum3A_383 [1] : vector<256x512xf32> to vector<256xf32>
    %broadcast_in_dim3A_385 = vector.shape_cast %reduce_sum3A_384 : vector<256xf32> to vector<256x1xf32>
    %mul3A_386 = vector.broadcast %slice3A_369 : vector<1x512xf32> to vector<256x512xf32>
    %mul3A_387 = arith.mulf %mul3A_329, %mul3A_386 : vector<256x512xf32>
    %reduce_sum3A_388 = arith.constant dense<0.000000e+00> : vector<256xf32>
    %reduce_sum3A_389 = vector.multi_reduction <add>, %mul3A_387, %reduce_sum3A_388 [1] : vector<256x512xf32> to vector<256xf32>
    %broadcast_in_dim3A_390 = vector.shape_cast %reduce_sum3A_389 : vector<256xf32> to vector<256x1xf32>
    %add3A_391 = arith.addf %broadcast_in_dim3A_385, %broadcast_in_dim3A_390 : vector<256x1xf32>
    %mul3A_392 = vector.broadcast %slice3A_368 : vector<1x512xf32> to vector<256x512xf32>
    %mul3A_393 = arith.mulf %mul3A_176, %mul3A_392 : vector<256x512xf32>
    %reduce_sum3A_394 = arith.constant dense<0.000000e+00> : vector<256xf32>
    %reduce_sum3A_395 = vector.multi_reduction <add>, %mul3A_393, %reduce_sum3A_394 [1] : vector<256x512xf32> to vector<256xf32>
    %broadcast_in_dim3A_396 = vector.shape_cast %reduce_sum3A_395 : vector<256xf32> to vector<256x1xf32>
    %mul3A_397 = vector.broadcast %slice3A_369 : vector<1x512xf32> to vector<256x512xf32>
    %mul3A_398 = arith.mulf %mul3A_294, %mul3A_397 : vector<256x512xf32>
    %reduce_sum3A_399 = arith.constant dense<0.000000e+00> : vector<256xf32>
    %reduce_sum3A_400 = vector.multi_reduction <add>, %mul3A_398, %reduce_sum3A_399 [1] : vector<256x512xf32> to vector<256xf32>
    %broadcast_in_dim3A_401 = vector.shape_cast %reduce_sum3A_400 : vector<256xf32> to vector<256x1xf32>
    %add3A_402 = arith.addf %broadcast_in_dim3A_396, %broadcast_in_dim3A_401 : vector<256x1xf32>
    %mul3A_403 = vector.broadcast %slice3A_368 : vector<1x512xf32> to vector<256x512xf32>
    %mul3A_404 = arith.mulf %mul3A_211, %mul3A_403 : vector<256x512xf32>
    %reduce_sum3A_405 = arith.constant dense<0.000000e+00> : vector<256xf32>
    %reduce_sum3A_406 = vector.multi_reduction <add>, %mul3A_404, %reduce_sum3A_405 [1] : vector<256x512xf32> to vector<256xf32>
    %broadcast_in_dim3A_407 = vector.shape_cast %reduce_sum3A_406 : vector<256xf32> to vector<256x1xf32>
    %mul3A_408 = vector.broadcast %slice3A_369 : vector<1x512xf32> to vector<256x512xf32>
    %mul3A_409 = arith.mulf %mul3A_259, %mul3A_408 : vector<256x512xf32>
    %reduce_sum3A_410 = arith.constant dense<0.000000e+00> : vector<256xf32>
    %reduce_sum3A_411 = vector.multi_reduction <add>, %mul3A_409, %reduce_sum3A_410 [1] : vector<256x512xf32> to vector<256xf32>
    %broadcast_in_dim3A_412 = vector.shape_cast %reduce_sum3A_411 : vector<256xf32> to vector<256x1xf32>
    %add3A_413 = arith.addf %broadcast_in_dim3A_407, %broadcast_in_dim3A_412 : vector<256x1xf32>
    %max3A_414 = arith.maximumf %add3A_380, %add3A_391 : vector<256x1xf32>
    %max3A_415 = arith.maximumf %add3A_402, %add3A_413 : vector<256x1xf32>
    %max3A_416 = arith.maximumf %max3A_414, %max3A_415 : vector<256x1xf32>
    %sub3A_417 = arith.subf %add3A_380, %max3A_416 : vector<256x1xf32>
    %exp3A = math.exp %sub3A_417 : vector<256x1xf32>
    %sub3A_418 = arith.subf %add3A_391, %max3A_416 : vector<256x1xf32>
    %exp3A_419 = math.exp %sub3A_418 : vector<256x1xf32>
    %sub3A_420 = arith.subf %add3A_402, %max3A_416 : vector<256x1xf32>
    %exp3A_421 = math.exp %sub3A_420 : vector<256x1xf32>
    %sub3A_422 = arith.subf %add3A_413, %max3A_416 : vector<256x1xf32>
    %exp3A_423 = math.exp %sub3A_422 : vector<256x1xf32>
    %add3A_424 = arith.addf %exp3A, %exp3A_419 : vector<256x1xf32>
    %add3A_425 = arith.addf %add3A_424, %exp3A_421 : vector<256x1xf32>
    %add3A_426 = arith.addf %add3A_425, %exp3A_423 : vector<256x1xf32>
    %div3A_427 = arith.divf %exp3A, %add3A_426 : vector<256x1xf32>
    %mul3A_428 = vector.broadcast %div3A_427 : vector<256x1xf32> to vector<256x256xf32>
    %mul3A_429 = arith.mulf %mul3A_428, %get3A_55 : vector<256x256xf32>
    %add3A_430 = arith.constant 0.000000e+00 : f32
    %add3A_431 = vector.broadcast %add3A_430 : f32 to vector<256x256xf32>
    %add3A_432 = arith.addf %add3A_431, %mul3A_429 : vector<256x256xf32>
    %div3A_433 = arith.divf %exp3A_419, %add3A_426 : vector<256x1xf32>
    %mul3A_434 = vector.broadcast %div3A_433 : vector<256x1xf32> to vector<256x256xf32>
    %mul3A_435 = arith.mulf %mul3A_434, %get3A_58 : vector<256x256xf32>
    %add3A_436 = arith.addf %add3A_432, %mul3A_435 : vector<256x256xf32>
    %div3A_437 = arith.divf %exp3A_421, %add3A_426 : vector<256x1xf32>
    %mul3A_438 = vector.broadcast %div3A_437 : vector<256x1xf32> to vector<256x256xf32>
    %mul3A_439 = arith.mulf %mul3A_438, %get3A_61 : vector<256x256xf32>
    %add3A_440 = arith.addf %add3A_436, %mul3A_439 : vector<256x256xf32>
    %div3A_441 = arith.divf %exp3A_423, %add3A_426 : vector<256x1xf32>
    %mul3A_442 = vector.broadcast %div3A_441 : vector<256x1xf32> to vector<256x256xf32>
    %mul3A_443 = arith.mulf %mul3A_442, %max3A_52 : vector<256x256xf32>
    %add3A_444 = arith.addf %add3A_440, %mul3A_443 : vector<256x256xf32>
    %get3A_445 = arith.constant 0 : index
    %get3A_446 = arith.constant 0 : index
    %get3A_447 = vector.load %arg20[%get3A_445, %get3A_446] : memref<1x256xf32, #tpu.memory_space<vmem>>, vector<1x256xf32>
    %mul3A_448 = vector.broadcast %get3A_447 : vector<1x256xf32> to vector<256x256xf32>
    %mul3A_449 = arith.mulf %add3A_444, %mul3A_448 : vector<256x256xf32>
    %reduce_sum3A_450 = arith.constant dense<0.000000e+00> : vector<256xf32>
    %reduce_sum3A_451 = vector.multi_reduction <add>, %mul3A_449, %reduce_sum3A_450 [1] : vector<256x256xf32> to vector<256xf32>
    %broadcast_in_dim3A_452 = vector.shape_cast %reduce_sum3A_451 : vector<256xf32> to vector<256x1xf32>
    %get3A_453 = arith.constant 0 : index
    %get3A_454 = arith.constant 0 : index
    %get3A_455 = vector.load %arg21[%get3A_453, %get3A_454] : memref<1x128xf32, #tpu.memory_space<vmem>>, vector<1x128xf32>
    %slice3A_456 = vector.extract_strided_slice %get3A_455 {offsets = [0, 0], sizes = [1, 1], strides = [1, 1]} : vector<1x128xf32> to vector<1x1xf32>
    %add3A_457 = vector.broadcast %slice3A_456 : vector<1x1xf32> to vector<256x1xf32>
    %add3A_458 = arith.addf %broadcast_in_dim3A_452, %add3A_457 : vector<256x1xf32>
    %broadcast_in_dim3A_459 = vector.shape_cast %add3A_458 : vector<256x1xf32> to vector<256x1xf32>
    %broadcast_in_dim3A_460 = vector.broadcast %broadcast_in_dim3A_459 : vector<256x1xf32> to vector<256x128xf32>
    %swap3A = arith.constant 0 : index
    %swap3A_461 = arith.constant 0 : index
    %swap3A_462 = vector.load %arg22[%swap3A, %swap3A_461] : memref<256x128xf32, #tpu.memory_space<vmem>>, vector<256x128xf32>
    tpu.vector_store %arg22[%swap3A, %swap3A_461], %broadcast_in_dim3A_460 {strides = array<i32>} : memref<256x128xf32, #tpu.memory_space<vmem>>, vector<256x128xf32>,
    %logistic3A_463 = arith.negf %add3A_458 : vector<256x1xf32>
    %logistic3A_464 = math.exp %logistic3A_463 : vector<256x1xf32>
    %logistic3A_465 = arith.constant 1.000000e+00 : f32
    %logistic3A_466 = vector.broadcast %logistic3A_465 : f32 to vector<256x1xf32>
    %logistic3A_467 = arith.addf %logistic3A_466, %logistic3A_464 : vector<256x1xf32>
    %logistic3A_468 = arith.divf %logistic3A_466, %logistic3A_467 : vector<256x1xf32>
    %get3A_469 = arith.constant 0 : index
    %get3A_470 = arith.constant 0 : index
    %get3A_471 = arith.constant 0 : index
    %get3A_472 = vector.load %arg12[%get3A_469, %get3A_470, %get3A_471] : memref<1x1x256xi32, #tpu.memory_space<vmem>>, vector<1x1x256xi32>
    %reshape3A = vector.shape_cast %get3A_472 : vector<1x1x256xi32> to vector<1x256xi32>
    %iota3A = tpu.iota {dimensions = array<i32: 0>} : vector<64x256xi32>
    %eq3A = vector.broadcast %reshape3A : vector<1x256xi32> to vector<64x256xi32>
    %eq3A_473 = arith.cmpi eq, %iota3A, %eq3A : vector<64x256xi32>
    %convert_element_type3A = arith.extui %eq3A_473 : vector<64x256xi1> to vector<64x256xi32>
    %convert_element_type3A_474 = arith.sitofp %convert_element_type3A : vector<64x256xi32> to vector<64x256xf32>
    %sub3A_475 = arith.constant 1.000000e+00 : f32
    %sub3A_476 = vector.broadcast %sub3A_475 : f32 to vector<256x1xf32>
    %sub3A_477 = arith.subf %sub3A_476, %logistic3A_468 : vector<256x1xf32>
    %broadcast_in_dim3A_478 = vector.shape_cast %sub3A_477 : vector<256x1xf32> to vector<256x1xf32>
    %broadcast_in_dim3A_479 = vector.broadcast %broadcast_in_dim3A_478 : vector<256x1xf32> to vector<256x128xf32>
    %dot_general3A_480 = arith.constant dense<0.000000e+00> : vector<64x128xf32>
    %dot_general3A_481 = tpu.matmul %convert_element_type3A_474, %broadcast_in_dim3A_479, %dot_general3A_480 {dimension_numbers = #tpu.dot_dimension_numbers<[1], [0], [0], [1], [0, 0, 1, 1], [], []>, transpose_lhs_hint = false} : vector<64x256xf32>, vector<256x128xf32>, vector<64x128xf32> -> vector<64x128xf32>
    %broadcast_in_dim3A_482 = arith.constant 1.000000e+00 : f32
    %broadcast_in_dim3A_483 = vector.broadcast %broadcast_in_dim3A_482 : f32 to vector<256x128xf32>
    %dot_general3A_484 = arith.constant dense<0.000000e+00> : vector<64x128xf32>
    %dot_general3A_485 = tpu.matmul %convert_element_type3A_474, %broadcast_in_dim3A_483, %dot_general3A_484 {dimension_numbers = #tpu.dot_dimension_numbers<[1], [0], [0], [1], [0, 0, 1, 1], [], []>, transpose_lhs_hint = false} : vector<64x256xf32>, vector<256x128xf32>, vector<64x128xf32> -> vector<64x128xf32>
    %eq3A_486 = arith.constant 0 : i32
    %eq3A_487 = arith.cmpi eq, %arg0, %eq3A_486 : i32
    %convert_element_type3A_488 = arith.extui %eq3A_487 : i1 to i32
    %cond3A = arith.constant 0 : i32
    %cond3A_489 = arith.cmpi ne, %convert_element_type3A_488, %cond3A : i32
    scf.if %cond3A_489 {
      %swap3A_499 = arith.constant 0 : index
      %swap3A_500 = arith.constant 0 : index
      %swap3A_501 = vector.load %arg24[%swap3A_499, %swap3A_500] : memref<64x128xf32, #tpu.memory_space<vmem>>, vector<64x128xf32>
      tpu.vector_store %arg24[%swap3A_499, %swap3A_500], %dot_general3A_481 {strides = array<i32>} : memref<64x128xf32, #tpu.memory_space<vmem>>, vector<64x128xf32>,
      %swap3A_502 = arith.constant 0 : index
      %swap3A_503 = arith.constant 0 : index
      %swap3A_504 = vector.load %arg25[%swap3A_502, %swap3A_503] : memref<64x128xf32, #tpu.memory_space<vmem>>, vector<64x128xf32>
      tpu.vector_store %arg25[%swap3A_502, %swap3A_503], %dot_general3A_485 {strides = array<i32>} : memref<64x128xf32, #tpu.memory_space<vmem>>, vector<64x128xf32>,
    } else {
    }
    %gt3A = arith.constant 0 : i32
    %gt3A_490 = arith.cmpi sgt, %arg0, %gt3A : i32
    %convert_element_type3A_491 = arith.extui %gt3A_490 : i1 to i32
    %cond3A_492 = arith.constant 0 : i32
    %cond3A_493 = arith.cmpi ne, %convert_element_type3A_491, %cond3A_492 : i32
    scf.if %cond3A_493 {
      %get3A_499 = arith.constant 0 : index
      %get3A_500 = arith.constant 0 : index
      %get3A_501 = vector.load %arg24[%get3A_499, %get3A_500] : memref<64x128xf32, #tpu.memory_space<vmem>>, vector<64x128xf32>
      %add3A_502 = arith.addf %get3A_501, %dot_general3A_481 : vector<64x128xf32>
      %swap3A_503 = arith.constant 0 : index
      %swap3A_504 = arith.constant 0 : index
      %swap3A_505 = vector.load %arg24[%swap3A_503, %swap3A_504] : memref<64x128xf32, #tpu.memory_space<vmem>>, vector<64x128xf32>
      tpu.vector_store %arg24[%swap3A_503, %swap3A_504], %add3A_502 {strides = array<i32>} : memref<64x128xf32, #tpu.memory_space<vmem>>, vector<64x128xf32>,
      %get3A_506 = arith.constant 0 : index
      %get3A_507 = arith.constant 0 : index
      %get3A_508 = vector.load %arg25[%get3A_506, %get3A_507] : memref<64x128xf32, #tpu.memory_space<vmem>>, vector<64x128xf32>
      %add3A_509 = arith.addf %get3A_508, %dot_general3A_485 : vector<64x128xf32>
      %swap3A_510 = arith.constant 0 : index
      %swap3A_511 = arith.constant 0 : index
      %swap3A_512 = vector.load %arg25[%swap3A_510, %swap3A_511] : memref<64x128xf32, #tpu.memory_space<vmem>>, vector<64x128xf32>
      tpu.vector_store %arg25[%swap3A_510, %swap3A_511], %add3A_509 {strides = array<i32>} : memref<64x128xf32, #tpu.memory_space<vmem>>, vector<64x128xf32>,
    } else {
    }
    %eq3A_494 = arith.constant 39 : i32
    %eq3A_495 = arith.cmpi eq, %arg0, %eq3A_494 : i32
    %convert_element_type3A_496 = arith.extui %eq3A_495 : i1 to i32
    %cond3A_497 = arith.constant 0 : i32
    %cond3A_498 = arith.cmpi ne, %convert_element_type3A_496, %cond3A_497 : i32
    scf.if %cond3A_498 {
      %get3A_499 = arith.constant 0 : index
      %get3A_500 = arith.constant 0 : index
      %get3A_501 = vector.load %arg24[%get3A_499, %get3A_500] : memref<64x128xf32, #tpu.memory_space<vmem>>, vector<64x128xf32>
      %get3A_502 = arith.constant 0 : index
      %get3A_503 = arith.constant 0 : index
      %get3A_504 = vector.load %arg25[%get3A_502, %get3A_503] : memref<64x128xf32, #tpu.memory_space<vmem>>, vector<64x128xf32>
      %max3A_505 = arith.constant 1.000000e+00 : f32
      %max3A_506 = vector.broadcast %max3A_505 : f32 to vector<64x128xf32>
      %max3A_507 = arith.maximumf %get3A_504, %max3A_506 : vector<64x128xf32>
      %div3A_508 = arith.divf %get3A_501, %max3A_507 : vector<64x128xf32>
      %sub3A_509 = arith.constant 1.000000e+00 : f32
      %sub3A_510 = vector.broadcast %sub3A_509 : f32 to vector<64x128xf32>
      %sub3A_511 = arith.subf %sub3A_510, %div3A_508 : vector<64x128xf32>
      %jit3A = arith.constant 9.99999997E-7 : f32
      %jit3A_512 = arith.constant 0.999998986 : f32
      %max3A_513 = vector.broadcast %jit3A : f32 to vector<64x128xf32>
      %max3A_514 = arith.maximumf %max3A_513, %sub3A_511 : vector<64x128xf32>
      %min3A = vector.broadcast %jit3A_512 : f32 to vector<64x128xf32>
      %min3A_515 = arith.minimumf %min3A, %max3A_514 : vector<64x128xf32>
      %log3A = math.log %min3A_515 : vector<64x128xf32>
      %sub3A_516 = arith.constant 1.000000e+00 : f32
      %sub3A_517 = vector.broadcast %sub3A_516 : f32 to vector<64x128xf32>
      %sub3A_518 = arith.subf %sub3A_517, %min3A_515 : vector<64x128xf32>
      %log3A_519 = math.log %sub3A_518 : vector<64x128xf32>
      %sub3A_520 = arith.subf %log3A, %log3A_519 : vector<64x128xf32>
      %swap3A_521 = arith.constant 0 : index
      %swap3A_522 = arith.constant 0 : index
      %swap3A_523 = vector.load %arg23[%swap3A_521, %swap3A_522] : memref<64x128xf32, #tpu.memory_space<vmem>>, vector<64x128xf32>
      tpu.vector_store %arg23[%swap3A_521, %swap3A_522], %sub3A_520 {strides = array<i32>} : memref<64x128xf32, #tpu.memory_space<vmem>>, vector<64x128xf32>,
    } else {
    }
    return
  }
  func.func @transform_0(%arg0: i32) -> (i32, i32) {
    %c0_i32 = arith.constant 0 : i32
    %c0_i32_0 = arith.constant 0 : i32
    return %arg0, %c0_i32 : i32, i32
  }
  func.func @transform_1(%arg0: i32) -> (i32, i32) {
    %c0_i32 = arith.constant 0 : i32
    %c0_i32_0 = arith.constant 0 : i32
    return %arg0, %c0_i32 : i32, i32
  }
  func.func @transform_2(%arg0: i32) -> (i32, i32) {
    %c0_i32 = arith.constant 0 : i32
    %c0_i32_0 = arith.constant 0 : i32
    return %arg0, %c0_i32 : i32, i32
  }
  func.func @transform_3(%arg0: i32) -> (i32, i32) {
    %c0_i32 = arith.constant 0 : i32
    %c0_i32_0 = arith.constant 0 : i32
    return %arg0, %c0_i32 : i32, i32
  }
  func.func @transform_4(%arg0: i32) -> (i32, i32) {
    %c0_i32 = arith.constant 0 : i32
    %c0_i32_0 = arith.constant 0 : i32
    return %arg0, %c0_i32 : i32, i32
  }
  func.func @transform_5(%arg0: i32) -> (i32, i32) {
    %c0_i32 = arith.constant 0 : i32
    %c0_i32_0 = arith.constant 0 : i32
    return %arg0, %c0_i32 : i32, i32
  }
  func.func @transform_6(%arg0: i32) -> (i32, i32) {
    %c0_i32 = arith.constant 0 : i32
    %c0_i32_0 = arith.constant 0 : i32
    return %arg0, %c0_i32 : i32, i32
  }
  func.func @transform_7(%arg0: i32) -> (i32, i32) {
    %c0_i32 = arith.constant 0 : i32
    %c0_i32_0 = arith.constant 0 : i32
    return %arg0, %c0_i32 : i32, i32
  }
  func.func @transform_8(%arg0: i32) -> (i32, i32) {
    %c0_i32 = arith.constant 0 : i32
    %c0_i32_0 = arith.constant 0 : i32
    %c0_i32_1 = arith.constant 0 : i32
    return %c0_i32, %c0_i32_0 : i32, i32
  }
  func.func @transform_9(%arg0: i32) -> (i32, i32) {
    %c0_i32 = arith.constant 0 : i32
    %c0_i32_0 = arith.constant 0 : i32
    %c0_i32_1 = arith.constant 0 : i32
    return %c0_i32, %c0_i32_0 : i32, i32
  }
  func.func @transform_10(%arg0: i32) -> (i32, i32) {
    %c0_i32 = arith.constant 0 : i32
    %c0_i32_0 = arith.constant 0 : i32
    %c0_i32_1 = arith.constant 0 : i32
    return %c0_i32, %c0_i32_0 : i32, i32
  }
  func.func @transform_11(%arg0: i32) -> (i32, i32, i32) {
    %c0_i32 = arith.constant 0 : i32
    %c0_i32_0 = arith.constant 0 : i32
    %c0_i32_1 = arith.constant 0 : i32
    return %arg0, %c0_i32, %c0_i32_0 : i32, i32, i32
  }
  func.func @transform_12(%arg0: i32) -> (i32, i32) {
    %c0_i32 = arith.constant 0 : i32
    %c0_i32_0 = arith.constant 0 : i32
    %c0_i32_1 = arith.constant 0 : i32
    return %c0_i32, %c0_i32_0 : i32, i32
  }
  func.func @transform_13(%arg0: i32) -> (i32, i32) {
    %c0_i32 = arith.constant 0 : i32
    %c0_i32_0 = arith.constant 0 : i32
    %c0_i32_1 = arith.constant 0 : i32
    return %c0_i32, %c0_i32_0 : i32, i32
  }
  func.func @transform_14(%arg0: i32) -> (i32, i32) {
    %c0_i32 = arith.constant 0 : i32
    %c0_i32_0 = arith.constant 0 : i32
    %c0_i32_1 = arith.constant 0 : i32
    return %c0_i32, %c0_i32_0 : i32, i32
  }
  func.func @transform_15(%arg0: i32) -> (i32, i32) {
    %c0_i32 = arith.constant 0 : i32
    %c0_i32_0 = arith.constant 0 : i32
    %c0_i32_1 = arith.constant 0 : i32
    return %c0_i32, %c0_i32_0 : i32, i32
  }
  func.func @transform_16(%arg0: i32) -> (i32, i32) {
    %c0_i32 = arith.constant 0 : i32
    %c0_i32_0 = arith.constant 0 : i32
    %c0_i32_1 = arith.constant 0 : i32
    return %c0_i32, %c0_i32_0 : i32, i32
  }
  func.func @transform_17(%arg0: i32) -> (i32, i32) {
    %c0_i32 = arith.constant 0 : i32
    %c0_i32_0 = arith.constant 0 : i32
    %c0_i32_1 = arith.constant 0 : i32
    return %c0_i32, %c0_i32_0 : i32, i32
  }
  func.func @transform_18(%arg0: i32) -> (i32, i32) {
    %c0_i32 = arith.constant 0 : i32
    %c0_i32_0 = arith.constant 0 : i32
    %c0_i32_1 = arith.constant 0 : i32
    return %c0_i32, %c0_i32_0 : i32, i32
  }
  func.func @transform_19(%arg0: i32) -> (i32, i32) {
    %c0_i32 = arith.constant 0 : i32
    %c0_i32_0 = arith.constant 0 : i32
    %c0_i32_1 = arith.constant 0 : i32
    return %c0_i32, %c0_i32_0 : i32, i32
  }
  func.func @transform_20(%arg0: i32) -> (i32, i32) {
    %c0_i32 = arith.constant 0 : i32
    %c0_i32_0 = arith.constant 0 : i32
    %c0_i32_1 = arith.constant 0 : i32
    return %c0_i32, %c0_i32_0 : i32, i32
  }
  func.func @transform_21(%arg0: i32) -> (i32, i32) {
    %c0_i32 = arith.constant 0 : i32
    %c0_i32_0 = arith.constant 0 : i32
    return %arg0, %c0_i32 : i32, i32
  }
  func.func @transform_22(%arg0: i32) -> (i32, i32) {
    %c0_i32 = arith.constant 0 : i32
    %c0_i32_0 = arith.constant 0 : i32
    %c0_i32_1 = arith.constant 0 : i32
    return %c0_i32, %c0_i32_0 : i32, i32
  }
}

</mosaic_0001>

<sc_bundles>
// kernel: kernel.12.cloned.1.call-start
scs
__scs_entry_jumppad:
0x0: {  	(pc) =	sbr.rel $0x88, $3  }
0x1: {  	(tag) =	ssettag $0x0;
	lr =	simm.s32 $0x1  }
0x2: {  	[smem:$0x3F7F] =	sst lr;
	_ =	strace $0xD0000000  }
0x3: {  	_ = 	snop  }
0x4: {  	_ = 	snop  }
0x5: {  	_ = 	snop  }
0x6: {  	_ = 	snop  }
0x7: {  	_ = 	snop  }
__scs_overlays_trampoline_lowered:
0x8: {  	[smem:$0x3F8E] =	sst s0  }
0x9: {  	[smem:$0x3F8F] =	sst s1  }
0xa: {  	[smem:$0x3F90] =	sst s2  }
0xb: {  	[smem:$0x3F91] =	sst s3  }
0xc: {  	[smem:$0x3F92] =	sst s4  }
0xd: {  	[smem:$0x3F93] =	sst s5  }
0xe: {  	[smem:$0x3F94] =	sst s6  }
0xf: {  	[smem:$0x3F95] =	sst s7  }
0x10: {  	[smem:$0x3F96] =	sst s8  }
0x11: {  	[smem:$0x3F97] =	sst s9;
	s0 =	simm.s32 @!p0 $0x0  }
0x12: {  	s1 =	sld [smem:$0x3F7D];
	s0 =	simm.s32 @p0 $0x1  }
0x13: {  	[smem:$0x3F98] =	sst s0;
	s0 =	simm.s32 @!p1 $0x0  }
0x14: {  	s2 =	sld [smem:$0x3F7C];
	s0 =	simm.s32 @p1 $0x1  }
0x15: {  	[smem:$0x3F99] =	sst s0;
	s0 =	simm.s32 @!p2 $0x0  }
0x16: {  	s3 =	sld [smem:$0x3FDB];
	s0 =	simm.s32 @p2 $0x1  }
0x17: {  	s4 =	simm.s32 $0x1BF5;
	[smem:$0x3F9B] =	sst s0  }
0x18: {  	s0 =	sld [smem:$0x3F7E];
	_ =	swait.ge [sflag:s4], $0x0  }
0x19: {  	s7 =	sld [smem:$0x3F7F]  }
0x1a: {  	s8 =	sadd.s32 $0xFFFFE003, lr  }
0x1b: {  	s9 =	sadd.s32 $0xFFFFFEF7, lr;
	s5 =	simm.s32 $0xFFFFFFFF;
	p2 =	slt.u32 s8, $0xFFFFF086  }
0x1c: {  	p1 =	slt.u32 s9, $0xF7A;
	s5 =	simm.s32 @!p2 $0x0  }
0x1d: {  	s5 =	simm.s32 @p1 $0x1;
	p0 =	seq.s32 s7, s2  }
0x1e: {  	s7 =	smul.u32 @!p0 $0xF7A, s2;
	p2 =	seq.s32 @!p0 s5, $0x0  }
0x1f: {  	s9 =	smul.u32 $0xF7A, s1;
	s8 =	simm.s32 @!p0 $0x1BF5;
	p2 =	por !p2, p0  }
0x20: {  	[sflag:s8] =	ssyncset.s32 @!p0 $0xFFFFF086;
	s6 =	sadd.s32 @!p0 s3, s7;
	s7 =	simm.s32 @!p0 $0x108  }
0x21: {  	s3 =	sadd.s32 s3, s9;
	s6 =	sadd.s32 @!p0 $0x88, s6;
	s7 =	simm.s32 @p2 $0x1082  }
0x22: {  	[simem:s7], [sflag:s8] =	dma.local @!p0 [hbm:s6], $0xF7A  }
0x23: {  	s9 =	sor.u32 $0xD0000000, s2;
	s6 =	simm.s32 $0x108;
	_ =	swait.ge @!p0 [sflag:s8], $0x0  }
0x24: {  	s3 =	sadd.s32 $0x88, s3;
	s6 =	simm.s32 @!p1 $0x1082;
	[sflag:s4] =	ssyncset.s32 $0xFFFFF086  }
0x25: {  	[simem:s6], [sflag:s4] =	dma.local [hbm:s3], $0xF7A  }
0x26: {  	[smem:$0x3F7F] =	sst s1;
	(tag) =	ssettag s2;
	_ =	strace s9  }
0x27: {  	s1 =	sld [smem:$0x3F8F]  }
0x28: {  	s2 =	sld [smem:$0x3F90]  }
0x29: {  	s4 =	sld [smem:$0x3F92]  }
0x2a: {  	p0 =	seq.s32 s5, $0x0;
	s5 =	sld [smem:$0x3F93]  }
0x2b: {  	s6 =	sld [smem:$0x3F94]  }
0x2c: {  	s7 =	sld [smem:$0x3F95]  }
0x2d: {  	s3 =	simm.s32 $0x108;
	s8 =	sld [smem:$0x3F96]  }
0x2e: {  	s3 =	simm.s32 @!p0 $0x1082;
	s9 =	sld [smem:$0x3F97]  }
0x2f: {  	lr =	sadd.s32 s0, s3;
	s0 =	sld [smem:$0x3F8E]  }
0x30: {  	s3 =	sld [smem:$0x3F91]  }
0x31: {  	[smem:$0x3F9A] =	sst s10  }
0x32: {  	s10 =	sld [smem:$0x3F98];
	_ =	sdelay $0x3  }
0x33: {  	p0 =	seq.s32 s10, $0x1;
	s10 =	sld [smem:$0x3F9A];
	_ =	sdelay $0x3  }
0x34: {  	[smem:$0x3F9A] =	sst s10  }
0x35: {  	s10 =	sld [smem:$0x3F99];
	_ =	sdelay $0x3  }
0x36: {  	p1 =	seq.s32 s10, $0x1;
	s10 =	sld [smem:$0x3F9A];
	_ =	sdelay $0x3  }
0x37: {  	[smem:$0x3F9A] =	sst s10  }
0x38: {  	s10 =	sld [smem:$0x3F9B]  }
0x39: {  	_ = 	snop;
	(pc) =	sbr.ind lr, $3  }
0x3a: {  	_ = 	snop  }
0x3b: {  	_ = 	snop  }
0x3c: {  	p2 =	seq.s32 s10, $0x1;
	s10 =	sld [smem:$0x3F9A]  }
0x3d: {  	_ =	shalt  }
0x3e: {  	_ =	shalt  }
0x3f: {  	_ =	shalt  }
0x40: {  	_ =	shalt  }
0x41: {  	_ =	shalt  }
0x42: {  	_ =	shalt  }
0x43: {  	_ =	shalt  }
0x44: {  	_ =	shalt  }
0x45: {  	_ =	shalt  }
0x46: {  	_ =	shalt  }
0x47: {  	_ =	shalt  }
0x48: {  	_ =	shalt  }
0x49: {  	_ =	shalt  }
0x4a: {  	_ =	shalt  }
0x4b: {  	_ =	shalt  }
0x4c: {  	_ =	shalt  }
0x4d: {  	_ =	shalt  }
0x4e: {  	_ =	shalt  }
0x4f: {  	_ =	shalt  }
0x50: {  	_ =	shalt  }
0x51: {  	_ =	shalt  }
0x52: {  	_ =	shalt  }
0x53: {  	_ =	shalt  }
0x54: {  	_ =	shalt  }
0x55: {  	_ =	shalt  }
0x56: {  	_ =	shalt  }
0x57: {  	_ =	shalt  }
0x58: {  	_ =	shalt  }
0x59: {  	_ =	shalt  }
0x5a: {  	_ =	shalt  }
0x5b: {  	_ =	shalt  }
0x5c: {  	_ =	shalt  }
0x5d: {  	_ =	shalt  }
0x5e: {  	_ =	shalt  }
0x5f: {  	_ =	shalt  }
0x60: {  	_ =	shalt  }
0x61: {  	_ =	shalt  }
0x62: {  	_ =	shalt  }
0x63: {  	_ =	shalt  }
0x64: {  	_ =	shalt  }
0x65: {  	_ =	shalt  }
0x66: {  	_ =	shalt  }
0x67: {  	_ =	shalt  }
0x68: {  	_ =	shalt  }
0x69: {  	_ =	shalt  }
0x6a: {  	_ =	shalt  }
0x6b: {  	_ =	shalt  }
0x6c: {  	_ =	shalt  }
0x6d: {  	_ =	shalt  }
0x6e: {  	_ =	shalt  }
0x6f: {  	_ =	shalt  }
0x70: {  	_ =	shalt  }
0x71: {  	_ =	shalt  }
0x72: {  	_ =	shalt  }
0x73: {  	_ =	shalt  }
0x74: {  	_ =	shalt  }
0x75: {  	_ =	shalt  }
0x76: {  	_ =	shalt  }
0x77: {  	_ =	shalt  }
0x78: {  	_ =	shalt  }
0x79: {  	_ =	shalt  }
0x7a: {  	_ =	shalt  }
0x7b: {  	_ =	shalt  }
0x7c: {  	_ =	shalt  }
0x7d: {  	_ =	shalt  }
0x7e: {  	_ =	shalt  }
0x7f: {  	_ =	shalt  }
0x80: {  	_ =	shalt  }
0x81: {  	_ =	shalt  }
0x82: {  	_ =	shalt  }
0x83: {  	_ =	shalt  }
0x84: {  	_ =	shalt  }
0x85: {  	_ =	shalt  }
0x86: {  	_ =	shalt  }
0x87: {  	_ =	shalt  }
.Lfunc_end0:
.L_simem_size_0:
called_computation_lowered:
.L_overlay_start_0:
0x88: {  	s2 =	sld [smem:$0x3FD9]  }
0x89: {  	s3 =	sld [smem:$0x3FFE];
	_ =	sdelay $0x1  }
0x8a: {  	s1 =	srdreg.scid  }
0x8b: {  	s0 =	sand.u32 $0x1, s1  }
0x8c: {  	s17 =	sshll.u32 s0, $0xA;
	s2 =	sadd.s32 s3, s2  }
0x8d: {  	s2 =	sadd.s32 s2, s17  }
0x8e: {  	[smem:$0x3FA6] =	sst s2  }
0x8f: {  	_ = 	snop  }
0x90: {  	(tm) =	ssettm $0x1  }
0x91: {  	s18 =	sld [smem:$0x3FFB];
	_ =	sdelay $0x3  }
0x92: {  	_ =	strace s18  }
0x93: {  	s2 =	sld [smem:$0x3FFC];
	_ =	sdelay $0x3  }
0x94: {  	_ =	strace s2  }
0x95: {  	s2 =	sld [smem:$0x3FFD];
	_ =	sdelay $0x3  }
0x96: {  	_ =	strace s2  }
0x97: {  	_ =	strace $0x8FFFFFFF  }
0x98: {  	s19 =	sld [smem:$0x3FDB];
	_ =	sdelay $0x1  }
0x99: {  	s20 =	simm.s32 $_scs_section_size  }
0x9a: {  	s4 =	simm.s32 $_size__tile_overlayer_lowered;
	s5 =	simm.s32 $_tile_overlayer_lowered  }
0x9b: {  	s6 =	simm.s32 $0x1BFF;
	s21 =	sshll.u32 s5, $0x1;
	s3 =	sadd.s32 s20, s19  }
0x9c: {  	s22 =	simm.s32 $0x0;
	s4 =	sshll.u32 s4, $0x1;
	s5 =	sadd.s32 s21, s3  }
0x9d: {  	[timem:s22], [sflag:s6] =	dma.local [hbm:s5], s4  }
0x9e: {  	_ =	swait.ge [sflag:s6], s4  }
0x9f: {  	s4 =	ssub.s32 $0x0, s4;
	[sflag:s6] =	ssyncset.done $0x0  }
0xa0: {  	[sflag:s6] =	ssyncadd.s32 s4;
	_ =	sdelay $0x1  }
0xa1: {  	s23 =	simm.s32 $0x1B8B  }
0xa2: {  	_ =	swait.ge [sflag:s23], $0x1  }
0xa3: {  	[sflag:s23] =	ssyncset.done $0x0  }
0xa4: {  	[sflag:s23] =	ssyncadd.s32 $0xFFFFFFFF  }
0xa5: {  	s4 =	sld [smem:$0x0]  }
0xa6: {  	s5 =	sand.u32 $0xFFFFFFFE, s1  }
0xa7: {  	p0 =	sne.s32 s1, s5  }
0xa8: {  	s5 =	sshll.u32 @p0 s5, $0xE  }
0xa9: {  	s5 =	sadd.s32 @p0 $0x11B8D, s5;
	s6 =	sshll.u32 @p0 s4, $0x11  }
0xaa: {  	s5 =	sor.u32 @p0 s6, s5  }
0xab: {  	[sflag:s5] =	ssyncadd.remote.s32 @p0 $0x1;
	_ =	sdelay $0x1  }
0xac: {  	s5 =	simm.s32 @p0 $0x1B8D  }
0xad: {  	_ =	swait.eq @p0 [sflag:s5], $0x1  }
0xae: {  	[sflag:s5] =	ssyncadd.s32 @p0 $0xFFFFFFFF  }
0xaf: {  	s6 =	sshll.u32 @!p0 s1, $0xE  }
0xb0: {  	s6 =	sor.u32 @!p0 $0x4000, s6;
	s5 =	simm.s32 @!p0 $0x1B8D  }
0xb1: {  	s4 =	sshll.u32 @!p0 s4, $0x11;
	s6 =	sadd.s32 @!p0 $0x11B8D, s6;
	_ =	swait.eq @!p0 [sflag:s5], $0x1  }
0xb2: {  	s4 =	sor.u32 @!p0 s4, s6;
	[sflag:s5] =	ssyncadd.s32 @!p0 $0xFFFFFFFF  }
0xb3: {  	s25 =	simm.s32 $0x1B8E;
	s24 =	sld [smem:$0x3FFE];
	[sflag:s4] =	ssyncadd.remote.s32 @!p0 $0x1  }
0xb4: {  	s26 =	simm.s32 $execute0_lowered;
	[smem:$0x3FD2] =	sst s25  }
0xb5: {  	s5 =	sshll.u32 s26, $0x1;
	_ =	strace $0x80000049;
	[dreg:$0x1] =	wrdreg $0xFFFFFFFF  }
0xb6: {  	s28 =	simm.s32 $_size_execute0_lowered;
	s3 =	sadd.s32 s3, s5;
	[dreg:$0x0] =	wrdreg $0x0  }
0xb7: {  	s5 =	sshll.u32 s28, $0x1;
	[dreg:$0x2] =	wrdreg s3  }
0xb8: {  	[dreg:$0x3] =	wrdreg s5  }
0xb9: {  	[dreg:$0x4] =	wrdreg $0xC0  }
0xba: {  	_ =	task [dreg:s22], $0x5FFFF  }
0xbb: {  	[dreg:$0x1] =	wrdreg $0xFFFFFFFF  }
0xbc: {  	[dreg:$0x0] =	wrdreg $0x60  }
0xbd: {  	[dreg:$0x2] =	wrdreg s24  }
0xbe: {  	[dreg:$0x3] =	wrdreg $0x0  }
0xbf: {  	[dreg:$0x4] =	wrdreg $0x9  }
0xc0: {  	_ =	task.clear_ibuf [dreg:s22], $0x5FFFF;
	_ =	strace $0x90000049  }
0xc1: {  	s29 =	simm.s32 $0x9;
	_ =	strace $0x8000004B  }
0xc2: {  	_ =	swait.ge [sflag:s29], $0x1  }
0xc3: {  	[sflag:s29] =	ssyncadd.s32 $0xFFFFFFFF  }
0xc4: {  	_ =	strace $0x9000004B  }
0xc5: {  	_ =	sfence  }
0xc6: {  	s30 =	sld [smem:$0x0];
	_ =	sdelay $0x2  }
0xc7: {  	s31 =	sshll.u32 s1, $0xD;
	s1 =	sshrl.u32 s1, $0x2  }
0xc8: {  	s4 =	sand.u32 $0x4000, s31;
	s1 =	sadd.s32 s1, s30  }
0xc9: {  	s0 =	sor.u32 s4, s0;
	s1 =	sshll.u32 s1, $0x11  }
0xca: {  	s0 =	sor.u32 s1, s0  }
0xcb: {  	s0 =	sadd.s32 $0x8F2B, s0  }
0xcc: {  	[sflag:s0] =	ssyncadd.remote.s32 $0x1  }
0xcd: {  	_ =	sfence.sel $0xFFFF  }
0xce: {  	[dreg:$0x0] =	wrdreg $0xFFFFFFFF;
	(pc) =	sbr.abs _section_cstart, $3  }
0xcf: {  	[dreg:$0x1] =	wrdreg $0xFFFFFFFF  }
0xd0: {  	_ =	task.clear_ibuf [dreg:s22], $0x2FFFF;
	_ =	strace $0x9FFFFFFF  }
0xd1: {  	(tm) =	ssettm $0x7FFFFFFF  }
tec
execute0_lowered:
.L_overlay_start_1:
0x0: {  	(tag) =	ssettag $0x1  }
0x1: {  	s9 =	rddreg [dreg:$0x0]  }
0x2: {  	s2 =	rddreg [dreg:$0x1]  }
0x3: {  	s0 =	rddreg [dreg:$0x2];
	s3 =	simm.s32 $0x0;
	s1 =	stileid.u32  }
0x4: {  	s5 =	srdreg.scid;
	s13 =	simm.s32 $0x12D800;
	s15 =	simm.s32 $0x16800  }
0x5: {  	s16 =	simm.s32 $0x0;
	[smem:$0x7FF] =	sst s3;
	s4 =	smul.u32 $0x500, s1  }
0x6: {  	s8 =	sand.u32 $0x1, s5;
	s6 =	smul.u32 $0x50000, s1;
	s5 =	sadd.s32 $0xB2800, s9  }
0x7: {  	s29 =	sshll.u32 s1, $0x6;
	s30 =	smul.u32 $0x2800, s1;
	_ =	strace $0x8000004A  }
0x8: {  	s10 =	ssub.s32 $0x2, s8;
	p0 =	seq.s32 s8, $0x1;
	s14 =	smul.u32 $0x5000, s8  }
0x9: {  	s8 =	smul.u32 $0x28, s8;
	s7 =	sadd.s32 s4, s9;
	s4 =	sadd.s32 $0x105000, s9  }
0xa: {  	s11 =	sshrl.u32 s10, $0x1;
	s6 =	sshrl.u32 s6, $0x2;
	s13 =	simm.s32 @!p0 $0x105800  }
0xb: {  	s10 =	ssub.s32 s10, s11;
	s12 =	sadd.s32 s6, s2;
	s6 =	sor.u32 $0x1C01, s29  }
0xc: {  	s7 =	sadd.s32 $0xD800, s7;
	s13 =	sadd.s32 s13, s9;
	s31 =	sshrl.u32 s14, $0x2  }
0xd: {  	s14 =	simm.s32 $0x14000;
	s9 =	smax.u32 s10, $0x1;
	s10 =	sadd.s32 s13, s30  }
0xe: {  	s11 =	sor.u32 $0x14000, s31;
	s12 =	sshrl.u32 s12, $0x3;
	s13 =	simm.s32 $0x1  }
.LBB2_1:
0xf: {  	[spmem:s12], [sflag:s6] =	dma.local [hbm:s5], $0x2800  }
0x10: {  	_ =	swait.ge [sflag:s13], $0x2800  }
0x11: {  	[sflag:s13] =	ssyncset.done $0x0  }
0x12: {  	[sflag:s13] =	ssyncadd.s32 $0xFFFFD800  }
0x13: {  	[tilespmem:s14], [sflag:$0x1] =	stream.linear.gather [hbm4b:s7+s3], $0x2780, $0x38;
	[tilespmem:$0x1A800] =	vst v63  }
0x14: {  	_ =	swait.ge [sflag:s13], $0x2780  }
0x15: {  	[sflag:s13] =	ssyncset.done $0x0  }
0x16: {  	[sflag:s13] =	ssyncadd.s32 $0xFFFFD880  }
0x17: {  	[tilespmem:s15], [sflag:$0x1] =	stream.linear.gather [hbm4b:s4+s3], $0x4000, $0x38;
	[tilespmem:$0x1A800] =	vst v63  }
0x18: {  	s17 =	sadd.s32 $0x0, s8;
	_ =	swait.ge [sflag:s13], $0x4000  }
0x19: {  	p0 =	sgt.u32 s17, $0x4E;
	[sflag:s13] =	ssyncset.done $0x0  }
0x1a: {  	s17 =	simm.s32 @!p0 $0x80;
	[sflag:s13] =	ssyncadd.s32 $0xFFFFC000  }
0x1b: {  	s18 =	simm.s32 @!p0 $0x16800;
	s20 =	simm.s32 @!p0 $0x1;
	[bflag:$0x0] =	sbarrier.arrive $0xFFFF  }
0x1c: {  	[spmem:s2] =	stream.indirect.scatter.add.f32 @!p0 [tilespmem:s18], [sflag:$0x1], $0x80, s11, s17, $0xb8;
	[tilespmem:$0x1A800] =	vst v63  }
0x1d: {  	s19 =	simm.s32 $0x2;
	_ =	swait.ge @!p0 [sflag:s20], $0x4000  }
0x1e: {  	s18 =	simm.s32 $0x1;
	s17 =	sadd.s32 $0x80, s11;
	[sflag:s20] =	ssyncset.done @!p0 $0x0  }
.LBB2_2:
0x1f: {  	s21 =	sadd.s32 s18, s8;
	s18 =	smov.u32 s19;
	s19 =	sadd.s32 $0x1, s19  }
0x20: {  	[sflag:s20] =	ssyncadd.s32 @!p0 $0xFFFFC000;
	p1 =	sne.s32 s19, $0x28  }
.Ltmp0:
0x21: {  	p0 =	sgt.u32 s21, $0x4E;
	(pc) =	sbr.rel @p1 .LBB2_2-.Ltmp0, $4  }
0x22: {  	s21 =	simm.s32 @!p0 $0x80;
	s22 =	simm.s32 @!p0 $0x16800;
	s20 =	simm.s32 @!p0 $0x1  }
0x23: {  	[spmem:s2] =	stream.indirect.scatter.add.f32 @!p0 [tilespmem:s22], [sflag:$0x1], $0x80, s17, s21, $0xb8;
	[tilespmem:$0x1A800] =	vst v63  }
0x24: {  	_ =	swait.ge @!p0 [sflag:s20], $0x4000  }
0x25: {  	s17 =	sadd.s32 $0x80, s17;
	[sflag:s20] =	ssyncset.done @!p0 $0x0  }
0x26: {  	s18 =	sadd.s32 s18, s8  }
0x27: {  	[sflag:s20] =	ssyncadd.s32 @!p0 $0xFFFFC000;
	p0 =	sgt.u32 s18, $0x4E  }
0x28: {  	s18 =	simm.s32 @!p0 $0x80;
	s19 =	simm.s32 @!p0 $0x16800;
	s20 =	simm.s32 @!p0 $0x1  }
0x29: {  	[spmem:s2] =	stream.indirect.scatter.add.f32 @!p0 [tilespmem:s19], [sflag:$0x1], $0x80, s17, s18, $0xb8;
	[tilespmem:$0x1A800] =	vst v63  }
0x2a: {  	_ =	swait.ge @!p0 [sflag:s20], $0x4000  }
0x2b: {  	s16 =	sadd.s32 $0x1, s16;
	[sflag:s20] =	ssyncset.done @!p0 $0x0  }
0x2c: {  	[sflag:s20] =	ssyncadd.s32 @!p0 $0xFFFFC000;
	p0 =	sne.s32 s16, s9  }
.Ltmp1:
0x2d: {  	[bflag:$0x0] =	sbarrier.arrive $0xFFFF;
	(pc) =	sbr.rel @p0 .LBB2_1-.Ltmp1, $4  }
0x2e: {  	[hbm:s10], [sflag:s6] =	dma.local [spmem:s12], $0x2800  }
0x2f: {  	_ =	swait.ge [sflag:s13], $0x2800  }
0x30: {  	[sflag:s13] =	ssyncset.done $0x0  }
0x31: {  	[sflag:s13] =	ssyncadd.s32 $0xFFFFD800  }
0x32: {  	_ =	sfence.sel $0x180000  }
0x33: {  	[bflag:$0x0] =	sbarrier.arrive $0xFFFF  }
0x34: {  	p0 =	sne.s32 s1, $0x0;
	_ =	strace $0x9000004A  }
0x35: {  	s0 =	sadd.s32 @!p0 $0x100000, s0;
	[bflag:$0x2] =	sbarrier.arrive $0xFFFF  }
0x36: {  	[sflag:s0] =	ssyncadd.tile.s32 @!p0 $0x1;
	_ =	shalt  }
.Lfunc_end2:
_tile_overlayer_lowered:
.L_overlay_start_2:
0x37: {  	(tag) =	ssettag $0x2  }
0x38: {  	s0 =	rddreg [dreg:$0x0];
	s2 =	stileid.u32  }
0x39: {  	s1 =	rddreg [dreg:$0x1];
	p0 =	sne.s32 s2, $0x0  }
0x3a: {  	s3 =	rddreg [dreg:$0x2];
	[bflag:$0x3] =	sbarrier.arrive $0xFFFF;
	s2 =	simm.s32 @!p0 $0x1C01  }
0x3b: {  	[timem:s3], [sflag:s2] =	dma.local @!p0 [hbm:s0], s1  }
0x3c: {  	s0 =	simm.s32 @!p0 $0x1  }
0x3d: {  	_ =	swait.ge @!p0 [sflag:s0], s1  }
0x3e: {  	s1 =	ssub.s32 @!p0 $0x0, s1;
	[sflag:s0] =	ssyncset.done @!p0 $0x0  }
0x3f: {  	[sflag:s0] =	ssyncadd.s32 @!p0 s1  }
0x40: {  	[bflag:$0x3] =	sbarrier.arrive $0xFFFF  }
0x41: {  	_ =	shalt  }

// kernel: kernel.15.cloned.1.call-start
scs
__scs_entry_jumppad:
0x0: {  	(pc) =	sbr.rel $0x88, $3  }
0x1: {  	(tag) =	ssettag $0x0;
	lr =	simm.s32 $0x1  }
0x2: {  	[smem:$0x3F7F] =	sst lr;
	_ =	strace $0xD0000000  }
0x3: {  	_ = 	snop  }
0x4: {  	_ = 	snop  }
0x5: {  	_ = 	snop  }
0x6: {  	_ = 	snop  }
0x7: {  	_ = 	snop  }
__scs_overlays_trampoline_lowered:
0x8: {  	[smem:$0x3F8E] =	sst s0  }
0x9: {  	[smem:$0x3F8F] =	sst s1  }
0xa: {  	[smem:$0x3F90] =	sst s2  }
0xb: {  	[smem:$0x3F91] =	sst s3  }
0xc: {  	[smem:$0x3F92] =	sst s4  }
0xd: {  	[smem:$0x3F93] =	sst s5  }
0xe: {  	[smem:$0x3F94] =	sst s6  }
0xf: {  	[smem:$0x3F95] =	sst s7  }
0x10: {  	[smem:$0x3F96] =	sst s8  }
0x11: {  	[smem:$0x3F97] =	sst s9;
	s0 =	simm.s32 @!p0 $0x0  }
0x12: {  	s1 =	sld [smem:$0x3F7D];
	s0 =	simm.s32 @p0 $0x1  }
0x13: {  	[smem:$0x3F98] =	sst s0;
	s0 =	simm.s32 @!p1 $0x0  }
0x14: {  	s2 =	sld [smem:$0x3F7C];
	s0 =	simm.s32 @p1 $0x1  }
0x15: {  	[smem:$0x3F99] =	sst s0;
	s0 =	simm.s32 @!p2 $0x0  }
0x16: {  	s3 =	sld [smem:$0x3FDB];
	s0 =	simm.s32 @p2 $0x1  }
0x17: {  	s4 =	simm.s32 $0x1BF5;
	[smem:$0x3F9B] =	sst s0  }
0x18: {  	s0 =	sld [smem:$0x3F7E];
	_ =	swait.ge [sflag:s4], $0x0  }
0x19: {  	s7 =	sld [smem:$0x3F7F]  }
0x1a: {  	s8 =	sadd.s32 $0xFFFFE003, lr  }
0x1b: {  	s9 =	sadd.s32 $0xFFFFFEF7, lr;
	s5 =	simm.s32 $0xFFFFFFFF;
	p2 =	slt.u32 s8, $0xFFFFF086  }
0x1c: {  	p1 =	slt.u32 s9, $0xF7A;
	s5 =	simm.s32 @!p2 $0x0  }
0x1d: {  	s5 =	simm.s32 @p1 $0x1;
	p0 =	seq.s32 s7, s2  }
0x1e: {  	s7 =	smul.u32 @!p0 $0xF7A, s2;
	p2 =	seq.s32 @!p0 s5, $0x0  }
0x1f: {  	s9 =	smul.u32 $0xF7A, s1;
	s8 =	simm.s32 @!p0 $0x1BF5;
	p2 =	por !p2, p0  }
0x20: {  	[sflag:s8] =	ssyncset.s32 @!p0 $0xFFFFF086;
	s6 =	sadd.s32 @!p0 s3, s7;
	s7 =	simm.s32 @!p0 $0x108  }
0x21: {  	s3 =	sadd.s32 s3, s9;
	s6 =	sadd.s32 @!p0 $0x88, s6;
	s7 =	simm.s32 @p2 $0x1082  }
0x22: {  	[simem:s7], [sflag:s8] =	dma.local @!p0 [hbm:s6], $0xF7A  }
0x23: {  	s9 =	sor.u32 $0xD0000000, s2;
	s6 =	simm.s32 $0x108;
	_ =	swait.ge @!p0 [sflag:s8], $0x0  }
0x24: {  	s3 =	sadd.s32 $0x88, s3;
	s6 =	simm.s32 @!p1 $0x1082;
	[sflag:s4] =	ssyncset.s32 $0xFFFFF086  }
0x25: {  	[simem:s6], [sflag:s4] =	dma.local [hbm:s3], $0xF7A  }
0x26: {  	[smem:$0x3F7F] =	sst s1;
	(tag) =	ssettag s2;
	_ =	strace s9  }
0x27: {  	s1 =	sld [smem:$0x3F8F]  }
0x28: {  	s2 =	sld [smem:$0x3F90]  }
0x29: {  	s4 =	sld [smem:$0x3F92]  }
0x2a: {  	p0 =	seq.s32 s5, $0x0;
	s5 =	sld [smem:$0x3F93]  }
0x2b: {  	s6 =	sld [smem:$0x3F94]  }
0x2c: {  	s7 =	sld [smem:$0x3F95]  }
0x2d: {  	s3 =	simm.s32 $0x108;
	s8 =	sld [smem:$0x3F96]  }
0x2e: {  	s3 =	simm.s32 @!p0 $0x1082;
	s9 =	sld [smem:$0x3F97]  }
0x2f: {  	lr =	sadd.s32 s0, s3;
	s0 =	sld [smem:$0x3F8E]  }
0x30: {  	s3 =	sld [smem:$0x3F91]  }
0x31: {  	[smem:$0x3F9A] =	sst s10  }
0x32: {  	s10 =	sld [smem:$0x3F98];
	_ =	sdelay $0x3  }
0x33: {  	p0 =	seq.s32 s10, $0x1;
	s10 =	sld [smem:$0x3F9A];
	_ =	sdelay $0x3  }
0x34: {  	[smem:$0x3F9A] =	sst s10  }
0x35: {  	s10 =	sld [smem:$0x3F99];
	_ =	sdelay $0x3  }
0x36: {  	p1 =	seq.s32 s10, $0x1;
	s10 =	sld [smem:$0x3F9A];
	_ =	sdelay $0x3  }
0x37: {  	[smem:$0x3F9A] =	sst s10  }
0x38: {  	s10 =	sld [smem:$0x3F9B]  }
0x39: {  	_ = 	snop;
	(pc) =	sbr.ind lr, $3  }
0x3a: {  	_ = 	snop  }
0x3b: {  	_ = 	snop  }
0x3c: {  	p2 =	seq.s32 s10, $0x1;
	s10 =	sld [smem:$0x3F9A]  }
0x3d: {  	_ =	shalt  }
0x3e: {  	_ =	shalt  }
0x3f: {  	_ =	shalt  }
0x40: {  	_ =	shalt  }
0x41: {  	_ =	shalt  }
0x42: {  	_ =	shalt  }
0x43: {  	_ =	shalt  }
0x44: {  	_ =	shalt  }
0x45: {  	_ =	shalt  }
0x46: {  	_ =	shalt  }
0x47: {  	_ =	shalt  }
0x48: {  	_ =	shalt  }
0x49: {  	_ =	shalt  }
0x4a: {  	_ =	shalt  }
0x4b: {  	_ =	shalt  }
0x4c: {  	_ =	shalt  }
0x4d: {  	_ =	shalt  }
0x4e: {  	_ =	shalt  }
0x4f: {  	_ =	shalt  }
0x50: {  	_ =	shalt  }
0x51: {  	_ =	shalt  }
0x52: {  	_ =	shalt  }
0x53: {  	_ =	shalt  }
0x54: {  	_ =	shalt  }
0x55: {  	_ =	shalt  }
0x56: {  	_ =	shalt  }
0x57: {  	_ =	shalt  }
0x58: {  	_ =	shalt  }
0x59: {  	_ =	shalt  }
0x5a: {  	_ =	shalt  }
0x5b: {  	_ =	shalt  }
0x5c: {  	_ =	shalt  }
0x5d: {  	_ =	shalt  }
0x5e: {  	_ =	shalt  }
0x5f: {  	_ =	shalt  }
0x60: {  	_ =	shalt  }
0x61: {  	_ =	shalt  }
0x62: {  	_ =	shalt  }
0x63: {  	_ =	shalt  }
0x64: {  	_ =	shalt  }
0x65: {  	_ =	shalt  }
0x66: {  	_ =	shalt  }
0x67: {  	_ =	shalt  }
0x68: {  	_ =	shalt  }
0x69: {  	_ =	shalt  }
0x6a: {  	_ =	shalt  }
0x6b: {  	_ =	shalt  }
0x6c: {  	_ =	shalt  }
0x6d: {  	_ =	shalt  }
0x6e: {  	_ =	shalt  }
0x6f: {  	_ =	shalt  }
0x70: {  	_ =	shalt  }
0x71: {  	_ =	shalt  }
0x72: {  	_ =	shalt  }
0x73: {  	_ =	shalt  }
0x74: {  	_ =	shalt  }
0x75: {  	_ =	shalt  }
0x76: {  	_ =	shalt  }
0x77: {  	_ =	shalt  }
0x78: {  	_ =	shalt  }
0x79: {  	_ =	shalt  }
0x7a: {  	_ =	shalt  }
0x7b: {  	_ =	shalt  }
0x7c: {  	_ =	shalt  }
0x7d: {  	_ =	shalt  }
0x7e: {  	_ =	shalt  }
0x7f: {  	_ =	shalt  }
0x80: {  	_ =	shalt  }
0x81: {  	_ =	shalt  }
0x82: {  	_ =	shalt  }
0x83: {  	_ =	shalt  }
0x84: {  	_ =	shalt  }
0x85: {  	_ =	shalt  }
0x86: {  	_ =	shalt  }
0x87: {  	_ =	shalt  }
.Lfunc_end0:
.L_simem_size_0:
called_computation.1_lowered:
.L_overlay_start_0:
0x88: {  	s2 =	sld [smem:$0x3FD9]  }
0x89: {  	s3 =	sld [smem:$0x3FFE];
	_ =	sdelay $0x1  }
0x8a: {  	s1 =	srdreg.scid  }
0x8b: {  	s0 =	sand.u32 $0x1, s1  }
0x8c: {  	s16 =	sshll.u32 s0, $0xA;
	s2 =	sadd.s32 s3, s2  }
0x8d: {  	s2 =	sadd.s32 s2, s16  }
0x8e: {  	[smem:$0x3FA6] =	sst s2  }
0x8f: {  	_ = 	snop  }
0x90: {  	(tm) =	ssettm $0x1  }
0x91: {  	s17 =	sld [smem:$0x3FFB];
	_ =	sdelay $0x3  }
0x92: {  	_ =	strace s17  }
0x93: {  	s2 =	sld [smem:$0x3FFC];
	_ =	sdelay $0x3  }
0x94: {  	_ =	strace s2  }
0x95: {  	s2 =	sld [smem:$0x3FFD];
	_ =	sdelay $0x3  }
0x96: {  	_ =	strace s2  }
0x97: {  	_ =	strace $0x8FFFFFFF  }
0x98: {  	s18 =	sld [smem:$0x3FDB];
	_ =	sdelay $0x1  }
0x99: {  	s19 =	simm.s32 $_scs_section_size  }
0x9a: {  	s4 =	simm.s32 $_size__tile_overlayer_lowered;
	s5 =	simm.s32 $_tile_overlayer_lowered  }
0x9b: {  	s22 =	simm.s32 $0x1BFF;
	s21 =	sshll.u32 s5, $0x1;
	s2 =	sadd.s32 s19, s18  }
0x9c: {  	s6 =	simm.s32 $0x0;
	s20 =	sshll.u32 s4, $0x1;
	s4 =	sadd.s32 s21, s2  }
0x9d: {  	[timem:s6], [sflag:s22] =	dma.local [hbm:s4], s20  }
0x9e: {  	_ =	swait.ge [sflag:s22], s20  }
0x9f: {  	s3 =	ssub.s32 $0x0, s20;
	[sflag:s22] =	ssyncset.done $0x0  }
0xa0: {  	[sflag:s22] =	ssyncadd.s32 s3;
	_ =	sdelay $0x1  }
0xa1: {  	s23 =	simm.s32 $0x1B8B  }
0xa2: {  	_ =	swait.ge [sflag:s23], $0x1  }
0xa3: {  	[sflag:s23] =	ssyncset.done $0x0  }
0xa4: {  	s25 =	simm.s32 $0x1B8E;
	s24 =	sld [smem:$0x3FFE];
	[sflag:s23] =	ssyncadd.s32 $0xFFFFFFFF  }
0xa5: {  	s26 =	simm.s32 $execute0_lowered;
	[smem:$0x3FD2] =	sst s25  }
0xa6: {  	s4 =	sshll.u32 s26, $0x1;
	_ =	strace $0x80000046;
	[dreg:$0x1] =	wrdreg $0xFFFFFFFF  }
0xa7: {  	s28 =	simm.s32 $_size_execute0_lowered;
	s2 =	sadd.s32 s2, s4;
	[dreg:$0x0] =	wrdreg $0x0  }
0xa8: {  	s4 =	sshll.u32 s28, $0x1;
	[dreg:$0x2] =	wrdreg s2  }
0xa9: {  	[dreg:$0x3] =	wrdreg s4  }
0xaa: {  	[dreg:$0x4] =	wrdreg $0xC0  }
0xab: {  	_ =	task [dreg:s6], $0x5FFFF  }
0xac: {  	[dreg:$0x1] =	wrdreg $0xFFFFFFFF  }
0xad: {  	[dreg:$0x0] =	wrdreg $0x60  }
0xae: {  	[dreg:$0x2] =	wrdreg s24  }
0xaf: {  	[dreg:$0x3] =	wrdreg $0x0  }
0xb0: {  	[dreg:$0x4] =	wrdreg $0xA  }
0xb1: {  	_ =	task.clear_ibuf [dreg:s6], $0x5FFFF;
	_ =	strace $0x90000046  }
0xb2: {  	s29 =	simm.s32 $0xA;
	_ =	strace $0x80000048  }
0xb3: {  	_ =	swait.ge [sflag:s29], $0x1  }
0xb4: {  	[sflag:s29] =	ssyncadd.s32 $0xFFFFFFFF  }
0xb5: {  	_ =	strace $0x90000048  }
0xb6: {  	_ =	sfence  }
0xb7: {  	s30 =	sld [smem:$0x0];
	_ =	sdelay $0x2  }
0xb8: {  	s31 =	sshll.u32 s1, $0xD;
	s1 =	sshrl.u32 s1, $0x2  }
0xb9: {  	s3 =	sand.u32 $0x4000, s31;
	s1 =	sadd.s32 s1, s30  }
0xba: {  	s0 =	sor.u32 s3, s0;
	s1 =	sshll.u32 s1, $0x11  }
0xbb: {  	s0 =	sor.u32 s1, s0  }
0xbc: {  	s0 =	sadd.s32 $0x8F2B, s0  }
0xbd: {  	[sflag:s0] =	ssyncadd.remote.s32 $0x1  }
0xbe: {  	_ =	sfence.sel $0xFFFF  }
0xbf: {  	[dreg:$0x0] =	wrdreg $0xFFFFFFFF;
	(pc) =	sbr.abs _section_cstart, $3  }
0xc0: {  	[dreg:$0x1] =	wrdreg $0xFFFFFFFF  }
0xc1: {  	_ =	task.clear_ibuf [dreg:s6], $0x2FFFF;
	_ =	strace $0x9FFFFFFF  }
0xc2: {  	(tm) =	ssettm $0x7FFFFFFF  }
0xc3: {  	_ =	shalt  }
tec
execute0_lowered:
.L_overlay_start_1:
0x0: {  	(tag) =	ssettag $0x1  }
0x1: {  	s0 =	rddreg [dreg:$0x0]  }
0x2: {  	s2 =	rddreg [dreg:$0x1];
	s3 =	simm.s32 $0x0  }
0x3: {  	s10 =	stileid.u32;
	s6 =	srdreg.scid;
	s15 =	simm.s32 $0x6  }
0x4: {  	s16 =	simm.s32 $0x14000;
	s17 =	simm.s32 $0x80;
	s18 =	simm.s32 $0x16A00  }
0x5: {  	s19 =	simm.s32 $0x16800;
	s28 =	simm.s32 $0x1;
	s29 =	simm.s32 $0x3  }
0x6: {  	s30 =	simm.s32 $0x4;
	s31 =	simm.s32 $0x5;
	[smem:$0x7FF] =	sst s3  }
0x7: {  	s1 =	smul.u32 $0x500, s10;
	s4 =	sadd.s32 $0x12800, s0;
	s5 =	sadd.s32 $0x3A800, s0  }
0x8: {  	s7 =	sand.u32 $0x1, s6;
	s8 =	smul.u32 $0x50000, s10;
	s22 =	sadd.s32 $0xB2800, s0  }
0x9: {  	s23 =	sadd.s32 $0xB5000, s0;
	_ =	strace $0x80000047;
	[dreg:$0x3] =	wrdreg s22  }
0xa: {  	s25 =	sshll.u32 s10, $0x6;
	s12 =	smul.u32 $0x2800, s10;
	[dreg:$0x4] =	wrdreg s23  }
0xb: {  	s9 =	ssub.s32 $0x2, s7;
	p0 =	sne.s32 s7, $0x0;
	s22 =	simm.s32 $0x2  }
0xc: {  	s1 =	sadd.s32 s1, s0;
	s0 =	sadd.s32 $0xDD000, s0;
	s24 =	sshrl.u32 s9, $0x1  }
.Ltmp0:
0xd: {  	s8 =	sshrl.u32 s8, $0x2;
	[dreg:$0x5] =	wrdreg s0;
	(pc) =	sbr.rel .LBB2_1-.Ltmp0, $4  }
0xe: {  	s0 =	ssub.s32 s9, s24;
	s8 =	sadd.s32 s8, s2;
	s26 =	sadd.s32 $0x8800, s1  }
0xf: {  	s9 =	sor.u32 $0x1C06, s25;
	s11 =	sadd.s32 $0xD800, s1;
	[dreg:$0x6] =	wrdreg s26  }
0x10: {  	s13 =	smax.u32 s0, $0x1;
	s14 =	sshrl.u32 s8, $0x3;
	s20 =	sadd.s32 $0x10, s11  }
0x11: {  	s25 =	sadd.s32 $0x20, s11;
	s26 =	simm.s32 $0x16900;
	s0 =	simm.s32 $0x0  }
.LBB2_15:
0x12: {  	s1 =	rddreg [dreg:$0x5]  }
.LBB2_16:
0x13: {  	_ =	swait.ge [sflag:s28], $0x4000  }
0x14: {  	[sflag:s28] =	ssyncset.done $0x0  }
0x15: {  	[sflag:s28] =	ssyncadd.s32 $0xFFFFC000  }
0x16: {  	_ =	swait.ge [sflag:s22], $0x80  }
0x17: {  	[sflag:s22] =	ssyncset.done $0x0  }
0x18: {  	[sflag:s22] =	ssyncadd.s32 $0xFFFFFF80  }
0x19: {  	[spmem:s2] =	stream.indirect.scatter.add.f32 [tilespmem:s18], [sflag:$0x4], $0x80, s26, s17, $0xb8;
	[tilespmem:$0x1EA00] =	vst v63  }
0x1a: {  	_ =	swait.ge [sflag:s31], $0x4000  }
0x1b: {  	[sflag:s31] =	ssyncset.done $0x0  }
0x1c: {  	[sflag:s31] =	ssyncadd.s32 $0xFFFFC000  }
0x1d: {  	_ =	swait.ge [sflag:s30], $0x4000  }
0x1e: {  	s0 =	sadd.s32 $0x1, s0;
	[sflag:s30] =	ssyncset.done $0x0  }
0x1f: {  	p1 =	sne.s32 s0, s13;
	[sflag:s30] =	ssyncadd.s32 $0xFFFFC000  }
.Ltmp1:
0x20: {  	s1 =	sadd.s32 s1, s12;
	[bflag:$0x0] =	sbarrier.arrive $0xFFFF;
	(pc) =	sbr.rel @!p1 .LBB2_17-.Ltmp1, $4  }
0x21: {  	[hbm:s1], [sflag:s9] =	dma.local [spmem:s14], $0x2800  }
0x22: {  	_ =	swait.ge [sflag:s15], $0x2800  }
0x23: {  	[sflag:s15] =	ssyncset.done $0x0  }
0x24: {  	[sflag:s15] =	ssyncadd.s32 $0xFFFFD800  }
.LBB2_1:
0x25: {  	s1 =	rddreg [dreg:$0x3]  }
0x26: {  	[spmem:s14], [sflag:s9] =	dma.local [hbm:s1], $0x2800  }
0x27: {  	_ =	swait.ge [sflag:s15], $0x2800  }
0x28: {  	[sflag:s15] =	ssyncset.done $0x0  }
0x29: {  	s24 =	rddreg [dreg:$0x6];
	[sflag:s15] =	ssyncadd.s32 $0xFFFFD800  }
0x2a: {  	[tilespmem:s16], [sflag:$0x6] =	stream.linear.gather [hbm4b:s24+s3], $0x2780, $0x38;
	[tilespmem:$0x1EA00] =	vst v63  }
.Ltmp2:
0x2b: {  	_ =	swait.ge [sflag:s15], $0x2780;
	(pc) =	sbr.rel @p0 .LBB2_9-.Ltmp2, $3  }
0x2c: {  	[sflag:s15] =	ssyncset.done $0x0  }
0x2d: {  	[sflag:s15] =	ssyncadd.s32 $0xFFFFD880  }
0x2e: {  	[bflag:$0x0] =	sbarrier.arrive $0xFFFF;
	_ =	sdelay $0x1  }
0x2f: {  	[tilespmem:s18], [sflag:$0x1] =	stream.indirect.gather [hbm4b:s4+s17], $0x80, s16, s17, $0xb8;
	[tilespmem:$0x1EA00] =	vst v63  }
0x30: {  	_ = 	snop  }
0x31: {  	[tilespmem:s19], [sflag:$0x2] =	stream.linear.gather [hbm4b:s11+s3], $0x80, $0x38;
	[tilespmem:$0x1EA00] =	vst v63  }
0x32: {  	s1 =	simm.s32 $0x16880  }
0x33: {  	[tilespmem:s1], [sflag:$0x3] =	stream.linear.gather [hbm4b:s20+s3], $0x80, $0x38;
	[tilespmem:$0x1EA00] =	vst v63  }
0x34: {  	s1 =	simm.s32 $0x1  }
0x35: {  	_ =	swait.ge [sflag:s1], $0x4000  }
0x36: {  	[sflag:s1] =	ssyncset.done $0x0  }
0x37: {  	[sflag:s1] =	ssyncadd.s32 $0xFFFFC000  }
0x38: {  	_ =	swait.ge [sflag:s22], $0x80  }
0x39: {  	[sflag:s22] =	ssyncset.done $0x0  }
0x3a: {  	[sflag:s22] =	ssyncadd.s32 $0xFFFFFF80  }
0x3b: {  	[spmem:s2] =	stream.indirect.scatter.add.f32 [tilespmem:s18], [sflag:$0x4], $0x80, s19, s17, $0xb8;
	[tilespmem:$0x1EA00] =	vst v63  }
.Ltmp3:
0x3c: {  	_ = 	snop;
	(pc) =	sbr.rel .LBB2_3-.Ltmp3, $4  }
0x3d: {  	s6 =	simm.s32 $0x14080;
	s7 =	simm.s32 $0x1AA00  }
0x3e: {  	[tilespmem:s7], [sflag:$0x1] =	stream.indirect.gather [hbm4b:s4+s17], $0x80, s6, s17, $0xb8;
	[tilespmem:$0x1EA00] =	vst v63  }
0x3f: {  	s7 =	simm.s32 $0x14100  }
0x40: {  	[tilespmem:s26], [sflag:$0x2] =	stream.linear.gather [hbm4b:s25+s3], $0x80, $0x38;
	[tilespmem:$0x1EA00] =	vst v63  }
.LBB2_6:
0x41: {  	_ =	swait.ge [sflag:s31], $0x4000  }
0x42: {  	[sflag:s31] =	ssyncset.done $0x0  }
0x43: {  	[sflag:s31] =	ssyncadd.s32 $0xFFFFC000  }
.LBB2_7:
0x44: {  	s6 =	ssub.s32 $0x1AA00, s21;
	p2 =	sgt.u32 s1, $0x4C  }
0x45: {  	[tilespmem:s6], [sflag:$0x1] =	stream.indirect.gather [hbm4b:s4+s17], $0x80, s7, s17, $0xb8;
	[tilespmem:$0x1EA00] =	vst v63  }
0x46: {  	s24 =	smin.u32 s1, $0x4C;
	p1 =	por !p1, !p1;
	p3 =	sne.s32 @!p2 s8, $0x0  }
0x47: {  	s1 =	sadd.s32 $0x1, s1;
	s6 =	sadd.s32 $0x2, s24;
	p3 =	por p3, p2  }
0x48: {  	p1 =	por p2, p1;
	s8 =	sand.u32 $0x3, s6;
	s10 =	sshll.u32 @!p3 s6, $0x4  }
0x49: {  	s21 =	sshll.u32 @!p3 s8, $0x7;
	s23 =	simm.s32 @!p3 $0x0;
	s6 =	sshll.u32 @!p1 s6, $0x4  }
0x4a: {  	s8 =	sshll.u32 @!p1 s8, $0x7;
	s21 =	sor.u32 @!p3 $0x16800, s21;
	s10 =	sadd.s32 @!p3 s11, s10  }
0x4b: {  	[tilespmem:s21], [sflag:$0x2] =	stream.linear.gather @!p3 [hbm4b:s10+s23], $0x80, $0x38;
	[tilespmem:$0x1EA00] =	vst v63  }
0x4c: {  	s8 =	sor.u32 @!p1 $0x16800, s8;
	s6 =	sadd.s32 @!p1 s11, s6;
	s10 =	simm.s32 @!p1 $0x0  }
0x4d: {  	[tilespmem:s8], [sflag:$0x3] =	stream.linear.gather @!p1 [hbm4b:s6+s10], $0x80, $0x38;
	[tilespmem:$0x1EA00] =	vst v63  }
0x4e: {  	p1 =	seq.s32 s1, $0x4E  }
.Ltmp4:
0x4f: {  	_ = 	snop;
	(pc) =	sbr.rel @p1 .LBB2_8-.Ltmp4, $2  }
0x50: {  	_ =	sdelay $0x2  }
0x51: {  	s7 =	sadd.s32 $0x80, s7  }
.LBB2_3:
0x52: {  	s8 =	sand.u32 $0x1, s1;
	_ =	swait.ge [sflag:s28], $0x4000  }
0x53: {  	[sflag:s28] =	ssyncset.done $0x0;
	p1 =	seq.s32 s8, $0x1;
	p2 =	seq.s32 s8, $0x0  }
.Ltmp5:
0x54: {  	[sflag:s28] =	ssyncadd.s32 $0xFFFFC000;
	s6 =	simm.s32 @!p1 $0x2;
	(pc) =	sbr.rel @p2 .LBB2_5-.Ltmp5, $4  }
0x55: {  	s24 =	sand.u32 $0x3, s1;
	s21 =	sshll.u32 s8, $0xE;
	_ =	swait.ge @!p1 [sflag:s6], $0x80  }
0x56: {  	s23 =	sadd.s32 $0x16A00, s21;
	s10 =	sshll.u32 @!p1 s24, $0x7;
	[sflag:s6] =	ssyncset.done @!p1 $0x0  }
0x57: {  	s10 =	sor.u32 @!p1 $0x16800, s10;
	[sflag:s6] =	ssyncadd.s32 @!p1 $0xFFFFFF80;
	s6 =	simm.s32 @!p1 $0x80  }
0x58: {  	[spmem:s2] =	stream.indirect.scatter.add.f32 @!p1 [tilespmem:s23], [sflag:$0x4], $0x80, s10, s6, $0xb8;
	[tilespmem:$0x1EA00] =	vst v63  }
0x59: {  	_ =	swait.ge [sflag:s29], $0x80  }
0x5a: {  	s6 =	sshll.u32 s24, $0x7;
	[sflag:s29] =	ssyncset.done $0x0  }
0x5b: {  	s6 =	sor.u32 $0x16800, s6;
	[sflag:s29] =	ssyncadd.s32 $0xFFFFFF80  }
0x5c: {  	[spmem:s2] =	stream.indirect.scatter.add.f32 [tilespmem:s23], [sflag:$0x5], $0x80, s6, s17, $0xb8;
	[tilespmem:$0x1EA00] =	vst v63  }
.Ltmp6:
0x5d: {  	_ = 	snop;
	(pc) =	sbr.rel @p2 .LBB2_6-.Ltmp6, $4  }
.Ltmp7:
0x5e: {  	_ = 	snop;
	(pc) =	sbr.rel @!p2 .LBB2_7-.Ltmp7, $4  }
0x5f: {  	_ =	swait.ge [sflag:s30], $0x4000  }
0x60: {  	[sflag:s30] =	ssyncset.done $0x0  }
0x61: {  	[sflag:s30] =	ssyncadd.s32 $0xFFFFC000  }
0x62: {  	_ = 	snop  }
.LBB2_5:
0x63: {  	p2 =	sne.s32 s8, $0x0  }
.Ltmp8:
0x64: {  	_ = 	snop;
	(pc) =	sbr.rel @p2 .LBB2_7-.Ltmp8, $4  }
.Ltmp9:
0x65: {  	_ = 	snop;
	(pc) =	sbr.rel @!p2 .LBB2_6-.Ltmp9, $4  }
0x66: {  	_ = 	snop  }
0x67: {  	_ = 	snop  }
0x68: {  	_ = 	snop  }
0x69: {  	_ = 	snop  }
.LBB2_9:
0x6a: {  	[tilespmem:s18], [sflag:$0x1] =	stream.indirect.gather [hbm4b:s5+s17], $0x80, s16, s17, $0xb8;
	[tilespmem:$0x1EA00] =	vst v63  }
0x6b: {  	_ = 	snop  }
0x6c: {  	[tilespmem:s19], [sflag:$0x2] =	stream.linear.gather [hbm4b:s11+s3], $0x80, $0x38;
	[tilespmem:$0x1EA00] =	vst v63  }
0x6d: {  	s1 =	simm.s32 $0x16880  }
0x6e: {  	[tilespmem:s1], [sflag:$0x3] =	stream.linear.gather [hbm4b:s20+s3], $0x80, $0x38;
	[tilespmem:$0x1EA00] =	vst v63  }
0x6f: {  	s1 =	simm.s32 $0x1  }
0x70: {  	_ =	swait.ge [sflag:s1], $0x4000  }
0x71: {  	[sflag:s1] =	ssyncset.done $0x0  }
0x72: {  	[sflag:s1] =	ssyncadd.s32 $0xFFFFC000  }
0x73: {  	_ =	swait.ge [sflag:s22], $0x80  }
0x74: {  	[sflag:s22] =	ssyncset.done $0x0  }
0x75: {  	[sflag:s22] =	ssyncadd.s32 $0xFFFFFF80  }
0x76: {  	[spmem:s2] =	stream.indirect.scatter.add.f32 [tilespmem:s18], [sflag:$0x4], $0x80, s19, s17, $0xb8;
	[tilespmem:$0x1EA00] =	vst v63  }
.Ltmp10:
0x77: {  	_ = 	snop;
	(pc) =	sbr.rel .LBB2_10-.Ltmp10, $4  }
0x78: {  	s6 =	simm.s32 $0x14080;
	s7 =	simm.s32 $0x1AA00  }
0x79: {  	[tilespmem:s7], [sflag:$0x1] =	stream.indirect.gather [hbm4b:s5+s17], $0x80, s6, s17, $0xb8;
	[tilespmem:$0x1EA00] =	vst v63  }
0x7a: {  	s7 =	simm.s32 $0x14100  }
0x7b: {  	[tilespmem:s26], [sflag:$0x2] =	stream.linear.gather [hbm4b:s25+s3], $0x80, $0x38;
	[tilespmem:$0x1EA00] =	vst v63  }
.LBB2_13:
0x7c: {  	_ =	swait.ge [sflag:s31], $0x4000  }
0x7d: {  	[sflag:s31] =	ssyncset.done $0x0  }
0x7e: {  	[sflag:s31] =	ssyncadd.s32 $0xFFFFC000  }
.LBB2_14:
0x7f: {  	s6 =	ssub.s32 $0x1AA00, s21;
	p2 =	sgt.u32 s1, $0x4C  }
0x80: {  	[tilespmem:s6], [sflag:$0x1] =	stream.indirect.gather [hbm4b:s5+s17], $0x80, s7, s17, $0xb8;
	[tilespmem:$0x1EA00] =	vst v63  }
0x81: {  	s24 =	smin.u32 s1, $0x4C;
	p1 =	por !p1, !p1;
	p3 =	sne.s32 @!p2 s8, $0x0  }
0x82: {  	s1 =	sadd.s32 $0x1, s1;
	s6 =	sadd.s32 $0x2, s24;
	p3 =	por p3, p2  }
0x83: {  	p1 =	por p2, p1;
	s8 =	sand.u32 $0x3, s6;
	s10 =	sshll.u32 @!p3 s6, $0x4  }
0x84: {  	s21 =	sshll.u32 @!p3 s8, $0x7;
	s23 =	simm.s32 @!p3 $0x0;
	s6 =	sshll.u32 @!p1 s6, $0x4  }
0x85: {  	s8 =	sshll.u32 @!p1 s8, $0x7;
	s21 =	sor.u32 @!p3 $0x16800, s21;
	s10 =	sadd.s32 @!p3 s11, s10  }
0x86: {  	[tilespmem:s21], [sflag:$0x2] =	stream.linear.gather @!p3 [hbm4b:s10+s23], $0x80, $0x38;
	[tilespmem:$0x1EA00] =	vst v63  }
0x87: {  	s8 =	sor.u32 @!p1 $0x16800, s8;
	s6 =	sadd.s32 @!p1 s11, s6;
	s10 =	simm.s32 @!p1 $0x0  }
0x88: {  	[tilespmem:s8], [sflag:$0x3] =	stream.linear.gather @!p1 [hbm4b:s6+s10], $0x80, $0x38;
	[tilespmem:$0x1EA00] =	vst v63  }
0x89: {  	p1 =	sne.s32 s1, $0x4E  }
.Ltmp11:
0x8a: {  	_ = 	snop;
	(pc) =	sbr.rel @!p1 .LBB2_15-.Ltmp11, $2  }
0x8b: {  	_ =	sdelay $0x2  }
0x8c: {  	s7 =	sadd.s32 $0x80, s7  }
.LBB2_10:
0x8d: {  	s8 =	sand.u32 $0x1, s1;
	_ =	swait.ge [sflag:s28], $0x4000  }
0x8e: {  	[sflag:s28] =	ssyncset.done $0x0;
	p1 =	seq.s32 s8, $0x1;
	p2 =	seq.s32 s8, $0x0  }
.Ltmp12:
0x8f: {  	[sflag:s28] =	ssyncadd.s32 $0xFFFFC000;
	s6 =	simm.s32 @!p1 $0x2;
	(pc) =	sbr.rel @p2 .LBB2_12-.Ltmp12, $4  }
0x90: {  	s24 =	sand.u32 $0x3, s1;
	s21 =	sshll.u32 s8, $0xE;
	_ =	swait.ge @!p1 [sflag:s6], $0x80  }
0x91: {  	s23 =	sadd.s32 $0x16A00, s21;
	s10 =	sshll.u32 @!p1 s24, $0x7;
	[sflag:s6] =	ssyncset.done @!p1 $0x0  }
0x92: {  	s10 =	sor.u32 @!p1 $0x16800, s10;
	[sflag:s6] =	ssyncadd.s32 @!p1 $0xFFFFFF80;
	s6 =	simm.s32 @!p1 $0x80  }
0x93: {  	[spmem:s2] =	stream.indirect.scatter.add.f32 @!p1 [tilespmem:s23], [sflag:$0x4], $0x80, s10, s6, $0xb8;
	[tilespmem:$0x1EA00] =	vst v63  }
0x94: {  	_ =	swait.ge [sflag:s29], $0x80  }
0x95: {  	s6 =	sshll.u32 s24, $0x7;
	[sflag:s29] =	ssyncset.done $0x0  }
0x96: {  	s6 =	sor.u32 $0x16800, s6;
	[sflag:s29] =	ssyncadd.s32 $0xFFFFFF80  }
0x97: {  	[spmem:s2] =	stream.indirect.scatter.add.f32 [tilespmem:s23], [sflag:$0x5], $0x80, s6, s17, $0xb8;
	[tilespmem:$0x1EA00] =	vst v63  }
.Ltmp13:
0x98: {  	_ = 	snop;
	(pc) =	sbr.rel @p2 .LBB2_13-.Ltmp13, $4  }
.Ltmp14:
0x99: {  	_ = 	snop;
	(pc) =	sbr.rel @!p2 .LBB2_14-.Ltmp14, $4  }
0x9a: {  	_ =	swait.ge [sflag:s30], $0x4000  }
0x9b: {  	[sflag:s30] =	ssyncset.done $0x0  }
0x9c: {  	[sflag:s30] =	ssyncadd.s32 $0xFFFFC000  }
0x9d: {  	_ = 	snop  }
.LBB2_12:
0x9e: {  	p2 =	sne.s32 s8, $0x0  }
.Ltmp15:
0x9f: {  	_ = 	snop;
	(pc) =	sbr.rel @p2 .LBB2_14-.Ltmp15, $4  }
.Ltmp16:
0xa0: {  	_ = 	snop;
	(pc) =	sbr.rel @!p2 .LBB2_13-.Ltmp16, $4  }
0xa1: {  	_ = 	snop  }
0xa2: {  	_ = 	snop  }
0xa3: {  	_ = 	snop  }
0xa4: {  	_ = 	snop  }
.LBB2_8:
.Ltmp17:
0xa5: {  	(pc) =	sbr.rel .LBB2_16-.Ltmp17, $2  }
0xa6: {  	_ =	sdelay $0x2  }
0xa7: {  	s1 =	rddreg [dreg:$0x4]  }
.LBB2_17:
0xa8: {  	_ =	sfence.sel $0x180000  }
0xa9: {  	[bflag:$0x0] =	sbarrier.arrive $0xFFFF  }
0xaa: {  	_ =	strace $0x90000047  }
0xab: {  	s0 =	stileid.u32;
	[bflag:$0x2] =	sbarrier.arrive $0xFFFF  }
0xac: {  	p0 =	sne.s32 s0, $0x0;
	s0 =	rddreg [dreg:$0x2]  }
0xad: {  	s0 =	sadd.s32 @!p0 $0x100000, s0  }
0xae: {  	[sflag:s0] =	ssyncadd.tile.s32 @!p0 $0x1;
	_ =	shalt  }
.Lfunc_end2:
_tile_overlayer_lowered:
.L_overlay_start_2:
0xaf: {  	(tag) =	ssettag $0x2  }
0xb0: {  	s0 =	rddreg [dreg:$0x0];
	s2 =	stileid.u32  }
0xb1: {  	s1 =	rddreg [dreg:$0x1];
	p0 =	sne.s32 s2, $0x0  }
0xb2: {  	s3 =	rddreg [dreg:$0x2];
	[bflag:$0x3] =	sbarrier.arrive $0xFFFF;
	s2 =	simm.s32 @!p0 $0x1C06  }
0xb3: {  	[timem:s3], [sflag:s2] =	dma.local @!p0 [hbm:s0], s1  }
0xb4: {  	s0 =	simm.s32 @!p0 $0x6  }
0xb5: {  	_ =	swait.ge @!p0 [sflag:s0], s1  }
0xb6: {  	s1 =	ssub.s32 @!p0 $0x0, s1;
	[sflag:s0] =	ssyncset.done @!p0 $0x0  }
0xb7: {  	[sflag:s0] =	ssyncadd.s32 @!p0 s1  }
0xb8: {  	[bflag:$0x3] =	sbarrier.arrive $0xFFFF  }
0xb9: {  	_ =	shalt  }

// kernel: kernel.18.cloned.1.call-start
scs
__scs_entry_jumppad:
0x0: {  	(pc) =	sbr.rel $0x88, $3  }
0x1: {  	(tag) =	ssettag $0x0;
	lr =	simm.s32 $0x1  }
0x2: {  	[smem:$0x3F7F] =	sst lr;
	_ =	strace $0xD0000000  }
0x3: {  	_ = 	snop  }
0x4: {  	_ = 	snop  }
0x5: {  	_ = 	snop  }
0x6: {  	_ = 	snop  }
0x7: {  	_ = 	snop  }
__scs_overlays_trampoline_lowered:
0x8: {  	[smem:$0x3F8E] =	sst s0  }
0x9: {  	[smem:$0x3F8F] =	sst s1  }
0xa: {  	[smem:$0x3F90] =	sst s2  }
0xb: {  	[smem:$0x3F91] =	sst s3  }
0xc: {  	[smem:$0x3F92] =	sst s4  }
0xd: {  	[smem:$0x3F93] =	sst s5  }
0xe: {  	[smem:$0x3F94] =	sst s6  }
0xf: {  	[smem:$0x3F95] =	sst s7  }
0x10: {  	[smem:$0x3F96] =	sst s8  }
0x11: {  	[smem:$0x3F97] =	sst s9;
	s0 =	simm.s32 @!p0 $0x0  }
0x12: {  	s1 =	sld [smem:$0x3F7D];
	s0 =	simm.s32 @p0 $0x1  }
0x13: {  	[smem:$0x3F98] =	sst s0;
	s0 =	simm.s32 @!p1 $0x0  }
0x14: {  	s2 =	sld [smem:$0x3F7C];
	s0 =	simm.s32 @p1 $0x1  }
0x15: {  	[smem:$0x3F99] =	sst s0;
	s0 =	simm.s32 @!p2 $0x0  }
0x16: {  	s3 =	sld [smem:$0x3FDB];
	s0 =	simm.s32 @p2 $0x1  }
0x17: {  	s4 =	simm.s32 $0x1BF5;
	[smem:$0x3F9B] =	sst s0  }
0x18: {  	s0 =	sld [smem:$0x3F7E];
	_ =	swait.ge [sflag:s4], $0x0  }
0x19: {  	s7 =	sld [smem:$0x3F7F]  }
0x1a: {  	s8 =	sadd.s32 $0xFFFFE003, lr  }
0x1b: {  	s9 =	sadd.s32 $0xFFFFFEF7, lr;
	s5 =	simm.s32 $0xFFFFFFFF;
	p2 =	slt.u32 s8, $0xFFFFF086  }
0x1c: {  	p1 =	slt.u32 s9, $0xF7A;
	s5 =	simm.s32 @!p2 $0x0  }
0x1d: {  	s5 =	simm.s32 @p1 $0x1;
	p0 =	seq.s32 s7, s2  }
0x1e: {  	s7 =	smul.u32 @!p0 $0xF7A, s2;
	p2 =	seq.s32 @!p0 s5, $0x0  }
0x1f: {  	s9 =	smul.u32 $0xF7A, s1;
	s8 =	simm.s32 @!p0 $0x1BF5;
	p2 =	por !p2, p0  }
0x20: {  	[sflag:s8] =	ssyncset.s32 @!p0 $0xFFFFF086;
	s6 =	sadd.s32 @!p0 s3, s7;
	s7 =	simm.s32 @!p0 $0x108  }
0x21: {  	s3 =	sadd.s32 s3, s9;
	s6 =	sadd.s32 @!p0 $0x88, s6;
	s7 =	simm.s32 @p2 $0x1082  }
0x22: {  	[simem:s7], [sflag:s8] =	dma.local @!p0 [hbm:s6], $0xF7A  }
0x23: {  	s9 =	sor.u32 $0xD0000000, s2;
	s6 =	simm.s32 $0x108;
	_ =	swait.ge @!p0 [sflag:s8], $0x0  }
0x24: {  	s3 =	sadd.s32 $0x88, s3;
	s6 =	simm.s32 @!p1 $0x1082;
	[sflag:s4] =	ssyncset.s32 $0xFFFFF086  }
0x25: {  	[simem:s6], [sflag:s4] =	dma.local [hbm:s3], $0xF7A  }
0x26: {  	[smem:$0x3F7F] =	sst s1;
	(tag) =	ssettag s2;
	_ =	strace s9  }
0x27: {  	s1 =	sld [smem:$0x3F8F]  }
0x28: {  	s2 =	sld [smem:$0x3F90]  }
0x29: {  	s4 =	sld [smem:$0x3F92]  }
0x2a: {  	p0 =	seq.s32 s5, $0x0;
	s5 =	sld [smem:$0x3F93]  }
0x2b: {  	s6 =	sld [smem:$0x3F94]  }
0x2c: {  	s7 =	sld [smem:$0x3F95]  }
0x2d: {  	s3 =	simm.s32 $0x108;
	s8 =	sld [smem:$0x3F96]  }
0x2e: {  	s3 =	simm.s32 @!p0 $0x1082;
	s9 =	sld [smem:$0x3F97]  }
0x2f: {  	lr =	sadd.s32 s0, s3;
	s0 =	sld [smem:$0x3F8E]  }
0x30: {  	s3 =	sld [smem:$0x3F91]  }
0x31: {  	[smem:$0x3F9A] =	sst s10  }
0x32: {  	s10 =	sld [smem:$0x3F98];
	_ =	sdelay $0x3  }
0x33: {  	p0 =	seq.s32 s10, $0x1;
	s10 =	sld [smem:$0x3F9A];
	_ =	sdelay $0x3  }
0x34: {  	[smem:$0x3F9A] =	sst s10  }
0x35: {  	s10 =	sld [smem:$0x3F99];
	_ =	sdelay $0x3  }
0x36: {  	p1 =	seq.s32 s10, $0x1;
	s10 =	sld [smem:$0x3F9A];
	_ =	sdelay $0x3  }
0x37: {  	[smem:$0x3F9A] =	sst s10  }
0x38: {  	s10 =	sld [smem:$0x3F9B]  }
0x39: {  	_ = 	snop;
	(pc) =	sbr.ind lr, $3  }
0x3a: {  	_ = 	snop  }
0x3b: {  	_ = 	snop  }
0x3c: {  	p2 =	seq.s32 s10, $0x1;
	s10 =	sld [smem:$0x3F9A]  }
0x3d: {  	_ =	shalt  }
0x3e: {  	_ =	shalt  }
0x3f: {  	_ =	shalt  }
0x40: {  	_ =	shalt  }
0x41: {  	_ =	shalt  }
0x42: {  	_ =	shalt  }
0x43: {  	_ =	shalt  }
0x44: {  	_ =	shalt  }
0x45: {  	_ =	shalt  }
0x46: {  	_ =	shalt  }
0x47: {  	_ =	shalt  }
0x48: {  	_ =	shalt  }
0x49: {  	_ =	shalt  }
0x4a: {  	_ =	shalt  }
0x4b: {  	_ =	shalt  }
0x4c: {  	_ =	shalt  }
0x4d: {  	_ =	shalt  }
0x4e: {  	_ =	shalt  }
0x4f: {  	_ =	shalt  }
0x50: {  	_ =	shalt  }
0x51: {  	_ =	shalt  }
0x52: {  	_ =	shalt  }
0x53: {  	_ =	shalt  }
0x54: {  	_ =	shalt  }
0x55: {  	_ =	shalt  }
0x56: {  	_ =	shalt  }
0x57: {  	_ =	shalt  }
0x58: {  	_ =	shalt  }
0x59: {  	_ =	shalt  }
0x5a: {  	_ =	shalt  }
0x5b: {  	_ =	shalt  }
0x5c: {  	_ =	shalt  }
0x5d: {  	_ =	shalt  }
0x5e: {  	_ =	shalt  }
0x5f: {  	_ =	shalt  }
0x60: {  	_ =	shalt  }
0x61: {  	_ =	shalt  }
0x62: {  	_ =	shalt  }
0x63: {  	_ =	shalt  }
0x64: {  	_ =	shalt  }
0x65: {  	_ =	shalt  }
0x66: {  	_ =	shalt  }
0x67: {  	_ =	shalt  }
0x68: {  	_ =	shalt  }
0x69: {  	_ =	shalt  }
0x6a: {  	_ =	shalt  }
0x6b: {  	_ =	shalt  }
0x6c: {  	_ =	shalt  }
0x6d: {  	_ =	shalt  }
0x6e: {  	_ =	shalt  }
0x6f: {  	_ =	shalt  }
0x70: {  	_ =	shalt  }
0x71: {  	_ =	shalt  }
0x72: {  	_ =	shalt  }
0x73: {  	_ =	shalt  }
0x74: {  	_ =	shalt  }
0x75: {  	_ =	shalt  }
0x76: {  	_ =	shalt  }
0x77: {  	_ =	shalt  }
0x78: {  	_ =	shalt  }
0x79: {  	_ =	shalt  }
0x7a: {  	_ =	shalt  }
0x7b: {  	_ =	shalt  }
0x7c: {  	_ =	shalt  }
0x7d: {  	_ =	shalt  }
0x7e: {  	_ =	shalt  }
0x7f: {  	_ =	shalt  }
0x80: {  	_ =	shalt  }
0x81: {  	_ =	shalt  }
0x82: {  	_ =	shalt  }
0x83: {  	_ =	shalt  }
0x84: {  	_ =	shalt  }
0x85: {  	_ =	shalt  }
0x86: {  	_ =	shalt  }
0x87: {  	_ =	shalt  }
.Lfunc_end0:
.L_simem_size_0:
called_computation.2_lowered:
.L_overlay_start_0:
0x88: {  	s2 =	sld [smem:$0x3FD9]  }
0x89: {  	s3 =	sld [smem:$0x3FFE];
	_ =	sdelay $0x1  }
0x8a: {  	s1 =	srdreg.scid  }
0x8b: {  	s0 =	sand.u32 $0x1, s1  }
0x8c: {  	s16 =	sshll.u32 s0, $0xA;
	s2 =	sadd.s32 s3, s2  }
0x8d: {  	s2 =	sadd.s32 s2, s16  }
0x8e: {  	[smem:$0x3FA6] =	sst s2  }
0x8f: {  	_ = 	snop  }
0x90: {  	(tm) =	ssettm $0x1  }
0x91: {  	s17 =	sld [smem:$0x3FFB];
	_ =	sdelay $0x3  }
0x92: {  	_ =	strace s17  }
0x93: {  	s2 =	sld [smem:$0x3FFC];
	_ =	sdelay $0x3  }
0x94: {  	_ =	strace s2  }
0x95: {  	s2 =	sld [smem:$0x3FFD];
	_ =	sdelay $0x3  }
0x96: {  	_ =	strace s2  }
0x97: {  	_ =	strace $0x8FFFFFFF  }
0x98: {  	s18 =	sld [smem:$0x3FDB];
	_ =	sdelay $0x1  }
0x99: {  	s19 =	simm.s32 $_scs_section_size  }
0x9a: {  	s4 =	simm.s32 $_size__tile_overlayer_lowered;
	s5 =	simm.s32 $_tile_overlayer_lowered  }
0x9b: {  	s22 =	simm.s32 $0x1BFF;
	s21 =	sshll.u32 s5, $0x1;
	s2 =	sadd.s32 s19, s18  }
0x9c: {  	s6 =	simm.s32 $0x0;
	s20 =	sshll.u32 s4, $0x1;
	s4 =	sadd.s32 s21, s2  }
0x9d: {  	[timem:s6], [sflag:s22] =	dma.local [hbm:s4], s20  }
0x9e: {  	_ =	swait.ge [sflag:s22], s20  }
0x9f: {  	s3 =	ssub.s32 $0x0, s20;
	[sflag:s22] =	ssyncset.done $0x0  }
0xa0: {  	[sflag:s22] =	ssyncadd.s32 s3;
	_ =	sdelay $0x1  }
0xa1: {  	s23 =	simm.s32 $0x1B8B  }
0xa2: {  	_ =	swait.ge [sflag:s23], $0x1  }
0xa3: {  	[sflag:s23] =	ssyncset.done $0x0  }
0xa4: {  	s25 =	simm.s32 $0x1B8E;
	s24 =	sld [smem:$0x3FFE];
	[sflag:s23] =	ssyncadd.s32 $0xFFFFFFFF  }
0xa5: {  	s26 =	simm.s32 $execute0_lowered;
	[smem:$0x3FD2] =	sst s25  }
0xa6: {  	s4 =	sshll.u32 s26, $0x1;
	_ =	strace $0x8000004C;
	[dreg:$0x1] =	wrdreg $0xFFFFFFFF  }
0xa7: {  	s28 =	simm.s32 $_size_execute0_lowered;
	s2 =	sadd.s32 s2, s4;
	[dreg:$0x0] =	wrdreg $0x0  }
0xa8: {  	s4 =	sshll.u32 s28, $0x1;
	[dreg:$0x2] =	wrdreg s2  }
0xa9: {  	[dreg:$0x3] =	wrdreg s4  }
0xaa: {  	[dreg:$0x4] =	wrdreg $0xC0  }
0xab: {  	_ =	task [dreg:s6], $0x5FFFF  }
0xac: {  	[dreg:$0x1] =	wrdreg $0xFFFFFFFF  }
0xad: {  	[dreg:$0x0] =	wrdreg $0x60  }
0xae: {  	[dreg:$0x2] =	wrdreg s24  }
0xaf: {  	[dreg:$0x3] =	wrdreg $0x0  }
0xb0: {  	[dreg:$0x4] =	wrdreg $0x9  }
0xb1: {  	_ =	task.clear_ibuf [dreg:s6], $0x5FFFF;
	_ =	strace $0x9000004C  }
0xb2: {  	s29 =	simm.s32 $0x9;
	_ =	strace $0x8000004E  }
0xb3: {  	_ =	swait.ge [sflag:s29], $0x1  }
0xb4: {  	[sflag:s29] =	ssyncadd.s32 $0xFFFFFFFF  }
0xb5: {  	_ =	strace $0x9000004E  }
0xb6: {  	_ =	sfence  }
0xb7: {  	s30 =	sld [smem:$0x0];
	_ =	sdelay $0x2  }
0xb8: {  	s31 =	sshll.u32 s1, $0xD;
	s1 =	sshrl.u32 s1, $0x2  }
0xb9: {  	s3 =	sand.u32 $0x4000, s31;
	s1 =	sadd.s32 s1, s30  }
0xba: {  	s0 =	sor.u32 s3, s0;
	s1 =	sshll.u32 s1, $0x11  }
0xbb: {  	s0 =	sor.u32 s1, s0  }
0xbc: {  	s0 =	sadd.s32 $0x8F2B, s0  }
0xbd: {  	[sflag:s0] =	ssyncadd.remote.s32 $0x1  }
0xbe: {  	_ =	sfence.sel $0xFFFF  }
0xbf: {  	[dreg:$0x0] =	wrdreg $0xFFFFFFFF;
	(pc) =	sbr.abs _section_cstart, $3  }
0xc0: {  	[dreg:$0x1] =	wrdreg $0xFFFFFFFF  }
0xc1: {  	_ =	task.clear_ibuf [dreg:s6], $0x2FFFF;
	_ =	strace $0x9FFFFFFF  }
0xc2: {  	(tm) =	ssettm $0x7FFFFFFF  }
0xc3: {  	_ =	shalt  }
tec
execute0_lowered:
.L_overlay_start_1:
0x0: {  	(tag) =	ssettag $0x1  }
0x1: {  	s0 =	rddreg [dreg:$0x0]  }
0x2: {  	s2 =	rddreg [dreg:$0x1];
	s3 =	simm.s32 $0x0  }
0x3: {  	s10 =	stileid.u32;
	s6 =	srdreg.scid;
	s15 =	simm.s32 $0x6  }
0x4: {  	s16 =	simm.s32 $0x14000;
	s17 =	simm.s32 $0x80;
	s18 =	simm.s32 $0x16A00  }
0x5: {  	s19 =	simm.s32 $0x16800;
	s28 =	simm.s32 $0x1;
	s29 =	simm.s32 $0x3  }
0x6: {  	s30 =	simm.s32 $0x4;
	s31 =	simm.s32 $0x5;
	[smem:$0x7FF] =	sst s3  }
0x7: {  	s1 =	smul.u32 $0x500, s10;
	s4 =	sadd.s32 $0x62800, s0;
	s5 =	sadd.s32 $0x8A800, s0  }
0x8: {  	s7 =	sand.u32 $0x1, s6;
	s8 =	smul.u32 $0x50000, s10;
	s22 =	sadd.s32 $0xB2800, s0  }
0x9: {  	s23 =	sadd.s32 $0x155800, s0;
	_ =	strace $0x8000004D;
	[dreg:$0x3] =	wrdreg s22  }
0xa: {  	s25 =	sshll.u32 s10, $0x6;
	s12 =	smul.u32 $0x2800, s10;
	[dreg:$0x4] =	wrdreg s23  }
0xb: {  	s9 =	ssub.s32 $0x2, s7;
	p0 =	sne.s32 s7, $0x0;
	s22 =	simm.s32 $0x2  }
0xc: {  	s1 =	sadd.s32 s1, s0;
	s0 =	sadd.s32 $0x17D800, s0;
	s24 =	sshrl.u32 s9, $0x1  }
.Ltmp0:
0xd: {  	s8 =	sshrl.u32 s8, $0x2;
	[dreg:$0x5] =	wrdreg s0;
	(pc) =	sbr.rel .LBB2_1-.Ltmp0, $4  }
0xe: {  	s0 =	ssub.s32 s9, s24;
	s8 =	sadd.s32 s8, s2;
	s26 =	sadd.s32 $0x8800, s1  }
0xf: {  	s9 =	sor.u32 $0x1C06, s25;
	s11 =	sadd.s32 $0xD800, s1;
	[dreg:$0x6] =	wrdreg s26  }
0x10: {  	s13 =	smax.u32 s0, $0x1;
	s14 =	sshrl.u32 s8, $0x3;
	s20 =	sadd.s32 $0x10, s11  }
0x11: {  	s25 =	sadd.s32 $0x20, s11;
	s26 =	simm.s32 $0x16900;
	s0 =	simm.s32 $0x0  }
.LBB2_15:
0x12: {  	s1 =	rddreg [dreg:$0x5]  }
.LBB2_16:
0x13: {  	_ =	swait.ge [sflag:s28], $0x4000  }
0x14: {  	[sflag:s28] =	ssyncset.done $0x0  }
0x15: {  	[sflag:s28] =	ssyncadd.s32 $0xFFFFC000  }
0x16: {  	_ =	swait.ge [sflag:s22], $0x80  }
0x17: {  	[sflag:s22] =	ssyncset.done $0x0  }
0x18: {  	[sflag:s22] =	ssyncadd.s32 $0xFFFFFF80  }
0x19: {  	[spmem:s2] =	stream.indirect.scatter.add.f32 [tilespmem:s18], [sflag:$0x4], $0x80, s26, s17, $0xb8;
	[tilespmem:$0x1EA00] =	vst v63  }
0x1a: {  	_ =	swait.ge [sflag:s31], $0x4000  }
0x1b: {  	[sflag:s31] =	ssyncset.done $0x0  }
0x1c: {  	[sflag:s31] =	ssyncadd.s32 $0xFFFFC000  }
0x1d: {  	_ =	swait.ge [sflag:s30], $0x4000  }
0x1e: {  	s0 =	sadd.s32 $0x1, s0;
	[sflag:s30] =	ssyncset.done $0x0  }
0x1f: {  	p1 =	sne.s32 s0, s13;
	[sflag:s30] =	ssyncadd.s32 $0xFFFFC000  }
.Ltmp1:
0x20: {  	s1 =	sadd.s32 s1, s12;
	[bflag:$0x0] =	sbarrier.arrive $0xFFFF;
	(pc) =	sbr.rel @!p1 .LBB2_17-.Ltmp1, $4  }
0x21: {  	[hbm:s1], [sflag:s9] =	dma.local [spmem:s14], $0x2800  }
0x22: {  	_ =	swait.ge [sflag:s15], $0x2800  }
0x23: {  	[sflag:s15] =	ssyncset.done $0x0  }
0x24: {  	[sflag:s15] =	ssyncadd.s32 $0xFFFFD800  }
.LBB2_1:
0x25: {  	s1 =	rddreg [dreg:$0x3]  }
0x26: {  	[spmem:s14], [sflag:s9] =	dma.local [hbm:s1], $0x2800  }
0x27: {  	_ =	swait.ge [sflag:s15], $0x2800  }
0x28: {  	[sflag:s15] =	ssyncset.done $0x0  }
0x29: {  	s24 =	rddreg [dreg:$0x6];
	[sflag:s15] =	ssyncadd.s32 $0xFFFFD800  }
0x2a: {  	[tilespmem:s16], [sflag:$0x6] =	stream.linear.gather [hbm4b:s24+s3], $0x2780, $0x38;
	[tilespmem:$0x1EA00] =	vst v63  }
.Ltmp2:
0x2b: {  	_ =	swait.ge [sflag:s15], $0x2780;
	(pc) =	sbr.rel @p0 .LBB2_9-.Ltmp2, $3  }
0x2c: {  	[sflag:s15] =	ssyncset.done $0x0  }
0x2d: {  	[sflag:s15] =	ssyncadd.s32 $0xFFFFD880  }
0x2e: {  	[bflag:$0x0] =	sbarrier.arrive $0xFFFF;
	_ =	sdelay $0x1  }
0x2f: {  	[tilespmem:s18], [sflag:$0x1] =	stream.indirect.gather [hbm4b:s4+s17], $0x80, s16, s17, $0xb8;
	[tilespmem:$0x1EA00] =	vst v63  }
0x30: {  	_ = 	snop  }
0x31: {  	[tilespmem:s19], [sflag:$0x2] =	stream.linear.gather [hbm4b:s11+s3], $0x80, $0x38;
	[tilespmem:$0x1EA00] =	vst v63  }
0x32: {  	s1 =	simm.s32 $0x16880  }
0x33: {  	[tilespmem:s1], [sflag:$0x3] =	stream.linear.gather [hbm4b:s20+s3], $0x80, $0x38;
	[tilespmem:$0x1EA00] =	vst v63  }
0x34: {  	s1 =	simm.s32 $0x1  }
0x35: {  	_ =	swait.ge [sflag:s1], $0x4000  }
0x36: {  	[sflag:s1] =	ssyncset.done $0x0  }
0x37: {  	[sflag:s1] =	ssyncadd.s32 $0xFFFFC000  }
0x38: {  	_ =	swait.ge [sflag:s22], $0x80  }
0x39: {  	[sflag:s22] =	ssyncset.done $0x0  }
0x3a: {  	[sflag:s22] =	ssyncadd.s32 $0xFFFFFF80  }
0x3b: {  	[spmem:s2] =	stream.indirect.scatter.add.f32 [tilespmem:s18], [sflag:$0x4], $0x80, s19, s17, $0xb8;
	[tilespmem:$0x1EA00] =	vst v63  }
.Ltmp3:
0x3c: {  	_ = 	snop;
	(pc) =	sbr.rel .LBB2_3-.Ltmp3, $4  }
0x3d: {  	s6 =	simm.s32 $0x14080;
	s7 =	simm.s32 $0x1AA00  }
0x3e: {  	[tilespmem:s7], [sflag:$0x1] =	stream.indirect.gather [hbm4b:s4+s17], $0x80, s6, s17, $0xb8;
	[tilespmem:$0x1EA00] =	vst v63  }
0x3f: {  	s7 =	simm.s32 $0x14100  }
0x40: {  	[tilespmem:s26], [sflag:$0x2] =	stream.linear.gather [hbm4b:s25+s3], $0x80, $0x38;
	[tilespmem:$0x1EA00] =	vst v63  }
.LBB2_6:
0x41: {  	_ =	swait.ge [sflag:s31], $0x4000  }
0x42: {  	[sflag:s31] =	ssyncset.done $0x0  }
0x43: {  	[sflag:s31] =	ssyncadd.s32 $0xFFFFC000  }
.LBB2_7:
0x44: {  	s6 =	ssub.s32 $0x1AA00, s21;
	p2 =	sgt.u32 s1, $0x4C  }
0x45: {  	[tilespmem:s6], [sflag:$0x1] =	stream.indirect.gather [hbm4b:s4+s17], $0x80, s7, s17, $0xb8;
	[tilespmem:$0x1EA00] =	vst v63  }
0x46: {  	s24 =	smin.u32 s1, $0x4C;
	p1 =	por !p1, !p1;
	p3 =	sne.s32 @!p2 s8, $0x0  }
0x47: {  	s1 =	sadd.s32 $0x1, s1;
	s6 =	sadd.s32 $0x2, s24;
	p3 =	por p3, p2  }
0x48: {  	p1 =	por p2, p1;
	s8 =	sand.u32 $0x3, s6;
	s10 =	sshll.u32 @!p3 s6, $0x4  }
0x49: {  	s21 =	sshll.u32 @!p3 s8, $0x7;
	s23 =	simm.s32 @!p3 $0x0;
	s6 =	sshll.u32 @!p1 s6, $0x4  }
0x4a: {  	s8 =	sshll.u32 @!p1 s8, $0x7;
	s21 =	sor.u32 @!p3 $0x16800, s21;
	s10 =	sadd.s32 @!p3 s11, s10  }
0x4b: {  	[tilespmem:s21], [sflag:$0x2] =	stream.linear.gather @!p3 [hbm4b:s10+s23], $0x80, $0x38;
	[tilespmem:$0x1EA00] =	vst v63  }
0x4c: {  	s8 =	sor.u32 @!p1 $0x16800, s8;
	s6 =	sadd.s32 @!p1 s11, s6;
	s10 =	simm.s32 @!p1 $0x0  }
0x4d: {  	[tilespmem:s8], [sflag:$0x3] =	stream.linear.gather @!p1 [hbm4b:s6+s10], $0x80, $0x38;
	[tilespmem:$0x1EA00] =	vst v63  }
0x4e: {  	p1 =	seq.s32 s1, $0x4E  }
.Ltmp4:
0x4f: {  	_ = 	snop;
	(pc) =	sbr.rel @p1 .LBB2_8-.Ltmp4, $2  }
0x50: {  	_ =	sdelay $0x2  }
0x51: {  	s7 =	sadd.s32 $0x80, s7  }
.LBB2_3:
0x52: {  	s8 =	sand.u32 $0x1, s1;
	_ =	swait.ge [sflag:s28], $0x4000  }
0x53: {  	[sflag:s28] =	ssyncset.done $0x0;
	p1 =	seq.s32 s8, $0x1;
	p2 =	seq.s32 s8, $0x0  }
.Ltmp5:
0x54: {  	[sflag:s28] =	ssyncadd.s32 $0xFFFFC000;
	s6 =	simm.s32 @!p1 $0x2;
	(pc) =	sbr.rel @p2 .LBB2_5-.Ltmp5, $4  }
0x55: {  	s24 =	sand.u32 $0x3, s1;
	s21 =	sshll.u32 s8, $0xE;
	_ =	swait.ge @!p1 [sflag:s6], $0x80  }
0x56: {  	s23 =	sadd.s32 $0x16A00, s21;
	s10 =	sshll.u32 @!p1 s24, $0x7;
	[sflag:s6] =	ssyncset.done @!p1 $0x0  }
0x57: {  	s10 =	sor.u32 @!p1 $0x16800, s10;
	[sflag:s6] =	ssyncadd.s32 @!p1 $0xFFFFFF80;
	s6 =	simm.s32 @!p1 $0x80  }
0x58: {  	[spmem:s2] =	stream.indirect.scatter.add.f32 @!p1 [tilespmem:s23], [sflag:$0x4], $0x80, s10, s6, $0xb8;
	[tilespmem:$0x1EA00] =	vst v63  }
0x59: {  	_ =	swait.ge [sflag:s29], $0x80  }
0x5a: {  	s6 =	sshll.u32 s24, $0x7;
	[sflag:s29] =	ssyncset.done $0x0  }
0x5b: {  	s6 =	sor.u32 $0x16800, s6;
	[sflag:s29] =	ssyncadd.s32 $0xFFFFFF80  }
0x5c: {  	[spmem:s2] =	stream.indirect.scatter.add.f32 [tilespmem:s23], [sflag:$0x5], $0x80, s6, s17, $0xb8;
	[tilespmem:$0x1EA00] =	vst v63  }
.Ltmp6:
0x5d: {  	_ = 	snop;
	(pc) =	sbr.rel @p2 .LBB2_6-.Ltmp6, $4  }
.Ltmp7:
0x5e: {  	_ = 	snop;
	(pc) =	sbr.rel @!p2 .LBB2_7-.Ltmp7, $4  }
0x5f: {  	_ =	swait.ge [sflag:s30], $0x4000  }
0x60: {  	[sflag:s30] =	ssyncset.done $0x0  }
0x61: {  	[sflag:s30] =	ssyncadd.s32 $0xFFFFC000  }
0x62: {  	_ = 	snop  }
.LBB2_5:
0x63: {  	p2 =	sne.s32 s8, $0x0  }
.Ltmp8:
0x64: {  	_ = 	snop;
	(pc) =	sbr.rel @p2 .LBB2_7-.Ltmp8, $4  }
.Ltmp9:
0x65: {  	_ = 	snop;
	(pc) =	sbr.rel @!p2 .LBB2_6-.Ltmp9, $4  }
0x66: {  	_ = 	snop  }
0x67: {  	_ = 	snop  }
0x68: {  	_ = 	snop  }
0x69: {  	_ = 	snop  }
.LBB2_9:
0x6a: {  	[tilespmem:s18], [sflag:$0x1] =	stream.indirect.gather [hbm4b:s5+s17], $0x80, s16, s17, $0xb8;
	[tilespmem:$0x1EA00] =	vst v63  }
0x6b: {  	_ = 	snop  }
0x6c: {  	[tilespmem:s19], [sflag:$0x2] =	stream.linear.gather [hbm4b:s11+s3], $0x80, $0x38;
	[tilespmem:$0x1EA00] =	vst v63  }
0x6d: {  	s1 =	simm.s32 $0x16880  }
0x6e: {  	[tilespmem:s1], [sflag:$0x3] =	stream.linear.gather [hbm4b:s20+s3], $0x80, $0x38;
	[tilespmem:$0x1EA00] =	vst v63  }
0x6f: {  	s1 =	simm.s32 $0x1  }
0x70: {  	_ =	swait.ge [sflag:s1], $0x4000  }
0x71: {  	[sflag:s1] =	ssyncset.done $0x0  }
0x72: {  	[sflag:s1] =	ssyncadd.s32 $0xFFFFC000  }
0x73: {  	_ =	swait.ge [sflag:s22], $0x80  }
0x74: {  	[sflag:s22] =	ssyncset.done $0x0  }
0x75: {  	[sflag:s22] =	ssyncadd.s32 $0xFFFFFF80  }
0x76: {  	[spmem:s2] =	stream.indirect.scatter.add.f32 [tilespmem:s18], [sflag:$0x4], $0x80, s19, s17, $0xb8;
	[tilespmem:$0x1EA00] =	vst v63  }
.Ltmp10:
0x77: {  	_ = 	snop;
	(pc) =	sbr.rel .LBB2_10-.Ltmp10, $4  }
0x78: {  	s6 =	simm.s32 $0x14080;
	s7 =	simm.s32 $0x1AA00  }
0x79: {  	[tilespmem:s7], [sflag:$0x1] =	stream.indirect.gather [hbm4b:s5+s17], $0x80, s6, s17, $0xb8;
	[tilespmem:$0x1EA00] =	vst v63  }
0x7a: {  	s7 =	simm.s32 $0x14100  }
0x7b: {  	[tilespmem:s26], [sflag:$0x2] =	stream.linear.gather [hbm4b:s25+s3], $0x80, $0x38;
	[tilespmem:$0x1EA00] =	vst v63  }
.LBB2_13:
0x7c: {  	_ =	swait.ge [sflag:s31], $0x4000  }
0x7d: {  	[sflag:s31] =	ssyncset.done $0x0  }
0x7e: {  	[sflag:s31] =	ssyncadd.s32 $0xFFFFC000  }
.LBB2_14:
0x7f: {  	s6 =	ssub.s32 $0x1AA00, s21;
	p2 =	sgt.u32 s1, $0x4C  }
0x80: {  	[tilespmem:s6], [sflag:$0x1] =	stream.indirect.gather [hbm4b:s5+s17], $0x80, s7, s17, $0xb8;
	[tilespmem:$0x1EA00] =	vst v63  }
0x81: {  	s24 =	smin.u32 s1, $0x4C;
	p1 =	por !p1, !p1;
	p3 =	sne.s32 @!p2 s8, $0x0  }
0x82: {  	s1 =	sadd.s32 $0x1, s1;
	s6 =	sadd.s32 $0x2, s24;
	p3 =	por p3, p2  }
0x83: {  	p1 =	por p2, p1;
	s8 =	sand.u32 $0x3, s6;
	s10 =	sshll.u32 @!p3 s6, $0x4  }
0x84: {  	s21 =	sshll.u32 @!p3 s8, $0x7;
	s23 =	simm.s32 @!p3 $0x0;
	s6 =	sshll.u32 @!p1 s6, $0x4  }
0x85: {  	s8 =	sshll.u32 @!p1 s8, $0x7;
	s21 =	sor.u32 @!p3 $0x16800, s21;
	s10 =	sadd.s32 @!p3 s11, s10  }
0x86: {  	[tilespmem:s21], [sflag:$0x2] =	stream.linear.gather @!p3 [hbm4b:s10+s23], $0x80, $0x38;
	[tilespmem:$0x1EA00] =	vst v63  }
0x87: {  	s8 =	sor.u32 @!p1 $0x16800, s8;
	s6 =	sadd.s32 @!p1 s11, s6;
	s10 =	simm.s32 @!p1 $0x0  }
0x88: {  	[tilespmem:s8], [sflag:$0x3] =	stream.linear.gather @!p1 [hbm4b:s6+s10], $0x80, $0x38;
	[tilespmem:$0x1EA00] =	vst v63  }
0x89: {  	p1 =	sne.s32 s1, $0x4E  }
.Ltmp11:
0x8a: {  	_ = 	snop;
	(pc) =	sbr.rel @!p1 .LBB2_15-.Ltmp11, $2  }
0x8b: {  	_ =	sdelay $0x2  }
0x8c: {  	s7 =	sadd.s32 $0x80, s7  }
.LBB2_10:
0x8d: {  	s8 =	sand.u32 $0x1, s1;
	_ =	swait.ge [sflag:s28], $0x4000  }
0x8e: {  	[sflag:s28] =	ssyncset.done $0x0;
	p1 =	seq.s32 s8, $0x1;
	p2 =	seq.s32 s8, $0x0  }
.Ltmp12:
0x8f: {  	[sflag:s28] =	ssyncadd.s32 $0xFFFFC000;
	s6 =	simm.s32 @!p1 $0x2;
	(pc) =	sbr.rel @p2 .LBB2_12-.Ltmp12, $4  }
0x90: {  	s24 =	sand.u32 $0x3, s1;
	s21 =	sshll.u32 s8, $0xE;
	_ =	swait.ge @!p1 [sflag:s6], $0x80  }
0x91: {  	s23 =	sadd.s32 $0x16A00, s21;
	s10 =	sshll.u32 @!p1 s24, $0x7;
	[sflag:s6] =	ssyncset.done @!p1 $0x0  }
0x92: {  	s10 =	sor.u32 @!p1 $0x16800, s10;
	[sflag:s6] =	ssyncadd.s32 @!p1 $0xFFFFFF80;
	s6 =	simm.s32 @!p1 $0x80  }
0x93: {  	[spmem:s2] =	stream.indirect.scatter.add.f32 @!p1 [tilespmem:s23], [sflag:$0x4], $0x80, s10, s6, $0xb8;
	[tilespmem:$0x1EA00] =	vst v63  }
0x94: {  	_ =	swait.ge [sflag:s29], $0x80  }
0x95: {  	s6 =	sshll.u32 s24, $0x7;
	[sflag:s29] =	ssyncset.done $0x0  }
0x96: {  	s6 =	sor.u32 $0x16800, s6;
	[sflag:s29] =	ssyncadd.s32 $0xFFFFFF80  }
0x97: {  	[spmem:s2] =	stream.indirect.scatter.add.f32 [tilespmem:s23], [sflag:$0x5], $0x80, s6, s17, $0xb8;
	[tilespmem:$0x1EA00] =	vst v63  }
.Ltmp13:
0x98: {  	_ = 	snop;
	(pc) =	sbr.rel @p2 .LBB2_13-.Ltmp13, $4  }
.Ltmp14:
0x99: {  	_ = 	snop;
	(pc) =	sbr.rel @!p2 .LBB2_14-.Ltmp14, $4  }
0x9a: {  	_ =	swait.ge [sflag:s30], $0x4000  }
0x9b: {  	[sflag:s30] =	ssyncset.done $0x0  }
0x9c: {  	[sflag:s30] =	ssyncadd.s32 $0xFFFFC000  }
0x9d: {  	_ = 	snop  }
.LBB2_12:
0x9e: {  	p2 =	sne.s32 s8, $0x0  }
.Ltmp15:
0x9f: {  	_ = 	snop;
	(pc) =	sbr.rel @p2 .LBB2_14-.Ltmp15, $4  }
.Ltmp16:
0xa0: {  	_ = 	snop;
	(pc) =	sbr.rel @!p2 .LBB2_13-.Ltmp16, $4  }
0xa1: {  	_ = 	snop  }
0xa2: {  	_ = 	snop  }
0xa3: {  	_ = 	snop  }
0xa4: {  	_ = 	snop  }
.LBB2_8:
.Ltmp17:
0xa5: {  	(pc) =	sbr.rel .LBB2_16-.Ltmp17, $2  }
0xa6: {  	_ =	sdelay $0x2  }
0xa7: {  	s1 =	rddreg [dreg:$0x4]  }
.LBB2_17:
0xa8: {  	_ =	sfence.sel $0x180000  }
0xa9: {  	[bflag:$0x0] =	sbarrier.arrive $0xFFFF  }
0xaa: {  	_ =	strace $0x9000004D  }
0xab: {  	s0 =	stileid.u32;
	[bflag:$0x2] =	sbarrier.arrive $0xFFFF  }
0xac: {  	p0 =	sne.s32 s0, $0x0;
	s0 =	rddreg [dreg:$0x2]  }
0xad: {  	s0 =	sadd.s32 @!p0 $0x100000, s0  }
0xae: {  	[sflag:s0] =	ssyncadd.tile.s32 @!p0 $0x1;
	_ =	shalt  }
.Lfunc_end2:
_tile_overlayer_lowered:
.L_overlay_start_2:
0xaf: {  	(tag) =	ssettag $0x2  }
0xb0: {  	s0 =	rddreg [dreg:$0x0];
	s2 =	stileid.u32  }
0xb1: {  	s1 =	rddreg [dreg:$0x1];
	p0 =	sne.s32 s2, $0x0  }
0xb2: {  	s3 =	rddreg [dreg:$0x2];
	[bflag:$0x3] =	sbarrier.arrive $0xFFFF;
	s2 =	simm.s32 @!p0 $0x1C06  }
0xb3: {  	[timem:s3], [sflag:s2] =	dma.local @!p0 [hbm:s0], s1  }
0xb4: {  	s0 =	simm.s32 @!p0 $0x6  }
0xb5: {  	_ =	swait.ge @!p0 [sflag:s0], s1  }
0xb6: {  	s1 =	ssub.s32 @!p0 $0x0, s1;
	[sflag:s0] =	ssyncset.done @!p0 $0x0  }
0xb7: {  	[sflag:s0] =	ssyncadd.s32 @!p0 s1  }
0xb8: {  	[bflag:$0x3] =	sbarrier.arrive $0xFFFF  }
0xb9: {  	_ =	shalt  }

// kernel: kernel.21.cloned.1.call-start
scs
__scs_entry_jumppad:
0x0: {  	(pc) =	sbr.rel $0x88, $3  }
0x1: {  	(tag) =	ssettag $0x0;
	lr =	simm.s32 $0x1  }
0x2: {  	[smem:$0x3F7F] =	sst lr;
	_ =	strace $0xD0000000  }
0x3: {  	_ = 	snop  }
0x4: {  	_ = 	snop  }
0x5: {  	_ = 	snop  }
0x6: {  	_ = 	snop  }
0x7: {  	_ = 	snop  }
__scs_overlays_trampoline_lowered:
0x8: {  	[smem:$0x3F8E] =	sst s0  }
0x9: {  	[smem:$0x3F8F] =	sst s1  }
0xa: {  	[smem:$0x3F90] =	sst s2  }
0xb: {  	[smem:$0x3F91] =	sst s3  }
0xc: {  	[smem:$0x3F92] =	sst s4  }
0xd: {  	[smem:$0x3F93] =	sst s5  }
0xe: {  	[smem:$0x3F94] =	sst s6  }
0xf: {  	[smem:$0x3F95] =	sst s7  }
0x10: {  	[smem:$0x3F96] =	sst s8  }
0x11: {  	[smem:$0x3F97] =	sst s9;
	s0 =	simm.s32 @!p0 $0x0  }
0x12: {  	s1 =	sld [smem:$0x3F7D];
	s0 =	simm.s32 @p0 $0x1  }
0x13: {  	[smem:$0x3F98] =	sst s0;
	s0 =	simm.s32 @!p1 $0x0  }
0x14: {  	s2 =	sld [smem:$0x3F7C];
	s0 =	simm.s32 @p1 $0x1  }
0x15: {  	[smem:$0x3F99] =	sst s0;
	s0 =	simm.s32 @!p2 $0x0  }
0x16: {  	s3 =	sld [smem:$0x3FDB];
	s0 =	simm.s32 @p2 $0x1  }
0x17: {  	s4 =	simm.s32 $0x1BF5;
	[smem:$0x3F9B] =	sst s0  }
0x18: {  	s0 =	sld [smem:$0x3F7E];
	_ =	swait.ge [sflag:s4], $0x0  }
0x19: {  	s7 =	sld [smem:$0x3F7F]  }
0x1a: {  	s8 =	sadd.s32 $0xFFFFE003, lr  }
0x1b: {  	s9 =	sadd.s32 $0xFFFFFEF7, lr;
	s5 =	simm.s32 $0xFFFFFFFF;
	p2 =	slt.u32 s8, $0xFFFFF086  }
0x1c: {  	p1 =	slt.u32 s9, $0xF7A;
	s5 =	simm.s32 @!p2 $0x0  }
0x1d: {  	s5 =	simm.s32 @p1 $0x1;
	p0 =	seq.s32 s7, s2  }
0x1e: {  	s7 =	smul.u32 @!p0 $0xF7A, s2;
	p2 =	seq.s32 @!p0 s5, $0x0  }
0x1f: {  	s9 =	smul.u32 $0xF7A, s1;
	s8 =	simm.s32 @!p0 $0x1BF5;
	p2 =	por !p2, p0  }
0x20: {  	[sflag:s8] =	ssyncset.s32 @!p0 $0xFFFFF086;
	s6 =	sadd.s32 @!p0 s3, s7;
	s7 =	simm.s32 @!p0 $0x108  }
0x21: {  	s3 =	sadd.s32 s3, s9;
	s6 =	sadd.s32 @!p0 $0x88, s6;
	s7 =	simm.s32 @p2 $0x1082  }
0x22: {  	[simem:s7], [sflag:s8] =	dma.local @!p0 [hbm:s6], $0xF7A  }
0x23: {  	s9 =	sor.u32 $0xD0000000, s2;
	s6 =	simm.s32 $0x108;
	_ =	swait.ge @!p0 [sflag:s8], $0x0  }
0x24: {  	s3 =	sadd.s32 $0x88, s3;
	s6 =	simm.s32 @!p1 $0x1082;
	[sflag:s4] =	ssyncset.s32 $0xFFFFF086  }
0x25: {  	[simem:s6], [sflag:s4] =	dma.local [hbm:s3], $0xF7A  }
0x26: {  	[smem:$0x3F7F] =	sst s1;
	(tag) =	ssettag s2;
	_ =	strace s9  }
0x27: {  	s1 =	sld [smem:$0x3F8F]  }
0x28: {  	s2 =	sld [smem:$0x3F90]  }
0x29: {  	s4 =	sld [smem:$0x3F92]  }
0x2a: {  	p0 =	seq.s32 s5, $0x0;
	s5 =	sld [smem:$0x3F93]  }
0x2b: {  	s6 =	sld [smem:$0x3F94]  }
0x2c: {  	s7 =	sld [smem:$0x3F95]  }
0x2d: {  	s3 =	simm.s32 $0x108;
	s8 =	sld [smem:$0x3F96]  }
0x2e: {  	s3 =	simm.s32 @!p0 $0x1082;
	s9 =	sld [smem:$0x3F97]  }
0x2f: {  	lr =	sadd.s32 s0, s3;
	s0 =	sld [smem:$0x3F8E]  }
0x30: {  	s3 =	sld [smem:$0x3F91]  }
0x31: {  	[smem:$0x3F9A] =	sst s10  }
0x32: {  	s10 =	sld [smem:$0x3F98];
	_ =	sdelay $0x3  }
0x33: {  	p0 =	seq.s32 s10, $0x1;
	s10 =	sld [smem:$0x3F9A];
	_ =	sdelay $0x3  }
0x34: {  	[smem:$0x3F9A] =	sst s10  }
0x35: {  	s10 =	sld [smem:$0x3F99];
	_ =	sdelay $0x3  }
0x36: {  	p1 =	seq.s32 s10, $0x1;
	s10 =	sld [smem:$0x3F9A];
	_ =	sdelay $0x3  }
0x37: {  	[smem:$0x3F9A] =	sst s10  }
0x38: {  	s10 =	sld [smem:$0x3F9B]  }
0x39: {  	_ = 	snop;
	(pc) =	sbr.ind lr, $3  }
0x3a: {  	_ = 	snop  }
0x3b: {  	_ = 	snop  }
0x3c: {  	p2 =	seq.s32 s10, $0x1;
	s10 =	sld [smem:$0x3F9A]  }
0x3d: {  	_ =	shalt  }
0x3e: {  	_ =	shalt  }
0x3f: {  	_ =	shalt  }
0x40: {  	_ =	shalt  }
0x41: {  	_ =	shalt  }
0x42: {  	_ =	shalt  }
0x43: {  	_ =	shalt  }
0x44: {  	_ =	shalt  }
0x45: {  	_ =	shalt  }
0x46: {  	_ =	shalt  }
0x47: {  	_ =	shalt  }
0x48: {  	_ =	shalt  }
0x49: {  	_ =	shalt  }
0x4a: {  	_ =	shalt  }
0x4b: {  	_ =	shalt  }
0x4c: {  	_ =	shalt  }
0x4d: {  	_ =	shalt  }
0x4e: {  	_ =	shalt  }
0x4f: {  	_ =	shalt  }
0x50: {  	_ =	shalt  }
0x51: {  	_ =	shalt  }
0x52: {  	_ =	shalt  }
0x53: {  	_ =	shalt  }
0x54: {  	_ =	shalt  }
0x55: {  	_ =	shalt  }
0x56: {  	_ =	shalt  }
0x57: {  	_ =	shalt  }
0x58: {  	_ =	shalt  }
0x59: {  	_ =	shalt  }
0x5a: {  	_ =	shalt  }
0x5b: {  	_ =	shalt  }
0x5c: {  	_ =	shalt  }
0x5d: {  	_ =	shalt  }
0x5e: {  	_ =	shalt  }
0x5f: {  	_ =	shalt  }
0x60: {  	_ =	shalt  }
0x61: {  	_ =	shalt  }
0x62: {  	_ =	shalt  }
0x63: {  	_ =	shalt  }
0x64: {  	_ =	shalt  }
0x65: {  	_ =	shalt  }
0x66: {  	_ =	shalt  }
0x67: {  	_ =	shalt  }
0x68: {  	_ =	shalt  }
0x69: {  	_ =	shalt  }
0x6a: {  	_ =	shalt  }
0x6b: {  	_ =	shalt  }
0x6c: {  	_ =	shalt  }
0x6d: {  	_ =	shalt  }
0x6e: {  	_ =	shalt  }
0x6f: {  	_ =	shalt  }
0x70: {  	_ =	shalt  }
0x71: {  	_ =	shalt  }
0x72: {  	_ =	shalt  }
0x73: {  	_ =	shalt  }
0x74: {  	_ =	shalt  }
0x75: {  	_ =	shalt  }
0x76: {  	_ =	shalt  }
0x77: {  	_ =	shalt  }
0x78: {  	_ =	shalt  }
0x79: {  	_ =	shalt  }
0x7a: {  	_ =	shalt  }
0x7b: {  	_ =	shalt  }
0x7c: {  	_ =	shalt  }
0x7d: {  	_ =	shalt  }
0x7e: {  	_ =	shalt  }
0x7f: {  	_ =	shalt  }
0x80: {  	_ =	shalt  }
0x81: {  	_ =	shalt  }
0x82: {  	_ =	shalt  }
0x83: {  	_ =	shalt  }
0x84: {  	_ =	shalt  }
0x85: {  	_ =	shalt  }
0x86: {  	_ =	shalt  }
0x87: {  	_ =	shalt  }
.Lfunc_end0:
.L_simem_size_0:
called_computation.3_lowered:
.L_overlay_start_0:
0x88: {  	s2 =	sld [smem:$0x3FD9]  }
0x89: {  	s3 =	sld [smem:$0x3FFE];
	_ =	sdelay $0x1  }
0x8a: {  	s1 =	srdreg.scid  }
0x8b: {  	s0 =	sand.u32 $0x1, s1  }
0x8c: {  	s16 =	sshll.u32 s0, $0xA;
	s2 =	sadd.s32 s3, s2  }
0x8d: {  	s2 =	sadd.s32 s2, s16  }
0x8e: {  	[smem:$0x3FA6] =	sst s2  }
0x8f: {  	_ = 	snop  }
0x90: {  	(tm) =	ssettm $0x1  }
0x91: {  	s17 =	sld [smem:$0x3FFB];
	_ =	sdelay $0x3  }
0x92: {  	_ =	strace s17  }
0x93: {  	s2 =	sld [smem:$0x3FFC];
	_ =	sdelay $0x3  }
0x94: {  	_ =	strace s2  }
0x95: {  	s2 =	sld [smem:$0x3FFD];
	_ =	sdelay $0x3  }
0x96: {  	_ =	strace s2  }
0x97: {  	_ =	strace $0x8FFFFFFF  }
0x98: {  	s18 =	sld [smem:$0x3FDB];
	_ =	sdelay $0x1  }
0x99: {  	s19 =	simm.s32 $_scs_section_size  }
0x9a: {  	s4 =	simm.s32 $_size__tile_overlayer_lowered;
	s5 =	simm.s32 $_tile_overlayer_lowered  }
0x9b: {  	s22 =	simm.s32 $0x1BFF;
	s21 =	sshll.u32 s5, $0x1;
	s2 =	sadd.s32 s19, s18  }
0x9c: {  	s6 =	simm.s32 $0x0;
	s20 =	sshll.u32 s4, $0x1;
	s4 =	sadd.s32 s21, s2  }
0x9d: {  	[timem:s6], [sflag:s22] =	dma.local [hbm:s4], s20  }
0x9e: {  	_ =	swait.ge [sflag:s22], s20  }
0x9f: {  	s3 =	ssub.s32 $0x0, s20;
	[sflag:s22] =	ssyncset.done $0x0  }
0xa0: {  	[sflag:s22] =	ssyncadd.s32 s3;
	_ =	sdelay $0x1  }
0xa1: {  	s23 =	simm.s32 $0x1B8B  }
0xa2: {  	_ =	swait.ge [sflag:s23], $0x1  }
0xa3: {  	[sflag:s23] =	ssyncset.done $0x0  }
0xa4: {  	s25 =	simm.s32 $0x1B8E;
	s24 =	sld [smem:$0x3FFE];
	[sflag:s23] =	ssyncadd.s32 $0xFFFFFFFF  }
0xa5: {  	s26 =	simm.s32 $execute0_lowered;
	[smem:$0x3FD2] =	sst s25  }
0xa6: {  	s4 =	sshll.u32 s26, $0x1;
	_ =	strace $0x8000004F;
	[dreg:$0x1] =	wrdreg $0xFFFFFFFF  }
0xa7: {  	s28 =	simm.s32 $_size_execute0_lowered;
	s2 =	sadd.s32 s2, s4;
	[dreg:$0x0] =	wrdreg $0x0  }
0xa8: {  	s4 =	sshll.u32 s28, $0x1;
	[dreg:$0x2] =	wrdreg s2  }
0xa9: {  	[dreg:$0x3] =	wrdreg s4  }
0xaa: {  	[dreg:$0x4] =	wrdreg $0xC0  }
0xab: {  	_ =	task [dreg:s6], $0x5FFFF  }
0xac: {  	[dreg:$0x1] =	wrdreg $0xFFFFFFFF  }
0xad: {  	[dreg:$0x0] =	wrdreg $0x60  }
0xae: {  	[dreg:$0x2] =	wrdreg s24  }
0xaf: {  	[dreg:$0x3] =	wrdreg $0x0  }
0xb0: {  	[dreg:$0x4] =	wrdreg $0x9  }
0xb1: {  	_ =	task.clear_ibuf [dreg:s6], $0x5FFFF;
	_ =	strace $0x9000004F  }
0xb2: {  	s29 =	simm.s32 $0x9;
	_ =	strace $0x80000051  }
0xb3: {  	_ =	swait.ge [sflag:s29], $0x1  }
0xb4: {  	[sflag:s29] =	ssyncadd.s32 $0xFFFFFFFF  }
0xb5: {  	_ =	strace $0x90000051  }
0xb6: {  	_ =	sfence  }
0xb7: {  	s30 =	sld [smem:$0x0];
	_ =	sdelay $0x2  }
0xb8: {  	s31 =	sshll.u32 s1, $0xD;
	s1 =	sshrl.u32 s1, $0x2  }
0xb9: {  	s3 =	sand.u32 $0x4000, s31;
	s1 =	sadd.s32 s1, s30  }
0xba: {  	s0 =	sor.u32 s3, s0;
	s1 =	sshll.u32 s1, $0x11  }
0xbb: {  	s0 =	sor.u32 s1, s0  }
0xbc: {  	s0 =	sadd.s32 $0x8F2B, s0  }
0xbd: {  	[sflag:s0] =	ssyncadd.remote.s32 $0x1  }
0xbe: {  	_ =	sfence.sel $0xFFFF  }
0xbf: {  	[dreg:$0x0] =	wrdreg $0xFFFFFFFF;
	(pc) =	sbr.abs _section_cstart, $3  }
0xc0: {  	[dreg:$0x1] =	wrdreg $0xFFFFFFFF  }
0xc1: {  	_ =	task.clear_ibuf [dreg:s6], $0x2FFFF;
	_ =	strace $0x9FFFFFFF  }
0xc2: {  	(tm) =	ssettm $0x7FFFFFFF  }
0xc3: {  	_ =	shalt  }
tec
execute0_lowered:
.L_overlay_start_1:
0x0: {  	(tag) =	ssettag $0x1  }
0x1: {  	s0 =	rddreg [dreg:$0x0]  }
0x2: {  	s2 =	rddreg [dreg:$0x1];
	s3 =	simm.s32 $0x0  }
0x3: {  	s10 =	stileid.u32;
	s6 =	srdreg.scid;
	s15 =	simm.s32 $0x6  }
0x4: {  	s16 =	simm.s32 $0x14000;
	s17 =	simm.s32 $0x80;
	s18 =	simm.s32 $0x16A00  }
0x5: {  	s19 =	simm.s32 $0x16800;
	s28 =	simm.s32 $0x1;
	s29 =	simm.s32 $0x3  }
0x6: {  	s30 =	simm.s32 $0x4;
	s31 =	simm.s32 $0x5;
	[smem:$0x7FF] =	sst s3  }
0x7: {  	s1 =	smul.u32 $0x500, s10;
	s4 =	sadd.s32 $0x12800, s0;
	s5 =	sadd.s32 $0x3A800, s0  }
0x8: {  	s7 =	sand.u32 $0x1, s6;
	s8 =	smul.u32 $0x50000, s10;
	s22 =	sadd.s32 $0xB2800, s0  }
0x9: {  	s23 =	sadd.s32 $0x1A5800, s0;
	_ =	strace $0x80000050;
	[dreg:$0x3] =	wrdreg s22  }
0xa: {  	s25 =	sshll.u32 s10, $0x6;
	s12 =	smul.u32 $0x2800, s10;
	[dreg:$0x4] =	wrdreg s23  }
0xb: {  	s9 =	ssub.s32 $0x2, s7;
	p0 =	sne.s32 s7, $0x0;
	s22 =	simm.s32 $0x2  }
0xc: {  	s1 =	sadd.s32 s1, s0;
	s0 =	sadd.s32 $0x1CD800, s0;
	s24 =	sshrl.u32 s9, $0x1  }
.Ltmp0:
0xd: {  	s8 =	sshrl.u32 s8, $0x2;
	[dreg:$0x5] =	wrdreg s0;
	(pc) =	sbr.rel .LBB2_1-.Ltmp0, $4  }
0xe: {  	s0 =	ssub.s32 s9, s24;
	s8 =	sadd.s32 s8, s2;
	s26 =	sadd.s32 $0x8800, s1  }
0xf: {  	s9 =	sor.u32 $0x1C06, s25;
	s11 =	sadd.s32 $0xD800, s1;
	[dreg:$0x6] =	wrdreg s26  }
0x10: {  	s13 =	smax.u32 s0, $0x1;
	s14 =	sshrl.u32 s8, $0x3;
	s20 =	sadd.s32 $0x10, s11  }
0x11: {  	s25 =	sadd.s32 $0x20, s11;
	s26 =	simm.s32 $0x16900;
	s0 =	simm.s32 $0x0  }
.LBB2_15:
0x12: {  	s1 =	rddreg [dreg:$0x5]  }
.LBB2_16:
0x13: {  	_ =	swait.ge [sflag:s28], $0x4000  }
0x14: {  	[sflag:s28] =	ssyncset.done $0x0  }
0x15: {  	[sflag:s28] =	ssyncadd.s32 $0xFFFFC000  }
0x16: {  	_ =	swait.ge [sflag:s22], $0x80  }
0x17: {  	[sflag:s22] =	ssyncset.done $0x0  }
0x18: {  	[sflag:s22] =	ssyncadd.s32 $0xFFFFFF80  }
0x19: {  	[spmem:s2] =	stream.indirect.scatter.add.f32 [tilespmem:s18], [sflag:$0x4], $0x80, s26, s17, $0xb8;
	[tilespmem:$0x1EA00] =	vst v63  }
0x1a: {  	_ =	swait.ge [sflag:s31], $0x4000  }
0x1b: {  	[sflag:s31] =	ssyncset.done $0x0  }
0x1c: {  	[sflag:s31] =	ssyncadd.s32 $0xFFFFC000  }
0x1d: {  	_ =	swait.ge [sflag:s30], $0x4000  }
0x1e: {  	s0 =	sadd.s32 $0x1, s0;
	[sflag:s30] =	ssyncset.done $0x0  }
0x1f: {  	p1 =	sne.s32 s0, s13;
	[sflag:s30] =	ssyncadd.s32 $0xFFFFC000  }
.Ltmp1:
0x20: {  	s1 =	sadd.s32 s1, s12;
	[bflag:$0x0] =	sbarrier.arrive $0xFFFF;
	(pc) =	sbr.rel @!p1 .LBB2_17-.Ltmp1, $4  }
0x21: {  	[hbm:s1], [sflag:s9] =	dma.local [spmem:s14], $0x2800  }
0x22: {  	_ =	swait.ge [sflag:s15], $0x2800  }
0x23: {  	[sflag:s15] =	ssyncset.done $0x0  }
0x24: {  	[sflag:s15] =	ssyncadd.s32 $0xFFFFD800  }
.LBB2_1:
0x25: {  	s1 =	rddreg [dreg:$0x3]  }
0x26: {  	[spmem:s14], [sflag:s9] =	dma.local [hbm:s1], $0x2800  }
0x27: {  	_ =	swait.ge [sflag:s15], $0x2800  }
0x28: {  	[sflag:s15] =	ssyncset.done $0x0  }
0x29: {  	s24 =	rddreg [dreg:$0x6];
	[sflag:s15] =	ssyncadd.s32 $0xFFFFD800  }
0x2a: {  	[tilespmem:s16], [sflag:$0x6] =	stream.linear.gather [hbm4b:s24+s3], $0x2780, $0x38;
	[tilespmem:$0x1EA00] =	vst v63  }
.Ltmp2:
0x2b: {  	_ =	swait.ge [sflag:s15], $0x2780;
	(pc) =	sbr.rel @p0 .LBB2_9-.Ltmp2, $3  }
0x2c: {  	[sflag:s15] =	ssyncset.done $0x0  }
0x2d: {  	[sflag:s15] =	ssyncadd.s32 $0xFFFFD880  }
0x2e: {  	[bflag:$0x0] =	sbarrier.arrive $0xFFFF;
	_ =	sdelay $0x1  }
0x2f: {  	[tilespmem:s18], [sflag:$0x1] =	stream.indirect.gather [hbm4b:s4+s17], $0x80, s16, s17, $0xb8;
	[tilespmem:$0x1EA00] =	vst v63  }
0x30: {  	_ = 	snop  }
0x31: {  	[tilespmem:s19], [sflag:$0x2] =	stream.linear.gather [hbm4b:s11+s3], $0x80, $0x38;
	[tilespmem:$0x1EA00] =	vst v63  }
0x32: {  	s1 =	simm.s32 $0x16880  }
0x33: {  	[tilespmem:s1], [sflag:$0x3] =	stream.linear.gather [hbm4b:s20+s3], $0x80, $0x38;
	[tilespmem:$0x1EA00] =	vst v63  }
0x34: {  	s1 =	simm.s32 $0x1  }
0x35: {  	_ =	swait.ge [sflag:s1], $0x4000  }
0x36: {  	[sflag:s1] =	ssyncset.done $0x0  }
0x37: {  	[sflag:s1] =	ssyncadd.s32 $0xFFFFC000  }
0x38: {  	_ =	swait.ge [sflag:s22], $0x80  }
0x39: {  	[sflag:s22] =	ssyncset.done $0x0  }
0x3a: {  	[sflag:s22] =	ssyncadd.s32 $0xFFFFFF80  }
0x3b: {  	[spmem:s2] =	stream.indirect.scatter.add.f32 [tilespmem:s18], [sflag:$0x4], $0x80, s19, s17, $0xb8;
	[tilespmem:$0x1EA00] =	vst v63  }
.Ltmp3:
0x3c: {  	_ = 	snop;
	(pc) =	sbr.rel .LBB2_3-.Ltmp3, $4  }
0x3d: {  	s6 =	simm.s32 $0x14080;
	s7 =	simm.s32 $0x1AA00  }
0x3e: {  	[tilespmem:s7], [sflag:$0x1] =	stream.indirect.gather [hbm4b:s4+s17], $0x80, s6, s17, $0xb8;
	[tilespmem:$0x1EA00] =	vst v63  }
0x3f: {  	s7 =	simm.s32 $0x14100  }
0x40: {  	[tilespmem:s26], [sflag:$0x2] =	stream.linear.gather [hbm4b:s25+s3], $0x80, $0x38;
	[tilespmem:$0x1EA00] =	vst v63  }
.LBB2_6:
0x41: {  	_ =	swait.ge [sflag:s31], $0x4000  }
0x42: {  	[sflag:s31] =	ssyncset.done $0x0  }
0x43: {  	[sflag:s31] =	ssyncadd.s32 $0xFFFFC000  }
.LBB2_7:
0x44: {  	s6 =	ssub.s32 $0x1AA00, s21;
	p2 =	sgt.u32 s1, $0x4C  }
0x45: {  	[tilespmem:s6], [sflag:$0x1] =	stream.indirect.gather [hbm4b:s4+s17], $0x80, s7, s17, $0xb8;
	[tilespmem:$0x1EA00] =	vst v63  }
0x46: {  	s24 =	smin.u32 s1, $0x4C;
	p1 =	por !p1, !p1;
	p3 =	sne.s32 @!p2 s8, $0x0  }
0x47: {  	s1 =	sadd.s32 $0x1, s1;
	s6 =	sadd.s32 $0x2, s24;
	p3 =	por p3, p2  }
0x48: {  	p1 =	por p2, p1;
	s8 =	sand.u32 $0x3, s6;
	s10 =	sshll.u32 @!p3 s6, $0x4  }
0x49: {  	s21 =	sshll.u32 @!p3 s8, $0x7;
	s23 =	simm.s32 @!p3 $0x0;
	s6 =	sshll.u32 @!p1 s6, $0x4  }
0x4a: {  	s8 =	sshll.u32 @!p1 s8, $0x7;
	s21 =	sor.u32 @!p3 $0x16800, s21;
	s10 =	sadd.s32 @!p3 s11, s10  }
0x4b: {  	[tilespmem:s21], [sflag:$0x2] =	stream.linear.gather @!p3 [hbm4b:s10+s23], $0x80, $0x38;
	[tilespmem:$0x1EA00] =	vst v63  }
0x4c: {  	s8 =	sor.u32 @!p1 $0x16800, s8;
	s6 =	sadd.s32 @!p1 s11, s6;
	s10 =	simm.s32 @!p1 $0x0  }
0x4d: {  	[tilespmem:s8], [sflag:$0x3] =	stream.linear.gather @!p1 [hbm4b:s6+s10], $0x80, $0x38;
	[tilespmem:$0x1EA00] =	vst v63  }
0x4e: {  	p1 =	seq.s32 s1, $0x4E  }
.Ltmp4:
0x4f: {  	_ = 	snop;
	(pc) =	sbr.rel @p1 .LBB2_8-.Ltmp4, $2  }
0x50: {  	_ =	sdelay $0x2  }
0x51: {  	s7 =	sadd.s32 $0x80, s7  }
.LBB2_3:
0x52: {  	s8 =	sand.u32 $0x1, s1;
	_ =	swait.ge [sflag:s28], $0x4000  }
0x53: {  	[sflag:s28] =	ssyncset.done $0x0;
	p1 =	seq.s32 s8, $0x1;
	p2 =	seq.s32 s8, $0x0  }
.Ltmp5:
0x54: {  	[sflag:s28] =	ssyncadd.s32 $0xFFFFC000;
	s6 =	simm.s32 @!p1 $0x2;
	(pc) =	sbr.rel @p2 .LBB2_5-.Ltmp5, $4  }
0x55: {  	s24 =	sand.u32 $0x3, s1;
	s21 =	sshll.u32 s8, $0xE;
	_ =	swait.ge @!p1 [sflag:s6], $0x80  }
0x56: {  	s23 =	sadd.s32 $0x16A00, s21;
	s10 =	sshll.u32 @!p1 s24, $0x7;
	[sflag:s6] =	ssyncset.done @!p1 $0x0  }
0x57: {  	s10 =	sor.u32 @!p1 $0x16800, s10;
	[sflag:s6] =	ssyncadd.s32 @!p1 $0xFFFFFF80;
	s6 =	simm.s32 @!p1 $0x80  }
0x58: {  	[spmem:s2] =	stream.indirect.scatter.add.f32 @!p1 [tilespmem:s23], [sflag:$0x4], $0x80, s10, s6, $0xb8;
	[tilespmem:$0x1EA00] =	vst v63  }
0x59: {  	_ =	swait.ge [sflag:s29], $0x80  }
0x5a: {  	s6 =	sshll.u32 s24, $0x7;
	[sflag:s29] =	ssyncset.done $0x0  }
0x5b: {  	s6 =	sor.u32 $0x16800, s6;
	[sflag:s29] =	ssyncadd.s32 $0xFFFFFF80  }
0x5c: {  	[spmem:s2] =	stream.indirect.scatter.add.f32 [tilespmem:s23], [sflag:$0x5], $0x80, s6, s17, $0xb8;
	[tilespmem:$0x1EA00] =	vst v63  }
.Ltmp6:
0x5d: {  	_ = 	snop;
	(pc) =	sbr.rel @p2 .LBB2_6-.Ltmp6, $4  }
.Ltmp7:
0x5e: {  	_ = 	snop;
	(pc) =	sbr.rel @!p2 .LBB2_7-.Ltmp7, $4  }
0x5f: {  	_ =	swait.ge [sflag:s30], $0x4000  }
0x60: {  	[sflag:s30] =	ssyncset.done $0x0  }
0x61: {  	[sflag:s30] =	ssyncadd.s32 $0xFFFFC000  }
0x62: {  	_ = 	snop  }
.LBB2_5:
0x63: {  	p2 =	sne.s32 s8, $0x0  }
.Ltmp8:
0x64: {  	_ = 	snop;
	(pc) =	sbr.rel @p2 .LBB2_7-.Ltmp8, $4  }
.Ltmp9:
0x65: {  	_ = 	snop;
	(pc) =	sbr.rel @!p2 .LBB2_6-.Ltmp9, $4  }
0x66: {  	_ = 	snop  }
0x67: {  	_ = 	snop  }
0x68: {  	_ = 	snop  }
0x69: {  	_ = 	snop  }
.LBB2_9:
0x6a: {  	[tilespmem:s18], [sflag:$0x1] =	stream.indirect.gather [hbm4b:s5+s17], $0x80, s16, s17, $0xb8;
	[tilespmem:$0x1EA00] =	vst v63  }
0x6b: {  	_ = 	snop  }
0x6c: {  	[tilespmem:s19], [sflag:$0x2] =	stream.linear.gather [hbm4b:s11+s3], $0x80, $0x38;
	[tilespmem:$0x1EA00] =	vst v63  }
0x6d: {  	s1 =	simm.s32 $0x16880  }
0x6e: {  	[tilespmem:s1], [sflag:$0x3] =	stream.linear.gather [hbm4b:s20+s3], $0x80, $0x38;
	[tilespmem:$0x1EA00] =	vst v63  }
0x6f: {  	s1 =	simm.s32 $0x1  }
0x70: {  	_ =	swait.ge [sflag:s1], $0x4000  }
0x71: {  	[sflag:s1] =	ssyncset.done $0x0  }
0x72: {  	[sflag:s1] =	ssyncadd.s32 $0xFFFFC000  }
0x73: {  	_ =	swait.ge [sflag:s22], $0x80  }
0x74: {  	[sflag:s22] =	ssyncset.done $0x0  }
0x75: {  	[sflag:s22] =	ssyncadd.s32 $0xFFFFFF80  }
0x76: {  	[spmem:s2] =	stream.indirect.scatter.add.f32 [tilespmem:s18], [sflag:$0x4], $0x80, s19, s17, $0xb8;
	[tilespmem:$0x1EA00] =	vst v63  }
.Ltmp10:
0x77: {  	_ = 	snop;
	(pc) =	sbr.rel .LBB2_10-.Ltmp10, $4  }
0x78: {  	s6 =	simm.s32 $0x14080;
	s7 =	simm.s32 $0x1AA00  }
0x79: {  	[tilespmem:s7], [sflag:$0x1] =	stream.indirect.gather [hbm4b:s5+s17], $0x80, s6, s17, $0xb8;
	[tilespmem:$0x1EA00] =	vst v63  }
0x7a: {  	s7 =	simm.s32 $0x14100  }
0x7b: {  	[tilespmem:s26], [sflag:$0x2] =	stream.linear.gather [hbm4b:s25+s3], $0x80, $0x38;
	[tilespmem:$0x1EA00] =	vst v63  }
.LBB2_13:
0x7c: {  	_ =	swait.ge [sflag:s31], $0x4000  }
0x7d: {  	[sflag:s31] =	ssyncset.done $0x0  }
0x7e: {  	[sflag:s31] =	ssyncadd.s32 $0xFFFFC000  }
.LBB2_14:
0x7f: {  	s6 =	ssub.s32 $0x1AA00, s21;
	p2 =	sgt.u32 s1, $0x4C  }
0x80: {  	[tilespmem:s6], [sflag:$0x1] =	stream.indirect.gather [hbm4b:s5+s17], $0x80, s7, s17, $0xb8;
	[tilespmem:$0x1EA00] =	vst v63  }
0x81: {  	s24 =	smin.u32 s1, $0x4C;
	p1 =	por !p1, !p1;
	p3 =	sne.s32 @!p2 s8, $0x0  }
0x82: {  	s1 =	sadd.s32 $0x1, s1;
	s6 =	sadd.s32 $0x2, s24;
	p3 =	por p3, p2  }
0x83: {  	p1 =	por p2, p1;
	s8 =	sand.u32 $0x3, s6;
	s10 =	sshll.u32 @!p3 s6, $0x4  }
0x84: {  	s21 =	sshll.u32 @!p3 s8, $0x7;
	s23 =	simm.s32 @!p3 $0x0;
	s6 =	sshll.u32 @!p1 s6, $0x4  }
0x85: {  	s8 =	sshll.u32 @!p1 s8, $0x7;
	s21 =	sor.u32 @!p3 $0x16800, s21;
	s10 =	sadd.s32 @!p3 s11, s10  }
0x86: {  	[tilespmem:s21], [sflag:$0x2] =	stream.linear.gather @!p3 [hbm4b:s10+s23], $0x80, $0x38;
	[tilespmem:$0x1EA00] =	vst v63  }
0x87: {  	s8 =	sor.u32 @!p1 $0x16800, s8;
	s6 =	sadd.s32 @!p1 s11, s6;
	s10 =	simm.s32 @!p1 $0x0  }
0x88: {  	[tilespmem:s8], [sflag:$0x3] =	stream.linear.gather @!p1 [hbm4b:s6+s10], $0x80, $0x38;
	[tilespmem:$0x1EA00] =	vst v63  }
0x89: {  	p1 =	sne.s32 s1, $0x4E  }
.Ltmp11:
0x8a: {  	_ = 	snop;
	(pc) =	sbr.rel @!p1 .LBB2_15-.Ltmp11, $2  }
0x8b: {  	_ =	sdelay $0x2  }
0x8c: {  	s7 =	sadd.s32 $0x80, s7  }
.LBB2_10:
0x8d: {  	s8 =	sand.u32 $0x1, s1;
	_ =	swait.ge [sflag:s28], $0x4000  }
0x8e: {  	[sflag:s28] =	ssyncset.done $0x0;
	p1 =	seq.s32 s8, $0x1;
	p2 =	seq.s32 s8, $0x0  }
.Ltmp12:
0x8f: {  	[sflag:s28] =	ssyncadd.s32 $0xFFFFC000;
	s6 =	simm.s32 @!p1 $0x2;
	(pc) =	sbr.rel @p2 .LBB2_12-.Ltmp12, $4  }
0x90: {  	s24 =	sand.u32 $0x3, s1;
	s21 =	sshll.u32 s8, $0xE;
	_ =	swait.ge @!p1 [sflag:s6], $0x80  }
0x91: {  	s23 =	sadd.s32 $0x16A00, s21;
	s10 =	sshll.u32 @!p1 s24, $0x7;
	[sflag:s6] =	ssyncset.done @!p1 $0x0  }
0x92: {  	s10 =	sor.u32 @!p1 $0x16800, s10;
	[sflag:s6] =	ssyncadd.s32 @!p1 $0xFFFFFF80;
	s6 =	simm.s32 @!p1 $0x80  }
0x93: {  	[spmem:s2] =	stream.indirect.scatter.add.f32 @!p1 [tilespmem:s23], [sflag:$0x4], $0x80, s10, s6, $0xb8;
	[tilespmem:$0x1EA00] =	vst v63  }
0x94: {  	_ =	swait.ge [sflag:s29], $0x80  }
0x95: {  	s6 =	sshll.u32 s24, $0x7;
	[sflag:s29] =	ssyncset.done $0x0  }
0x96: {  	s6 =	sor.u32 $0x16800, s6;
	[sflag:s29] =	ssyncadd.s32 $0xFFFFFF80  }
0x97: {  	[spmem:s2] =	stream.indirect.scatter.add.f32 [tilespmem:s23], [sflag:$0x5], $0x80, s6, s17, $0xb8;
	[tilespmem:$0x1EA00] =	vst v63  }
.Ltmp13:
0x98: {  	_ = 	snop;
	(pc) =	sbr.rel @p2 .LBB2_13-.Ltmp13, $4  }
.Ltmp14:
0x99: {  	_ = 	snop;
	(pc) =	sbr.rel @!p2 .LBB2_14-.Ltmp14, $4  }
0x9a: {  	_ =	swait.ge [sflag:s30], $0x4000  }
0x9b: {  	[sflag:s30] =	ssyncset.done $0x0  }
0x9c: {  	[sflag:s30] =	ssyncadd.s32 $0xFFFFC000  }
0x9d: {  	_ = 	snop  }
.LBB2_12:
0x9e: {  	p2 =	sne.s32 s8, $0x0  }
.Ltmp15:
0x9f: {  	_ = 	snop;
	(pc) =	sbr.rel @p2 .LBB2_14-.Ltmp15, $4  }
.Ltmp16:
0xa0: {  	_ = 	snop;
	(pc) =	sbr.rel @!p2 .LBB2_13-.Ltmp16, $4  }
0xa1: {  	_ = 	snop  }
0xa2: {  	_ = 	snop  }
0xa3: {  	_ = 	snop  }
0xa4: {  	_ = 	snop  }
.LBB2_8:
.Ltmp17:
0xa5: {  	(pc) =	sbr.rel .LBB2_16-.Ltmp17, $2  }
0xa6: {  	_ =	sdelay $0x2  }
0xa7: {  	s1 =	rddreg [dreg:$0x4]  }
.LBB2_17:
0xa8: {  	_ =	sfence.sel $0x180000  }
0xa9: {  	[bflag:$0x0] =	sbarrier.arrive $0xFFFF  }
0xaa: {  	_ =	strace $0x90000050  }
0xab: {  	s0 =	stileid.u32;
	[bflag:$0x2] =	sbarrier.arrive $0xFFFF  }
0xac: {  	p0 =	sne.s32 s0, $0x0;
	s0 =	rddreg [dreg:$0x2]  }
0xad: {  	s0 =	sadd.s32 @!p0 $0x100000, s0  }
0xae: {  	[sflag:s0] =	ssyncadd.tile.s32 @!p0 $0x1;
	_ =	shalt  }
.Lfunc_end2:
_tile_overlayer_lowered:
.L_overlay_start_2:
0xaf: {  	(tag) =	ssettag $0x2  }
0xb0: {  	s0 =	rddreg [dreg:$0x0];
	s2 =	stileid.u32  }
0xb1: {  	s1 =	rddreg [dreg:$0x1];
	p0 =	sne.s32 s2, $0x0  }
0xb2: {  	s3 =	rddreg [dreg:$0x2];
	[bflag:$0x3] =	sbarrier.arrive $0xFFFF;
	s2 =	simm.s32 @!p0 $0x1C06  }
0xb3: {  	[timem:s3], [sflag:s2] =	dma.local @!p0 [hbm:s0], s1  }
0xb4: {  	s0 =	simm.s32 @!p0 $0x6  }
0xb5: {  	_ =	swait.ge @!p0 [sflag:s0], s1  }
0xb6: {  	s1 =	ssub.s32 @!p0 $0x0, s1;
	[sflag:s0] =	ssyncset.done @!p0 $0x0  }
0xb7: {  	[sflag:s0] =	ssyncadd.s32 @!p0 s1  }
0xb8: {  	[bflag:$0x3] =	sbarrier.arrive $0xFFFF  }
0xb9: {  	_ =	shalt  }

// kernel: kernel.24.cloned.1.call-start
scs
__scs_entry_jumppad:
0x0: {  	(pc) =	sbr.rel $0x88, $3  }
0x1: {  	(tag) =	ssettag $0x0;
	lr =	simm.s32 $0x1  }
0x2: {  	[smem:$0x3F7F] =	sst lr;
	_ =	strace $0xD0000000  }
0x3: {  	_ = 	snop  }
0x4: {  	_ = 	snop  }
0x5: {  	_ = 	snop  }
0x6: {  	_ = 	snop  }
0x7: {  	_ = 	snop  }
__scs_overlays_trampoline_lowered:
0x8: {  	[smem:$0x3F8E] =	sst s0  }
0x9: {  	[smem:$0x3F8F] =	sst s1  }
0xa: {  	[smem:$0x3F90] =	sst s2  }
0xb: {  	[smem:$0x3F91] =	sst s3  }
0xc: {  	[smem:$0x3F92] =	sst s4  }
0xd: {  	[smem:$0x3F93] =	sst s5  }
0xe: {  	[smem:$0x3F94] =	sst s6  }
0xf: {  	[smem:$0x3F95] =	sst s7  }
0x10: {  	[smem:$0x3F96] =	sst s8  }
0x11: {  	[smem:$0x3F97] =	sst s9;
	s0 =	simm.s32 @!p0 $0x0  }
0x12: {  	s1 =	sld [smem:$0x3F7D];
	s0 =	simm.s32 @p0 $0x1  }
0x13: {  	[smem:$0x3F98] =	sst s0;
	s0 =	simm.s32 @!p1 $0x0  }
0x14: {  	s2 =	sld [smem:$0x3F7C];
	s0 =	simm.s32 @p1 $0x1  }
0x15: {  	[smem:$0x3F99] =	sst s0;
	s0 =	simm.s32 @!p2 $0x0  }
0x16: {  	s3 =	sld [smem:$0x3FDB];
	s0 =	simm.s32 @p2 $0x1  }
0x17: {  	s4 =	simm.s32 $0x1BF5;
	[smem:$0x3F9B] =	sst s0  }
0x18: {  	s0 =	sld [smem:$0x3F7E];
	_ =	swait.ge [sflag:s4], $0x0  }
0x19: {  	s7 =	sld [smem:$0x3F7F]  }
0x1a: {  	s8 =	sadd.s32 $0xFFFFE003, lr  }
0x1b: {  	s9 =	sadd.s32 $0xFFFFFEF7, lr;
	s5 =	simm.s32 $0xFFFFFFFF;
	p2 =	slt.u32 s8, $0xFFFFF086  }
0x1c: {  	p1 =	slt.u32 s9, $0xF7A;
	s5 =	simm.s32 @!p2 $0x0  }
0x1d: {  	s5 =	simm.s32 @p1 $0x1;
	p0 =	seq.s32 s7, s2  }
0x1e: {  	s7 =	smul.u32 @!p0 $0xF7A, s2;
	p2 =	seq.s32 @!p0 s5, $0x0  }
0x1f: {  	s9 =	smul.u32 $0xF7A, s1;
	s8 =	simm.s32 @!p0 $0x1BF5;
	p2 =	por !p2, p0  }
0x20: {  	[sflag:s8] =	ssyncset.s32 @!p0 $0xFFFFF086;
	s6 =	sadd.s32 @!p0 s3, s7;
	s7 =	simm.s32 @!p0 $0x108  }
0x21: {  	s3 =	sadd.s32 s3, s9;
	s6 =	sadd.s32 @!p0 $0x88, s6;
	s7 =	simm.s32 @p2 $0x1082  }
0x22: {  	[simem:s7], [sflag:s8] =	dma.local @!p0 [hbm:s6], $0xF7A  }
0x23: {  	s9 =	sor.u32 $0xD0000000, s2;
	s6 =	simm.s32 $0x108;
	_ =	swait.ge @!p0 [sflag:s8], $0x0  }
0x24: {  	s3 =	sadd.s32 $0x88, s3;
	s6 =	simm.s32 @!p1 $0x1082;
	[sflag:s4] =	ssyncset.s32 $0xFFFFF086  }
0x25: {  	[simem:s6], [sflag:s4] =	dma.local [hbm:s3], $0xF7A  }
0x26: {  	[smem:$0x3F7F] =	sst s1;
	(tag) =	ssettag s2;
	_ =	strace s9  }
0x27: {  	s1 =	sld [smem:$0x3F8F]  }
0x28: {  	s2 =	sld [smem:$0x3F90]  }
0x29: {  	s4 =	sld [smem:$0x3F92]  }
0x2a: {  	p0 =	seq.s32 s5, $0x0;
	s5 =	sld [smem:$0x3F93]  }
0x2b: {  	s6 =	sld [smem:$0x3F94]  }
0x2c: {  	s7 =	sld [smem:$0x3F95]  }
0x2d: {  	s3 =	simm.s32 $0x108;
	s8 =	sld [smem:$0x3F96]  }
0x2e: {  	s3 =	simm.s32 @!p0 $0x1082;
	s9 =	sld [smem:$0x3F97]  }
0x2f: {  	lr =	sadd.s32 s0, s3;
	s0 =	sld [smem:$0x3F8E]  }
0x30: {  	s3 =	sld [smem:$0x3F91]  }
0x31: {  	[smem:$0x3F9A] =	sst s10  }
0x32: {  	s10 =	sld [smem:$0x3F98];
	_ =	sdelay $0x3  }
0x33: {  	p0 =	seq.s32 s10, $0x1;
	s10 =	sld [smem:$0x3F9A];
	_ =	sdelay $0x3  }
0x34: {  	[smem:$0x3F9A] =	sst s10  }
0x35: {  	s10 =	sld [smem:$0x3F99];
	_ =	sdelay $0x3  }
0x36: {  	p1 =	seq.s32 s10, $0x1;
	s10 =	sld [smem:$0x3F9A];
	_ =	sdelay $0x3  }
0x37: {  	[smem:$0x3F9A] =	sst s10  }
0x38: {  	s10 =	sld [smem:$0x3F9B]  }
0x39: {  	_ = 	snop;
	(pc) =	sbr.ind lr, $3  }
0x3a: {  	_ = 	snop  }
0x3b: {  	_ = 	snop  }
0x3c: {  	p2 =	seq.s32 s10, $0x1;
	s10 =	sld [smem:$0x3F9A]  }
0x3d: {  	_ =	shalt  }
0x3e: {  	_ =	shalt  }
0x3f: {  	_ =	shalt  }
0x40: {  	_ =	shalt  }
0x41: {  	_ =	shalt  }
0x42: {  	_ =	shalt  }
0x43: {  	_ =	shalt  }
0x44: {  	_ =	shalt  }
0x45: {  	_ =	shalt  }
0x46: {  	_ =	shalt  }
0x47: {  	_ =	shalt  }
0x48: {  	_ =	shalt  }
0x49: {  	_ =	shalt  }
0x4a: {  	_ =	shalt  }
0x4b: {  	_ =	shalt  }
0x4c: {  	_ =	shalt  }
0x4d: {  	_ =	shalt  }
0x4e: {  	_ =	shalt  }
0x4f: {  	_ =	shalt  }
0x50: {  	_ =	shalt  }
0x51: {  	_ =	shalt  }
0x52: {  	_ =	shalt  }
0x53: {  	_ =	shalt  }
0x54: {  	_ =	shalt  }
0x55: {  	_ =	shalt  }
0x56: {  	_ =	shalt  }
0x57: {  	_ =	shalt  }
0x58: {  	_ =	shalt  }
0x59: {  	_ =	shalt  }
0x5a: {  	_ =	shalt  }
0x5b: {  	_ =	shalt  }
0x5c: {  	_ =	shalt  }
0x5d: {  	_ =	shalt  }
0x5e: {  	_ =	shalt  }
0x5f: {  	_ =	shalt  }
0x60: {  	_ =	shalt  }
0x61: {  	_ =	shalt  }
0x62: {  	_ =	shalt  }
0x63: {  	_ =	shalt  }
0x64: {  	_ =	shalt  }
0x65: {  	_ =	shalt  }
0x66: {  	_ =	shalt  }
0x67: {  	_ =	shalt  }
0x68: {  	_ =	shalt  }
0x69: {  	_ =	shalt  }
0x6a: {  	_ =	shalt  }
0x6b: {  	_ =	shalt  }
0x6c: {  	_ =	shalt  }
0x6d: {  	_ =	shalt  }
0x6e: {  	_ =	shalt  }
0x6f: {  	_ =	shalt  }
0x70: {  	_ =	shalt  }
0x71: {  	_ =	shalt  }
0x72: {  	_ =	shalt  }
0x73: {  	_ =	shalt  }
0x74: {  	_ =	shalt  }
0x75: {  	_ =	shalt  }
0x76: {  	_ =	shalt  }
0x77: {  	_ =	shalt  }
0x78: {  	_ =	shalt  }
0x79: {  	_ =	shalt  }
0x7a: {  	_ =	shalt  }
0x7b: {  	_ =	shalt  }
0x7c: {  	_ =	shalt  }
0x7d: {  	_ =	shalt  }
0x7e: {  	_ =	shalt  }
0x7f: {  	_ =	shalt  }
0x80: {  	_ =	shalt  }
0x81: {  	_ =	shalt  }
0x82: {  	_ =	shalt  }
0x83: {  	_ =	shalt  }
0x84: {  	_ =	shalt  }
0x85: {  	_ =	shalt  }
0x86: {  	_ =	shalt  }
0x87: {  	_ =	shalt  }
.Lfunc_end0:
.L_simem_size_0:
called_computation.4_lowered:
.L_overlay_start_0:
0x88: {  	s2 =	sld [smem:$0x3FD9]  }
0x89: {  	s3 =	sld [smem:$0x3FFE];
	_ =	sdelay $0x1  }
0x8a: {  	s1 =	srdreg.scid  }
0x8b: {  	s0 =	sand.u32 $0x1, s1  }
0x8c: {  	s16 =	sshll.u32 s0, $0xA;
	s2 =	sadd.s32 s3, s2  }
0x8d: {  	s2 =	sadd.s32 s2, s16  }
0x8e: {  	[smem:$0x3FA6] =	sst s2  }
0x8f: {  	_ = 	snop  }
0x90: {  	(tm) =	ssettm $0x1  }
0x91: {  	s17 =	sld [smem:$0x3FFB];
	_ =	sdelay $0x3  }
0x92: {  	_ =	strace s17  }
0x93: {  	s2 =	sld [smem:$0x3FFC];
	_ =	sdelay $0x3  }
0x94: {  	_ =	strace s2  }
0x95: {  	s2 =	sld [smem:$0x3FFD];
	_ =	sdelay $0x3  }
0x96: {  	_ =	strace s2  }
0x97: {  	_ =	strace $0x8FFFFFFF  }
0x98: {  	s18 =	sld [smem:$0x3FDB];
	_ =	sdelay $0x1  }
0x99: {  	s19 =	simm.s32 $_scs_section_size  }
0x9a: {  	s4 =	simm.s32 $_size__tile_overlayer_lowered;
	s5 =	simm.s32 $_tile_overlayer_lowered  }
0x9b: {  	s22 =	simm.s32 $0x1BFF;
	s21 =	sshll.u32 s5, $0x1;
	s2 =	sadd.s32 s19, s18  }
0x9c: {  	s6 =	simm.s32 $0x0;
	s20 =	sshll.u32 s4, $0x1;
	s4 =	sadd.s32 s21, s2  }
0x9d: {  	[timem:s6], [sflag:s22] =	dma.local [hbm:s4], s20  }
0x9e: {  	_ =	swait.ge [sflag:s22], s20  }
0x9f: {  	s3 =	ssub.s32 $0x0, s20;
	[sflag:s22] =	ssyncset.done $0x0  }
0xa0: {  	[sflag:s22] =	ssyncadd.s32 s3;
	_ =	sdelay $0x1  }
0xa1: {  	s23 =	simm.s32 $0x1B8B  }
0xa2: {  	_ =	swait.ge [sflag:s23], $0x1  }
0xa3: {  	[sflag:s23] =	ssyncset.done $0x0  }
0xa4: {  	s25 =	simm.s32 $0x1B8E;
	s24 =	sld [smem:$0x3FFE];
	[sflag:s23] =	ssyncadd.s32 $0xFFFFFFFF  }
0xa5: {  	s26 =	simm.s32 $execute0_lowered;
	[smem:$0x3FD2] =	sst s25  }
0xa6: {  	s4 =	sshll.u32 s26, $0x1;
	_ =	strace $0x80000052;
	[dreg:$0x1] =	wrdreg $0xFFFFFFFF  }
0xa7: {  	s28 =	simm.s32 $_size_execute0_lowered;
	s2 =	sadd.s32 s2, s4;
	[dreg:$0x0] =	wrdreg $0x0  }
0xa8: {  	s4 =	sshll.u32 s28, $0x1;
	[dreg:$0x2] =	wrdreg s2  }
0xa9: {  	[dreg:$0x3] =	wrdreg s4  }
0xaa: {  	[dreg:$0x4] =	wrdreg $0xC0  }
0xab: {  	_ =	task [dreg:s6], $0x5FFFF  }
0xac: {  	[dreg:$0x1] =	wrdreg $0xFFFFFFFF  }
0xad: {  	[dreg:$0x0] =	wrdreg $0x60  }
0xae: {  	[dreg:$0x2] =	wrdreg s24  }
0xaf: {  	[dreg:$0x3] =	wrdreg $0x0  }
0xb0: {  	[dreg:$0x4] =	wrdreg $0x9  }
0xb1: {  	_ =	task.clear_ibuf [dreg:s6], $0x5FFFF;
	_ =	strace $0x90000052  }
0xb2: {  	s29 =	simm.s32 $0x9;
	_ =	strace $0x80000054  }
0xb3: {  	_ =	swait.ge [sflag:s29], $0x1  }
0xb4: {  	[sflag:s29] =	ssyncadd.s32 $0xFFFFFFFF  }
0xb5: {  	_ =	strace $0x90000054  }
0xb6: {  	_ =	sfence  }
0xb7: {  	s30 =	sld [smem:$0x0];
	_ =	sdelay $0x2  }
0xb8: {  	s31 =	sshll.u32 s1, $0xD;
	s1 =	sshrl.u32 s1, $0x2  }
0xb9: {  	s3 =	sand.u32 $0x4000, s31;
	s1 =	sadd.s32 s1, s30  }
0xba: {  	s0 =	sor.u32 s3, s0;
	s1 =	sshll.u32 s1, $0x11  }
0xbb: {  	s0 =	sor.u32 s1, s0  }
0xbc: {  	s0 =	sadd.s32 $0x8F2B, s0  }
0xbd: {  	[sflag:s0] =	ssyncadd.remote.s32 $0x1  }
0xbe: {  	_ =	sfence.sel $0xFFFF  }
0xbf: {  	[dreg:$0x0] =	wrdreg $0xFFFFFFFF;
	(pc) =	sbr.abs _section_cstart, $3  }
0xc0: {  	[dreg:$0x1] =	wrdreg $0xFFFFFFFF  }
0xc1: {  	_ =	task.clear_ibuf [dreg:s6], $0x2FFFF;
	_ =	strace $0x9FFFFFFF  }
0xc2: {  	(tm) =	ssettm $0x7FFFFFFF  }
0xc3: {  	_ =	shalt  }
tec
execute0_lowered:
.L_overlay_start_1:
0x0: {  	(tag) =	ssettag $0x1  }
0x1: {  	s0 =	rddreg [dreg:$0x0]  }
0x2: {  	s2 =	rddreg [dreg:$0x1];
	s3 =	simm.s32 $0x0  }
0x3: {  	s10 =	stileid.u32;
	s6 =	srdreg.scid;
	s15 =	simm.s32 $0x6  }
0x4: {  	s16 =	simm.s32 $0x14000;
	s17 =	simm.s32 $0x80;
	s18 =	simm.s32 $0x16A00  }
0x5: {  	s19 =	simm.s32 $0x16800;
	s28 =	simm.s32 $0x1;
	s29 =	simm.s32 $0x3  }
0x6: {  	s30 =	simm.s32 $0x4;
	s31 =	simm.s32 $0x5;
	[smem:$0x7FF] =	sst s3  }
0x7: {  	s1 =	smul.u32 $0x500, s10;
	s4 =	sadd.s32 $0x62800, s0;
	s5 =	sadd.s32 $0x8A800, s0  }
0x8: {  	s7 =	sand.u32 $0x1, s6;
	s8 =	smul.u32 $0x50000, s10;
	s22 =	sadd.s32 $0xB2800, s0  }
0x9: {  	s23 =	sadd.s32 $0x1F5800, s0;
	_ =	strace $0x80000053;
	[dreg:$0x3] =	wrdreg s22  }
0xa: {  	s25 =	sshll.u32 s10, $0x6;
	s12 =	smul.u32 $0x2800, s10;
	[dreg:$0x4] =	wrdreg s23  }
0xb: {  	s9 =	ssub.s32 $0x2, s7;
	p0 =	sne.s32 s7, $0x0;
	s22 =	simm.s32 $0x2  }
0xc: {  	s1 =	sadd.s32 s1, s0;
	s0 =	sadd.s32 $0x21D800, s0;
	s24 =	sshrl.u32 s9, $0x1  }
.Ltmp0:
0xd: {  	s8 =	sshrl.u32 s8, $0x2;
	[dreg:$0x5] =	wrdreg s0;
	(pc) =	sbr.rel .LBB2_1-.Ltmp0, $4  }
0xe: {  	s0 =	ssub.s32 s9, s24;
	s8 =	sadd.s32 s8, s2;
	s26 =	sadd.s32 $0x8800, s1  }
0xf: {  	s9 =	sor.u32 $0x1C06, s25;
	s11 =	sadd.s32 $0xD800, s1;
	[dreg:$0x6] =	wrdreg s26  }
0x10: {  	s13 =	smax.u32 s0, $0x1;
	s14 =	sshrl.u32 s8, $0x3;
	s20 =	sadd.s32 $0x10, s11  }
0x11: {  	s25 =	sadd.s32 $0x20, s11;
	s26 =	simm.s32 $0x16900;
	s0 =	simm.s32 $0x0  }
.LBB2_15:
0x12: {  	s1 =	rddreg [dreg:$0x5]  }
.LBB2_16:
0x13: {  	_ =	swait.ge [sflag:s28], $0x4000  }
0x14: {  	[sflag:s28] =	ssyncset.done $0x0  }
0x15: {  	[sflag:s28] =	ssyncadd.s32 $0xFFFFC000  }
0x16: {  	_ =	swait.ge [sflag:s22], $0x80  }
0x17: {  	[sflag:s22] =	ssyncset.done $0x0  }
0x18: {  	[sflag:s22] =	ssyncadd.s32 $0xFFFFFF80  }
0x19: {  	[spmem:s2] =	stream.indirect.scatter.add.f32 [tilespmem:s18], [sflag:$0x4], $0x80, s26, s17, $0xb8;
	[tilespmem:$0x1EA00] =	vst v63  }
0x1a: {  	_ =	swait.ge [sflag:s31], $0x4000  }
0x1b: {  	[sflag:s31] =	ssyncset.done $0x0  }
0x1c: {  	[sflag:s31] =	ssyncadd.s32 $0xFFFFC000  }
0x1d: {  	_ =	swait.ge [sflag:s30], $0x4000  }
0x1e: {  	s0 =	sadd.s32 $0x1, s0;
	[sflag:s30] =	ssyncset.done $0x0  }
0x1f: {  	p1 =	sne.s32 s0, s13;
	[sflag:s30] =	ssyncadd.s32 $0xFFFFC000  }
.Ltmp1:
0x20: {  	s1 =	sadd.s32 s1, s12;
	[bflag:$0x0] =	sbarrier.arrive $0xFFFF;
	(pc) =	sbr.rel @!p1 .LBB2_17-.Ltmp1, $4  }
0x21: {  	[hbm:s1], [sflag:s9] =	dma.local [spmem:s14], $0x2800  }
0x22: {  	_ =	swait.ge [sflag:s15], $0x2800  }
0x23: {  	[sflag:s15] =	ssyncset.done $0x0  }
0x24: {  	[sflag:s15] =	ssyncadd.s32 $0xFFFFD800  }
.LBB2_1:
0x25: {  	s1 =	rddreg [dreg:$0x3]  }
0x26: {  	[spmem:s14], [sflag:s9] =	dma.local [hbm:s1], $0x2800  }
0x27: {  	_ =	swait.ge [sflag:s15], $0x2800  }
0x28: {  	[sflag:s15] =	ssyncset.done $0x0  }
0x29: {  	s24 =	rddreg [dreg:$0x6];
	[sflag:s15] =	ssyncadd.s32 $0xFFFFD800  }
0x2a: {  	[tilespmem:s16], [sflag:$0x6] =	stream.linear.gather [hbm4b:s24+s3], $0x2780, $0x38;
	[tilespmem:$0x1EA00] =	vst v63  }
.Ltmp2:
0x2b: {  	_ =	swait.ge [sflag:s15], $0x2780;
	(pc) =	sbr.rel @p0 .LBB2_9-.Ltmp2, $3  }
0x2c: {  	[sflag:s15] =	ssyncset.done $0x0  }
0x2d: {  	[sflag:s15] =	ssyncadd.s32 $0xFFFFD880  }
0x2e: {  	[bflag:$0x0] =	sbarrier.arrive $0xFFFF;
	_ =	sdelay $0x1  }
0x2f: {  	[tilespmem:s18], [sflag:$0x1] =	stream.indirect.gather [hbm4b:s4+s17], $0x80, s16, s17, $0xb8;
	[tilespmem:$0x1EA00] =	vst v63  }
0x30: {  	_ = 	snop  }
0x31: {  	[tilespmem:s19], [sflag:$0x2] =	stream.linear.gather [hbm4b:s11+s3], $0x80, $0x38;
	[tilespmem:$0x1EA00] =	vst v63  }
0x32: {  	s1 =	simm.s32 $0x16880  }
0x33: {  	[tilespmem:s1], [sflag:$0x3] =	stream.linear.gather [hbm4b:s20+s3], $0x80, $0x38;
	[tilespmem:$0x1EA00] =	vst v63  }
0x34: {  	s1 =	simm.s32 $0x1  }
0x35: {  	_ =	swait.ge [sflag:s1], $0x4000  }
0x36: {  	[sflag:s1] =	ssyncset.done $0x0  }
0x37: {  	[sflag:s1] =	ssyncadd.s32 $0xFFFFC000  }
0x38: {  	_ =	swait.ge [sflag:s22], $0x80  }
0x39: {  	[sflag:s22] =	ssyncset.done $0x0  }
0x3a: {  	[sflag:s22] =	ssyncadd.s32 $0xFFFFFF80  }
0x3b: {  	[spmem:s2] =	stream.indirect.scatter.add.f32 [tilespmem:s18], [sflag:$0x4], $0x80, s19, s17, $0xb8;
	[tilespmem:$0x1EA00] =	vst v63  }
.Ltmp3:
0x3c: {  	_ = 	snop;
	(pc) =	sbr.rel .LBB2_3-.Ltmp3, $4  }
0x3d: {  	s6 =	simm.s32 $0x14080;
	s7 =	simm.s32 $0x1AA00  }
0x3e: {  	[tilespmem:s7], [sflag:$0x1] =	stream.indirect.gather [hbm4b:s4+s17], $0x80, s6, s17, $0xb8;
	[tilespmem:$0x1EA00] =	vst v63  }
0x3f: {  	s7 =	simm.s32 $0x14100  }
0x40: {  	[tilespmem:s26], [sflag:$0x2] =	stream.linear.gather [hbm4b:s25+s3], $0x80, $0x38;
	[tilespmem:$0x1EA00] =	vst v63  }
.LBB2_6:
0x41: {  	_ =	swait.ge [sflag:s31], $0x4000  }
0x42: {  	[sflag:s31] =	ssyncset.done $0x0  }
0x43: {  	[sflag:s31] =	ssyncadd.s32 $0xFFFFC000  }
.LBB2_7:
0x44: {  	s6 =	ssub.s32 $0x1AA00, s21;
	p2 =	sgt.u32 s1, $0x4C  }
0x45: {  	[tilespmem:s6], [sflag:$0x1] =	stream.indirect.gather [hbm4b:s4+s17], $0x80, s7, s17, $0xb8;
	[tilespmem:$0x1EA00] =	vst v63  }
0x46: {  	s24 =	smin.u32 s1, $0x4C;
	p1 =	por !p1, !p1;
	p3 =	sne.s32 @!p2 s8, $0x0  }
0x47: {  	s1 =	sadd.s32 $0x1, s1;
	s6 =	sadd.s32 $0x2, s24;
	p3 =	por p3, p2  }
0x48: {  	p1 =	por p2, p1;
	s8 =	sand.u32 $0x3, s6;
	s10 =	sshll.u32 @!p3 s6, $0x4  }
0x49: {  	s21 =	sshll.u32 @!p3 s8, $0x7;
	s23 =	simm.s32 @!p3 $0x0;
	s6 =	sshll.u32 @!p1 s6, $0x4  }
0x4a: {  	s8 =	sshll.u32 @!p1 s8, $0x7;
	s21 =	sor.u32 @!p3 $0x16800, s21;
	s10 =	sadd.s32 @!p3 s11, s10  }
0x4b: {  	[tilespmem:s21], [sflag:$0x2] =	stream.linear.gather @!p3 [hbm4b:s10+s23], $0x80, $0x38;
	[tilespmem:$0x1EA00] =	vst v63  }
0x4c: {  	s8 =	sor.u32 @!p1 $0x16800, s8;
	s6 =	sadd.s32 @!p1 s11, s6;
	s10 =	simm.s32 @!p1 $0x0  }
0x4d: {  	[tilespmem:s8], [sflag:$0x3] =	stream.linear.gather @!p1 [hbm4b:s6+s10], $0x80, $0x38;
	[tilespmem:$0x1EA00] =	vst v63  }
0x4e: {  	p1 =	seq.s32 s1, $0x4E  }
.Ltmp4:
0x4f: {  	_ = 	snop;
	(pc) =	sbr.rel @p1 .LBB2_8-.Ltmp4, $2  }
0x50: {  	_ =	sdelay $0x2  }
0x51: {  	s7 =	sadd.s32 $0x80, s7  }
.LBB2_3:
0x52: {  	s8 =	sand.u32 $0x1, s1;
	_ =	swait.ge [sflag:s28], $0x4000  }
0x53: {  	[sflag:s28] =	ssyncset.done $0x0;
	p1 =	seq.s32 s8, $0x1;
	p2 =	seq.s32 s8, $0x0  }
.Ltmp5:
0x54: {  	[sflag:s28] =	ssyncadd.s32 $0xFFFFC000;
	s6 =	simm.s32 @!p1 $0x2;
	(pc) =	sbr.rel @p2 .LBB2_5-.Ltmp5, $4  }
0x55: {  	s24 =	sand.u32 $0x3, s1;
	s21 =	sshll.u32 s8, $0xE;
	_ =	swait.ge @!p1 [sflag:s6], $0x80  }
0x56: {  	s23 =	sadd.s32 $0x16A00, s21;
	s10 =	sshll.u32 @!p1 s24, $0x7;
	[sflag:s6] =	ssyncset.done @!p1 $0x0  }
0x57: {  	s10 =	sor.u32 @!p1 $0x16800, s10;
	[sflag:s6] =	ssyncadd.s32 @!p1 $0xFFFFFF80;
	s6 =	simm.s32 @!p1 $0x80  }
0x58: {  	[spmem:s2] =	stream.indirect.scatter.add.f32 @!p1 [tilespmem:s23], [sflag:$0x4], $0x80, s10, s6, $0xb8;
	[tilespmem:$0x1EA00] =	vst v63  }
0x59: {  	_ =	swait.ge [sflag:s29], $0x80  }
0x5a: {  	s6 =	sshll.u32 s24, $0x7;
	[sflag:s29] =	ssyncset.done $0x0  }
0x5b: {  	s6 =	sor.u32 $0x16800, s6;
	[sflag:s29] =	ssyncadd.s32 $0xFFFFFF80  }
0x5c: {  	[spmem:s2] =	stream.indirect.scatter.add.f32 [tilespmem:s23], [sflag:$0x5], $0x80, s6, s17, $0xb8;
	[tilespmem:$0x1EA00] =	vst v63  }
.Ltmp6:
0x5d: {  	_ = 	snop;
	(pc) =	sbr.rel @p2 .LBB2_6-.Ltmp6, $4  }
.Ltmp7:
0x5e: {  	_ = 	snop;
	(pc) =	sbr.rel @!p2 .LBB2_7-.Ltmp7, $4  }
0x5f: {  	_ =	swait.ge [sflag:s30], $0x4000  }
0x60: {  	[sflag:s30] =	ssyncset.done $0x0  }
0x61: {  	[sflag:s30] =	ssyncadd.s32 $0xFFFFC000  }
0x62: {  	_ = 	snop  }
.LBB2_5:
0x63: {  	p2 =	sne.s32 s8, $0x0  }
.Ltmp8:
0x64: {  	_ = 	snop;
	(pc) =	sbr.rel @p2 .LBB2_7-.Ltmp8, $4  }
.Ltmp9:
0x65: {  	_ = 	snop;
	(pc) =	sbr.rel @!p2 .LBB2_6-.Ltmp9, $4  }
0x66: {  	_ = 	snop  }
0x67: {  	_ = 	snop  }
0x68: {  	_ = 	snop  }
0x69: {  	_ = 	snop  }
.LBB2_9:
0x6a: {  	[tilespmem:s18], [sflag:$0x1] =	stream.indirect.gather [hbm4b:s5+s17], $0x80, s16, s17, $0xb8;
	[tilespmem:$0x1EA00] =	vst v63  }
0x6b: {  	_ = 	snop  }
0x6c: {  	[tilespmem:s19], [sflag:$0x2] =	stream.linear.gather [hbm4b:s11+s3], $0x80, $0x38;
	[tilespmem:$0x1EA00] =	vst v63  }
0x6d: {  	s1 =	simm.s32 $0x16880  }
0x6e: {  	[tilespmem:s1], [sflag:$0x3] =	stream.linear.gather [hbm4b:s20+s3], $0x80, $0x38;
	[tilespmem:$0x1EA00] =	vst v63  }
0x6f: {  	s1 =	simm.s32 $0x1  }
0x70: {  	_ =	swait.ge [sflag:s1], $0x4000  }
0x71: {  	[sflag:s1] =	ssyncset.done $0x0  }
0x72: {  	[sflag:s1] =	ssyncadd.s32 $0xFFFFC000  }
0x73: {  	_ =	swait.ge [sflag:s22], $0x80  }
0x74: {  	[sflag:s22] =	ssyncset.done $0x0  }
0x75: {  	[sflag:s22] =	ssyncadd.s32 $0xFFFFFF80  }
0x76: {  	[spmem:s2] =	stream.indirect.scatter.add.f32 [tilespmem:s18], [sflag:$0x4], $0x80, s19, s17, $0xb8;
	[tilespmem:$0x1EA00] =	vst v63  }
.Ltmp10:
0x77: {  	_ = 	snop;
	(pc) =	sbr.rel .LBB2_10-.Ltmp10, $4  }
0x78: {  	s6 =	simm.s32 $0x14080;
	s7 =	simm.s32 $0x1AA00  }
0x79: {  	[tilespmem:s7], [sflag:$0x1] =	stream.indirect.gather [hbm4b:s5+s17], $0x80, s6, s17, $0xb8;
	[tilespmem:$0x1EA00] =	vst v63  }
0x7a: {  	s7 =	simm.s32 $0x14100  }
0x7b: {  	[tilespmem:s26], [sflag:$0x2] =	stream.linear.gather [hbm4b:s25+s3], $0x80, $0x38;
	[tilespmem:$0x1EA00] =	vst v63  }
.LBB2_13:
0x7c: {  	_ =	swait.ge [sflag:s31], $0x4000  }
0x7d: {  	[sflag:s31] =	ssyncset.done $0x0  }
0x7e: {  	[sflag:s31] =	ssyncadd.s32 $0xFFFFC000  }
.LBB2_14:
0x7f: {  	s6 =	ssub.s32 $0x1AA00, s21;
	p2 =	sgt.u32 s1, $0x4C  }
0x80: {  	[tilespmem:s6], [sflag:$0x1] =	stream.indirect.gather [hbm4b:s5+s17], $0x80, s7, s17, $0xb8;
	[tilespmem:$0x1EA00] =	vst v63  }
0x81: {  	s24 =	smin.u32 s1, $0x4C;
	p1 =	por !p1, !p1;
	p3 =	sne.s32 @!p2 s8, $0x0  }
0x82: {  	s1 =	sadd.s32 $0x1, s1;
	s6 =	sadd.s32 $0x2, s24;
	p3 =	por p3, p2  }
0x83: {  	p1 =	por p2, p1;
	s8 =	sand.u32 $0x3, s6;
	s10 =	sshll.u32 @!p3 s6, $0x4  }
0x84: {  	s21 =	sshll.u32 @!p3 s8, $0x7;
	s23 =	simm.s32 @!p3 $0x0;
	s6 =	sshll.u32 @!p1 s6, $0x4  }
0x85: {  	s8 =	sshll.u32 @!p1 s8, $0x7;
	s21 =	sor.u32 @!p3 $0x16800, s21;
	s10 =	sadd.s32 @!p3 s11, s10  }
0x86: {  	[tilespmem:s21], [sflag:$0x2] =	stream.linear.gather @!p3 [hbm4b:s10+s23], $0x80, $0x38;
	[tilespmem:$0x1EA00] =	vst v63  }
0x87: {  	s8 =	sor.u32 @!p1 $0x16800, s8;
	s6 =	sadd.s32 @!p1 s11, s6;
	s10 =	simm.s32 @!p1 $0x0  }
0x88: {  	[tilespmem:s8], [sflag:$0x3] =	stream.linear.gather @!p1 [hbm4b:s6+s10], $0x80, $0x38;
	[tilespmem:$0x1EA00] =	vst v63  }
0x89: {  	p1 =	sne.s32 s1, $0x4E  }
.Ltmp11:
0x8a: {  	_ = 	snop;
	(pc) =	sbr.rel @!p1 .LBB2_15-.Ltmp11, $2  }
0x8b: {  	_ =	sdelay $0x2  }
0x8c: {  	s7 =	sadd.s32 $0x80, s7  }
.LBB2_10:
0x8d: {  	s8 =	sand.u32 $0x1, s1;
	_ =	swait.ge [sflag:s28], $0x4000  }
0x8e: {  	[sflag:s28] =	ssyncset.done $0x0;
	p1 =	seq.s32 s8, $0x1;
	p2 =	seq.s32 s8, $0x0  }
.Ltmp12:
0x8f: {  	[sflag:s28] =	ssyncadd.s32 $0xFFFFC000;
	s6 =	simm.s32 @!p1 $0x2;
	(pc) =	sbr.rel @p2 .LBB2_12-.Ltmp12, $4  }
0x90: {  	s24 =	sand.u32 $0x3, s1;
	s21 =	sshll.u32 s8, $0xE;
	_ =	swait.ge @!p1 [sflag:s6], $0x80  }
0x91: {  	s23 =	sadd.s32 $0x16A00, s21;
	s10 =	sshll.u32 @!p1 s24, $0x7;
	[sflag:s6] =	ssyncset.done @!p1 $0x0  }
0x92: {  	s10 =	sor.u32 @!p1 $0x16800, s10;
	[sflag:s6] =	ssyncadd.s32 @!p1 $0xFFFFFF80;
	s6 =	simm.s32 @!p1 $0x80  }
0x93: {  	[spmem:s2] =	stream.indirect.scatter.add.f32 @!p1 [tilespmem:s23], [sflag:$0x4], $0x80, s10, s6, $0xb8;
	[tilespmem:$0x1EA00] =	vst v63  }
0x94: {  	_ =	swait.ge [sflag:s29], $0x80  }
0x95: {  	s6 =	sshll.u32 s24, $0x7;
	[sflag:s29] =	ssyncset.done $0x0  }
0x96: {  	s6 =	sor.u32 $0x16800, s6;
	[sflag:s29] =	ssyncadd.s32 $0xFFFFFF80  }
0x97: {  	[spmem:s2] =	stream.indirect.scatter.add.f32 [tilespmem:s23], [sflag:$0x5], $0x80, s6, s17, $0xb8;
	[tilespmem:$0x1EA00] =	vst v63  }
.Ltmp13:
0x98: {  	_ = 	snop;
	(pc) =	sbr.rel @p2 .LBB2_13-.Ltmp13, $4  }
.Ltmp14:
0x99: {  	_ = 	snop;
	(pc) =	sbr.rel @!p2 .LBB2_14-.Ltmp14, $4  }
0x9a: {  	_ =	swait.ge [sflag:s30], $0x4000  }
0x9b: {  	[sflag:s30] =	ssyncset.done $0x0  }
0x9c: {  	[sflag:s30] =	ssyncadd.s32 $0xFFFFC000  }
0x9d: {  	_ = 	snop  }
.LBB2_12:
0x9e: {  	p2 =	sne.s32 s8, $0x0  }
.Ltmp15:
0x9f: {  	_ = 	snop;
	(pc) =	sbr.rel @p2 .LBB2_14-.Ltmp15, $4  }
.Ltmp16:
0xa0: {  	_ = 	snop;
	(pc) =	sbr.rel @!p2 .LBB2_13-.Ltmp16, $4  }
0xa1: {  	_ = 	snop  }
0xa2: {  	_ = 	snop  }
0xa3: {  	_ = 	snop  }
0xa4: {  	_ = 	snop  }
.LBB2_8:
.Ltmp17:
0xa5: {  	(pc) =	sbr.rel .LBB2_16-.Ltmp17, $2  }
0xa6: {  	_ =	sdelay $0x2  }
0xa7: {  	s1 =	rddreg [dreg:$0x4]  }
.LBB2_17:
0xa8: {  	_ =	sfence.sel $0x180000  }
0xa9: {  	[bflag:$0x0] =	sbarrier.arrive $0xFFFF  }
0xaa: {  	_ =	strace $0x90000053  }
0xab: {  	s0 =	stileid.u32;
	[bflag:$0x2] =	sbarrier.arrive $0xFFFF  }
0xac: {  	p0 =	sne.s32 s0, $0x0;
	s0 =	rddreg [dreg:$0x2]  }
0xad: {  	s0 =	sadd.s32 @!p0 $0x100000, s0  }
0xae: {  	[sflag:s0] =	ssyncadd.tile.s32 @!p0 $0x1;
	_ =	shalt  }
.Lfunc_end2:
_tile_overlayer_lowered:
.L_overlay_start_2:
0xaf: {  	(tag) =	ssettag $0x2  }
0xb0: {  	s0 =	rddreg [dreg:$0x0];
	s2 =	stileid.u32  }
0xb1: {  	s1 =	rddreg [dreg:$0x1];
	p0 =	sne.s32 s2, $0x0  }
0xb2: {  	s3 =	rddreg [dreg:$0x2];
	[bflag:$0x3] =	sbarrier.arrive $0xFFFF;
	s2 =	simm.s32 @!p0 $0x1C06  }
0xb3: {  	[timem:s3], [sflag:s2] =	dma.local @!p0 [hbm:s0], s1  }
0xb4: {  	s0 =	simm.s32 @!p0 $0x6  }
0xb5: {  	_ =	swait.ge @!p0 [sflag:s0], s1  }
0xb6: {  	s1 =	ssub.s32 @!p0 $0x0, s1;
	[sflag:s0] =	ssyncset.done @!p0 $0x0  }
0xb7: {  	[sflag:s0] =	ssyncadd.s32 @!p0 s1  }
0xb8: {  	[bflag:$0x3] =	sbarrier.arrive $0xFFFF  }
0xb9: {  	_ =	shalt  }

</sc_bundles>
